<compile_context>
chip_gen: v7x
topology: tpu7x:2x2x1
jax: 0.10.2.dev20260603
libtpu: 0.0.44.dev20260713+nightly
codegen_flags: <defaults>
</compile_context>

<pallas_src>
import functools

import jax
import jax.numpy as jnp
from jax import lax
from jax.experimental import pallas as pl
from jax.experimental.pallas import tpu as pltpu
from jax.experimental.pallas import tpu_sc as plsc

N_PTS = 1048576
EMB = 16
RES = 128
G1 = RES + 1
G2 = G1 * G1
NW = 32
PTS_W = N_PTS // NW
BLK = 256
NBLK = PTS_W // BLK
NGRP = BLK // 16
EROWS = 2048

ESC = 4.0
MAIN_SCALE = 128.0


def _sc_body(pos_hbm, grid_hbm, occ_hbm, empty_hbm, feats_hbm,
             posbuf, idxbuf, rowsbuf, featbuf, occbuf, sem):
    wid = lax.axis_index("s") * 2 + lax.axis_index("c")
    base_pt = wid * PTS_W

    pltpu.sync_copy(occ_hbm, occbuf)
    pltpu.sync_copy(empty_hbm, rowsbuf.at[pl.ds(BLK, 64)])

    lanes = lax.iota(jnp.int32, 16)
    lanes3 = lanes * 3

    def load_pos(g):
        px = plsc.load_gather(posbuf, [lanes3 + (g * 48)])
        py = plsc.load_gather(posbuf, [lanes3 + (g * 48 + 1)])
        pz = plsc.load_gather(posbuf, [lanes3 + (g * 48 + 2)])
        return px, py, pz

    def main_cell(px, py, pz):
        ux = px * MAIN_SCALE
        uy = py * MAIN_SCALE
        uz = pz * MAIN_SCALE
        ix = jnp.clip(ux.astype(jnp.int32), 0, RES - 1)
        iy = jnp.clip(uy.astype(jnp.int32), 0, RES - 1)
        iz = jnp.clip(uz.astype(jnp.int32), 0, RES - 1)
        return ux, uy, uz, ix, iy, iz

    def blk_body(n, carry):
        p0 = base_pt + n * BLK
        pltpu.sync_copy(pos_hbm.at[pl.ds(p0 * 3, BLK * 3)], posbuf)

        def idx_body(g, c2):
            px, py, pz = load_pos(g)
            _, _, _, ix, iy, iz = main_cell(px, py, pz)
            cell = ix * 16384 + iy * 128 + iz
            gvec = jnp.zeros((16,), jnp.int32) + (g >> 3)
            plsc.store_scatter(idxbuf, [gvec, lanes + ((g & 7) * 16)], cell)
            return c2

        lax.fori_loop(0, NGRP, idx_body, 0, unroll=False)

        copies = []
        for g in range(2):
            copies.append(pltpu.async_copy(
                grid_hbm.at[idxbuf.at[g]],
                rowsbuf.at[pl.ds(g * 128, 128)], sem))
        for cp in copies:
            cp.wait()

        def comb_body(g, c2):
            px, py, pz = load_pos(g)
            ux, uy, uz, ix, iy, iz = main_cell(px, py, pz)
            fx = ux - ix.astype(jnp.float32)
            fy = uy - iy.astype(jnp.float32)
            fz = uz - iz.astype(jnp.float32)

            ex = (px + 0.1) / 1.2 * ESC
            ey = (py + 0.1) / 1.2 * ESC
            ez = (pz + 0.1) / 1.2 * ESC
            jx = jnp.clip(ex.astype(jnp.int32), 0, 3)
            jy = jnp.clip(ey.astype(jnp.int32), 0, 3)
            jz = jnp.clip(ez.astype(jnp.int32), 0, 3)

            cx = jnp.clip((px * 32.0).astype(jnp.int32), 0, 31)
            cy = jnp.clip((py * 32.0).astype(jnp.int32), 0, 31)
            cz = jnp.clip((pz * 32.0).astype(jnp.int32), 0, 31)
            occv = plsc.load_gather(occbuf, [cx * 1024 + cy * 32 + cz])
            mask = occv > 0

            fsx = jnp.where(mask, fx, ex - jx.astype(jnp.float32))
            fsy = jnp.where(mask, fy, ey - jy.astype(jnp.float32))
            fsz = jnp.where(mask, fz, ez - jz.astype(jnp.float32))
            scl = jnp.where(mask, jnp.float32(MAIN_SCALE), jnp.float32(ESC / 1.2))

            wx = (1.0 - fsx, fsx)
            wy = (1.0 - fsy, fsy)
            wz = (1.0 - fsz, fsz)

            ptrow = lanes + (g * 16)
            rowsel = jnp.where(mask, ptrow, (jx * 16 + jy * 4 + jz) + BLK)

            wsel, xsel, ysel, zsel = [], [], [], []
            for c in range(8):
                a, b, z = (c >> 2) & 1, (c >> 1) & 1, c & 1
                sa = 1.0 if a else -1.0
                sb = 1.0 if b else -1.0
                sz_ = 1.0 if z else -1.0
                wyz = wy[b] * wz[z]
                wxz = wx[a] * wz[z]
                wxy = wx[a] * wy[b]
                wsel.append(wx[a] * wyz)
                xsel.append((sa * wyz) * scl)
                ysel.append((sb * wxz) * scl)
                zsel.append((sz_ * wxy) * scl)

            for f in range(EMB):
                colv = (lanes + f) & 15
                acc_e = jnp.zeros((16,), jnp.float32)
                acc_x = jnp.zeros((16,), jnp.float32)
                acc_y = jnp.zeros((16,), jnp.float32)
                acc_z = jnp.zeros((16,), jnp.float32)
                for c in range(8):
                    v = plsc.load_gather(rowsbuf, [rowsel, colv + (c * 16)])
                    acc_e = acc_e + wsel[c] * v
                    acc_x = acc_x + xsel[c] * v
                    acc_y = acc_y + ysel[c] * v
                    acc_z = acc_z + zsel[c] * v
                plsc.store_scatter(featbuf, [ptrow, colv], acc_e)
                plsc.store_scatter(featbuf, [ptrow, colv + 16], acc_x)
                plsc.store_scatter(featbuf, [ptrow, colv + 32], acc_y)
                plsc.store_scatter(featbuf, [ptrow, colv + 48], acc_z)
            return c2

        lax.fori_loop(0, NGRP, comb_body, 0, unroll=False)

        pltpu.sync_copy(featbuf, feats_hbm.at[pl.ds(p0, BLK)])
        return carry

    lax.fori_loop(0, NBLK, blk_body, 0, unroll=False)


_sc_interp = functools.partial(
    pl.kernel,
    out_type=jax.ShapeDtypeStruct((N_PTS, 64), jnp.float32),
    mesh=plsc.VectorSubcoreMesh(core_axis_name="c", subcore_axis_name="s"),
    compiler_params=pltpu.CompilerParams(
        needs_layout_passes=False, use_tc_tiling_on_sc=False),
    scratch_types=[
        pltpu.VMEM((BLK * 3,), jnp.float32),
        pltpu.VMEM((2, 128), jnp.int32),
        pltpu.VMEM((BLK + 64, 128), jnp.float32),
        pltpu.VMEM((BLK, 64), jnp.float32),
        pltpu.VMEM((32768,), jnp.int32),
        pltpu.SemaphoreType.DMA,
    ],
)(_sc_body)


BT = 4096


def _fast_sin(x):
    k = jnp.floor(x * jnp.float32(1.0 / 3.14159265358979) + 0.5)
    y = (x - k * jnp.float32(3.14159274101)) + k * jnp.float32(8.742277657e-8)
    y2 = y * y
    p = jnp.float32(2.7525562e-6)
    p = p * y2 + jnp.float32(-1.9840874e-4)
    p = p * y2 + jnp.float32(8.3333293e-3)
    p = p * y2 + jnp.float32(-0.16666667)
    s = y + (y * y2) * p
    sbit = jnp.left_shift(jnp.bitwise_and(k.astype(jnp.int32), 1), 31)
    return jax.lax.bitcast_convert_type(
        jax.lax.bitcast_convert_type(s, jnp.int32) ^ sbit, jnp.float32)


def _fast_cos(x):
    return _fast_sin(x + jnp.float32(1.5707963267948966))


def _tc_body(feats_ref, pos_ref,
             w0et_ref, w0pt_ref, w0e_ref, w0p_ref, b0_ref,
             w1t_ref, w1_ref, b1_ref, wft_ref, wf_ref, bf_ref,
             sdf_ref, grad_ref):
    feats = feats_ref[...]
    emb = feats[:, :EMB]
    pos = pos_ref[...]
    a0 = (jnp.dot(emb, w0et_ref[...], preferred_element_type=jnp.float32)
          + b0_ref[...]
          + pos[:, 0:1] * w0pt_ref[0:1, :]
          + pos[:, 1:2] * w0pt_ref[1:2, :]
          + pos[:, 2:3] * w0pt_ref[2:3, :])
    arg0 = 30.0 * a0
    h0 = _fast_sin(arg0)
    a1 = jnp.dot(h0, w1t_ref[...], preferred_element_type=jnp.float32) + b1_ref[...]
    arg1 = 30.0 * a1
    h1 = _fast_sin(arg1)
    sdf_ref[...] = jnp.dot(h1, wft_ref[...], preferred_element_type=jnp.float32) + bf_ref[...]

    g_a1 = (30.0 * _fast_cos(arg1)) * wf_ref[...]
    g_h0 = jnp.dot(g_a1, w1_ref[...], preferred_element_type=jnp.float32)
    g_a0 = (30.0 * _fast_cos(arg0)) * g_h0
    g_emb = jnp.dot(g_a0, w0e_ref[...], preferred_element_type=jnp.float32)
    gd = jnp.dot(g_a0, w0p_ref[...], preferred_element_type=jnp.float32)
    gpx = jnp.sum(g_emb * feats[:, 16:32], axis=1, keepdims=True)
    gpy = jnp.sum(g_emb * feats[:, 32:48], axis=1, keepdims=True)
    gpz = jnp.sum(g_emb * feats[:, 48:64], axis=1, keepdims=True)
    grad_ref[...] = gd + jnp.concatenate([gpx, gpy, gpz], axis=1)


def _tc_call(feats_a, positions,
             w0et, w0pt, w0e, w0p, b0r, w1t, w1, b1r, wft, wf, bfr):
    nblk = N_PTS // BT
    full = lambda s: pl.BlockSpec(s, lambda i: (0, 0))
    return pl.pallas_call(
        _tc_body,
        grid=(nblk,),
        in_specs=[
            pl.BlockSpec((BT, 64), lambda i: (i, 0)),
            pl.BlockSpec((BT, 3), lambda i: (i, 0)),
            full((EMB, 64)), full((3, 64)), full((64, EMB)), full((64, 3)),
            full((1, 64)), full((64, 64)), full((64, 64)), full((1, 64)),
            full((64, 1)), full((1, 64)), full((1, 1)),
        ],
        out_specs=[
            pl.BlockSpec((BT, 1), lambda i: (i, 0)),
            pl.BlockSpec((BT, 3), lambda i: (i, 0)),
        ],
        out_shape=[
            jax.ShapeDtypeStruct((N_PTS, 1), jnp.float32),
            jax.ShapeDtypeStruct((N_PTS, 3), jnp.float32),
        ],
        compiler_params=pltpu.CompilerParams(
            dimension_semantics=("arbitrary",)),
    )(feats_a, positions,
      w0et, w0pt, w0e, w0p, b0r, w1t, w1, b1r, wft, wf, bfr)


def _cell_table(grid, n):
    parts = [grid[a:a + n, b:b + n, z:z + n, :]
             for a in (0, 1) for b in (0, 1) for z in (0, 1)]
    return jnp.concatenate(parts, axis=-1).reshape(n * n * n, 128)


def kernel(positions, grid_main, grid_empty, occupancy, W0, b0, W1, b1, Wf, bf):
    pos_flat = positions.reshape(-1)
    grid_ct = _cell_table(grid_main, RES)
    occ_i32 = occupancy.reshape(-1).astype(jnp.int32)
    empty_ct = _cell_table(grid_empty, 4)

    feats_a = _sc_interp(pos_flat, grid_ct, occ_i32, empty_ct)

    w0e = W0[:, :EMB]
    w0p = W0[:, EMB:]
    sdf, grad = _tc_call(
        feats_a, positions,
        w0e.T, w0p.T, w0e, w0p, b0.reshape(1, 64),
        W1.T, W1, b1.reshape(1, 64), Wf.T, Wf, bf.reshape(1, 1))
    return sdf, grad

# --- scband reference (transcript-rebuilt; emitter-appended) ---
"""Pipeline reference for scband-neural-sdf-32736240730809 (READ-ONLY COPY).

The authoritative reference and input builder live on the scoring server;
editing this copy changes nothing except your own understanding.
"""

import jax, jax.numpy as jnp
import numpy as np

EMB_DIM = 16
RES = 128            # sparse_grid_dim (32) * grid_dim (4)
SPARSE_DIM = 32      # resolution // 4
HID = 64
W0_SIREN = 30.0
N_PTS = 1048576


def trilinear_interp(grid, pos, bmin, bmax):
    # grid: [R+1, R+1, R+1, D] node features; pos: [N, 3] world coords
    R = grid.shape[0] - 1
    u = (pos - bmin) / (bmax - bmin) * R
    u = jnp.clip(u, 0.0, float(R))
    i0 = jnp.clip(jnp.floor(u).astype(jnp.int32), 0, R - 1)
    f = u - i0.astype(pos.dtype)
    ix, iy, iz = i0[:, 0], i0[:, 1], i0[:, 2]
    fx, fy, fz = f[:, 0:1], f[:, 1:2], f[:, 2:3]
    c000 = grid[ix, iy, iz]
    c100 = grid[ix + 1, iy, iz]
    c010 = grid[ix, iy + 1, iz]
    c110 = grid[ix + 1, iy + 1, iz]
    c001 = grid[ix, iy, iz + 1]
    c101 = grid[ix + 1, iy, iz + 1]
    c011 = grid[ix, iy + 1, iz + 1]
    c111 = grid[ix + 1, iy + 1, iz + 1]
    c00 = c000 * (1 - fx) + c100 * fx
    c10 = c010 * (1 - fx) + c110 * fx
    c01 = c001 * (1 - fx) + c101 * fx
    c11 = c011 * (1 - fx) + c111 * fx
    c0 = c00 * (1 - fy) + c10 * fy
    c1 = c01 * (1 - fy) + c11 * fy
    return c0 * (1 - fz) + c1 * fz


def siren_mlp(x, W0, b0, W1, b1, Wf, bf):
    x = jnp.sin(W0_SIREN * (x @ W0.T + b0))
    x = jnp.sin(W0_SIREN * (x @ W1.T + b1))
    return x @ Wf.T + bf


def forward_sdf(positions, grid_main, grid_empty, occupancy, W0, b0, W1, b1, Wf, bf):
    emb_m = trilinear_interp(grid_main, positions, 0.0, 1.0)
    emb_e = trilinear_interp(grid_empty, positions, -0.1, 1.1)
    cell = jnp.clip(jnp.floor(positions * SPARSE_DIM).astype(jnp.int32), 0, SPARSE_DIM - 1)
    mask = occupancy[cell[:, 0], cell[:, 1], cell[:, 2]]
    emb = jnp.where(mask[:, None], emb_m, emb_e)
    # multires=0 positional encoder is identity (pos_encoder_dim = 3)
    x = jnp.concatenate([emb, positions], axis=-1)
    return siren_mlp(x, W0, b0, W1, b1, Wf, bf)


def setup_inputs(seed: int = 0):
    key = jax.random.key(seed)
    ks = jax.random.split(key, 10)
    positions = jax.random.uniform(ks[0], (N_PTS, 3), minval=0.01, maxval=0.99, dtype=jnp.float32)
    grid_main = jax.random.uniform(ks[1], (RES + 1, RES + 1, RES + 1, EMB_DIM), minval=-1e-4, maxval=1e-4, dtype=jnp.float32)
    grid_empty = jax.random.uniform(ks[2], (5, 5, 5, EMB_DIM), minval=-1e-4, maxval=1e-4, dtype=jnp.float32)
    occupancy = jax.random.bernoulli(ks[3], 0.5, (SPARSE_DIM, SPARSE_DIM, SPARSE_DIM))
    din = EMB_DIM + 3
    b = 1.0 / din
    W0 = jax.random.uniform(ks[4], (HID, din), minval=-b, maxval=b, dtype=jnp.float32)
    b0 = jax.random.uniform(ks[5], (HID,), minval=-b, maxval=b, dtype=jnp.float32)
    c = float(np.sqrt(6.0 / HID) / W0_SIREN)
    W1 = jax.random.uniform(ks[6], (HID, HID), minval=-c, maxval=c, dtype=jnp.float32)
    b1 = jax.random.uniform(ks[7], (HID,), minval=-c, maxval=c, dtype=jnp.float32)
    Wf = jax.random.uniform(ks[8], (1, HID), minval=-c, maxval=c, dtype=jnp.float32)
    bf = jax.random.uniform(ks[9], (1,), minval=-c, maxval=c, dtype=jnp.float32)
    return {"positions": positions, "grid_main": grid_main, "grid_empty": grid_empty,
            "occupancy": occupancy, "W0": W0, "b0": b0, "W1": W1, "b1": b1, "Wf": Wf, "bf": bf}


def reference(positions, grid_main, grid_empty, occupancy, W0, b0, W1, b1, Wf, bf):
    # forward() returns (sdf, grad_x) where grad_x = d sdf[...,0] / d positions with grad_outputs=ones
    def fsd(p):
        return forward_sdf(p, grid_main, grid_empty, occupancy, W0, b0, W1, b1, Wf, bf)
    sdf, vjp_fn = jax.vjp(fsd, positions)
    (grad_x,) = vjp_fn(jnp.ones_like(sdf))
    return sdf, grad_x

if __name__ == "__main__":
    import jax
    _d = setup_inputs()
    print(jax.jit(kernel)(*tuple(_d.values())))

</pallas_src>

<mosaic_0001>
#map = affine_map<(d0, d1) -> (0)>
#map1 = affine_map<(d0, d1) -> (0, 0)>
module attributes {stable_mosaic.version = 14 : i64} {
  func.func @_sc_body(%arg0: i32, %arg1: i32, %arg2: memref<3145728xf32, #tpu.memory_space<hbm>>, %arg3: memref<2097152x128xf32, #tpu.memory_space<hbm>>, %arg4: memref<32768xi32, #tpu.memory_space<hbm>>, %arg5: memref<64x128xf32, #tpu.memory_space<hbm>>, %arg6: memref<1048576x64xf32, #tpu.memory_space<hbm>>, %arg7: memref<768xf32, #tpu.memory_space<vmem>>, %arg8: memref<2x128xi32, #tpu.memory_space<vmem>>, %arg9: memref<320x128xf32, #tpu.memory_space<vmem>>, %arg10: memref<256x64xf32, #tpu.memory_space<vmem>>, %arg11: memref<32768xi32, #tpu.memory_space<vmem>>, %arg12: memref<!tpu.dma_semaphore, #tpu.memory_space<semaphore_mem>>) attributes {dimension_semantics = [#tpu.dimension_semantics<core_parallel>, #tpu.dimension_semantics<subcore_parallel>], iteration_bounds = array<i64: 2, 16>, scalar_prefetch = 0 : i64, scratch_operands = 6 : i64, tpu.core_type = #tpu.core_type<sc_vector_subcore>, window_params = [{transform_indices = #map}, {transform_indices = #map1}, {transform_indices = #map}, {transform_indices = #map1}, {transform_indices = #map1}]} {
    %mul3A = arith.constant 2 : i32
    %mul3A_0 = arith.muli %arg1, %mul3A : i32
    %add3A = arith.addi %mul3A_0, %arg0 : i32
    %mul3A_1 = arith.constant 32768 : i32
    %mul3A_2 = arith.muli %add3A, %mul3A_1 : i32
    "tpu.region"() ({
      %run_scoped3A = tpu.sem_alloc : memref<!tpu.dma_semaphore, #tpu.memory_space<semaphore_mem>>
      tpu.enqueue_dma source(%arg4 : memref<32768xi32, #tpu.memory_space<hbm>>) target(%arg11 : memref<32768xi32, #tpu.memory_space<vmem>>) target_semaphore(%run_scoped3A : memref<!tpu.dma_semaphore, #tpu.memory_space<semaphore_mem>>)
      tpu.wait_dma2 semaphore(%run_scoped3A : memref<!tpu.dma_semaphore, #tpu.memory_space<semaphore_mem>>) src(%arg4 : memref<32768xi32, #tpu.memory_space<hbm>>) dst(%arg11 : memref<32768xi32, #tpu.memory_space<vmem>>)
      tpu.yield
    }) : () -> ()
    "tpu.region"() ({
      %run_scoped3A = tpu.sem_alloc : memref<!tpu.dma_semaphore, #tpu.memory_space<semaphore_mem>>
      %dma_start3A = arith.constant 256 : i32
      %dma_start3A_11 = arith.constant 0 : i32
      %dma_start3A_12 = tpu.memref_slice %arg9[%dma_start3A, %dma_start3A_11] : memref<320x128xf32, #tpu.memory_space<vmem>> -> memref<64x128xf32, #tpu.memory_space<vmem>>
      %dma_start3A_13 = arith.constant 256 : i32
      %dma_start3A_14 = arith.constant 0 : i32
      %dma_start3A_15 = tpu.memref_slice %arg9[%dma_start3A_13, %dma_start3A_14] : memref<320x128xf32, #tpu.memory_space<vmem>> -> memref<64x128xf32, #tpu.memory_space<vmem>>
      tpu.enqueue_dma source(%arg5 : memref<64x128xf32, #tpu.memory_space<hbm>>) target(%dma_start3A_15 : memref<64x128xf32, #tpu.memory_space<vmem>>) target_semaphore(%run_scoped3A : memref<!tpu.dma_semaphore, #tpu.memory_space<semaphore_mem>>)
      %dma_wait3A = arith.constant 256 : i32
      %dma_wait3A_16 = arith.constant 0 : i32
      %dma_wait3A_17 = tpu.memref_slice %arg9[%dma_wait3A, %dma_wait3A_16] : memref<320x128xf32, #tpu.memory_space<vmem>> -> memref<64x128xf32, #tpu.memory_space<vmem>>
      %dma_wait3A_18 = arith.constant 256 : i32
      %dma_wait3A_19 = arith.constant 0 : i32
      %dma_wait3A_20 = tpu.memref_slice %arg9[%dma_wait3A_18, %dma_wait3A_19] : memref<320x128xf32, #tpu.memory_space<vmem>> -> memref<64x128xf32, #tpu.memory_space<vmem>>
      tpu.wait_dma2 semaphore(%run_scoped3A : memref<!tpu.dma_semaphore, #tpu.memory_space<semaphore_mem>>) src(%arg5 : memref<64x128xf32, #tpu.memory_space<hbm>>) dst(%dma_wait3A_20 : memref<64x128xf32, #tpu.memory_space<vmem>>)
      tpu.yield
    }) : () -> ()
    %iota3A = tpu.iota {dimensions = array<i32: 0>} : vector<16xi32>
    %mul3A_3 = arith.constant 3 : i32
    %mul3A_4 = vector.broadcast %mul3A_3 : i32 to vector<16xi32>
    %mul3A_5 = arith.muli %iota3A, %mul3A_4 : vector<16xi32>
    %scan3A = arith.constant 0 : i32
    %scan3A_6 = arith.constant 0 : i32
    %scan3A_7 = arith.constant 128 : i32
    %scan3A_8 = arith.addi %scan3A_6, %scan3A_7 : i32
    %scan3A_9 = arith.constant 1 : i32
    scf.for %scan3A_11 = %scan3A_6 to %scan3A_8 step %scan3A_9  : i32 {
      %mul3A_12 = arith.constant 256 : i32
      %mul3A_13 = arith.muli %scan3A_11, %mul3A_12 : i32
      %add3A_14 = arith.addi %mul3A_2, %mul3A_13 : i32
      %mul3A_15 = arith.constant 3 : i32
      %mul3A_16 = arith.muli %add3A_14, %mul3A_15 : i32
      "tpu.region"() ({
        %run_scoped3A = tpu.sem_alloc : memref<!tpu.dma_semaphore, #tpu.memory_space<semaphore_mem>>
        %dma_start3A_67 = tpu.memref_slice %arg2[%mul3A_16] : memref<3145728xf32, #tpu.memory_space<hbm>> -> memref<768xf32, #tpu.memory_space<hbm>>
        %dma_start3A_68 = tpu.memref_slice %arg2[%mul3A_16] : memref<3145728xf32, #tpu.memory_space<hbm>> -> memref<768xf32, #tpu.memory_space<hbm>>
        tpu.enqueue_dma source(%dma_start3A_68 : memref<768xf32, #tpu.memory_space<hbm>>) target(%arg7 : memref<768xf32, #tpu.memory_space<vmem>>) target_semaphore(%run_scoped3A : memref<!tpu.dma_semaphore, #tpu.memory_space<semaphore_mem>>)
        %dma_wait3A_69 = tpu.memref_slice %arg2[%mul3A_16] : memref<3145728xf32, #tpu.memory_space<hbm>> -> memref<768xf32, #tpu.memory_space<hbm>>
        %dma_wait3A_70 = tpu.memref_slice %arg2[%mul3A_16] : memref<3145728xf32, #tpu.memory_space<hbm>> -> memref<768xf32, #tpu.memory_space<hbm>>
        tpu.wait_dma2 semaphore(%run_scoped3A : memref<!tpu.dma_semaphore, #tpu.memory_space<semaphore_mem>>) src(%dma_wait3A_70 : memref<768xf32, #tpu.memory_space<hbm>>) dst(%arg7 : memref<768xf32, #tpu.memory_space<vmem>>)
        tpu.yield
      }) : () -> ()
      %scan3A_17 = arith.constant 0 : i32
      %scan3A_18 = arith.constant 0 : i32
      %scan3A_19 = arith.constant 16 : i32
      %scan3A_20 = arith.addi %scan3A_18, %scan3A_19 : i32
      %scan3A_21 = arith.constant 1 : i32
      scf.for %scan3A_67 = %scan3A_18 to %scan3A_20 step %scan3A_21  : i32 {
        %mul3A_68 = arith.constant 48 : i32
        %mul3A_69 = arith.muli %scan3A_67, %mul3A_68 : i32
        %add3A_70 = vector.broadcast %mul3A_69 : i32 to vector<16xi32>
        %add3A_71 = arith.addi %mul3A_5, %add3A_70 : vector<16xi32>
        %gather3A = tpu.vector_load_idx %arg7[%add3A_71] : memref<768xf32, #tpu.memory_space<vmem>>[vector<16xi32>], vector<16xf32>,
        %mul3A_72 = arith.constant 48 : i32
        %mul3A_73 = arith.muli %scan3A_67, %mul3A_72 : i32
        %add3A_74 = arith.constant 1 : i32
        %add3A_75 = arith.addi %mul3A_73, %add3A_74 : i32
        %add3A_76 = vector.broadcast %add3A_75 : i32 to vector<16xi32>
        %add3A_77 = arith.addi %mul3A_5, %add3A_76 : vector<16xi32>
        %gather3A_78 = tpu.vector_load_idx %arg7[%add3A_77] : memref<768xf32, #tpu.memory_space<vmem>>[vector<16xi32>], vector<16xf32>,
        %mul3A_79 = arith.constant 48 : i32
        %mul3A_80 = arith.muli %scan3A_67, %mul3A_79 : i32
        %add3A_81 = arith.constant 2 : i32
        %add3A_82 = arith.addi %mul3A_80, %add3A_81 : i32
        %add3A_83 = vector.broadcast %add3A_82 : i32 to vector<16xi32>
        %add3A_84 = arith.addi %mul3A_5, %add3A_83 : vector<16xi32>
        %gather3A_85 = tpu.vector_load_idx %arg7[%add3A_84] : memref<768xf32, #tpu.memory_space<vmem>>[vector<16xi32>], vector<16xf32>,
        %mul3A_86 = arith.constant 1.280000e+02 : f32
        %mul3A_87 = vector.broadcast %mul3A_86 : f32 to vector<16xf32>
        %mul3A_88 = arith.mulf %gather3A, %mul3A_87 : vector<16xf32>
        %mul3A_89 = arith.constant 1.280000e+02 : f32
        %mul3A_90 = vector.broadcast %mul3A_89 : f32 to vector<16xf32>
        %mul3A_91 = arith.mulf %gather3A_78, %mul3A_90 : vector<16xf32>
        %mul3A_92 = arith.constant 1.280000e+02 : f32
        %mul3A_93 = vector.broadcast %mul3A_92 : f32 to vector<16xf32>
        %mul3A_94 = arith.mulf %gather3A_85, %mul3A_93 : vector<16xf32>
        %convert_element_type3A = arith.fptosi %mul3A_88 : vector<16xf32> to vector<16xi32>
        %jit3A = arith.constant 0 : i32
        %jit3A_95 = arith.constant 127 : i32
        %max3A = vector.broadcast %jit3A : i32 to vector<16xi32>
        %max3A_96 = arith.maxsi %max3A, %convert_element_type3A : vector<16xi32>
        %min3A = vector.broadcast %jit3A_95 : i32 to vector<16xi32>
        %min3A_97 = arith.minsi %min3A, %max3A_96 : vector<16xi32>
        %convert_element_type3A_98 = arith.fptosi %mul3A_91 : vector<16xf32> to vector<16xi32>
        %jit3A_99 = arith.constant 0 : i32
        %jit3A_100 = arith.constant 127 : i32
        %max3A_101 = vector.broadcast %jit3A_99 : i32 to vector<16xi32>
        %max3A_102 = arith.maxsi %max3A_101, %convert_element_type3A_98 : vector<16xi32>
        %min3A_103 = vector.broadcast %jit3A_100 : i32 to vector<16xi32>
        %min3A_104 = arith.minsi %min3A_103, %max3A_102 : vector<16xi32>
        %convert_element_type3A_105 = arith.fptosi %mul3A_94 : vector<16xf32> to vector<16xi32>
        %jit3A_106 = arith.constant 0 : i32
        %jit3A_107 = arith.constant 127 : i32
        %max3A_108 = vector.broadcast %jit3A_106 : i32 to vector<16xi32>
        %max3A_109 = arith.maxsi %max3A_108, %convert_element_type3A_105 : vector<16xi32>
        %min3A_110 = vector.broadcast %jit3A_107 : i32 to vector<16xi32>
        %min3A_111 = arith.minsi %min3A_110, %max3A_109 : vector<16xi32>
        %mul3A_112 = arith.constant 16384 : i32
        %mul3A_113 = vector.broadcast %mul3A_112 : i32 to vector<16xi32>
        %mul3A_114 = arith.muli %min3A_97, %mul3A_113 : vector<16xi32>
        %mul3A_115 = arith.constant 128 : i32
        %mul3A_116 = vector.broadcast %mul3A_115 : i32 to vector<16xi32>
        %mul3A_117 = arith.muli %min3A_104, %mul3A_116 : vector<16xi32>
        %add3A_118 = arith.addi %mul3A_114, %mul3A_117 : vector<16xi32>
        %add3A_119 = arith.addi %add3A_118, %min3A_111 : vector<16xi32>
        %broadcast_in_dim3A = arith.constant 0 : i32
        %broadcast_in_dim3A_120 = vector.broadcast %broadcast_in_dim3A : i32 to vector<16xi32>
        %shift_right_arithmetic3A = arith.constant 3 : i32
        %shift_right_arithmetic3A_121 = arith.shrsi %scan3A_67, %shift_right_arithmetic3A : i32
        %add3A_122 = vector.broadcast %shift_right_arithmetic3A_121 : i32 to vector<16xi32>
        %add3A_123 = arith.addi %broadcast_in_dim3A_120, %add3A_122 : vector<16xi32>
        %and3A = arith.constant 7 : i32
        %and3A_124 = arith.andi %scan3A_67, %and3A : i32
        %mul3A_125 = arith.constant 16 : i32
        %mul3A_126 = arith.muli %and3A_124, %mul3A_125 : i32
        %add3A_127 = vector.broadcast %mul3A_126 : i32 to vector<16xi32>
        %add3A_128 = arith.addi %iota3A, %add3A_127 : vector<16xi32>
        tpu.vector_store_idx %arg8[%add3A_123, %add3A_128], %add3A_119 : memref<2x128xi32, #tpu.memory_space<vmem>>[vector<16xi32>, vector<16xi32>], vector<16xi32>,
      }
      %scan3A_22 = arith.constant 16 : i32
      %dma_start3A = arith.constant 0 : i32
      %dma_start3A_23 = arith.constant 0 : i32
      %dma_start3A_24 = arith.constant 0 : i32
      %dma_start3A_25 = tpu.memref_slice %arg9[%dma_start3A_23, %dma_start3A_24] : memref<320x128xf32, #tpu.memory_space<vmem>> -> memref<128x128xf32, #tpu.memory_space<vmem>>
      %dma_start3A_26 = arith.constant 0 : i32
      %dma_start3A_27 = tpu.memref_slice %arg8[%dma_start3A, %dma_start3A_26] : memref<2x128xi32, #tpu.memory_space<vmem>> -> memref<1x128xi32, #tpu.memory_space<vmem>>
      %dma_start3A_28 = tpu.memref_squeeze %dma_start3A_27 : memref<1x128xi32, #tpu.memory_space<vmem>> -> memref<128xi32, #tpu.memory_space<vmem>>
      %dma_start3A_29 = arith.constant 0 : i32
      %dma_start3A_30 = arith.constant 0 : i32
      %dma_start3A_31 = tpu.memref_slice %arg3[%dma_start3A_29, %dma_start3A_30] : memref<2097152x128xf32, #tpu.memory_space<hbm>> -> memref<2097152x128xf32, #tpu.memory_space<hbm>>
      tpu.enqueue_indirect_dma source(%dma_start3A_31 : memref<2097152x128xf32, #tpu.memory_space<hbm>>) target(%dma_start3A_25 : memref<128x128xf32, #tpu.memory_space<vmem>>) offsets(%dma_start3A_28 : memref<128xi32, #tpu.memory_space<vmem>>) semaphore(%arg12 : memref<!tpu.dma_semaphore, #tpu.memory_space<semaphore_mem>>)
      %dma_start3A_32 = arith.constant 1 : i32
      %dma_start3A_33 = arith.constant 128 : i32
      %dma_start3A_34 = arith.constant 0 : i32
      %dma_start3A_35 = tpu.memref_slice %arg9[%dma_start3A_33, %dma_start3A_34] : memref<320x128xf32, #tpu.memory_space<vmem>> -> memref<128x128xf32, #tpu.memory_space<vmem>>
      %dma_start3A_36 = arith.constant 0 : i32
      %dma_start3A_37 = tpu.memref_slice %arg8[%dma_start3A_32, %dma_start3A_36] : memref<2x128xi32, #tpu.memory_space<vmem>> -> memref<1x128xi32, #tpu.memory_space<vmem>>
      %dma_start3A_38 = tpu.memref_squeeze %dma_start3A_37 : memref<1x128xi32, #tpu.memory_space<vmem>> -> memref<128xi32, #tpu.memory_space<vmem>>
      %dma_start3A_39 = arith.constant 0 : i32
      %dma_start3A_40 = arith.constant 0 : i32
      %dma_start3A_41 = tpu.memref_slice %arg3[%dma_start3A_39, %dma_start3A_40] : memref<2097152x128xf32, #tpu.memory_space<hbm>> -> memref<2097152x128xf32, #tpu.memory_space<hbm>>
      tpu.enqueue_indirect_dma source(%dma_start3A_41 : memref<2097152x128xf32, #tpu.memory_space<hbm>>) target(%dma_start3A_35 : memref<128x128xf32, #tpu.memory_space<vmem>>) offsets(%dma_start3A_38 : memref<128xi32, #tpu.memory_space<vmem>>) semaphore(%arg12 : memref<!tpu.dma_semaphore, #tpu.memory_space<semaphore_mem>>)
      %dma_wait3A = arith.constant 0 : i32
      %dma_wait3A_42 = arith.constant 0 : i32
      %dma_wait3A_43 = arith.constant 0 : i32
      %dma_wait3A_44 = tpu.memref_slice %arg9[%dma_wait3A_42, %dma_wait3A_43] : memref<320x128xf32, #tpu.memory_space<vmem>> -> memref<128x128xf32, #tpu.memory_space<vmem>>
      %dma_wait3A_45 = arith.constant 0 : i32
      %dma_wait3A_46 = tpu.memref_slice %arg8[%dma_wait3A, %dma_wait3A_45] : memref<2x128xi32, #tpu.memory_space<vmem>> -> memref<1x128xi32, #tpu.memory_space<vmem>>
      %dma_wait3A_47 = tpu.memref_squeeze %dma_wait3A_46 : memref<1x128xi32, #tpu.memory_space<vmem>> -> memref<128xi32, #tpu.memory_space<vmem>>
      %dma_wait3A_48 = arith.constant 0 : i32
      %dma_wait3A_49 = arith.constant 0 : i32
      %dma_wait3A_50 = tpu.memref_slice %arg3[%dma_wait3A_48, %dma_wait3A_49] : memref<2097152x128xf32, #tpu.memory_space<hbm>> -> memref<2097152x128xf32, #tpu.memory_space<hbm>>
      tpu.wait_indirect_dma semaphore(%arg12 : memref<!tpu.dma_semaphore, #tpu.memory_space<semaphore_mem>>) src(%dma_wait3A_50 : memref<2097152x128xf32, #tpu.memory_space<hbm>>) dst(%dma_wait3A_44 : memref<128x128xf32, #tpu.memory_space<vmem>>)
      %dma_wait3A_51 = arith.constant 1 : i32
      %dma_wait3A_52 = arith.constant 128 : i32
      %dma_wait3A_53 = arith.constant 0 : i32
      %dma_wait3A_54 = tpu.memref_slice %arg9[%dma_wait3A_52, %dma_wait3A_53] : memref<320x128xf32, #tpu.memory_space<vmem>> -> memref<128x128xf32, #tpu.memory_space<vmem>>
      %dma_wait3A_55 = arith.constant 0 : i32
      %dma_wait3A_56 = tpu.memref_slice %arg8[%dma_wait3A_51, %dma_wait3A_55] : memref<2x128xi32, #tpu.memory_space<vmem>> -> memref<1x128xi32, #tpu.memory_space<vmem>>
      %dma_wait3A_57 = tpu.memref_squeeze %dma_wait3A_56 : memref<1x128xi32, #tpu.memory_space<vmem>> -> memref<128xi32, #tpu.memory_space<vmem>>
      %dma_wait3A_58 = arith.constant 0 : i32
      %dma_wait3A_59 = arith.constant 0 : i32
      %dma_wait3A_60 = tpu.memref_slice %arg3[%dma_wait3A_58, %dma_wait3A_59] : memref<2097152x128xf32, #tpu.memory_space<hbm>> -> memref<2097152x128xf32, #tpu.memory_space<hbm>>
      tpu.wait_indirect_dma semaphore(%arg12 : memref<!tpu.dma_semaphore, #tpu.memory_space<semaphore_mem>>) src(%dma_wait3A_60 : memref<2097152x128xf32, #tpu.memory_space<hbm>>) dst(%dma_wait3A_54 : memref<128x128xf32, #tpu.memory_space<vmem>>)
      %scan3A_61 = arith.constant 0 : i32
      %scan3A_62 = arith.constant 0 : i32
      %scan3A_63 = arith.constant 16 : i32
      %scan3A_64 = arith.addi %scan3A_62, %scan3A_63 : i32
      %scan3A_65 = arith.constant 1 : i32
      scf.for %scan3A_67 = %scan3A_62 to %scan3A_64 step %scan3A_65  : i32 {
        %mul3A_68 = arith.constant 48 : i32
        %mul3A_69 = arith.muli %scan3A_67, %mul3A_68 : i32
        %add3A_70 = vector.broadcast %mul3A_69 : i32 to vector<16xi32>
        %add3A_71 = arith.addi %mul3A_5, %add3A_70 : vector<16xi32>
        %gather3A = tpu.vector_load_idx %arg7[%add3A_71] : memref<768xf32, #tpu.memory_space<vmem>>[vector<16xi32>], vector<16xf32>,
        %mul3A_72 = arith.constant 48 : i32
        %mul3A_73 = arith.muli %scan3A_67, %mul3A_72 : i32
        %add3A_74 = arith.constant 1 : i32
        %add3A_75 = arith.addi %mul3A_73, %add3A_74 : i32
        %add3A_76 = vector.broadcast %add3A_75 : i32 to vector<16xi32>
        %add3A_77 = arith.addi %mul3A_5, %add3A_76 : vector<16xi32>
        %gather3A_78 = tpu.vector_load_idx %arg7[%add3A_77] : memref<768xf32, #tpu.memory_space<vmem>>[vector<16xi32>], vector<16xf32>,
        %mul3A_79 = arith.constant 48 : i32
        %mul3A_80 = arith.muli %scan3A_67, %mul3A_79 : i32
        %add3A_81 = arith.constant 2 : i32
        %add3A_82 = arith.addi %mul3A_80, %add3A_81 : i32
        %add3A_83 = vector.broadcast %add3A_82 : i32 to vector<16xi32>
        %add3A_84 = arith.addi %mul3A_5, %add3A_83 : vector<16xi32>
        %gather3A_85 = tpu.vector_load_idx %arg7[%add3A_84] : memref<768xf32, #tpu.memory_space<vmem>>[vector<16xi32>], vector<16xf32>,
        %mul3A_86 = arith.constant 1.280000e+02 : f32
        %mul3A_87 = vector.broadcast %mul3A_86 : f32 to vector<16xf32>
        %mul3A_88 = arith.mulf %gather3A, %mul3A_87 : vector<16xf32>
        %mul3A_89 = arith.constant 1.280000e+02 : f32
        %mul3A_90 = vector.broadcast %mul3A_89 : f32 to vector<16xf32>
        %mul3A_91 = arith.mulf %gather3A_78, %mul3A_90 : vector<16xf32>
        %mul3A_92 = arith.constant 1.280000e+02 : f32
        %mul3A_93 = vector.broadcast %mul3A_92 : f32 to vector<16xf32>
        %mul3A_94 = arith.mulf %gather3A_85, %mul3A_93 : vector<16xf32>
        %convert_element_type3A = arith.fptosi %mul3A_88 : vector<16xf32> to vector<16xi32>
        %jit3A = arith.constant 0 : i32
        %jit3A_95 = arith.constant 127 : i32
        %max3A = vector.broadcast %jit3A : i32 to vector<16xi32>
        %max3A_96 = arith.maxsi %max3A, %convert_element_type3A : vector<16xi32>
        %min3A = vector.broadcast %jit3A_95 : i32 to vector<16xi32>
        %min3A_97 = arith.minsi %min3A, %max3A_96 : vector<16xi32>
        %convert_element_type3A_98 = arith.fptosi %mul3A_91 : vector<16xf32> to vector<16xi32>
        %jit3A_99 = arith.constant 0 : i32
        %jit3A_100 = arith.constant 127 : i32
        %max3A_101 = vector.broadcast %jit3A_99 : i32 to vector<16xi32>
        %max3A_102 = arith.maxsi %max3A_101, %convert_element_type3A_98 : vector<16xi32>
        %min3A_103 = vector.broadcast %jit3A_100 : i32 to vector<16xi32>
        %min3A_104 = arith.minsi %min3A_103, %max3A_102 : vector<16xi32>
        %convert_element_type3A_105 = arith.fptosi %mul3A_94 : vector<16xf32> to vector<16xi32>
        %jit3A_106 = arith.constant 0 : i32
        %jit3A_107 = arith.constant 127 : i32
        %max3A_108 = vector.broadcast %jit3A_106 : i32 to vector<16xi32>
        %max3A_109 = arith.maxsi %max3A_108, %convert_element_type3A_105 : vector<16xi32>
        %min3A_110 = vector.broadcast %jit3A_107 : i32 to vector<16xi32>
        %min3A_111 = arith.minsi %min3A_110, %max3A_109 : vector<16xi32>
        %convert_element_type3A_112 = arith.sitofp %min3A_97 : vector<16xi32> to vector<16xf32>
        %sub3A = arith.subf %mul3A_88, %convert_element_type3A_112 : vector<16xf32>
        %convert_element_type3A_113 = arith.sitofp %min3A_104 : vector<16xi32> to vector<16xf32>
        %sub3A_114 = arith.subf %mul3A_91, %convert_element_type3A_113 : vector<16xf32>
        %convert_element_type3A_115 = arith.sitofp %min3A_111 : vector<16xi32> to vector<16xf32>
        %sub3A_116 = arith.subf %mul3A_94, %convert_element_type3A_115 : vector<16xf32>
        %add3A_117 = arith.constant 1.000000e-01 : f32
        %add3A_118 = vector.broadcast %add3A_117 : f32 to vector<16xf32>
        %add3A_119 = arith.addf %gather3A, %add3A_118 : vector<16xf32>
        %div3A = arith.constant 1.200000e+00 : f32
        %div3A_120 = vector.broadcast %div3A : f32 to vector<16xf32>
        %div3A_121 = arith.divf %add3A_119, %div3A_120 : vector<16xf32>
        %mul3A_122 = arith.constant 4.000000e+00 : f32
        %mul3A_123 = vector.broadcast %mul3A_122 : f32 to vector<16xf32>
        %mul3A_124 = arith.mulf %div3A_121, %mul3A_123 : vector<16xf32>
        %add3A_125 = arith.constant 1.000000e-01 : f32
        %add3A_126 = vector.broadcast %add3A_125 : f32 to vector<16xf32>
        %add3A_127 = arith.addf %gather3A_78, %add3A_126 : vector<16xf32>
        %div3A_128 = arith.constant 1.200000e+00 : f32
        %div3A_129 = vector.broadcast %div3A_128 : f32 to vector<16xf32>
        %div3A_130 = arith.divf %add3A_127, %div3A_129 : vector<16xf32>
        %mul3A_131 = arith.constant 4.000000e+00 : f32
        %mul3A_132 = vector.broadcast %mul3A_131 : f32 to vector<16xf32>
        %mul3A_133 = arith.mulf %div3A_130, %mul3A_132 : vector<16xf32>
        %add3A_134 = arith.constant 1.000000e-01 : f32
        %add3A_135 = vector.broadcast %add3A_134 : f32 to vector<16xf32>
        %add3A_136 = arith.addf %gather3A_85, %add3A_135 : vector<16xf32>
        %div3A_137 = arith.constant 1.200000e+00 : f32
        %div3A_138 = vector.broadcast %div3A_137 : f32 to vector<16xf32>
        %div3A_139 = arith.divf %add3A_136, %div3A_138 : vector<16xf32>
        %mul3A_140 = arith.constant 4.000000e+00 : f32
        %mul3A_141 = vector.broadcast %mul3A_140 : f32 to vector<16xf32>
        %mul3A_142 = arith.mulf %div3A_139, %mul3A_141 : vector<16xf32>
        %convert_element_type3A_143 = arith.fptosi %mul3A_124 : vector<16xf32> to vector<16xi32>
        %jit3A_144 = arith.constant 0 : i32
        %jit3A_145 = arith.constant 3 : i32
        %max3A_146 = vector.broadcast %jit3A_144 : i32 to vector<16xi32>
        %max3A_147 = arith.maxsi %max3A_146, %convert_element_type3A_143 : vector<16xi32>
        %min3A_148 = vector.broadcast %jit3A_145 : i32 to vector<16xi32>
        %min3A_149 = arith.minsi %min3A_148, %max3A_147 : vector<16xi32>
        %convert_element_type3A_150 = arith.fptosi %mul3A_133 : vector<16xf32> to vector<16xi32>
        %jit3A_151 = arith.constant 0 : i32
        %jit3A_152 = arith.constant 3 : i32
        %max3A_153 = vector.broadcast %jit3A_151 : i32 to vector<16xi32>
        %max3A_154 = arith.maxsi %max3A_153, %convert_element_type3A_150 : vector<16xi32>
        %min3A_155 = vector.broadcast %jit3A_152 : i32 to vector<16xi32>
        %min3A_156 = arith.minsi %min3A_155, %max3A_154 : vector<16xi32>
        %convert_element_type3A_157 = arith.fptosi %mul3A_142 : vector<16xf32> to vector<16xi32>
        %jit3A_158 = arith.constant 0 : i32
        %jit3A_159 = arith.constant 3 : i32
        %max3A_160 = vector.broadcast %jit3A_158 : i32 to vector<16xi32>
        %max3A_161 = arith.maxsi %max3A_160, %convert_element_type3A_157 : vector<16xi32>
        %min3A_162 = vector.broadcast %jit3A_159 : i32 to vector<16xi32>
        %min3A_163 = arith.minsi %min3A_162, %max3A_161 : vector<16xi32>
        %mul3A_164 = arith.constant 3.200000e+01 : f32
        %mul3A_165 = vector.broadcast %mul3A_164 : f32 to vector<16xf32>
        %mul3A_166 = arith.mulf %gather3A, %mul3A_165 : vector<16xf32>
        %convert_element_type3A_167 = arith.fptosi %mul3A_166 : vector<16xf32> to vector<16xi32>
        %jit3A_168 = arith.constant 0 : i32
        %jit3A_169 = arith.constant 31 : i32
        %max3A_170 = vector.broadcast %jit3A_168 : i32 to vector<16xi32>
        %max3A_171 = arith.maxsi %max3A_170, %convert_element_type3A_167 : vector<16xi32>
        %min3A_172 = vector.broadcast %jit3A_169 : i32 to vector<16xi32>
        %min3A_173 = arith.minsi %min3A_172, %max3A_171 : vector<16xi32>
        %mul3A_174 = arith.constant 3.200000e+01 : f32
        %mul3A_175 = vector.broadcast %mul3A_174 : f32 to vector<16xf32>
        %mul3A_176 = arith.mulf %gather3A_78, %mul3A_175 : vector<16xf32>
        %convert_element_type3A_177 = arith.fptosi %mul3A_176 : vector<16xf32> to vector<16xi32>
        %jit3A_178 = arith.constant 0 : i32
        %jit3A_179 = arith.constant 31 : i32
        %max3A_180 = vector.broadcast %jit3A_178 : i32 to vector<16xi32>
        %max3A_181 = arith.maxsi %max3A_180, %convert_element_type3A_177 : vector<16xi32>
        %min3A_182 = vector.broadcast %jit3A_179 : i32 to vector<16xi32>
        %min3A_183 = arith.minsi %min3A_182, %max3A_181 : vector<16xi32>
        %mul3A_184 = arith.constant 3.200000e+01 : f32
        %mul3A_185 = vector.broadcast %mul3A_184 : f32 to vector<16xf32>
        %mul3A_186 = arith.mulf %gather3A_85, %mul3A_185 : vector<16xf32>
        %convert_element_type3A_187 = arith.fptosi %mul3A_186 : vector<16xf32> to vector<16xi32>
        %jit3A_188 = arith.constant 0 : i32
        %jit3A_189 = arith.constant 31 : i32
        %max3A_190 = vector.broadcast %jit3A_188 : i32 to vector<16xi32>
        %max3A_191 = arith.maxsi %max3A_190, %convert_element_type3A_187 : vector<16xi32>
        %min3A_192 = vector.broadcast %jit3A_189 : i32 to vector<16xi32>
        %min3A_193 = arith.minsi %min3A_192, %max3A_191 : vector<16xi32>
        %mul3A_194 = arith.constant 1024 : i32
        %mul3A_195 = vector.broadcast %mul3A_194 : i32 to vector<16xi32>
        %mul3A_196 = arith.muli %min3A_173, %mul3A_195 : vector<16xi32>
        %mul3A_197 = arith.constant 32 : i32
        %mul3A_198 = vector.broadcast %mul3A_197 : i32 to vector<16xi32>
        %mul3A_199 = arith.muli %min3A_183, %mul3A_198 : vector<16xi32>
        %add3A_200 = arith.addi %mul3A_196, %mul3A_199 : vector<16xi32>
        %add3A_201 = arith.addi %add3A_200, %min3A_193 : vector<16xi32>
        %gather3A_202 = tpu.vector_load_idx %arg11[%add3A_201] : memref<32768xi32, #tpu.memory_space<vmem>>[vector<16xi32>], vector<16xi32>,
        %gt3A = arith.constant 0 : i32
        %gt3A_203 = vector.broadcast %gt3A : i32 to vector<16xi32>
        %gt3A_204 = arith.cmpi sgt, %gather3A_202, %gt3A_203 : vector<16xi32>
        %convert_element_type3A_205 = arith.sitofp %min3A_149 : vector<16xi32> to vector<16xf32>
        %sub3A_206 = arith.subf %mul3A_124, %convert_element_type3A_205 : vector<16xf32>
        %select_n3A = arith.select %gt3A_204, %sub3A, %sub3A_206 : vector<16xi1>, vector<16xf32>
        %convert_element_type3A_207 = arith.sitofp %min3A_156 : vector<16xi32> to vector<16xf32>
        %sub3A_208 = arith.subf %mul3A_133, %convert_element_type3A_207 : vector<16xf32>
        %select_n3A_209 = arith.select %gt3A_204, %sub3A_114, %sub3A_208 : vector<16xi1>, vector<16xf32>
        %convert_element_type3A_210 = arith.sitofp %min3A_163 : vector<16xi32> to vector<16xf32>
        %sub3A_211 = arith.subf %mul3A_142, %convert_element_type3A_210 : vector<16xf32>
        %select_n3A_212 = arith.select %gt3A_204, %sub3A_116, %sub3A_211 : vector<16xi1>, vector<16xf32>
        %jit3A_213 = arith.constant 1.280000e+02 : f32
        %jit3A_214 = arith.constant 3.33333325 : f32
        %broadcast_in_dim3A = vector.broadcast %jit3A_213 : f32 to vector<16xf32>
        %broadcast_in_dim3A_215 = vector.broadcast %jit3A_214 : f32 to vector<16xf32>
        %select_n3A_216 = arith.select %gt3A_204, %broadcast_in_dim3A, %broadcast_in_dim3A_215 : vector<16xi1>, vector<16xf32>
        %sub3A_217 = arith.constant 1.000000e+00 : f32
        %sub3A_218 = vector.broadcast %sub3A_217 : f32 to vector<16xf32>
        %sub3A_219 = arith.subf %sub3A_218, %select_n3A : vector<16xf32>
        %sub3A_220 = arith.constant 1.000000e+00 : f32
        %sub3A_221 = vector.broadcast %sub3A_220 : f32 to vector<16xf32>
        %sub3A_222 = arith.subf %sub3A_221, %select_n3A_209 : vector<16xf32>
        %sub3A_223 = arith.constant 1.000000e+00 : f32
        %sub3A_224 = vector.broadcast %sub3A_223 : f32 to vector<16xf32>
        %sub3A_225 = arith.subf %sub3A_224, %select_n3A_212 : vector<16xf32>
        %mul3A_226 = arith.constant 16 : i32
        %mul3A_227 = arith.muli %scan3A_67, %mul3A_226 : i32
        %add3A_228 = vector.broadcast %mul3A_227 : i32 to vector<16xi32>
        %add3A_229 = arith.addi %iota3A, %add3A_228 : vector<16xi32>
        %mul3A_230 = arith.constant 16 : i32
        %mul3A_231 = vector.broadcast %mul3A_230 : i32 to vector<16xi32>
        %mul3A_232 = arith.muli %min3A_149, %mul3A_231 : vector<16xi32>
        %mul3A_233 = arith.constant 4 : i32
        %mul3A_234 = vector.broadcast %mul3A_233 : i32 to vector<16xi32>
        %mul3A_235 = arith.muli %min3A_156, %mul3A_234 : vector<16xi32>
        %add3A_236 = arith.addi %mul3A_232, %mul3A_235 : vector<16xi32>
        %add3A_237 = arith.addi %add3A_236, %min3A_163 : vector<16xi32>
        %add3A_238 = arith.constant 256 : i32
        %add3A_239 = vector.broadcast %add3A_238 : i32 to vector<16xi32>
        %add3A_240 = arith.addi %add3A_237, %add3A_239 : vector<16xi32>
        %select_n3A_241 = arith.select %gt3A_204, %add3A_229, %add3A_240 : vector<16xi1>, vector<16xi32>
        %mul3A_242 = arith.mulf %sub3A_222, %sub3A_225 : vector<16xf32>
        %mul3A_243 = arith.mulf %sub3A_219, %sub3A_225 : vector<16xf32>
        %mul3A_244 = arith.mulf %sub3A_219, %sub3A_222 : vector<16xf32>
        %mul3A_245 = arith.mulf %sub3A_219, %mul3A_242 : vector<16xf32>
        %mul3A_246 = arith.constant -1.000000e+00 : f32
        %mul3A_247 = vector.broadcast %mul3A_246 : f32 to vector<16xf32>
        %mul3A_248 = arith.mulf %mul3A_247, %mul3A_242 : vector<16xf32>
        %mul3A_249 = arith.mulf %mul3A_248, %select_n3A_216 : vector<16xf32>
        %mul3A_250 = arith.constant -1.000000e+00 : f32
        %mul3A_251 = vector.broadcast %mul3A_250 : f32 to vector<16xf32>
        %mul3A_252 = arith.mulf %mul3A_251, %mul3A_243 : vector<16xf32>
        %mul3A_253 = arith.mulf %mul3A_252, %select_n3A_216 : vector<16xf32>
        %mul3A_254 = arith.constant -1.000000e+00 : f32
        %mul3A_255 = vector.broadcast %mul3A_254 : f32 to vector<16xf32>
        %mul3A_256 = arith.mulf %mul3A_255, %mul3A_244 : vector<16xf32>
        %mul3A_257 = arith.mulf %mul3A_256, %select_n3A_216 : vector<16xf32>
        %mul3A_258 = arith.mulf %sub3A_222, %select_n3A_212 : vector<16xf32>
        %mul3A_259 = arith.mulf %sub3A_219, %select_n3A_212 : vector<16xf32>
        %mul3A_260 = arith.mulf %sub3A_219, %sub3A_222 : vector<16xf32>
        %mul3A_261 = arith.mulf %sub3A_219, %mul3A_258 : vector<16xf32>
        %mul3A_262 = arith.constant -1.000000e+00 : f32
        %mul3A_263 = vector.broadcast %mul3A_262 : f32 to vector<16xf32>
        %mul3A_264 = arith.mulf %mul3A_263, %mul3A_258 : vector<16xf32>
        %mul3A_265 = arith.mulf %mul3A_264, %select_n3A_216 : vector<16xf32>
        %mul3A_266 = arith.constant -1.000000e+00 : f32
        %mul3A_267 = vector.broadcast %mul3A_266 : f32 to vector<16xf32>
        %mul3A_268 = arith.mulf %mul3A_267, %mul3A_259 : vector<16xf32>
        %mul3A_269 = arith.mulf %mul3A_268, %select_n3A_216 : vector<16xf32>
        %mul3A_270 = arith.constant 1.000000e+00 : f32
        %mul3A_271 = vector.broadcast %mul3A_270 : f32 to vector<16xf32>
        %mul3A_272 = arith.mulf %mul3A_271, %mul3A_260 : vector<16xf32>
        %mul3A_273 = arith.mulf %mul3A_272, %select_n3A_216 : vector<16xf32>
        %mul3A_274 = arith.mulf %select_n3A_209, %sub3A_225 : vector<16xf32>
        %mul3A_275 = arith.mulf %sub3A_219, %sub3A_225 : vector<16xf32>
        %mul3A_276 = arith.mulf %sub3A_219, %select_n3A_209 : vector<16xf32>
        %mul3A_277 = arith.mulf %sub3A_219, %mul3A_274 : vector<16xf32>
        %mul3A_278 = arith.constant -1.000000e+00 : f32
        %mul3A_279 = vector.broadcast %mul3A_278 : f32 to vector<16xf32>
        %mul3A_280 = arith.mulf %mul3A_279, %mul3A_274 : vector<16xf32>
        %mul3A_281 = arith.mulf %mul3A_280, %select_n3A_216 : vector<16xf32>
        %mul3A_282 = arith.constant 1.000000e+00 : f32
        %mul3A_283 = vector.broadcast %mul3A_282 : f32 to vector<16xf32>
        %mul3A_284 = arith.mulf %mul3A_283, %mul3A_275 : vector<16xf32>
        %mul3A_285 = arith.mulf %mul3A_284, %select_n3A_216 : vector<16xf32>
        %mul3A_286 = arith.constant -1.000000e+00 : f32
        %mul3A_287 = vector.broadcast %mul3A_286 : f32 to vector<16xf32>
        %mul3A_288 = arith.mulf %mul3A_287, %mul3A_276 : vector<16xf32>
        %mul3A_289 = arith.mulf %mul3A_288, %select_n3A_216 : vector<16xf32>
        %mul3A_290 = arith.mulf %select_n3A_209, %select_n3A_212 : vector<16xf32>
        %mul3A_291 = arith.mulf %sub3A_219, %select_n3A_212 : vector<16xf32>
        %mul3A_292 = arith.mulf %sub3A_219, %select_n3A_209 : vector<16xf32>
        %mul3A_293 = arith.mulf %sub3A_219, %mul3A_290 : vector<16xf32>
        %mul3A_294 = arith.constant -1.000000e+00 : f32
        %mul3A_295 = vector.broadcast %mul3A_294 : f32 to vector<16xf32>
        %mul3A_296 = arith.mulf %mul3A_295, %mul3A_290 : vector<16xf32>
        %mul3A_297 = arith.mulf %mul3A_296, %select_n3A_216 : vector<16xf32>
        %mul3A_298 = arith.constant 1.000000e+00 : f32
        %mul3A_299 = vector.broadcast %mul3A_298 : f32 to vector<16xf32>
        %mul3A_300 = arith.mulf %mul3A_299, %mul3A_291 : vector<16xf32>
        %mul3A_301 = arith.mulf %mul3A_300, %select_n3A_216 : vector<16xf32>
        %mul3A_302 = arith.constant 1.000000e+00 : f32
        %mul3A_303 = vector.broadcast %mul3A_302 : f32 to vector<16xf32>
        %mul3A_304 = arith.mulf %mul3A_303, %mul3A_292 : vector<16xf32>
        %mul3A_305 = arith.mulf %mul3A_304, %select_n3A_216 : vector<16xf32>
        %mul3A_306 = arith.mulf %sub3A_222, %sub3A_225 : vector<16xf32>
        %mul3A_307 = arith.mulf %select_n3A, %sub3A_225 : vector<16xf32>
        %mul3A_308 = arith.mulf %select_n3A, %sub3A_222 : vector<16xf32>
        %mul3A_309 = arith.mulf %select_n3A, %mul3A_306 : vector<16xf32>
        %mul3A_310 = arith.constant 1.000000e+00 : f32
        %mul3A_311 = vector.broadcast %mul3A_310 : f32 to vector<16xf32>
        %mul3A_312 = arith.mulf %mul3A_311, %mul3A_306 : vector<16xf32>
        %mul3A_313 = arith.mulf %mul3A_312, %select_n3A_216 : vector<16xf32>
        %mul3A_314 = arith.constant -1.000000e+00 : f32
        %mul3A_315 = vector.broadcast %mul3A_314 : f32 to vector<16xf32>
        %mul3A_316 = arith.mulf %mul3A_315, %mul3A_307 : vector<16xf32>
        %mul3A_317 = arith.mulf %mul3A_316, %select_n3A_216 : vector<16xf32>
        %mul3A_318 = arith.constant -1.000000e+00 : f32
        %mul3A_319 = vector.broadcast %mul3A_318 : f32 to vector<16xf32>
        %mul3A_320 = arith.mulf %mul3A_319, %mul3A_308 : vector<16xf32>
        %mul3A_321 = arith.mulf %mul3A_320, %select_n3A_216 : vector<16xf32>
        %mul3A_322 = arith.mulf %sub3A_222, %select_n3A_212 : vector<16xf32>
        %mul3A_323 = arith.mulf %select_n3A, %select_n3A_212 : vector<16xf32>
        %mul3A_324 = arith.mulf %select_n3A, %sub3A_222 : vector<16xf32>
        %mul3A_325 = arith.mulf %select_n3A, %mul3A_322 : vector<16xf32>
        %mul3A_326 = arith.constant 1.000000e+00 : f32
        %mul3A_327 = vector.broadcast %mul3A_326 : f32 to vector<16xf32>
        %mul3A_328 = arith.mulf %mul3A_327, %mul3A_322 : vector<16xf32>
        %mul3A_329 = arith.mulf %mul3A_328, %select_n3A_216 : vector<16xf32>
        %mul3A_330 = arith.constant -1.000000e+00 : f32
        %mul3A_331 = vector.broadcast %mul3A_330 : f32 to vector<16xf32>
        %mul3A_332 = arith.mulf %mul3A_331, %mul3A_323 : vector<16xf32>
        %mul3A_333 = arith.mulf %mul3A_332, %select_n3A_216 : vector<16xf32>
        %mul3A_334 = arith.constant 1.000000e+00 : f32
        %mul3A_335 = vector.broadcast %mul3A_334 : f32 to vector<16xf32>
        %mul3A_336 = arith.mulf %mul3A_335, %mul3A_324 : vector<16xf32>
        %mul3A_337 = arith.mulf %mul3A_336, %select_n3A_216 : vector<16xf32>
        %mul3A_338 = arith.mulf %select_n3A_209, %sub3A_225 : vector<16xf32>
        %mul3A_339 = arith.mulf %select_n3A, %sub3A_225 : vector<16xf32>
        %mul3A_340 = arith.mulf %select_n3A, %select_n3A_209 : vector<16xf32>
        %mul3A_341 = arith.mulf %select_n3A, %mul3A_338 : vector<16xf32>
        %mul3A_342 = arith.constant 1.000000e+00 : f32
        %mul3A_343 = vector.broadcast %mul3A_342 : f32 to vector<16xf32>
        %mul3A_344 = arith.mulf %mul3A_343, %mul3A_338 : vector<16xf32>
        %mul3A_345 = arith.mulf %mul3A_344, %select_n3A_216 : vector<16xf32>
        %mul3A_346 = arith.constant 1.000000e+00 : f32
        %mul3A_347 = vector.broadcast %mul3A_346 : f32 to vector<16xf32>
        %mul3A_348 = arith.mulf %mul3A_347, %mul3A_339 : vector<16xf32>
        %mul3A_349 = arith.mulf %mul3A_348, %select_n3A_216 : vector<16xf32>
        %mul3A_350 = arith.constant -1.000000e+00 : f32
        %mul3A_351 = vector.broadcast %mul3A_350 : f32 to vector<16xf32>
        %mul3A_352 = arith.mulf %mul3A_351, %mul3A_340 : vector<16xf32>
        %mul3A_353 = arith.mulf %mul3A_352, %select_n3A_216 : vector<16xf32>
        %mul3A_354 = arith.mulf %select_n3A_209, %select_n3A_212 : vector<16xf32>
        %mul3A_355 = arith.mulf %select_n3A, %select_n3A_212 : vector<16xf32>
        %mul3A_356 = arith.mulf %select_n3A, %select_n3A_209 : vector<16xf32>
        %mul3A_357 = arith.mulf %select_n3A, %mul3A_354 : vector<16xf32>
        %mul3A_358 = arith.constant 1.000000e+00 : f32
        %mul3A_359 = vector.broadcast %mul3A_358 : f32 to vector<16xf32>
        %mul3A_360 = arith.mulf %mul3A_359, %mul3A_354 : vector<16xf32>
        %mul3A_361 = arith.mulf %mul3A_360, %select_n3A_216 : vector<16xf32>
        %mul3A_362 = arith.constant 1.000000e+00 : f32
        %mul3A_363 = vector.broadcast %mul3A_362 : f32 to vector<16xf32>
        %mul3A_364 = arith.mulf %mul3A_363, %mul3A_355 : vector<16xf32>
        %mul3A_365 = arith.mulf %mul3A_364, %select_n3A_216 : vector<16xf32>
        %mul3A_366 = arith.constant 1.000000e+00 : f32
        %mul3A_367 = vector.broadcast %mul3A_366 : f32 to vector<16xf32>
        %mul3A_368 = arith.mulf %mul3A_367, %mul3A_356 : vector<16xf32>
        %mul3A_369 = arith.mulf %mul3A_368, %select_n3A_216 : vector<16xf32>
        %add3A_370 = arith.constant 0 : i32
        %add3A_371 = vector.broadcast %add3A_370 : i32 to vector<16xi32>
        %add3A_372 = arith.addi %iota3A, %add3A_371 : vector<16xi32>
        %and3A = arith.constant 15 : i32
        %and3A_373 = vector.broadcast %and3A : i32 to vector<16xi32>
        %and3A_374 = arith.andi %add3A_372, %and3A_373 : vector<16xi32>
        %broadcast_in_dim3A_375 = arith.constant 0.000000e+00 : f32
        %broadcast_in_dim3A_376 = vector.broadcast %broadcast_in_dim3A_375 : f32 to vector<16xf32>
        %broadcast_in_dim3A_377 = arith.constant 0.000000e+00 : f32
        %broadcast_in_dim3A_378 = vector.broadcast %broadcast_in_dim3A_377 : f32 to vector<16xf32>
        %broadcast_in_dim3A_379 = arith.constant 0.000000e+00 : f32
        %broadcast_in_dim3A_380 = vector.broadcast %broadcast_in_dim3A_379 : f32 to vector<16xf32>
        %broadcast_in_dim3A_381 = arith.constant 0.000000e+00 : f32
        %broadcast_in_dim3A_382 = vector.broadcast %broadcast_in_dim3A_381 : f32 to vector<16xf32>
        %add3A_383 = arith.constant 0 : i32
        %add3A_384 = vector.broadcast %add3A_383 : i32 to vector<16xi32>
        %add3A_385 = arith.addi %and3A_374, %add3A_384 : vector<16xi32>
        %gather3A_386 = tpu.vector_load_idx %arg9[%select_n3A_241, %add3A_385] : memref<320x128xf32, #tpu.memory_space<vmem>>[vector<16xi32>, vector<16xi32>], vector<16xf32>,
        %mul3A_387 = arith.mulf %mul3A_245, %gather3A_386 : vector<16xf32>
        %add3A_388 = arith.addf %broadcast_in_dim3A_376, %mul3A_387 : vector<16xf32>
        %mul3A_389 = arith.mulf %mul3A_249, %gather3A_386 : vector<16xf32>
        %add3A_390 = arith.addf %broadcast_in_dim3A_378, %mul3A_389 : vector<16xf32>
        %mul3A_391 = arith.mulf %mul3A_253, %gather3A_386 : vector<16xf32>
        %add3A_392 = arith.addf %broadcast_in_dim3A_380, %mul3A_391 : vector<16xf32>
        %mul3A_393 = arith.mulf %mul3A_257, %gather3A_386 : vector<16xf32>
        %add3A_394 = arith.addf %broadcast_in_dim3A_382, %mul3A_393 : vector<16xf32>
        %add3A_395 = arith.constant 16 : i32
        %add3A_396 = vector.broadcast %add3A_395 : i32 to vector<16xi32>
        %add3A_397 = arith.addi %and3A_374, %add3A_396 : vector<16xi32>
        %gather3A_398 = tpu.vector_load_idx %arg9[%select_n3A_241, %add3A_397] : memref<320x128xf32, #tpu.memory_space<vmem>>[vector<16xi32>, vector<16xi32>], vector<16xf32>,
        %mul3A_399 = arith.mulf %mul3A_261, %gather3A_398 : vector<16xf32>
        %add3A_400 = arith.addf %add3A_388, %mul3A_399 : vector<16xf32>
        %mul3A_401 = arith.mulf %mul3A_265, %gather3A_398 : vector<16xf32>
        %add3A_402 = arith.addf %add3A_390, %mul3A_401 : vector<16xf32>
        %mul3A_403 = arith.mulf %mul3A_269, %gather3A_398 : vector<16xf32>
        %add3A_404 = arith.addf %add3A_392, %mul3A_403 : vector<16xf32>
        %mul3A_405 = arith.mulf %mul3A_273, %gather3A_398 : vector<16xf32>
        %add3A_406 = arith.addf %add3A_394, %mul3A_405 : vector<16xf32>
        %add3A_407 = arith.constant 32 : i32
        %add3A_408 = vector.broadcast %add3A_407 : i32 to vector<16xi32>
        %add3A_409 = arith.addi %and3A_374, %add3A_408 : vector<16xi32>
        %gather3A_410 = tpu.vector_load_idx %arg9[%select_n3A_241, %add3A_409] : memref<320x128xf32, #tpu.memory_space<vmem>>[vector<16xi32>, vector<16xi32>], vector<16xf32>,
        %mul3A_411 = arith.mulf %mul3A_277, %gather3A_410 : vector<16xf32>
        %add3A_412 = arith.addf %add3A_400, %mul3A_411 : vector<16xf32>
        %mul3A_413 = arith.mulf %mul3A_281, %gather3A_410 : vector<16xf32>
        %add3A_414 = arith.addf %add3A_402, %mul3A_413 : vector<16xf32>
        %mul3A_415 = arith.mulf %mul3A_285, %gather3A_410 : vector<16xf32>
        %add3A_416 = arith.addf %add3A_404, %mul3A_415 : vector<16xf32>
        %mul3A_417 = arith.mulf %mul3A_289, %gather3A_410 : vector<16xf32>
        %add3A_418 = arith.addf %add3A_406, %mul3A_417 : vector<16xf32>
        %add3A_419 = arith.constant 48 : i32
        %add3A_420 = vector.broadcast %add3A_419 : i32 to vector<16xi32>
        %add3A_421 = arith.addi %and3A_374, %add3A_420 : vector<16xi32>
        %gather3A_422 = tpu.vector_load_idx %arg9[%select_n3A_241, %add3A_421] : memref<320x128xf32, #tpu.memory_space<vmem>>[vector<16xi32>, vector<16xi32>], vector<16xf32>,
        %mul3A_423 = arith.mulf %mul3A_293, %gather3A_422 : vector<16xf32>
        %add3A_424 = arith.addf %add3A_412, %mul3A_423 : vector<16xf32>
        %mul3A_425 = arith.mulf %mul3A_297, %gather3A_422 : vector<16xf32>
        %add3A_426 = arith.addf %add3A_414, %mul3A_425 : vector<16xf32>
        %mul3A_427 = arith.mulf %mul3A_301, %gather3A_422 : vector<16xf32>
        %add3A_428 = arith.addf %add3A_416, %mul3A_427 : vector<16xf32>
        %mul3A_429 = arith.mulf %mul3A_305, %gather3A_422 : vector<16xf32>
        %add3A_430 = arith.addf %add3A_418, %mul3A_429 : vector<16xf32>
        %add3A_431 = arith.constant 64 : i32
        %add3A_432 = vector.broadcast %add3A_431 : i32 to vector<16xi32>
        %add3A_433 = arith.addi %and3A_374, %add3A_432 : vector<16xi32>
        %gather3A_434 = tpu.vector_load_idx %arg9[%select_n3A_241, %add3A_433] : memref<320x128xf32, #tpu.memory_space<vmem>>[vector<16xi32>, vector<16xi32>], vector<16xf32>,
        %mul3A_435 = arith.mulf %mul3A_309, %gather3A_434 : vector<16xf32>
        %add3A_436 = arith.addf %add3A_424, %mul3A_435 : vector<16xf32>
        %mul3A_437 = arith.mulf %mul3A_313, %gather3A_434 : vector<16xf32>
        %add3A_438 = arith.addf %add3A_426, %mul3A_437 : vector<16xf32>
        %mul3A_439 = arith.mulf %mul3A_317, %gather3A_434 : vector<16xf32>
        %add3A_440 = arith.addf %add3A_428, %mul3A_439 : vector<16xf32>
        %mul3A_441 = arith.mulf %mul3A_321, %gather3A_434 : vector<16xf32>
        %add3A_442 = arith.addf %add3A_430, %mul3A_441 : vector<16xf32>
        %add3A_443 = arith.constant 80 : i32
        %add3A_444 = vector.broadcast %add3A_443 : i32 to vector<16xi32>
        %add3A_445 = arith.addi %and3A_374, %add3A_444 : vector<16xi32>
        %gather3A_446 = tpu.vector_load_idx %arg9[%select_n3A_241, %add3A_445] : memref<320x128xf32, #tpu.memory_space<vmem>>[vector<16xi32>, vector<16xi32>], vector<16xf32>,
        %mul3A_447 = arith.mulf %mul3A_325, %gather3A_446 : vector<16xf32>
        %add3A_448 = arith.addf %add3A_436, %mul3A_447 : vector<16xf32>
        %mul3A_449 = arith.mulf %mul3A_329, %gather3A_446 : vector<16xf32>
        %add3A_450 = arith.addf %add3A_438, %mul3A_449 : vector<16xf32>
        %mul3A_451 = arith.mulf %mul3A_333, %gather3A_446 : vector<16xf32>
        %add3A_452 = arith.addf %add3A_440, %mul3A_451 : vector<16xf32>
        %mul3A_453 = arith.mulf %mul3A_337, %gather3A_446 : vector<16xf32>
        %add3A_454 = arith.addf %add3A_442, %mul3A_453 : vector<16xf32>
        %add3A_455 = arith.constant 96 : i32
        %add3A_456 = vector.broadcast %add3A_455 : i32 to vector<16xi32>
        %add3A_457 = arith.addi %and3A_374, %add3A_456 : vector<16xi32>
        %gather3A_458 = tpu.vector_load_idx %arg9[%select_n3A_241, %add3A_457] : memref<320x128xf32, #tpu.memory_space<vmem>>[vector<16xi32>, vector<16xi32>], vector<16xf32>,
        %mul3A_459 = arith.mulf %mul3A_341, %gather3A_458 : vector<16xf32>
        %add3A_460 = arith.addf %add3A_448, %mul3A_459 : vector<16xf32>
        %mul3A_461 = arith.mulf %mul3A_345, %gather3A_458 : vector<16xf32>
        %add3A_462 = arith.addf %add3A_450, %mul3A_461 : vector<16xf32>
        %mul3A_463 = arith.mulf %mul3A_349, %gather3A_458 : vector<16xf32>
        %add3A_464 = arith.addf %add3A_452, %mul3A_463 : vector<16xf32>
        %mul3A_465 = arith.mulf %mul3A_353, %gather3A_458 : vector<16xf32>
        %add3A_466 = arith.addf %add3A_454, %mul3A_465 : vector<16xf32>
        %add3A_467 = arith.constant 112 : i32
        %add3A_468 = vector.broadcast %add3A_467 : i32 to vector<16xi32>
        %add3A_469 = arith.addi %and3A_374, %add3A_468 : vector<16xi32>
        %gather3A_470 = tpu.vector_load_idx %arg9[%select_n3A_241, %add3A_469] : memref<320x128xf32, #tpu.memory_space<vmem>>[vector<16xi32>, vector<16xi32>], vector<16xf32>,
        %mul3A_471 = arith.mulf %mul3A_357, %gather3A_470 : vector<16xf32>
        %add3A_472 = arith.addf %add3A_460, %mul3A_471 : vector<16xf32>
        %mul3A_473 = arith.mulf %mul3A_361, %gather3A_470 : vector<16xf32>
        %add3A_474 = arith.addf %add3A_462, %mul3A_473 : vector<16xf32>
        %mul3A_475 = arith.mulf %mul3A_365, %gather3A_470 : vector<16xf32>
        %add3A_476 = arith.addf %add3A_464, %mul3A_475 : vector<16xf32>
        %mul3A_477 = arith.mulf %mul3A_369, %gather3A_470 : vector<16xf32>
        %add3A_478 = arith.addf %add3A_466, %mul3A_477 : vector<16xf32>
        tpu.vector_store_idx %arg10[%add3A_229, %and3A_374], %add3A_472 : memref<256x64xf32, #tpu.memory_space<vmem>>[vector<16xi32>, vector<16xi32>], vector<16xf32>,
        %add3A_479 = arith.constant 16 : i32
        %add3A_480 = vector.broadcast %add3A_479 : i32 to vector<16xi32>
        %add3A_481 = arith.addi %and3A_374, %add3A_480 : vector<16xi32>
        tpu.vector_store_idx %arg10[%add3A_229, %add3A_481], %add3A_474 : memref<256x64xf32, #tpu.memory_space<vmem>>[vector<16xi32>, vector<16xi32>], vector<16xf32>,
        %add3A_482 = arith.constant 32 : i32
        %add3A_483 = vector.broadcast %add3A_482 : i32 to vector<16xi32>
        %add3A_484 = arith.addi %and3A_374, %add3A_483 : vector<16xi32>
        tpu.vector_store_idx %arg10[%add3A_229, %add3A_484], %add3A_476 : memref<256x64xf32, #tpu.memory_space<vmem>>[vector<16xi32>, vector<16xi32>], vector<16xf32>,
        %add3A_485 = arith.constant 48 : i32
        %add3A_486 = vector.broadcast %add3A_485 : i32 to vector<16xi32>
        %add3A_487 = arith.addi %and3A_374, %add3A_486 : vector<16xi32>
        tpu.vector_store_idx %arg10[%add3A_229, %add3A_487], %add3A_478 : memref<256x64xf32, #tpu.memory_space<vmem>>[vector<16xi32>, vector<16xi32>], vector<16xf32>,
        %add3A_488 = arith.constant 1 : i32
        %add3A_489 = vector.broadcast %add3A_488 : i32 to vector<16xi32>
        %add3A_490 = arith.addi %iota3A, %add3A_489 : vector<16xi32>
        %and3A_491 = arith.constant 15 : i32
        %and3A_492 = vector.broadcast %and3A_491 : i32 to vector<16xi32>
        %and3A_493 = arith.andi %add3A_490, %and3A_492 : vector<16xi32>
        %broadcast_in_dim3A_494 = arith.constant 0.000000e+00 : f32
        %broadcast_in_dim3A_495 = vector.broadcast %broadcast_in_dim3A_494 : f32 to vector<16xf32>
        %broadcast_in_dim3A_496 = arith.constant 0.000000e+00 : f32
        %broadcast_in_dim3A_497 = vector.broadcast %broadcast_in_dim3A_496 : f32 to vector<16xf32>
        %broadcast_in_dim3A_498 = arith.constant 0.000000e+00 : f32
        %broadcast_in_dim3A_499 = vector.broadcast %broadcast_in_dim3A_498 : f32 to vector<16xf32>
        %broadcast_in_dim3A_500 = arith.constant 0.000000e+00 : f32
        %broadcast_in_dim3A_501 = vector.broadcast %broadcast_in_dim3A_500 : f32 to vector<16xf32>
        %add3A_502 = arith.constant 0 : i32
        %add3A_503 = vector.broadcast %add3A_502 : i32 to vector<16xi32>
        %add3A_504 = arith.addi %and3A_493, %add3A_503 : vector<16xi32>
        %gather3A_505 = tpu.vector_load_idx %arg9[%select_n3A_241, %add3A_504] : memref<320x128xf32, #tpu.memory_space<vmem>>[vector<16xi32>, vector<16xi32>], vector<16xf32>,
        %mul3A_506 = arith.mulf %mul3A_245, %gather3A_505 : vector<16xf32>
        %add3A_507 = arith.addf %broadcast_in_dim3A_495, %mul3A_506 : vector<16xf32>
        %mul3A_508 = arith.mulf %mul3A_249, %gather3A_505 : vector<16xf32>
        %add3A_509 = arith.addf %broadcast_in_dim3A_497, %mul3A_508 : vector<16xf32>
        %mul3A_510 = arith.mulf %mul3A_253, %gather3A_505 : vector<16xf32>
        %add3A_511 = arith.addf %broadcast_in_dim3A_499, %mul3A_510 : vector<16xf32>
        %mul3A_512 = arith.mulf %mul3A_257, %gather3A_505 : vector<16xf32>
        %add3A_513 = arith.addf %broadcast_in_dim3A_501, %mul3A_512 : vector<16xf32>
        %add3A_514 = arith.constant 16 : i32
        %add3A_515 = vector.broadcast %add3A_514 : i32 to vector<16xi32>
        %add3A_516 = arith.addi %and3A_493, %add3A_515 : vector<16xi32>
        %gather3A_517 = tpu.vector_load_idx %arg9[%select_n3A_241, %add3A_516] : memref<320x128xf32, #tpu.memory_space<vmem>>[vector<16xi32>, vector<16xi32>], vector<16xf32>,
        %mul3A_518 = arith.mulf %mul3A_261, %gather3A_517 : vector<16xf32>
        %add3A_519 = arith.addf %add3A_507, %mul3A_518 : vector<16xf32>
        %mul3A_520 = arith.mulf %mul3A_265, %gather3A_517 : vector<16xf32>
        %add3A_521 = arith.addf %add3A_509, %mul3A_520 : vector<16xf32>
        %mul3A_522 = arith.mulf %mul3A_269, %gather3A_517 : vector<16xf32>
        %add3A_523 = arith.addf %add3A_511, %mul3A_522 : vector<16xf32>
        %mul3A_524 = arith.mulf %mul3A_273, %gather3A_517 : vector<16xf32>
        %add3A_525 = arith.addf %add3A_513, %mul3A_524 : vector<16xf32>
        %add3A_526 = arith.constant 32 : i32
        %add3A_527 = vector.broadcast %add3A_526 : i32 to vector<16xi32>
        %add3A_528 = arith.addi %and3A_493, %add3A_527 : vector<16xi32>
        %gather3A_529 = tpu.vector_load_idx %arg9[%select_n3A_241, %add3A_528] : memref<320x128xf32, #tpu.memory_space<vmem>>[vector<16xi32>, vector<16xi32>], vector<16xf32>,
        %mul3A_530 = arith.mulf %mul3A_277, %gather3A_529 : vector<16xf32>
        %add3A_531 = arith.addf %add3A_519, %mul3A_530 : vector<16xf32>
        %mul3A_532 = arith.mulf %mul3A_281, %gather3A_529 : vector<16xf32>
        %add3A_533 = arith.addf %add3A_521, %mul3A_532 : vector<16xf32>
        %mul3A_534 = arith.mulf %mul3A_285, %gather3A_529 : vector<16xf32>
        %add3A_535 = arith.addf %add3A_523, %mul3A_534 : vector<16xf32>
        %mul3A_536 = arith.mulf %mul3A_289, %gather3A_529 : vector<16xf32>
        %add3A_537 = arith.addf %add3A_525, %mul3A_536 : vector<16xf32>
        %add3A_538 = arith.constant 48 : i32
        %add3A_539 = vector.broadcast %add3A_538 : i32 to vector<16xi32>
        %add3A_540 = arith.addi %and3A_493, %add3A_539 : vector<16xi32>
        %gather3A_541 = tpu.vector_load_idx %arg9[%select_n3A_241, %add3A_540] : memref<320x128xf32, #tpu.memory_space<vmem>>[vector<16xi32>, vector<16xi32>], vector<16xf32>,
        %mul3A_542 = arith.mulf %mul3A_293, %gather3A_541 : vector<16xf32>
        %add3A_543 = arith.addf %add3A_531, %mul3A_542 : vector<16xf32>
        %mul3A_544 = arith.mulf %mul3A_297, %gather3A_541 : vector<16xf32>
        %add3A_545 = arith.addf %add3A_533, %mul3A_544 : vector<16xf32>
        %mul3A_546 = arith.mulf %mul3A_301, %gather3A_541 : vector<16xf32>
        %add3A_547 = arith.addf %add3A_535, %mul3A_546 : vector<16xf32>
        %mul3A_548 = arith.mulf %mul3A_305, %gather3A_541 : vector<16xf32>
        %add3A_549 = arith.addf %add3A_537, %mul3A_548 : vector<16xf32>
        %add3A_550 = arith.constant 64 : i32
        %add3A_551 = vector.broadcast %add3A_550 : i32 to vector<16xi32>
        %add3A_552 = arith.addi %and3A_493, %add3A_551 : vector<16xi32>
        %gather3A_553 = tpu.vector_load_idx %arg9[%select_n3A_241, %add3A_552] : memref<320x128xf32, #tpu.memory_space<vmem>>[vector<16xi32>, vector<16xi32>], vector<16xf32>,
        %mul3A_554 = arith.mulf %mul3A_309, %gather3A_553 : vector<16xf32>
        %add3A_555 = arith.addf %add3A_543, %mul3A_554 : vector<16xf32>
        %mul3A_556 = arith.mulf %mul3A_313, %gather3A_553 : vector<16xf32>
        %add3A_557 = arith.addf %add3A_545, %mul3A_556 : vector<16xf32>
        %mul3A_558 = arith.mulf %mul3A_317, %gather3A_553 : vector<16xf32>
        %add3A_559 = arith.addf %add3A_547, %mul3A_558 : vector<16xf32>
        %mul3A_560 = arith.mulf %mul3A_321, %gather3A_553 : vector<16xf32>
        %add3A_561 = arith.addf %add3A_549, %mul3A_560 : vector<16xf32>
        %add3A_562 = arith.constant 80 : i32
        %add3A_563 = vector.broadcast %add3A_562 : i32 to vector<16xi32>
        %add3A_564 = arith.addi %and3A_493, %add3A_563 : vector<16xi32>
        %gather3A_565 = tpu.vector_load_idx %arg9[%select_n3A_241, %add3A_564] : memref<320x128xf32, #tpu.memory_space<vmem>>[vector<16xi32>, vector<16xi32>], vector<16xf32>,
        %mul3A_566 = arith.mulf %mul3A_325, %gather3A_565 : vector<16xf32>
        %add3A_567 = arith.addf %add3A_555, %mul3A_566 : vector<16xf32>
        %mul3A_568 = arith.mulf %mul3A_329, %gather3A_565 : vector<16xf32>
        %add3A_569 = arith.addf %add3A_557, %mul3A_568 : vector<16xf32>
        %mul3A_570 = arith.mulf %mul3A_333, %gather3A_565 : vector<16xf32>
        %add3A_571 = arith.addf %add3A_559, %mul3A_570 : vector<16xf32>
        %mul3A_572 = arith.mulf %mul3A_337, %gather3A_565 : vector<16xf32>
        %add3A_573 = arith.addf %add3A_561, %mul3A_572 : vector<16xf32>
        %add3A_574 = arith.constant 96 : i32
        %add3A_575 = vector.broadcast %add3A_574 : i32 to vector<16xi32>
        %add3A_576 = arith.addi %and3A_493, %add3A_575 : vector<16xi32>
        %gather3A_577 = tpu.vector_load_idx %arg9[%select_n3A_241, %add3A_576] : memref<320x128xf32, #tpu.memory_space<vmem>>[vector<16xi32>, vector<16xi32>], vector<16xf32>,
        %mul3A_578 = arith.mulf %mul3A_341, %gather3A_577 : vector<16xf32>
        %add3A_579 = arith.addf %add3A_567, %mul3A_578 : vector<16xf32>
        %mul3A_580 = arith.mulf %mul3A_345, %gather3A_577 : vector<16xf32>
        %add3A_581 = arith.addf %add3A_569, %mul3A_580 : vector<16xf32>
        %mul3A_582 = arith.mulf %mul3A_349, %gather3A_577 : vector<16xf32>
        %add3A_583 = arith.addf %add3A_571, %mul3A_582 : vector<16xf32>
        %mul3A_584 = arith.mulf %mul3A_353, %gather3A_577 : vector<16xf32>
        %add3A_585 = arith.addf %add3A_573, %mul3A_584 : vector<16xf32>
        %add3A_586 = arith.constant 112 : i32
        %add3A_587 = vector.broadcast %add3A_586 : i32 to vector<16xi32>
        %add3A_588 = arith.addi %and3A_493, %add3A_587 : vector<16xi32>
        %gather3A_589 = tpu.vector_load_idx %arg9[%select_n3A_241, %add3A_588] : memref<320x128xf32, #tpu.memory_space<vmem>>[vector<16xi32>, vector<16xi32>], vector<16xf32>,
        %mul3A_590 = arith.mulf %mul3A_357, %gather3A_589 : vector<16xf32>
        %add3A_591 = arith.addf %add3A_579, %mul3A_590 : vector<16xf32>
        %mul3A_592 = arith.mulf %mul3A_361, %gather3A_589 : vector<16xf32>
        %add3A_593 = arith.addf %add3A_581, %mul3A_592 : vector<16xf32>
        %mul3A_594 = arith.mulf %mul3A_365, %gather3A_589 : vector<16xf32>
        %add3A_595 = arith.addf %add3A_583, %mul3A_594 : vector<16xf32>
        %mul3A_596 = arith.mulf %mul3A_369, %gather3A_589 : vector<16xf32>
        %add3A_597 = arith.addf %add3A_585, %mul3A_596 : vector<16xf32>
        tpu.vector_store_idx %arg10[%add3A_229, %and3A_493], %add3A_591 : memref<256x64xf32, #tpu.memory_space<vmem>>[vector<16xi32>, vector<16xi32>], vector<16xf32>,
        %add3A_598 = arith.constant 16 : i32
        %add3A_599 = vector.broadcast %add3A_598 : i32 to vector<16xi32>
        %add3A_600 = arith.addi %and3A_493, %add3A_599 : vector<16xi32>
        tpu.vector_store_idx %arg10[%add3A_229, %add3A_600], %add3A_593 : memref<256x64xf32, #tpu.memory_space<vmem>>[vector<16xi32>, vector<16xi32>], vector<16xf32>,
        %add3A_601 = arith.constant 32 : i32
        %add3A_602 = vector.broadcast %add3A_601 : i32 to vector<16xi32>
        %add3A_603 = arith.addi %and3A_493, %add3A_602 : vector<16xi32>
        tpu.vector_store_idx %arg10[%add3A_229, %add3A_603], %add3A_595 : memref<256x64xf32, #tpu.memory_space<vmem>>[vector<16xi32>, vector<16xi32>], vector<16xf32>,
        %add3A_604 = arith.constant 48 : i32
        %add3A_605 = vector.broadcast %add3A_604 : i32 to vector<16xi32>
        %add3A_606 = arith.addi %and3A_493, %add3A_605 : vector<16xi32>
        tpu.vector_store_idx %arg10[%add3A_229, %add3A_606], %add3A_597 : memref<256x64xf32, #tpu.memory_space<vmem>>[vector<16xi32>, vector<16xi32>], vector<16xf32>,
        %add3A_607 = arith.constant 2 : i32
        %add3A_608 = vector.broadcast %add3A_607 : i32 to vector<16xi32>
        %add3A_609 = arith.addi %iota3A, %add3A_608 : vector<16xi32>
        %and3A_610 = arith.constant 15 : i32
        %and3A_611 = vector.broadcast %and3A_610 : i32 to vector<16xi32>
        %and3A_612 = arith.andi %add3A_609, %and3A_611 : vector<16xi32>
        %broadcast_in_dim3A_613 = arith.constant 0.000000e+00 : f32
        %broadcast_in_dim3A_614 = vector.broadcast %broadcast_in_dim3A_613 : f32 to vector<16xf32>
        %broadcast_in_dim3A_615 = arith.constant 0.000000e+00 : f32
        %broadcast_in_dim3A_616 = vector.broadcast %broadcast_in_dim3A_615 : f32 to vector<16xf32>
        %broadcast_in_dim3A_617 = arith.constant 0.000000e+00 : f32
        %broadcast_in_dim3A_618 = vector.broadcast %broadcast_in_dim3A_617 : f32 to vector<16xf32>
        %broadcast_in_dim3A_619 = arith.constant 0.000000e+00 : f32
        %broadcast_in_dim3A_620 = vector.broadcast %broadcast_in_dim3A_619 : f32 to vector<16xf32>
        %add3A_621 = arith.constant 0 : i32
        %add3A_622 = vector.broadcast %add3A_621 : i32 to vector<16xi32>
        %add3A_623 = arith.addi %and3A_612, %add3A_622 : vector<16xi32>
        %gather3A_624 = tpu.vector_load_idx %arg9[%select_n3A_241, %add3A_623] : memref<320x128xf32, #tpu.memory_space<vmem>>[vector<16xi32>, vector<16xi32>], vector<16xf32>,
        %mul3A_625 = arith.mulf %mul3A_245, %gather3A_624 : vector<16xf32>
        %add3A_626 = arith.addf %broadcast_in_dim3A_614, %mul3A_625 : vector<16xf32>
        %mul3A_627 = arith.mulf %mul3A_249, %gather3A_624 : vector<16xf32>
        %add3A_628 = arith.addf %broadcast_in_dim3A_616, %mul3A_627 : vector<16xf32>
        %mul3A_629 = arith.mulf %mul3A_253, %gather3A_624 : vector<16xf32>
        %add3A_630 = arith.addf %broadcast_in_dim3A_618, %mul3A_629 : vector<16xf32>
        %mul3A_631 = arith.mulf %mul3A_257, %gather3A_624 : vector<16xf32>
        %add3A_632 = arith.addf %broadcast_in_dim3A_620, %mul3A_631 : vector<16xf32>
        %add3A_633 = arith.constant 16 : i32
        %add3A_634 = vector.broadcast %add3A_633 : i32 to vector<16xi32>
        %add3A_635 = arith.addi %and3A_612, %add3A_634 : vector<16xi32>
        %gather3A_636 = tpu.vector_load_idx %arg9[%select_n3A_241, %add3A_635] : memref<320x128xf32, #tpu.memory_space<vmem>>[vector<16xi32>, vector<16xi32>], vector<16xf32>,
        %mul3A_637 = arith.mulf %mul3A_261, %gather3A_636 : vector<16xf32>
        %add3A_638 = arith.addf %add3A_626, %mul3A_637 : vector<16xf32>
        %mul3A_639 = arith.mulf %mul3A_265, %gather3A_636 : vector<16xf32>
        %add3A_640 = arith.addf %add3A_628, %mul3A_639 : vector<16xf32>
        %mul3A_641 = arith.mulf %mul3A_269, %gather3A_636 : vector<16xf32>
        %add3A_642 = arith.addf %add3A_630, %mul3A_641 : vector<16xf32>
        %mul3A_643 = arith.mulf %mul3A_273, %gather3A_636 : vector<16xf32>
        %add3A_644 = arith.addf %add3A_632, %mul3A_643 : vector<16xf32>
        %add3A_645 = arith.constant 32 : i32
        %add3A_646 = vector.broadcast %add3A_645 : i32 to vector<16xi32>
        %add3A_647 = arith.addi %and3A_612, %add3A_646 : vector<16xi32>
        %gather3A_648 = tpu.vector_load_idx %arg9[%select_n3A_241, %add3A_647] : memref<320x128xf32, #tpu.memory_space<vmem>>[vector<16xi32>, vector<16xi32>], vector<16xf32>,
        %mul3A_649 = arith.mulf %mul3A_277, %gather3A_648 : vector<16xf32>
        %add3A_650 = arith.addf %add3A_638, %mul3A_649 : vector<16xf32>
        %mul3A_651 = arith.mulf %mul3A_281, %gather3A_648 : vector<16xf32>
        %add3A_652 = arith.addf %add3A_640, %mul3A_651 : vector<16xf32>
        %mul3A_653 = arith.mulf %mul3A_285, %gather3A_648 : vector<16xf32>
        %add3A_654 = arith.addf %add3A_642, %mul3A_653 : vector<16xf32>
        %mul3A_655 = arith.mulf %mul3A_289, %gather3A_648 : vector<16xf32>
        %add3A_656 = arith.addf %add3A_644, %mul3A_655 : vector<16xf32>
        %add3A_657 = arith.constant 48 : i32
        %add3A_658 = vector.broadcast %add3A_657 : i32 to vector<16xi32>
        %add3A_659 = arith.addi %and3A_612, %add3A_658 : vector<16xi32>
        %gather3A_660 = tpu.vector_load_idx %arg9[%select_n3A_241, %add3A_659] : memref<320x128xf32, #tpu.memory_space<vmem>>[vector<16xi32>, vector<16xi32>], vector<16xf32>,
        %mul3A_661 = arith.mulf %mul3A_293, %gather3A_660 : vector<16xf32>
        %add3A_662 = arith.addf %add3A_650, %mul3A_661 : vector<16xf32>
        %mul3A_663 = arith.mulf %mul3A_297, %gather3A_660 : vector<16xf32>
        %add3A_664 = arith.addf %add3A_652, %mul3A_663 : vector<16xf32>
        %mul3A_665 = arith.mulf %mul3A_301, %gather3A_660 : vector<16xf32>
        %add3A_666 = arith.addf %add3A_654, %mul3A_665 : vector<16xf32>
        %mul3A_667 = arith.mulf %mul3A_305, %gather3A_660 : vector<16xf32>
        %add3A_668 = arith.addf %add3A_656, %mul3A_667 : vector<16xf32>
        %add3A_669 = arith.constant 64 : i32
        %add3A_670 = vector.broadcast %add3A_669 : i32 to vector<16xi32>
        %add3A_671 = arith.addi %and3A_612, %add3A_670 : vector<16xi32>
        %gather3A_672 = tpu.vector_load_idx %arg9[%select_n3A_241, %add3A_671] : memref<320x128xf32, #tpu.memory_space<vmem>>[vector<16xi32>, vector<16xi32>], vector<16xf32>,
        %mul3A_673 = arith.mulf %mul3A_309, %gather3A_672 : vector<16xf32>
        %add3A_674 = arith.addf %add3A_662, %mul3A_673 : vector<16xf32>
        %mul3A_675 = arith.mulf %mul3A_313, %gather3A_672 : vector<16xf32>
        %add3A_676 = arith.addf %add3A_664, %mul3A_675 : vector<16xf32>
        %mul3A_677 = arith.mulf %mul3A_317, %gather3A_672 : vector<16xf32>
        %add3A_678 = arith.addf %add3A_666, %mul3A_677 : vector<16xf32>
        %mul3A_679 = arith.mulf %mul3A_321, %gather3A_672 : vector<16xf32>
        %add3A_680 = arith.addf %add3A_668, %mul3A_679 : vector<16xf32>
        %add3A_681 = arith.constant 80 : i32
        %add3A_682 = vector.broadcast %add3A_681 : i32 to vector<16xi32>
        %add3A_683 = arith.addi %and3A_612, %add3A_682 : vector<16xi32>
        %gather3A_684 = tpu.vector_load_idx %arg9[%select_n3A_241, %add3A_683] : memref<320x128xf32, #tpu.memory_space<vmem>>[vector<16xi32>, vector<16xi32>], vector<16xf32>,
        %mul3A_685 = arith.mulf %mul3A_325, %gather3A_684 : vector<16xf32>
        %add3A_686 = arith.addf %add3A_674, %mul3A_685 : vector<16xf32>
        %mul3A_687 = arith.mulf %mul3A_329, %gather3A_684 : vector<16xf32>
        %add3A_688 = arith.addf %add3A_676, %mul3A_687 : vector<16xf32>
        %mul3A_689 = arith.mulf %mul3A_333, %gather3A_684 : vector<16xf32>
        %add3A_690 = arith.addf %add3A_678, %mul3A_689 : vector<16xf32>
        %mul3A_691 = arith.mulf %mul3A_337, %gather3A_684 : vector<16xf32>
        %add3A_692 = arith.addf %add3A_680, %mul3A_691 : vector<16xf32>
        %add3A_693 = arith.constant 96 : i32
        %add3A_694 = vector.broadcast %add3A_693 : i32 to vector<16xi32>
        %add3A_695 = arith.addi %and3A_612, %add3A_694 : vector<16xi32>
        %gather3A_696 = tpu.vector_load_idx %arg9[%select_n3A_241, %add3A_695] : memref<320x128xf32, #tpu.memory_space<vmem>>[vector<16xi32>, vector<16xi32>], vector<16xf32>,
        %mul3A_697 = arith.mulf %mul3A_341, %gather3A_696 : vector<16xf32>
        %add3A_698 = arith.addf %add3A_686, %mul3A_697 : vector<16xf32>
        %mul3A_699 = arith.mulf %mul3A_345, %gather3A_696 : vector<16xf32>
        %add3A_700 = arith.addf %add3A_688, %mul3A_699 : vector<16xf32>
        %mul3A_701 = arith.mulf %mul3A_349, %gather3A_696 : vector<16xf32>
        %add3A_702 = arith.addf %add3A_690, %mul3A_701 : vector<16xf32>
        %mul3A_703 = arith.mulf %mul3A_353, %gather3A_696 : vector<16xf32>
        %add3A_704 = arith.addf %add3A_692, %mul3A_703 : vector<16xf32>
        %add3A_705 = arith.constant 112 : i32
        %add3A_706 = vector.broadcast %add3A_705 : i32 to vector<16xi32>
        %add3A_707 = arith.addi %and3A_612, %add3A_706 : vector<16xi32>
        %gather3A_708 = tpu.vector_load_idx %arg9[%select_n3A_241, %add3A_707] : memref<320x128xf32, #tpu.memory_space<vmem>>[vector<16xi32>, vector<16xi32>], vector<16xf32>,
        %mul3A_709 = arith.mulf %mul3A_357, %gather3A_708 : vector<16xf32>
        %add3A_710 = arith.addf %add3A_698, %mul3A_709 : vector<16xf32>
        %mul3A_711 = arith.mulf %mul3A_361, %gather3A_708 : vector<16xf32>
        %add3A_712 = arith.addf %add3A_700, %mul3A_711 : vector<16xf32>
        %mul3A_713 = arith.mulf %mul3A_365, %gather3A_708 : vector<16xf32>
        %add3A_714 = arith.addf %add3A_702, %mul3A_713 : vector<16xf32>
        %mul3A_715 = arith.mulf %mul3A_369, %gather3A_708 : vector<16xf32>
        %add3A_716 = arith.addf %add3A_704, %mul3A_715 : vector<16xf32>
        tpu.vector_store_idx %arg10[%add3A_229, %and3A_612], %add3A_710 : memref<256x64xf32, #tpu.memory_space<vmem>>[vector<16xi32>, vector<16xi32>], vector<16xf32>,
        %add3A_717 = arith.constant 16 : i32
        %add3A_718 = vector.broadcast %add3A_717 : i32 to vector<16xi32>
        %add3A_719 = arith.addi %and3A_612, %add3A_718 : vector<16xi32>
        tpu.vector_store_idx %arg10[%add3A_229, %add3A_719], %add3A_712 : memref<256x64xf32, #tpu.memory_space<vmem>>[vector<16xi32>, vector<16xi32>], vector<16xf32>,
        %add3A_720 = arith.constant 32 : i32
        %add3A_721 = vector.broadcast %add3A_720 : i32 to vector<16xi32>
        %add3A_722 = arith.addi %and3A_612, %add3A_721 : vector<16xi32>
        tpu.vector_store_idx %arg10[%add3A_229, %add3A_722], %add3A_714 : memref<256x64xf32, #tpu.memory_space<vmem>>[vector<16xi32>, vector<16xi32>], vector<16xf32>,
        %add3A_723 = arith.constant 48 : i32
        %add3A_724 = vector.broadcast %add3A_723 : i32 to vector<16xi32>
        %add3A_725 = arith.addi %and3A_612, %add3A_724 : vector<16xi32>
        tpu.vector_store_idx %arg10[%add3A_229, %add3A_725], %add3A_716 : memref<256x64xf32, #tpu.memory_space<vmem>>[vector<16xi32>, vector<16xi32>], vector<16xf32>,
        %add3A_726 = arith.constant 3 : i32
        %add3A_727 = vector.broadcast %add3A_726 : i32 to vector<16xi32>
        %add3A_728 = arith.addi %iota3A, %add3A_727 : vector<16xi32>
        %and3A_729 = arith.constant 15 : i32
        %and3A_730 = vector.broadcast %and3A_729 : i32 to vector<16xi32>
        %and3A_731 = arith.andi %add3A_728, %and3A_730 : vector<16xi32>
        %broadcast_in_dim3A_732 = arith.constant 0.000000e+00 : f32
        %broadcast_in_dim3A_733 = vector.broadcast %broadcast_in_dim3A_732 : f32 to vector<16xf32>
        %broadcast_in_dim3A_734 = arith.constant 0.000000e+00 : f32
        %broadcast_in_dim3A_735 = vector.broadcast %broadcast_in_dim3A_734 : f32 to vector<16xf32>
        %broadcast_in_dim3A_736 = arith.constant 0.000000e+00 : f32
        %broadcast_in_dim3A_737 = vector.broadcast %broadcast_in_dim3A_736 : f32 to vector<16xf32>
        %broadcast_in_dim3A_738 = arith.constant 0.000000e+00 : f32
        %broadcast_in_dim3A_739 = vector.broadcast %broadcast_in_dim3A_738 : f32 to vector<16xf32>
        %add3A_740 = arith.constant 0 : i32
        %add3A_741 = vector.broadcast %add3A_740 : i32 to vector<16xi32>
        %add3A_742 = arith.addi %and3A_731, %add3A_741 : vector<16xi32>
        %gather3A_743 = tpu.vector_load_idx %arg9[%select_n3A_241, %add3A_742] : memref<320x128xf32, #tpu.memory_space<vmem>>[vector<16xi32>, vector<16xi32>], vector<16xf32>,
        %mul3A_744 = arith.mulf %mul3A_245, %gather3A_743 : vector<16xf32>
        %add3A_745 = arith.addf %broadcast_in_dim3A_733, %mul3A_744 : vector<16xf32>
        %mul3A_746 = arith.mulf %mul3A_249, %gather3A_743 : vector<16xf32>
        %add3A_747 = arith.addf %broadcast_in_dim3A_735, %mul3A_746 : vector<16xf32>
        %mul3A_748 = arith.mulf %mul3A_253, %gather3A_743 : vector<16xf32>
        %add3A_749 = arith.addf %broadcast_in_dim3A_737, %mul3A_748 : vector<16xf32>
        %mul3A_750 = arith.mulf %mul3A_257, %gather3A_743 : vector<16xf32>
        %add3A_751 = arith.addf %broadcast_in_dim3A_739, %mul3A_750 : vector<16xf32>
        %add3A_752 = arith.constant 16 : i32
        %add3A_753 = vector.broadcast %add3A_752 : i32 to vector<16xi32>
        %add3A_754 = arith.addi %and3A_731, %add3A_753 : vector<16xi32>
        %gather3A_755 = tpu.vector_load_idx %arg9[%select_n3A_241, %add3A_754] : memref<320x128xf32, #tpu.memory_space<vmem>>[vector<16xi32>, vector<16xi32>], vector<16xf32>,
        %mul3A_756 = arith.mulf %mul3A_261, %gather3A_755 : vector<16xf32>
        %add3A_757 = arith.addf %add3A_745, %mul3A_756 : vector<16xf32>
        %mul3A_758 = arith.mulf %mul3A_265, %gather3A_755 : vector<16xf32>
        %add3A_759 = arith.addf %add3A_747, %mul3A_758 : vector<16xf32>
        %mul3A_760 = arith.mulf %mul3A_269, %gather3A_755 : vector<16xf32>
        %add3A_761 = arith.addf %add3A_749, %mul3A_760 : vector<16xf32>
        %mul3A_762 = arith.mulf %mul3A_273, %gather3A_755 : vector<16xf32>
        %add3A_763 = arith.addf %add3A_751, %mul3A_762 : vector<16xf32>
        %add3A_764 = arith.constant 32 : i32
        %add3A_765 = vector.broadcast %add3A_764 : i32 to vector<16xi32>
        %add3A_766 = arith.addi %and3A_731, %add3A_765 : vector<16xi32>
        %gather3A_767 = tpu.vector_load_idx %arg9[%select_n3A_241, %add3A_766] : memref<320x128xf32, #tpu.memory_space<vmem>>[vector<16xi32>, vector<16xi32>], vector<16xf32>,
        %mul3A_768 = arith.mulf %mul3A_277, %gather3A_767 : vector<16xf32>
        %add3A_769 = arith.addf %add3A_757, %mul3A_768 : vector<16xf32>
        %mul3A_770 = arith.mulf %mul3A_281, %gather3A_767 : vector<16xf32>
        %add3A_771 = arith.addf %add3A_759, %mul3A_770 : vector<16xf32>
        %mul3A_772 = arith.mulf %mul3A_285, %gather3A_767 : vector<16xf32>
        %add3A_773 = arith.addf %add3A_761, %mul3A_772 : vector<16xf32>
        %mul3A_774 = arith.mulf %mul3A_289, %gather3A_767 : vector<16xf32>
        %add3A_775 = arith.addf %add3A_763, %mul3A_774 : vector<16xf32>
        %add3A_776 = arith.constant 48 : i32
        %add3A_777 = vector.broadcast %add3A_776 : i32 to vector<16xi32>
        %add3A_778 = arith.addi %and3A_731, %add3A_777 : vector<16xi32>
        %gather3A_779 = tpu.vector_load_idx %arg9[%select_n3A_241, %add3A_778] : memref<320x128xf32, #tpu.memory_space<vmem>>[vector<16xi32>, vector<16xi32>], vector<16xf32>,
        %mul3A_780 = arith.mulf %mul3A_293, %gather3A_779 : vector<16xf32>
        %add3A_781 = arith.addf %add3A_769, %mul3A_780 : vector<16xf32>
        %mul3A_782 = arith.mulf %mul3A_297, %gather3A_779 : vector<16xf32>
        %add3A_783 = arith.addf %add3A_771, %mul3A_782 : vector<16xf32>
        %mul3A_784 = arith.mulf %mul3A_301, %gather3A_779 : vector<16xf32>
        %add3A_785 = arith.addf %add3A_773, %mul3A_784 : vector<16xf32>
        %mul3A_786 = arith.mulf %mul3A_305, %gather3A_779 : vector<16xf32>
        %add3A_787 = arith.addf %add3A_775, %mul3A_786 : vector<16xf32>
        %add3A_788 = arith.constant 64 : i32
        %add3A_789 = vector.broadcast %add3A_788 : i32 to vector<16xi32>
        %add3A_790 = arith.addi %and3A_731, %add3A_789 : vector<16xi32>
        %gather3A_791 = tpu.vector_load_idx %arg9[%select_n3A_241, %add3A_790] : memref<320x128xf32, #tpu.memory_space<vmem>>[vector<16xi32>, vector<16xi32>], vector<16xf32>,
        %mul3A_792 = arith.mulf %mul3A_309, %gather3A_791 : vector<16xf32>
        %add3A_793 = arith.addf %add3A_781, %mul3A_792 : vector<16xf32>
        %mul3A_794 = arith.mulf %mul3A_313, %gather3A_791 : vector<16xf32>
        %add3A_795 = arith.addf %add3A_783, %mul3A_794 : vector<16xf32>
        %mul3A_796 = arith.mulf %mul3A_317, %gather3A_791 : vector<16xf32>
        %add3A_797 = arith.addf %add3A_785, %mul3A_796 : vector<16xf32>
        %mul3A_798 = arith.mulf %mul3A_321, %gather3A_791 : vector<16xf32>
        %add3A_799 = arith.addf %add3A_787, %mul3A_798 : vector<16xf32>
        %add3A_800 = arith.constant 80 : i32
        %add3A_801 = vector.broadcast %add3A_800 : i32 to vector<16xi32>
        %add3A_802 = arith.addi %and3A_731, %add3A_801 : vector<16xi32>
        %gather3A_803 = tpu.vector_load_idx %arg9[%select_n3A_241, %add3A_802] : memref<320x128xf32, #tpu.memory_space<vmem>>[vector<16xi32>, vector<16xi32>], vector<16xf32>,
        %mul3A_804 = arith.mulf %mul3A_325, %gather3A_803 : vector<16xf32>
        %add3A_805 = arith.addf %add3A_793, %mul3A_804 : vector<16xf32>
        %mul3A_806 = arith.mulf %mul3A_329, %gather3A_803 : vector<16xf32>
        %add3A_807 = arith.addf %add3A_795, %mul3A_806 : vector<16xf32>
        %mul3A_808 = arith.mulf %mul3A_333, %gather3A_803 : vector<16xf32>
        %add3A_809 = arith.addf %add3A_797, %mul3A_808 : vector<16xf32>
        %mul3A_810 = arith.mulf %mul3A_337, %gather3A_803 : vector<16xf32>
        %add3A_811 = arith.addf %add3A_799, %mul3A_810 : vector<16xf32>
        %add3A_812 = arith.constant 96 : i32
        %add3A_813 = vector.broadcast %add3A_812 : i32 to vector<16xi32>
        %add3A_814 = arith.addi %and3A_731, %add3A_813 : vector<16xi32>
        %gather3A_815 = tpu.vector_load_idx %arg9[%select_n3A_241, %add3A_814] : memref<320x128xf32, #tpu.memory_space<vmem>>[vector<16xi32>, vector<16xi32>], vector<16xf32>,
        %mul3A_816 = arith.mulf %mul3A_341, %gather3A_815 : vector<16xf32>
        %add3A_817 = arith.addf %add3A_805, %mul3A_816 : vector<16xf32>
        %mul3A_818 = arith.mulf %mul3A_345, %gather3A_815 : vector<16xf32>
        %add3A_819 = arith.addf %add3A_807, %mul3A_818 : vector<16xf32>
        %mul3A_820 = arith.mulf %mul3A_349, %gather3A_815 : vector<16xf32>
        %add3A_821 = arith.addf %add3A_809, %mul3A_820 : vector<16xf32>
        %mul3A_822 = arith.mulf %mul3A_353, %gather3A_815 : vector<16xf32>
        %add3A_823 = arith.addf %add3A_811, %mul3A_822 : vector<16xf32>
        %add3A_824 = arith.constant 112 : i32
        %add3A_825 = vector.broadcast %add3A_824 : i32 to vector<16xi32>
        %add3A_826 = arith.addi %and3A_731, %add3A_825 : vector<16xi32>
        %gather3A_827 = tpu.vector_load_idx %arg9[%select_n3A_241, %add3A_826] : memref<320x128xf32, #tpu.memory_space<vmem>>[vector<16xi32>, vector<16xi32>], vector<16xf32>,
        %mul3A_828 = arith.mulf %mul3A_357, %gather3A_827 : vector<16xf32>
        %add3A_829 = arith.addf %add3A_817, %mul3A_828 : vector<16xf32>
        %mul3A_830 = arith.mulf %mul3A_361, %gather3A_827 : vector<16xf32>
        %add3A_831 = arith.addf %add3A_819, %mul3A_830 : vector<16xf32>
        %mul3A_832 = arith.mulf %mul3A_365, %gather3A_827 : vector<16xf32>
        %add3A_833 = arith.addf %add3A_821, %mul3A_832 : vector<16xf32>
        %mul3A_834 = arith.mulf %mul3A_369, %gather3A_827 : vector<16xf32>
        %add3A_835 = arith.addf %add3A_823, %mul3A_834 : vector<16xf32>
        tpu.vector_store_idx %arg10[%add3A_229, %and3A_731], %add3A_829 : memref<256x64xf32, #tpu.memory_space<vmem>>[vector<16xi32>, vector<16xi32>], vector<16xf32>,
        %add3A_836 = arith.constant 16 : i32
        %add3A_837 = vector.broadcast %add3A_836 : i32 to vector<16xi32>
        %add3A_838 = arith.addi %and3A_731, %add3A_837 : vector<16xi32>
        tpu.vector_store_idx %arg10[%add3A_229, %add3A_838], %add3A_831 : memref<256x64xf32, #tpu.memory_space<vmem>>[vector<16xi32>, vector<16xi32>], vector<16xf32>,
        %add3A_839 = arith.constant 32 : i32
        %add3A_840 = vector.broadcast %add3A_839 : i32 to vector<16xi32>
        %add3A_841 = arith.addi %and3A_731, %add3A_840 : vector<16xi32>
        tpu.vector_store_idx %arg10[%add3A_229, %add3A_841], %add3A_833 : memref<256x64xf32, #tpu.memory_space<vmem>>[vector<16xi32>, vector<16xi32>], vector<16xf32>,
        %add3A_842 = arith.constant 48 : i32
        %add3A_843 = vector.broadcast %add3A_842 : i32 to vector<16xi32>
        %add3A_844 = arith.addi %and3A_731, %add3A_843 : vector<16xi32>
        tpu.vector_store_idx %arg10[%add3A_229, %add3A_844], %add3A_835 : memref<256x64xf32, #tpu.memory_space<vmem>>[vector<16xi32>, vector<16xi32>], vector<16xf32>,
        %add3A_845 = arith.constant 4 : i32
        %add3A_846 = vector.broadcast %add3A_845 : i32 to vector<16xi32>
        %add3A_847 = arith.addi %iota3A, %add3A_846 : vector<16xi32>
        %and3A_848 = arith.constant 15 : i32
        %and3A_849 = vector.broadcast %and3A_848 : i32 to vector<16xi32>
        %and3A_850 = arith.andi %add3A_847, %and3A_849 : vector<16xi32>
        %broadcast_in_dim3A_851 = arith.constant 0.000000e+00 : f32
        %broadcast_in_dim3A_852 = vector.broadcast %broadcast_in_dim3A_851 : f32 to vector<16xf32>
        %broadcast_in_dim3A_853 = arith.constant 0.000000e+00 : f32
        %broadcast_in_dim3A_854 = vector.broadcast %broadcast_in_dim3A_853 : f32 to vector<16xf32>
        %broadcast_in_dim3A_855 = arith.constant 0.000000e+00 : f32
        %broadcast_in_dim3A_856 = vector.broadcast %broadcast_in_dim3A_855 : f32 to vector<16xf32>
        %broadcast_in_dim3A_857 = arith.constant 0.000000e+00 : f32
        %broadcast_in_dim3A_858 = vector.broadcast %broadcast_in_dim3A_857 : f32 to vector<16xf32>
        %add3A_859 = arith.constant 0 : i32
        %add3A_860 = vector.broadcast %add3A_859 : i32 to vector<16xi32>
        %add3A_861 = arith.addi %and3A_850, %add3A_860 : vector<16xi32>
        %gather3A_862 = tpu.vector_load_idx %arg9[%select_n3A_241, %add3A_861] : memref<320x128xf32, #tpu.memory_space<vmem>>[vector<16xi32>, vector<16xi32>], vector<16xf32>,
        %mul3A_863 = arith.mulf %mul3A_245, %gather3A_862 : vector<16xf32>
        %add3A_864 = arith.addf %broadcast_in_dim3A_852, %mul3A_863 : vector<16xf32>
        %mul3A_865 = arith.mulf %mul3A_249, %gather3A_862 : vector<16xf32>
        %add3A_866 = arith.addf %broadcast_in_dim3A_854, %mul3A_865 : vector<16xf32>
        %mul3A_867 = arith.mulf %mul3A_253, %gather3A_862 : vector<16xf32>
        %add3A_868 = arith.addf %broadcast_in_dim3A_856, %mul3A_867 : vector<16xf32>
        %mul3A_869 = arith.mulf %mul3A_257, %gather3A_862 : vector<16xf32>
        %add3A_870 = arith.addf %broadcast_in_dim3A_858, %mul3A_869 : vector<16xf32>
        %add3A_871 = arith.constant 16 : i32
        %add3A_872 = vector.broadcast %add3A_871 : i32 to vector<16xi32>
        %add3A_873 = arith.addi %and3A_850, %add3A_872 : vector<16xi32>
        %gather3A_874 = tpu.vector_load_idx %arg9[%select_n3A_241, %add3A_873] : memref<320x128xf32, #tpu.memory_space<vmem>>[vector<16xi32>, vector<16xi32>], vector<16xf32>,
        %mul3A_875 = arith.mulf %mul3A_261, %gather3A_874 : vector<16xf32>
        %add3A_876 = arith.addf %add3A_864, %mul3A_875 : vector<16xf32>
        %mul3A_877 = arith.mulf %mul3A_265, %gather3A_874 : vector<16xf32>
        %add3A_878 = arith.addf %add3A_866, %mul3A_877 : vector<16xf32>
        %mul3A_879 = arith.mulf %mul3A_269, %gather3A_874 : vector<16xf32>
        %add3A_880 = arith.addf %add3A_868, %mul3A_879 : vector<16xf32>
        %mul3A_881 = arith.mulf %mul3A_273, %gather3A_874 : vector<16xf32>
        %add3A_882 = arith.addf %add3A_870, %mul3A_881 : vector<16xf32>
        %add3A_883 = arith.constant 32 : i32
        %add3A_884 = vector.broadcast %add3A_883 : i32 to vector<16xi32>
        %add3A_885 = arith.addi %and3A_850, %add3A_884 : vector<16xi32>
        %gather3A_886 = tpu.vector_load_idx %arg9[%select_n3A_241, %add3A_885] : memref<320x128xf32, #tpu.memory_space<vmem>>[vector<16xi32>, vector<16xi32>], vector<16xf32>,
        %mul3A_887 = arith.mulf %mul3A_277, %gather3A_886 : vector<16xf32>
        %add3A_888 = arith.addf %add3A_876, %mul3A_887 : vector<16xf32>
        %mul3A_889 = arith.mulf %mul3A_281, %gather3A_886 : vector<16xf32>
        %add3A_890 = arith.addf %add3A_878, %mul3A_889 : vector<16xf32>
        %mul3A_891 = arith.mulf %mul3A_285, %gather3A_886 : vector<16xf32>
        %add3A_892 = arith.addf %add3A_880, %mul3A_891 : vector<16xf32>
        %mul3A_893 = arith.mulf %mul3A_289, %gather3A_886 : vector<16xf32>
        %add3A_894 = arith.addf %add3A_882, %mul3A_893 : vector<16xf32>
        %add3A_895 = arith.constant 48 : i32
        %add3A_896 = vector.broadcast %add3A_895 : i32 to vector<16xi32>
        %add3A_897 = arith.addi %and3A_850, %add3A_896 : vector<16xi32>
        %gather3A_898 = tpu.vector_load_idx %arg9[%select_n3A_241, %add3A_897] : memref<320x128xf32, #tpu.memory_space<vmem>>[vector<16xi32>, vector<16xi32>], vector<16xf32>,
        %mul3A_899 = arith.mulf %mul3A_293, %gather3A_898 : vector<16xf32>
        %add3A_900 = arith.addf %add3A_888, %mul3A_899 : vector<16xf32>
        %mul3A_901 = arith.mulf %mul3A_297, %gather3A_898 : vector<16xf32>
        %add3A_902 = arith.addf %add3A_890, %mul3A_901 : vector<16xf32>
        %mul3A_903 = arith.mulf %mul3A_301, %gather3A_898 : vector<16xf32>
        %add3A_904 = arith.addf %add3A_892, %mul3A_903 : vector<16xf32>
        %mul3A_905 = arith.mulf %mul3A_305, %gather3A_898 : vector<16xf32>
        %add3A_906 = arith.addf %add3A_894, %mul3A_905 : vector<16xf32>
        %add3A_907 = arith.constant 64 : i32
        %add3A_908 = vector.broadcast %add3A_907 : i32 to vector<16xi32>
        %add3A_909 = arith.addi %and3A_850, %add3A_908 : vector<16xi32>
        %gather3A_910 = tpu.vector_load_idx %arg9[%select_n3A_241, %add3A_909] : memref<320x128xf32, #tpu.memory_space<vmem>>[vector<16xi32>, vector<16xi32>], vector<16xf32>,
        %mul3A_911 = arith.mulf %mul3A_309, %gather3A_910 : vector<16xf32>
        %add3A_912 = arith.addf %add3A_900, %mul3A_911 : vector<16xf32>
        %mul3A_913 = arith.mulf %mul3A_313, %gather3A_910 : vector<16xf32>
        %add3A_914 = arith.addf %add3A_902, %mul3A_913 : vector<16xf32>
        %mul3A_915 = arith.mulf %mul3A_317, %gather3A_910 : vector<16xf32>
        %add3A_916 = arith.addf %add3A_904, %mul3A_915 : vector<16xf32>
        %mul3A_917 = arith.mulf %mul3A_321, %gather3A_910 : vector<16xf32>
        %add3A_918 = arith.addf %add3A_906, %mul3A_917 : vector<16xf32>
        %add3A_919 = arith.constant 80 : i32
        %add3A_920 = vector.broadcast %add3A_919 : i32 to vector<16xi32>
        %add3A_921 = arith.addi %and3A_850, %add3A_920 : vector<16xi32>
        %gather3A_922 = tpu.vector_load_idx %arg9[%select_n3A_241, %add3A_921] : memref<320x128xf32, #tpu.memory_space<vmem>>[vector<16xi32>, vector<16xi32>], vector<16xf32>,
        %mul3A_923 = arith.mulf %mul3A_325, %gather3A_922 : vector<16xf32>
        %add3A_924 = arith.addf %add3A_912, %mul3A_923 : vector<16xf32>
        %mul3A_925 = arith.mulf %mul3A_329, %gather3A_922 : vector<16xf32>
        %add3A_926 = arith.addf %add3A_914, %mul3A_925 : vector<16xf32>
        %mul3A_927 = arith.mulf %mul3A_333, %gather3A_922 : vector<16xf32>
        %add3A_928 = arith.addf %add3A_916, %mul3A_927 : vector<16xf32>
        %mul3A_929 = arith.mulf %mul3A_337, %gather3A_922 : vector<16xf32>
        %add3A_930 = arith.addf %add3A_918, %mul3A_929 : vector<16xf32>
        %add3A_931 = arith.constant 96 : i32
        %add3A_932 = vector.broadcast %add3A_931 : i32 to vector<16xi32>
        %add3A_933 = arith.addi %and3A_850, %add3A_932 : vector<16xi32>
        %gather3A_934 = tpu.vector_load_idx %arg9[%select_n3A_241, %add3A_933] : memref<320x128xf32, #tpu.memory_space<vmem>>[vector<16xi32>, vector<16xi32>], vector<16xf32>,
        %mul3A_935 = arith.mulf %mul3A_341, %gather3A_934 : vector<16xf32>
        %add3A_936 = arith.addf %add3A_924, %mul3A_935 : vector<16xf32>
        %mul3A_937 = arith.mulf %mul3A_345, %gather3A_934 : vector<16xf32>
        %add3A_938 = arith.addf %add3A_926, %mul3A_937 : vector<16xf32>
        %mul3A_939 = arith.mulf %mul3A_349, %gather3A_934 : vector<16xf32>
        %add3A_940 = arith.addf %add3A_928, %mul3A_939 : vector<16xf32>
        %mul3A_941 = arith.mulf %mul3A_353, %gather3A_934 : vector<16xf32>
        %add3A_942 = arith.addf %add3A_930, %mul3A_941 : vector<16xf32>
        %add3A_943 = arith.constant 112 : i32
        %add3A_944 = vector.broadcast %add3A_943 : i32 to vector<16xi32>
        %add3A_945 = arith.addi %and3A_850, %add3A_944 : vector<16xi32>
        %gather3A_946 = tpu.vector_load_idx %arg9[%select_n3A_241, %add3A_945] : memref<320x128xf32, #tpu.memory_space<vmem>>[vector<16xi32>, vector<16xi32>], vector<16xf32>,
        %mul3A_947 = arith.mulf %mul3A_357, %gather3A_946 : vector<16xf32>
        %add3A_948 = arith.addf %add3A_936, %mul3A_947 : vector<16xf32>
        %mul3A_949 = arith.mulf %mul3A_361, %gather3A_946 : vector<16xf32>
        %add3A_950 = arith.addf %add3A_938, %mul3A_949 : vector<16xf32>
        %mul3A_951 = arith.mulf %mul3A_365, %gather3A_946 : vector<16xf32>
        %add3A_952 = arith.addf %add3A_940, %mul3A_951 : vector<16xf32>
        %mul3A_953 = arith.mulf %mul3A_369, %gather3A_946 : vector<16xf32>
        %add3A_954 = arith.addf %add3A_942, %mul3A_953 : vector<16xf32>
        tpu.vector_store_idx %arg10[%add3A_229, %and3A_850], %add3A_948 : memref<256x64xf32, #tpu.memory_space<vmem>>[vector<16xi32>, vector<16xi32>], vector<16xf32>,
        %add3A_955 = arith.constant 16 : i32
        %add3A_956 = vector.broadcast %add3A_955 : i32 to vector<16xi32>
        %add3A_957 = arith.addi %and3A_850, %add3A_956 : vector<16xi32>
        tpu.vector_store_idx %arg10[%add3A_229, %add3A_957], %add3A_950 : memref<256x64xf32, #tpu.memory_space<vmem>>[vector<16xi32>, vector<16xi32>], vector<16xf32>,
        %add3A_958 = arith.constant 32 : i32
        %add3A_959 = vector.broadcast %add3A_958 : i32 to vector<16xi32>
        %add3A_960 = arith.addi %and3A_850, %add3A_959 : vector<16xi32>
        tpu.vector_store_idx %arg10[%add3A_229, %add3A_960], %add3A_952 : memref<256x64xf32, #tpu.memory_space<vmem>>[vector<16xi32>, vector<16xi32>], vector<16xf32>,
        %add3A_961 = arith.constant 48 : i32
        %add3A_962 = vector.broadcast %add3A_961 : i32 to vector<16xi32>
        %add3A_963 = arith.addi %and3A_850, %add3A_962 : vector<16xi32>
        tpu.vector_store_idx %arg10[%add3A_229, %add3A_963], %add3A_954 : memref<256x64xf32, #tpu.memory_space<vmem>>[vector<16xi32>, vector<16xi32>], vector<16xf32>,
        %add3A_964 = arith.constant 5 : i32
        %add3A_965 = vector.broadcast %add3A_964 : i32 to vector<16xi32>
        %add3A_966 = arith.addi %iota3A, %add3A_965 : vector<16xi32>
        %and3A_967 = arith.constant 15 : i32
        %and3A_968 = vector.broadcast %and3A_967 : i32 to vector<16xi32>
        %and3A_969 = arith.andi %add3A_966, %and3A_968 : vector<16xi32>
        %broadcast_in_dim3A_970 = arith.constant 0.000000e+00 : f32
        %broadcast_in_dim3A_971 = vector.broadcast %broadcast_in_dim3A_970 : f32 to vector<16xf32>
        %broadcast_in_dim3A_972 = arith.constant 0.000000e+00 : f32
        %broadcast_in_dim3A_973 = vector.broadcast %broadcast_in_dim3A_972 : f32 to vector<16xf32>
        %broadcast_in_dim3A_974 = arith.constant 0.000000e+00 : f32
        %broadcast_in_dim3A_975 = vector.broadcast %broadcast_in_dim3A_974 : f32 to vector<16xf32>
        %broadcast_in_dim3A_976 = arith.constant 0.000000e+00 : f32
        %broadcast_in_dim3A_977 = vector.broadcast %broadcast_in_dim3A_976 : f32 to vector<16xf32>
        %add3A_978 = arith.constant 0 : i32
        %add3A_979 = vector.broadcast %add3A_978 : i32 to vector<16xi32>
        %add3A_980 = arith.addi %and3A_969, %add3A_979 : vector<16xi32>
        %gather3A_981 = tpu.vector_load_idx %arg9[%select_n3A_241, %add3A_980] : memref<320x128xf32, #tpu.memory_space<vmem>>[vector<16xi32>, vector<16xi32>], vector<16xf32>,
        %mul3A_982 = arith.mulf %mul3A_245, %gather3A_981 : vector<16xf32>
        %add3A_983 = arith.addf %broadcast_in_dim3A_971, %mul3A_982 : vector<16xf32>
        %mul3A_984 = arith.mulf %mul3A_249, %gather3A_981 : vector<16xf32>
        %add3A_985 = arith.addf %broadcast_in_dim3A_973, %mul3A_984 : vector<16xf32>
        %mul3A_986 = arith.mulf %mul3A_253, %gather3A_981 : vector<16xf32>
        %add3A_987 = arith.addf %broadcast_in_dim3A_975, %mul3A_986 : vector<16xf32>
        %mul3A_988 = arith.mulf %mul3A_257, %gather3A_981 : vector<16xf32>
        %add3A_989 = arith.addf %broadcast_in_dim3A_977, %mul3A_988 : vector<16xf32>
        %add3A_990 = arith.constant 16 : i32
        %add3A_991 = vector.broadcast %add3A_990 : i32 to vector<16xi32>
        %add3A_992 = arith.addi %and3A_969, %add3A_991 : vector<16xi32>
        %gather3A_993 = tpu.vector_load_idx %arg9[%select_n3A_241, %add3A_992] : memref<320x128xf32, #tpu.memory_space<vmem>>[vector<16xi32>, vector<16xi32>], vector<16xf32>,
        %mul3A_994 = arith.mulf %mul3A_261, %gather3A_993 : vector<16xf32>
        %add3A_995 = arith.addf %add3A_983, %mul3A_994 : vector<16xf32>
        %mul3A_996 = arith.mulf %mul3A_265, %gather3A_993 : vector<16xf32>
        %add3A_997 = arith.addf %add3A_985, %mul3A_996 : vector<16xf32>
        %mul3A_998 = arith.mulf %mul3A_269, %gather3A_993 : vector<16xf32>
        %add3A_999 = arith.addf %add3A_987, %mul3A_998 : vector<16xf32>
        %mul3A_1000 = arith.mulf %mul3A_273, %gather3A_993 : vector<16xf32>
        %add3A_1001 = arith.addf %add3A_989, %mul3A_1000 : vector<16xf32>
        %add3A_1002 = arith.constant 32 : i32
        %add3A_1003 = vector.broadcast %add3A_1002 : i32 to vector<16xi32>
        %add3A_1004 = arith.addi %and3A_969, %add3A_1003 : vector<16xi32>
        %gather3A_1005 = tpu.vector_load_idx %arg9[%select_n3A_241, %add3A_1004] : memref<320x128xf32, #tpu.memory_space<vmem>>[vector<16xi32>, vector<16xi32>], vector<16xf32>,
        %mul3A_1006 = arith.mulf %mul3A_277, %gather3A_1005 : vector<16xf32>
        %add3A_1007 = arith.addf %add3A_995, %mul3A_1006 : vector<16xf32>
        %mul3A_1008 = arith.mulf %mul3A_281, %gather3A_1005 : vector<16xf32>
        %add3A_1009 = arith.addf %add3A_997, %mul3A_1008 : vector<16xf32>
        %mul3A_1010 = arith.mulf %mul3A_285, %gather3A_1005 : vector<16xf32>
        %add3A_1011 = arith.addf %add3A_999, %mul3A_1010 : vector<16xf32>
        %mul3A_1012 = arith.mulf %mul3A_289, %gather3A_1005 : vector<16xf32>
        %add3A_1013 = arith.addf %add3A_1001, %mul3A_1012 : vector<16xf32>
        %add3A_1014 = arith.constant 48 : i32
        %add3A_1015 = vector.broadcast %add3A_1014 : i32 to vector<16xi32>
        %add3A_1016 = arith.addi %and3A_969, %add3A_1015 : vector<16xi32>
        %gather3A_1017 = tpu.vector_load_idx %arg9[%select_n3A_241, %add3A_1016] : memref<320x128xf32, #tpu.memory_space<vmem>>[vector<16xi32>, vector<16xi32>], vector<16xf32>,
        %mul3A_1018 = arith.mulf %mul3A_293, %gather3A_1017 : vector<16xf32>
        %add3A_1019 = arith.addf %add3A_1007, %mul3A_1018 : vector<16xf32>
        %mul3A_1020 = arith.mulf %mul3A_297, %gather3A_1017 : vector<16xf32>
        %add3A_1021 = arith.addf %add3A_1009, %mul3A_1020 : vector<16xf32>
        %mul3A_1022 = arith.mulf %mul3A_301, %gather3A_1017 : vector<16xf32>
        %add3A_1023 = arith.addf %add3A_1011, %mul3A_1022 : vector<16xf32>
        %mul3A_1024 = arith.mulf %mul3A_305, %gather3A_1017 : vector<16xf32>
        %add3A_1025 = arith.addf %add3A_1013, %mul3A_1024 : vector<16xf32>
        %add3A_1026 = arith.constant 64 : i32
        %add3A_1027 = vector.broadcast %add3A_1026 : i32 to vector<16xi32>
        %add3A_1028 = arith.addi %and3A_969, %add3A_1027 : vector<16xi32>
        %gather3A_1029 = tpu.vector_load_idx %arg9[%select_n3A_241, %add3A_1028] : memref<320x128xf32, #tpu.memory_space<vmem>>[vector<16xi32>, vector<16xi32>], vector<16xf32>,
        %mul3A_1030 = arith.mulf %mul3A_309, %gather3A_1029 : vector<16xf32>
        %add3A_1031 = arith.addf %add3A_1019, %mul3A_1030 : vector<16xf32>
        %mul3A_1032 = arith.mulf %mul3A_313, %gather3A_1029 : vector<16xf32>
        %add3A_1033 = arith.addf %add3A_1021, %mul3A_1032 : vector<16xf32>
        %mul3A_1034 = arith.mulf %mul3A_317, %gather3A_1029 : vector<16xf32>
        %add3A_1035 = arith.addf %add3A_1023, %mul3A_1034 : vector<16xf32>
        %mul3A_1036 = arith.mulf %mul3A_321, %gather3A_1029 : vector<16xf32>
        %add3A_1037 = arith.addf %add3A_1025, %mul3A_1036 : vector<16xf32>
        %add3A_1038 = arith.constant 80 : i32
        %add3A_1039 = vector.broadcast %add3A_1038 : i32 to vector<16xi32>
        %add3A_1040 = arith.addi %and3A_969, %add3A_1039 : vector<16xi32>
        %gather3A_1041 = tpu.vector_load_idx %arg9[%select_n3A_241, %add3A_1040] : memref<320x128xf32, #tpu.memory_space<vmem>>[vector<16xi32>, vector<16xi32>], vector<16xf32>,
        %mul3A_1042 = arith.mulf %mul3A_325, %gather3A_1041 : vector<16xf32>
        %add3A_1043 = arith.addf %add3A_1031, %mul3A_1042 : vector<16xf32>
        %mul3A_1044 = arith.mulf %mul3A_329, %gather3A_1041 : vector<16xf32>
        %add3A_1045 = arith.addf %add3A_1033, %mul3A_1044 : vector<16xf32>
        %mul3A_1046 = arith.mulf %mul3A_333, %gather3A_1041 : vector<16xf32>
        %add3A_1047 = arith.addf %add3A_1035, %mul3A_1046 : vector<16xf32>
        %mul3A_1048 = arith.mulf %mul3A_337, %gather3A_1041 : vector<16xf32>
        %add3A_1049 = arith.addf %add3A_1037, %mul3A_1048 : vector<16xf32>
        %add3A_1050 = arith.constant 96 : i32
        %add3A_1051 = vector.broadcast %add3A_1050 : i32 to vector<16xi32>
        %add3A_1052 = arith.addi %and3A_969, %add3A_1051 : vector<16xi32>
        %gather3A_1053 = tpu.vector_load_idx %arg9[%select_n3A_241, %add3A_1052] : memref<320x128xf32, #tpu.memory_space<vmem>>[vector<16xi32>, vector<16xi32>], vector<16xf32>,
        %mul3A_1054 = arith.mulf %mul3A_341, %gather3A_1053 : vector<16xf32>
        %add3A_1055 = arith.addf %add3A_1043, %mul3A_1054 : vector<16xf32>
        %mul3A_1056 = arith.mulf %mul3A_345, %gather3A_1053 : vector<16xf32>
        %add3A_1057 = arith.addf %add3A_1045, %mul3A_1056 : vector<16xf32>
        %mul3A_1058 = arith.mulf %mul3A_349, %gather3A_1053 : vector<16xf32>
        %add3A_1059 = arith.addf %add3A_1047, %mul3A_1058 : vector<16xf32>
        %mul3A_1060 = arith.mulf %mul3A_353, %gather3A_1053 : vector<16xf32>
        %add3A_1061 = arith.addf %add3A_1049, %mul3A_1060 : vector<16xf32>
        %add3A_1062 = arith.constant 112 : i32
        %add3A_1063 = vector.broadcast %add3A_1062 : i32 to vector<16xi32>
        %add3A_1064 = arith.addi %and3A_969, %add3A_1063 : vector<16xi32>
        %gather3A_1065 = tpu.vector_load_idx %arg9[%select_n3A_241, %add3A_1064] : memref<320x128xf32, #tpu.memory_space<vmem>>[vector<16xi32>, vector<16xi32>], vector<16xf32>,
        %mul3A_1066 = arith.mulf %mul3A_357, %gather3A_1065 : vector<16xf32>
        %add3A_1067 = arith.addf %add3A_1055, %mul3A_1066 : vector<16xf32>
        %mul3A_1068 = arith.mulf %mul3A_361, %gather3A_1065 : vector<16xf32>
        %add3A_1069 = arith.addf %add3A_1057, %mul3A_1068 : vector<16xf32>
        %mul3A_1070 = arith.mulf %mul3A_365, %gather3A_1065 : vector<16xf32>
        %add3A_1071 = arith.addf %add3A_1059, %mul3A_1070 : vector<16xf32>
        %mul3A_1072 = arith.mulf %mul3A_369, %gather3A_1065 : vector<16xf32>
        %add3A_1073 = arith.addf %add3A_1061, %mul3A_1072 : vector<16xf32>
        tpu.vector_store_idx %arg10[%add3A_229, %and3A_969], %add3A_1067 : memref<256x64xf32, #tpu.memory_space<vmem>>[vector<16xi32>, vector<16xi32>], vector<16xf32>,
        %add3A_1074 = arith.constant 16 : i32
        %add3A_1075 = vector.broadcast %add3A_1074 : i32 to vector<16xi32>
        %add3A_1076 = arith.addi %and3A_969, %add3A_1075 : vector<16xi32>
        tpu.vector_store_idx %arg10[%add3A_229, %add3A_1076], %add3A_1069 : memref<256x64xf32, #tpu.memory_space<vmem>>[vector<16xi32>, vector<16xi32>], vector<16xf32>,
        %add3A_1077 = arith.constant 32 : i32
        %add3A_1078 = vector.broadcast %add3A_1077 : i32 to vector<16xi32>
        %add3A_1079 = arith.addi %and3A_969, %add3A_1078 : vector<16xi32>
        tpu.vector_store_idx %arg10[%add3A_229, %add3A_1079], %add3A_1071 : memref<256x64xf32, #tpu.memory_space<vmem>>[vector<16xi32>, vector<16xi32>], vector<16xf32>,
        %add3A_1080 = arith.constant 48 : i32
        %add3A_1081 = vector.broadcast %add3A_1080 : i32 to vector<16xi32>
        %add3A_1082 = arith.addi %and3A_969, %add3A_1081 : vector<16xi32>
        tpu.vector_store_idx %arg10[%add3A_229, %add3A_1082], %add3A_1073 : memref<256x64xf32, #tpu.memory_space<vmem>>[vector<16xi32>, vector<16xi32>], vector<16xf32>,
        %add3A_1083 = arith.constant 6 : i32
        %add3A_1084 = vector.broadcast %add3A_1083 : i32 to vector<16xi32>
        %add3A_1085 = arith.addi %iota3A, %add3A_1084 : vector<16xi32>
        %and3A_1086 = arith.constant 15 : i32
        %and3A_1087 = vector.broadcast %and3A_1086 : i32 to vector<16xi32>
        %and3A_1088 = arith.andi %add3A_1085, %and3A_1087 : vector<16xi32>
        %broadcast_in_dim3A_1089 = arith.constant 0.000000e+00 : f32
        %broadcast_in_dim3A_1090 = vector.broadcast %broadcast_in_dim3A_1089 : f32 to vector<16xf32>
        %broadcast_in_dim3A_1091 = arith.constant 0.000000e+00 : f32
        %broadcast_in_dim3A_1092 = vector.broadcast %broadcast_in_dim3A_1091 : f32 to vector<16xf32>
        %broadcast_in_dim3A_1093 = arith.constant 0.000000e+00 : f32
        %broadcast_in_dim3A_1094 = vector.broadcast %broadcast_in_dim3A_1093 : f32 to vector<16xf32>
        %broadcast_in_dim3A_1095 = arith.constant 0.000000e+00 : f32
        %broadcast_in_dim3A_1096 = vector.broadcast %broadcast_in_dim3A_1095 : f32 to vector<16xf32>
        %add3A_1097 = arith.constant 0 : i32
        %add3A_1098 = vector.broadcast %add3A_1097 : i32 to vector<16xi32>
        %add3A_1099 = arith.addi %and3A_1088, %add3A_1098 : vector<16xi32>
        %gather3A_1100 = tpu.vector_load_idx %arg9[%select_n3A_241, %add3A_1099] : memref<320x128xf32, #tpu.memory_space<vmem>>[vector<16xi32>, vector<16xi32>], vector<16xf32>,
        %mul3A_1101 = arith.mulf %mul3A_245, %gather3A_1100 : vector<16xf32>
        %add3A_1102 = arith.addf %broadcast_in_dim3A_1090, %mul3A_1101 : vector<16xf32>
        %mul3A_1103 = arith.mulf %mul3A_249, %gather3A_1100 : vector<16xf32>
        %add3A_1104 = arith.addf %broadcast_in_dim3A_1092, %mul3A_1103 : vector<16xf32>
        %mul3A_1105 = arith.mulf %mul3A_253, %gather3A_1100 : vector<16xf32>
        %add3A_1106 = arith.addf %broadcast_in_dim3A_1094, %mul3A_1105 : vector<16xf32>
        %mul3A_1107 = arith.mulf %mul3A_257, %gather3A_1100 : vector<16xf32>
        %add3A_1108 = arith.addf %broadcast_in_dim3A_1096, %mul3A_1107 : vector<16xf32>
        %add3A_1109 = arith.constant 16 : i32
        %add3A_1110 = vector.broadcast %add3A_1109 : i32 to vector<16xi32>
        %add3A_1111 = arith.addi %and3A_1088, %add3A_1110 : vector<16xi32>
        %gather3A_1112 = tpu.vector_load_idx %arg9[%select_n3A_241, %add3A_1111] : memref<320x128xf32, #tpu.memory_space<vmem>>[vector<16xi32>, vector<16xi32>], vector<16xf32>,
        %mul3A_1113 = arith.mulf %mul3A_261, %gather3A_1112 : vector<16xf32>
        %add3A_1114 = arith.addf %add3A_1102, %mul3A_1113 : vector<16xf32>
        %mul3A_1115 = arith.mulf %mul3A_265, %gather3A_1112 : vector<16xf32>
        %add3A_1116 = arith.addf %add3A_1104, %mul3A_1115 : vector<16xf32>
        %mul3A_1117 = arith.mulf %mul3A_269, %gather3A_1112 : vector<16xf32>
        %add3A_1118 = arith.addf %add3A_1106, %mul3A_1117 : vector<16xf32>
        %mul3A_1119 = arith.mulf %mul3A_273, %gather3A_1112 : vector<16xf32>
        %add3A_1120 = arith.addf %add3A_1108, %mul3A_1119 : vector<16xf32>
        %add3A_1121 = arith.constant 32 : i32
        %add3A_1122 = vector.broadcast %add3A_1121 : i32 to vector<16xi32>
        %add3A_1123 = arith.addi %and3A_1088, %add3A_1122 : vector<16xi32>
        %gather3A_1124 = tpu.vector_load_idx %arg9[%select_n3A_241, %add3A_1123] : memref<320x128xf32, #tpu.memory_space<vmem>>[vector<16xi32>, vector<16xi32>], vector<16xf32>,
        %mul3A_1125 = arith.mulf %mul3A_277, %gather3A_1124 : vector<16xf32>
        %add3A_1126 = arith.addf %add3A_1114, %mul3A_1125 : vector<16xf32>
        %mul3A_1127 = arith.mulf %mul3A_281, %gather3A_1124 : vector<16xf32>
        %add3A_1128 = arith.addf %add3A_1116, %mul3A_1127 : vector<16xf32>
        %mul3A_1129 = arith.mulf %mul3A_285, %gather3A_1124 : vector<16xf32>
        %add3A_1130 = arith.addf %add3A_1118, %mul3A_1129 : vector<16xf32>
        %mul3A_1131 = arith.mulf %mul3A_289, %gather3A_1124 : vector<16xf32>
        %add3A_1132 = arith.addf %add3A_1120, %mul3A_1131 : vector<16xf32>
        %add3A_1133 = arith.constant 48 : i32
        %add3A_1134 = vector.broadcast %add3A_1133 : i32 to vector<16xi32>
        %add3A_1135 = arith.addi %and3A_1088, %add3A_1134 : vector<16xi32>
        %gather3A_1136 = tpu.vector_load_idx %arg9[%select_n3A_241, %add3A_1135] : memref<320x128xf32, #tpu.memory_space<vmem>>[vector<16xi32>, vector<16xi32>], vector<16xf32>,
        %mul3A_1137 = arith.mulf %mul3A_293, %gather3A_1136 : vector<16xf32>
        %add3A_1138 = arith.addf %add3A_1126, %mul3A_1137 : vector<16xf32>
        %mul3A_1139 = arith.mulf %mul3A_297, %gather3A_1136 : vector<16xf32>
        %add3A_1140 = arith.addf %add3A_1128, %mul3A_1139 : vector<16xf32>
        %mul3A_1141 = arith.mulf %mul3A_301, %gather3A_1136 : vector<16xf32>
        %add3A_1142 = arith.addf %add3A_1130, %mul3A_1141 : vector<16xf32>
        %mul3A_1143 = arith.mulf %mul3A_305, %gather3A_1136 : vector<16xf32>
        %add3A_1144 = arith.addf %add3A_1132, %mul3A_1143 : vector<16xf32>
        %add3A_1145 = arith.constant 64 : i32
        %add3A_1146 = vector.broadcast %add3A_1145 : i32 to vector<16xi32>
        %add3A_1147 = arith.addi %and3A_1088, %add3A_1146 : vector<16xi32>
        %gather3A_1148 = tpu.vector_load_idx %arg9[%select_n3A_241, %add3A_1147] : memref<320x128xf32, #tpu.memory_space<vmem>>[vector<16xi32>, vector<16xi32>], vector<16xf32>,
        %mul3A_1149 = arith.mulf %mul3A_309, %gather3A_1148 : vector<16xf32>
        %add3A_1150 = arith.addf %add3A_1138, %mul3A_1149 : vector<16xf32>
        %mul3A_1151 = arith.mulf %mul3A_313, %gather3A_1148 : vector<16xf32>
        %add3A_1152 = arith.addf %add3A_1140, %mul3A_1151 : vector<16xf32>
        %mul3A_1153 = arith.mulf %mul3A_317, %gather3A_1148 : vector<16xf32>
        %add3A_1154 = arith.addf %add3A_1142, %mul3A_1153 : vector<16xf32>
        %mul3A_1155 = arith.mulf %mul3A_321, %gather3A_1148 : vector<16xf32>
        %add3A_1156 = arith.addf %add3A_1144, %mul3A_1155 : vector<16xf32>
        %add3A_1157 = arith.constant 80 : i32
        %add3A_1158 = vector.broadcast %add3A_1157 : i32 to vector<16xi32>
        %add3A_1159 = arith.addi %and3A_1088, %add3A_1158 : vector<16xi32>
        %gather3A_1160 = tpu.vector_load_idx %arg9[%select_n3A_241, %add3A_1159] : memref<320x128xf32, #tpu.memory_space<vmem>>[vector<16xi32>, vector<16xi32>], vector<16xf32>,
        %mul3A_1161 = arith.mulf %mul3A_325, %gather3A_1160 : vector<16xf32>
        %add3A_1162 = arith.addf %add3A_1150, %mul3A_1161 : vector<16xf32>
        %mul3A_1163 = arith.mulf %mul3A_329, %gather3A_1160 : vector<16xf32>
        %add3A_1164 = arith.addf %add3A_1152, %mul3A_1163 : vector<16xf32>
        %mul3A_1165 = arith.mulf %mul3A_333, %gather3A_1160 : vector<16xf32>
        %add3A_1166 = arith.addf %add3A_1154, %mul3A_1165 : vector<16xf32>
        %mul3A_1167 = arith.mulf %mul3A_337, %gather3A_1160 : vector<16xf32>
        %add3A_1168 = arith.addf %add3A_1156, %mul3A_1167 : vector<16xf32>
        %add3A_1169 = arith.constant 96 : i32
        %add3A_1170 = vector.broadcast %add3A_1169 : i32 to vector<16xi32>
        %add3A_1171 = arith.addi %and3A_1088, %add3A_1170 : vector<16xi32>
        %gather3A_1172 = tpu.vector_load_idx %arg9[%select_n3A_241, %add3A_1171] : memref<320x128xf32, #tpu.memory_space<vmem>>[vector<16xi32>, vector<16xi32>], vector<16xf32>,
        %mul3A_1173 = arith.mulf %mul3A_341, %gather3A_1172 : vector<16xf32>
        %add3A_1174 = arith.addf %add3A_1162, %mul3A_1173 : vector<16xf32>
        %mul3A_1175 = arith.mulf %mul3A_345, %gather3A_1172 : vector<16xf32>
        %add3A_1176 = arith.addf %add3A_1164, %mul3A_1175 : vector<16xf32>
        %mul3A_1177 = arith.mulf %mul3A_349, %gather3A_1172 : vector<16xf32>
        %add3A_1178 = arith.addf %add3A_1166, %mul3A_1177 : vector<16xf32>
        %mul3A_1179 = arith.mulf %mul3A_353, %gather3A_1172 : vector<16xf32>
        %add3A_1180 = arith.addf %add3A_1168, %mul3A_1179 : vector<16xf32>
        %add3A_1181 = arith.constant 112 : i32
        %add3A_1182 = vector.broadcast %add3A_1181 : i32 to vector<16xi32>
        %add3A_1183 = arith.addi %and3A_1088, %add3A_1182 : vector<16xi32>
        %gather3A_1184 = tpu.vector_load_idx %arg9[%select_n3A_241, %add3A_1183] : memref<320x128xf32, #tpu.memory_space<vmem>>[vector<16xi32>, vector<16xi32>], vector<16xf32>,
        %mul3A_1185 = arith.mulf %mul3A_357, %gather3A_1184 : vector<16xf32>
        %add3A_1186 = arith.addf %add3A_1174, %mul3A_1185 : vector<16xf32>
        %mul3A_1187 = arith.mulf %mul3A_361, %gather3A_1184 : vector<16xf32>
        %add3A_1188 = arith.addf %add3A_1176, %mul3A_1187 : vector<16xf32>
        %mul3A_1189 = arith.mulf %mul3A_365, %gather3A_1184 : vector<16xf32>
        %add3A_1190 = arith.addf %add3A_1178, %mul3A_1189 : vector<16xf32>
        %mul3A_1191 = arith.mulf %mul3A_369, %gather3A_1184 : vector<16xf32>
        %add3A_1192 = arith.addf %add3A_1180, %mul3A_1191 : vector<16xf32>
        tpu.vector_store_idx %arg10[%add3A_229, %and3A_1088], %add3A_1186 : memref<256x64xf32, #tpu.memory_space<vmem>>[vector<16xi32>, vector<16xi32>], vector<16xf32>,
        %add3A_1193 = arith.constant 16 : i32
        %add3A_1194 = vector.broadcast %add3A_1193 : i32 to vector<16xi32>
        %add3A_1195 = arith.addi %and3A_1088, %add3A_1194 : vector<16xi32>
        tpu.vector_store_idx %arg10[%add3A_229, %add3A_1195], %add3A_1188 : memref<256x64xf32, #tpu.memory_space<vmem>>[vector<16xi32>, vector<16xi32>], vector<16xf32>,
        %add3A_1196 = arith.constant 32 : i32
        %add3A_1197 = vector.broadcast %add3A_1196 : i32 to vector<16xi32>
        %add3A_1198 = arith.addi %and3A_1088, %add3A_1197 : vector<16xi32>
        tpu.vector_store_idx %arg10[%add3A_229, %add3A_1198], %add3A_1190 : memref<256x64xf32, #tpu.memory_space<vmem>>[vector<16xi32>, vector<16xi32>], vector<16xf32>,
        %add3A_1199 = arith.constant 48 : i32
        %add3A_1200 = vector.broadcast %add3A_1199 : i32 to vector<16xi32>
        %add3A_1201 = arith.addi %and3A_1088, %add3A_1200 : vector<16xi32>
        tpu.vector_store_idx %arg10[%add3A_229, %add3A_1201], %add3A_1192 : memref<256x64xf32, #tpu.memory_space<vmem>>[vector<16xi32>, vector<16xi32>], vector<16xf32>,
        %add3A_1202 = arith.constant 7 : i32
        %add3A_1203 = vector.broadcast %add3A_1202 : i32 to vector<16xi32>
        %add3A_1204 = arith.addi %iota3A, %add3A_1203 : vector<16xi32>
        %and3A_1205 = arith.constant 15 : i32
        %and3A_1206 = vector.broadcast %and3A_1205 : i32 to vector<16xi32>
        %and3A_1207 = arith.andi %add3A_1204, %and3A_1206 : vector<16xi32>
        %broadcast_in_dim3A_1208 = arith.constant 0.000000e+00 : f32
        %broadcast_in_dim3A_1209 = vector.broadcast %broadcast_in_dim3A_1208 : f32 to vector<16xf32>
        %broadcast_in_dim3A_1210 = arith.constant 0.000000e+00 : f32
        %broadcast_in_dim3A_1211 = vector.broadcast %broadcast_in_dim3A_1210 : f32 to vector<16xf32>
        %broadcast_in_dim3A_1212 = arith.constant 0.000000e+00 : f32
        %broadcast_in_dim3A_1213 = vector.broadcast %broadcast_in_dim3A_1212 : f32 to vector<16xf32>
        %broadcast_in_dim3A_1214 = arith.constant 0.000000e+00 : f32
        %broadcast_in_dim3A_1215 = vector.broadcast %broadcast_in_dim3A_1214 : f32 to vector<16xf32>
        %add3A_1216 = arith.constant 0 : i32
        %add3A_1217 = vector.broadcast %add3A_1216 : i32 to vector<16xi32>
        %add3A_1218 = arith.addi %and3A_1207, %add3A_1217 : vector<16xi32>
        %gather3A_1219 = tpu.vector_load_idx %arg9[%select_n3A_241, %add3A_1218] : memref<320x128xf32, #tpu.memory_space<vmem>>[vector<16xi32>, vector<16xi32>], vector<16xf32>,
        %mul3A_1220 = arith.mulf %mul3A_245, %gather3A_1219 : vector<16xf32>
        %add3A_1221 = arith.addf %broadcast_in_dim3A_1209, %mul3A_1220 : vector<16xf32>
        %mul3A_1222 = arith.mulf %mul3A_249, %gather3A_1219 : vector<16xf32>
        %add3A_1223 = arith.addf %broadcast_in_dim3A_1211, %mul3A_1222 : vector<16xf32>
        %mul3A_1224 = arith.mulf %mul3A_253, %gather3A_1219 : vector<16xf32>
        %add3A_1225 = arith.addf %broadcast_in_dim3A_1213, %mul3A_1224 : vector<16xf32>
        %mul3A_1226 = arith.mulf %mul3A_257, %gather3A_1219 : vector<16xf32>
        %add3A_1227 = arith.addf %broadcast_in_dim3A_1215, %mul3A_1226 : vector<16xf32>
        %add3A_1228 = arith.constant 16 : i32
        %add3A_1229 = vector.broadcast %add3A_1228 : i32 to vector<16xi32>
        %add3A_1230 = arith.addi %and3A_1207, %add3A_1229 : vector<16xi32>
        %gather3A_1231 = tpu.vector_load_idx %arg9[%select_n3A_241, %add3A_1230] : memref<320x128xf32, #tpu.memory_space<vmem>>[vector<16xi32>, vector<16xi32>], vector<16xf32>,
        %mul3A_1232 = arith.mulf %mul3A_261, %gather3A_1231 : vector<16xf32>
        %add3A_1233 = arith.addf %add3A_1221, %mul3A_1232 : vector<16xf32>
        %mul3A_1234 = arith.mulf %mul3A_265, %gather3A_1231 : vector<16xf32>
        %add3A_1235 = arith.addf %add3A_1223, %mul3A_1234 : vector<16xf32>
        %mul3A_1236 = arith.mulf %mul3A_269, %gather3A_1231 : vector<16xf32>
        %add3A_1237 = arith.addf %add3A_1225, %mul3A_1236 : vector<16xf32>
        %mul3A_1238 = arith.mulf %mul3A_273, %gather3A_1231 : vector<16xf32>
        %add3A_1239 = arith.addf %add3A_1227, %mul3A_1238 : vector<16xf32>
        %add3A_1240 = arith.constant 32 : i32
        %add3A_1241 = vector.broadcast %add3A_1240 : i32 to vector<16xi32>
        %add3A_1242 = arith.addi %and3A_1207, %add3A_1241 : vector<16xi32>
        %gather3A_1243 = tpu.vector_load_idx %arg9[%select_n3A_241, %add3A_1242] : memref<320x128xf32, #tpu.memory_space<vmem>>[vector<16xi32>, vector<16xi32>], vector<16xf32>,
        %mul3A_1244 = arith.mulf %mul3A_277, %gather3A_1243 : vector<16xf32>
        %add3A_1245 = arith.addf %add3A_1233, %mul3A_1244 : vector<16xf32>
        %mul3A_1246 = arith.mulf %mul3A_281, %gather3A_1243 : vector<16xf32>
        %add3A_1247 = arith.addf %add3A_1235, %mul3A_1246 : vector<16xf32>
        %mul3A_1248 = arith.mulf %mul3A_285, %gather3A_1243 : vector<16xf32>
        %add3A_1249 = arith.addf %add3A_1237, %mul3A_1248 : vector<16xf32>
        %mul3A_1250 = arith.mulf %mul3A_289, %gather3A_1243 : vector<16xf32>
        %add3A_1251 = arith.addf %add3A_1239, %mul3A_1250 : vector<16xf32>
        %add3A_1252 = arith.constant 48 : i32
        %add3A_1253 = vector.broadcast %add3A_1252 : i32 to vector<16xi32>
        %add3A_1254 = arith.addi %and3A_1207, %add3A_1253 : vector<16xi32>
        %gather3A_1255 = tpu.vector_load_idx %arg9[%select_n3A_241, %add3A_1254] : memref<320x128xf32, #tpu.memory_space<vmem>>[vector<16xi32>, vector<16xi32>], vector<16xf32>,
        %mul3A_1256 = arith.mulf %mul3A_293, %gather3A_1255 : vector<16xf32>
        %add3A_1257 = arith.addf %add3A_1245, %mul3A_1256 : vector<16xf32>
        %mul3A_1258 = arith.mulf %mul3A_297, %gather3A_1255 : vector<16xf32>
        %add3A_1259 = arith.addf %add3A_1247, %mul3A_1258 : vector<16xf32>
        %mul3A_1260 = arith.mulf %mul3A_301, %gather3A_1255 : vector<16xf32>
        %add3A_1261 = arith.addf %add3A_1249, %mul3A_1260 : vector<16xf32>
        %mul3A_1262 = arith.mulf %mul3A_305, %gather3A_1255 : vector<16xf32>
        %add3A_1263 = arith.addf %add3A_1251, %mul3A_1262 : vector<16xf32>
        %add3A_1264 = arith.constant 64 : i32
        %add3A_1265 = vector.broadcast %add3A_1264 : i32 to vector<16xi32>
        %add3A_1266 = arith.addi %and3A_1207, %add3A_1265 : vector<16xi32>
        %gather3A_1267 = tpu.vector_load_idx %arg9[%select_n3A_241, %add3A_1266] : memref<320x128xf32, #tpu.memory_space<vmem>>[vector<16xi32>, vector<16xi32>], vector<16xf32>,
        %mul3A_1268 = arith.mulf %mul3A_309, %gather3A_1267 : vector<16xf32>
        %add3A_1269 = arith.addf %add3A_1257, %mul3A_1268 : vector<16xf32>
        %mul3A_1270 = arith.mulf %mul3A_313, %gather3A_1267 : vector<16xf32>
        %add3A_1271 = arith.addf %add3A_1259, %mul3A_1270 : vector<16xf32>
        %mul3A_1272 = arith.mulf %mul3A_317, %gather3A_1267 : vector<16xf32>
        %add3A_1273 = arith.addf %add3A_1261, %mul3A_1272 : vector<16xf32>
        %mul3A_1274 = arith.mulf %mul3A_321, %gather3A_1267 : vector<16xf32>
        %add3A_1275 = arith.addf %add3A_1263, %mul3A_1274 : vector<16xf32>
        %add3A_1276 = arith.constant 80 : i32
        %add3A_1277 = vector.broadcast %add3A_1276 : i32 to vector<16xi32>
        %add3A_1278 = arith.addi %and3A_1207, %add3A_1277 : vector<16xi32>
        %gather3A_1279 = tpu.vector_load_idx %arg9[%select_n3A_241, %add3A_1278] : memref<320x128xf32, #tpu.memory_space<vmem>>[vector<16xi32>, vector<16xi32>], vector<16xf32>,
        %mul3A_1280 = arith.mulf %mul3A_325, %gather3A_1279 : vector<16xf32>
        %add3A_1281 = arith.addf %add3A_1269, %mul3A_1280 : vector<16xf32>
        %mul3A_1282 = arith.mulf %mul3A_329, %gather3A_1279 : vector<16xf32>
        %add3A_1283 = arith.addf %add3A_1271, %mul3A_1282 : vector<16xf32>
        %mul3A_1284 = arith.mulf %mul3A_333, %gather3A_1279 : vector<16xf32>
        %add3A_1285 = arith.addf %add3A_1273, %mul3A_1284 : vector<16xf32>
        %mul3A_1286 = arith.mulf %mul3A_337, %gather3A_1279 : vector<16xf32>
        %add3A_1287 = arith.addf %add3A_1275, %mul3A_1286 : vector<16xf32>
        %add3A_1288 = arith.constant 96 : i32
        %add3A_1289 = vector.broadcast %add3A_1288 : i32 to vector<16xi32>
        %add3A_1290 = arith.addi %and3A_1207, %add3A_1289 : vector<16xi32>
        %gather3A_1291 = tpu.vector_load_idx %arg9[%select_n3A_241, %add3A_1290] : memref<320x128xf32, #tpu.memory_space<vmem>>[vector<16xi32>, vector<16xi32>], vector<16xf32>,
        %mul3A_1292 = arith.mulf %mul3A_341, %gather3A_1291 : vector<16xf32>
        %add3A_1293 = arith.addf %add3A_1281, %mul3A_1292 : vector<16xf32>
        %mul3A_1294 = arith.mulf %mul3A_345, %gather3A_1291 : vector<16xf32>
        %add3A_1295 = arith.addf %add3A_1283, %mul3A_1294 : vector<16xf32>
        %mul3A_1296 = arith.mulf %mul3A_349, %gather3A_1291 : vector<16xf32>
        %add3A_1297 = arith.addf %add3A_1285, %mul3A_1296 : vector<16xf32>
        %mul3A_1298 = arith.mulf %mul3A_353, %gather3A_1291 : vector<16xf32>
        %add3A_1299 = arith.addf %add3A_1287, %mul3A_1298 : vector<16xf32>
        %add3A_1300 = arith.constant 112 : i32
        %add3A_1301 = vector.broadcast %add3A_1300 : i32 to vector<16xi32>
        %add3A_1302 = arith.addi %and3A_1207, %add3A_1301 : vector<16xi32>
        %gather3A_1303 = tpu.vector_load_idx %arg9[%select_n3A_241, %add3A_1302] : memref<320x128xf32, #tpu.memory_space<vmem>>[vector<16xi32>, vector<16xi32>], vector<16xf32>,
        %mul3A_1304 = arith.mulf %mul3A_357, %gather3A_1303 : vector<16xf32>
        %add3A_1305 = arith.addf %add3A_1293, %mul3A_1304 : vector<16xf32>
        %mul3A_1306 = arith.mulf %mul3A_361, %gather3A_1303 : vector<16xf32>
        %add3A_1307 = arith.addf %add3A_1295, %mul3A_1306 : vector<16xf32>
        %mul3A_1308 = arith.mulf %mul3A_365, %gather3A_1303 : vector<16xf32>
        %add3A_1309 = arith.addf %add3A_1297, %mul3A_1308 : vector<16xf32>
        %mul3A_1310 = arith.mulf %mul3A_369, %gather3A_1303 : vector<16xf32>
        %add3A_1311 = arith.addf %add3A_1299, %mul3A_1310 : vector<16xf32>
        tpu.vector_store_idx %arg10[%add3A_229, %and3A_1207], %add3A_1305 : memref<256x64xf32, #tpu.memory_space<vmem>>[vector<16xi32>, vector<16xi32>], vector<16xf32>,
        %add3A_1312 = arith.constant 16 : i32
        %add3A_1313 = vector.broadcast %add3A_1312 : i32 to vector<16xi32>
        %add3A_1314 = arith.addi %and3A_1207, %add3A_1313 : vector<16xi32>
        tpu.vector_store_idx %arg10[%add3A_229, %add3A_1314], %add3A_1307 : memref<256x64xf32, #tpu.memory_space<vmem>>[vector<16xi32>, vector<16xi32>], vector<16xf32>,
        %add3A_1315 = arith.constant 32 : i32
        %add3A_1316 = vector.broadcast %add3A_1315 : i32 to vector<16xi32>
        %add3A_1317 = arith.addi %and3A_1207, %add3A_1316 : vector<16xi32>
        tpu.vector_store_idx %arg10[%add3A_229, %add3A_1317], %add3A_1309 : memref<256x64xf32, #tpu.memory_space<vmem>>[vector<16xi32>, vector<16xi32>], vector<16xf32>,
        %add3A_1318 = arith.constant 48 : i32
        %add3A_1319 = vector.broadcast %add3A_1318 : i32 to vector<16xi32>
        %add3A_1320 = arith.addi %and3A_1207, %add3A_1319 : vector<16xi32>
        tpu.vector_store_idx %arg10[%add3A_229, %add3A_1320], %add3A_1311 : memref<256x64xf32, #tpu.memory_space<vmem>>[vector<16xi32>, vector<16xi32>], vector<16xf32>,
        %add3A_1321 = arith.constant 8 : i32
        %add3A_1322 = vector.broadcast %add3A_1321 : i32 to vector<16xi32>
        %add3A_1323 = arith.addi %iota3A, %add3A_1322 : vector<16xi32>
        %and3A_1324 = arith.constant 15 : i32
        %and3A_1325 = vector.broadcast %and3A_1324 : i32 to vector<16xi32>
        %and3A_1326 = arith.andi %add3A_1323, %and3A_1325 : vector<16xi32>
        %broadcast_in_dim3A_1327 = arith.constant 0.000000e+00 : f32
        %broadcast_in_dim3A_1328 = vector.broadcast %broadcast_in_dim3A_1327 : f32 to vector<16xf32>
        %broadcast_in_dim3A_1329 = arith.constant 0.000000e+00 : f32
        %broadcast_in_dim3A_1330 = vector.broadcast %broadcast_in_dim3A_1329 : f32 to vector<16xf32>
        %broadcast_in_dim3A_1331 = arith.constant 0.000000e+00 : f32
        %broadcast_in_dim3A_1332 = vector.broadcast %broadcast_in_dim3A_1331 : f32 to vector<16xf32>
        %broadcast_in_dim3A_1333 = arith.constant 0.000000e+00 : f32
        %broadcast_in_dim3A_1334 = vector.broadcast %broadcast_in_dim3A_1333 : f32 to vector<16xf32>
        %add3A_1335 = arith.constant 0 : i32
        %add3A_1336 = vector.broadcast %add3A_1335 : i32 to vector<16xi32>
        %add3A_1337 = arith.addi %and3A_1326, %add3A_1336 : vector<16xi32>
        %gather3A_1338 = tpu.vector_load_idx %arg9[%select_n3A_241, %add3A_1337] : memref<320x128xf32, #tpu.memory_space<vmem>>[vector<16xi32>, vector<16xi32>], vector<16xf32>,
        %mul3A_1339 = arith.mulf %mul3A_245, %gather3A_1338 : vector<16xf32>
        %add3A_1340 = arith.addf %broadcast_in_dim3A_1328, %mul3A_1339 : vector<16xf32>
        %mul3A_1341 = arith.mulf %mul3A_249, %gather3A_1338 : vector<16xf32>
        %add3A_1342 = arith.addf %broadcast_in_dim3A_1330, %mul3A_1341 : vector<16xf32>
        %mul3A_1343 = arith.mulf %mul3A_253, %gather3A_1338 : vector<16xf32>
        %add3A_1344 = arith.addf %broadcast_in_dim3A_1332, %mul3A_1343 : vector<16xf32>
        %mul3A_1345 = arith.mulf %mul3A_257, %gather3A_1338 : vector<16xf32>
        %add3A_1346 = arith.addf %broadcast_in_dim3A_1334, %mul3A_1345 : vector<16xf32>
        %add3A_1347 = arith.constant 16 : i32
        %add3A_1348 = vector.broadcast %add3A_1347 : i32 to vector<16xi32>
        %add3A_1349 = arith.addi %and3A_1326, %add3A_1348 : vector<16xi32>
        %gather3A_1350 = tpu.vector_load_idx %arg9[%select_n3A_241, %add3A_1349] : memref<320x128xf32, #tpu.memory_space<vmem>>[vector<16xi32>, vector<16xi32>], vector<16xf32>,
        %mul3A_1351 = arith.mulf %mul3A_261, %gather3A_1350 : vector<16xf32>
        %add3A_1352 = arith.addf %add3A_1340, %mul3A_1351 : vector<16xf32>
        %mul3A_1353 = arith.mulf %mul3A_265, %gather3A_1350 : vector<16xf32>
        %add3A_1354 = arith.addf %add3A_1342, %mul3A_1353 : vector<16xf32>
        %mul3A_1355 = arith.mulf %mul3A_269, %gather3A_1350 : vector<16xf32>
        %add3A_1356 = arith.addf %add3A_1344, %mul3A_1355 : vector<16xf32>
        %mul3A_1357 = arith.mulf %mul3A_273, %gather3A_1350 : vector<16xf32>
        %add3A_1358 = arith.addf %add3A_1346, %mul3A_1357 : vector<16xf32>
        %add3A_1359 = arith.constant 32 : i32
        %add3A_1360 = vector.broadcast %add3A_1359 : i32 to vector<16xi32>
        %add3A_1361 = arith.addi %and3A_1326, %add3A_1360 : vector<16xi32>
        %gather3A_1362 = tpu.vector_load_idx %arg9[%select_n3A_241, %add3A_1361] : memref<320x128xf32, #tpu.memory_space<vmem>>[vector<16xi32>, vector<16xi32>], vector<16xf32>,
        %mul3A_1363 = arith.mulf %mul3A_277, %gather3A_1362 : vector<16xf32>
        %add3A_1364 = arith.addf %add3A_1352, %mul3A_1363 : vector<16xf32>
        %mul3A_1365 = arith.mulf %mul3A_281, %gather3A_1362 : vector<16xf32>
        %add3A_1366 = arith.addf %add3A_1354, %mul3A_1365 : vector<16xf32>
        %mul3A_1367 = arith.mulf %mul3A_285, %gather3A_1362 : vector<16xf32>
        %add3A_1368 = arith.addf %add3A_1356, %mul3A_1367 : vector<16xf32>
        %mul3A_1369 = arith.mulf %mul3A_289, %gather3A_1362 : vector<16xf32>
        %add3A_1370 = arith.addf %add3A_1358, %mul3A_1369 : vector<16xf32>
        %add3A_1371 = arith.constant 48 : i32
        %add3A_1372 = vector.broadcast %add3A_1371 : i32 to vector<16xi32>
        %add3A_1373 = arith.addi %and3A_1326, %add3A_1372 : vector<16xi32>
        %gather3A_1374 = tpu.vector_load_idx %arg9[%select_n3A_241, %add3A_1373] : memref<320x128xf32, #tpu.memory_space<vmem>>[vector<16xi32>, vector<16xi32>], vector<16xf32>,
        %mul3A_1375 = arith.mulf %mul3A_293, %gather3A_1374 : vector<16xf32>
        %add3A_1376 = arith.addf %add3A_1364, %mul3A_1375 : vector<16xf32>
        %mul3A_1377 = arith.mulf %mul3A_297, %gather3A_1374 : vector<16xf32>
        %add3A_1378 = arith.addf %add3A_1366, %mul3A_1377 : vector<16xf32>
        %mul3A_1379 = arith.mulf %mul3A_301, %gather3A_1374 : vector<16xf32>
        %add3A_1380 = arith.addf %add3A_1368, %mul3A_1379 : vector<16xf32>
        %mul3A_1381 = arith.mulf %mul3A_305, %gather3A_1374 : vector<16xf32>
        %add3A_1382 = arith.addf %add3A_1370, %mul3A_1381 : vector<16xf32>
        %add3A_1383 = arith.constant 64 : i32
        %add3A_1384 = vector.broadcast %add3A_1383 : i32 to vector<16xi32>
        %add3A_1385 = arith.addi %and3A_1326, %add3A_1384 : vector<16xi32>
        %gather3A_1386 = tpu.vector_load_idx %arg9[%select_n3A_241, %add3A_1385] : memref<320x128xf32, #tpu.memory_space<vmem>>[vector<16xi32>, vector<16xi32>], vector<16xf32>,
        %mul3A_1387 = arith.mulf %mul3A_309, %gather3A_1386 : vector<16xf32>
        %add3A_1388 = arith.addf %add3A_1376, %mul3A_1387 : vector<16xf32>
        %mul3A_1389 = arith.mulf %mul3A_313, %gather3A_1386 : vector<16xf32>
        %add3A_1390 = arith.addf %add3A_1378, %mul3A_1389 : vector<16xf32>
        %mul3A_1391 = arith.mulf %mul3A_317, %gather3A_1386 : vector<16xf32>
        %add3A_1392 = arith.addf %add3A_1380, %mul3A_1391 : vector<16xf32>
        %mul3A_1393 = arith.mulf %mul3A_321, %gather3A_1386 : vector<16xf32>
        %add3A_1394 = arith.addf %add3A_1382, %mul3A_1393 : vector<16xf32>
        %add3A_1395 = arith.constant 80 : i32
        %add3A_1396 = vector.broadcast %add3A_1395 : i32 to vector<16xi32>
        %add3A_1397 = arith.addi %and3A_1326, %add3A_1396 : vector<16xi32>
        %gather3A_1398 = tpu.vector_load_idx %arg9[%select_n3A_241, %add3A_1397] : memref<320x128xf32, #tpu.memory_space<vmem>>[vector<16xi32>, vector<16xi32>], vector<16xf32>,
        %mul3A_1399 = arith.mulf %mul3A_325, %gather3A_1398 : vector<16xf32>
        %add3A_1400 = arith.addf %add3A_1388, %mul3A_1399 : vector<16xf32>
        %mul3A_1401 = arith.mulf %mul3A_329, %gather3A_1398 : vector<16xf32>
        %add3A_1402 = arith.addf %add3A_1390, %mul3A_1401 : vector<16xf32>
        %mul3A_1403 = arith.mulf %mul3A_333, %gather3A_1398 : vector<16xf32>
        %add3A_1404 = arith.addf %add3A_1392, %mul3A_1403 : vector<16xf32>
        %mul3A_1405 = arith.mulf %mul3A_337, %gather3A_1398 : vector<16xf32>
        %add3A_1406 = arith.addf %add3A_1394, %mul3A_1405 : vector<16xf32>
        %add3A_1407 = arith.constant 96 : i32
        %add3A_1408 = vector.broadcast %add3A_1407 : i32 to vector<16xi32>
        %add3A_1409 = arith.addi %and3A_1326, %add3A_1408 : vector<16xi32>
        %gather3A_1410 = tpu.vector_load_idx %arg9[%select_n3A_241, %add3A_1409] : memref<320x128xf32, #tpu.memory_space<vmem>>[vector<16xi32>, vector<16xi32>], vector<16xf32>,
        %mul3A_1411 = arith.mulf %mul3A_341, %gather3A_1410 : vector<16xf32>
        %add3A_1412 = arith.addf %add3A_1400, %mul3A_1411 : vector<16xf32>
        %mul3A_1413 = arith.mulf %mul3A_345, %gather3A_1410 : vector<16xf32>
        %add3A_1414 = arith.addf %add3A_1402, %mul3A_1413 : vector<16xf32>
        %mul3A_1415 = arith.mulf %mul3A_349, %gather3A_1410 : vector<16xf32>
        %add3A_1416 = arith.addf %add3A_1404, %mul3A_1415 : vector<16xf32>
        %mul3A_1417 = arith.mulf %mul3A_353, %gather3A_1410 : vector<16xf32>
        %add3A_1418 = arith.addf %add3A_1406, %mul3A_1417 : vector<16xf32>
        %add3A_1419 = arith.constant 112 : i32
        %add3A_1420 = vector.broadcast %add3A_1419 : i32 to vector<16xi32>
        %add3A_1421 = arith.addi %and3A_1326, %add3A_1420 : vector<16xi32>
        %gather3A_1422 = tpu.vector_load_idx %arg9[%select_n3A_241, %add3A_1421] : memref<320x128xf32, #tpu.memory_space<vmem>>[vector<16xi32>, vector<16xi32>], vector<16xf32>,
        %mul3A_1423 = arith.mulf %mul3A_357, %gather3A_1422 : vector<16xf32>
        %add3A_1424 = arith.addf %add3A_1412, %mul3A_1423 : vector<16xf32>
        %mul3A_1425 = arith.mulf %mul3A_361, %gather3A_1422 : vector<16xf32>
        %add3A_1426 = arith.addf %add3A_1414, %mul3A_1425 : vector<16xf32>
        %mul3A_1427 = arith.mulf %mul3A_365, %gather3A_1422 : vector<16xf32>
        %add3A_1428 = arith.addf %add3A_1416, %mul3A_1427 : vector<16xf32>
        %mul3A_1429 = arith.mulf %mul3A_369, %gather3A_1422 : vector<16xf32>
        %add3A_1430 = arith.addf %add3A_1418, %mul3A_1429 : vector<16xf32>
        tpu.vector_store_idx %arg10[%add3A_229, %and3A_1326], %add3A_1424 : memref<256x64xf32, #tpu.memory_space<vmem>>[vector<16xi32>, vector<16xi32>], vector<16xf32>,
        %add3A_1431 = arith.constant 16 : i32
        %add3A_1432 = vector.broadcast %add3A_1431 : i32 to vector<16xi32>
        %add3A_1433 = arith.addi %and3A_1326, %add3A_1432 : vector<16xi32>
        tpu.vector_store_idx %arg10[%add3A_229, %add3A_1433], %add3A_1426 : memref<256x64xf32, #tpu.memory_space<vmem>>[vector<16xi32>, vector<16xi32>], vector<16xf32>,
        %add3A_1434 = arith.constant 32 : i32
        %add3A_1435 = vector.broadcast %add3A_1434 : i32 to vector<16xi32>
        %add3A_1436 = arith.addi %and3A_1326, %add3A_1435 : vector<16xi32>
        tpu.vector_store_idx %arg10[%add3A_229, %add3A_1436], %add3A_1428 : memref<256x64xf32, #tpu.memory_space<vmem>>[vector<16xi32>, vector<16xi32>], vector<16xf32>,
        %add3A_1437 = arith.constant 48 : i32
        %add3A_1438 = vector.broadcast %add3A_1437 : i32 to vector<16xi32>
        %add3A_1439 = arith.addi %and3A_1326, %add3A_1438 : vector<16xi32>
        tpu.vector_store_idx %arg10[%add3A_229, %add3A_1439], %add3A_1430 : memref<256x64xf32, #tpu.memory_space<vmem>>[vector<16xi32>, vector<16xi32>], vector<16xf32>,
        %add3A_1440 = arith.constant 9 : i32
        %add3A_1441 = vector.broadcast %add3A_1440 : i32 to vector<16xi32>
        %add3A_1442 = arith.addi %iota3A, %add3A_1441 : vector<16xi32>
        %and3A_1443 = arith.constant 15 : i32
        %and3A_1444 = vector.broadcast %and3A_1443 : i32 to vector<16xi32>
        %and3A_1445 = arith.andi %add3A_1442, %and3A_1444 : vector<16xi32>
        %broadcast_in_dim3A_1446 = arith.constant 0.000000e+00 : f32
        %broadcast_in_dim3A_1447 = vector.broadcast %broadcast_in_dim3A_1446 : f32 to vector<16xf32>
        %broadcast_in_dim3A_1448 = arith.constant 0.000000e+00 : f32
        %broadcast_in_dim3A_1449 = vector.broadcast %broadcast_in_dim3A_1448 : f32 to vector<16xf32>
        %broadcast_in_dim3A_1450 = arith.constant 0.000000e+00 : f32
        %broadcast_in_dim3A_1451 = vector.broadcast %broadcast_in_dim3A_1450 : f32 to vector<16xf32>
        %broadcast_in_dim3A_1452 = arith.constant 0.000000e+00 : f32
        %broadcast_in_dim3A_1453 = vector.broadcast %broadcast_in_dim3A_1452 : f32 to vector<16xf32>
        %add3A_1454 = arith.constant 0 : i32
        %add3A_1455 = vector.broadcast %add3A_1454 : i32 to vector<16xi32>
        %add3A_1456 = arith.addi %and3A_1445, %add3A_1455 : vector<16xi32>
        %gather3A_1457 = tpu.vector_load_idx %arg9[%select_n3A_241, %add3A_1456] : memref<320x128xf32, #tpu.memory_space<vmem>>[vector<16xi32>, vector<16xi32>], vector<16xf32>,
        %mul3A_1458 = arith.mulf %mul3A_245, %gather3A_1457 : vector<16xf32>
        %add3A_1459 = arith.addf %broadcast_in_dim3A_1447, %mul3A_1458 : vector<16xf32>
        %mul3A_1460 = arith.mulf %mul3A_249, %gather3A_1457 : vector<16xf32>
        %add3A_1461 = arith.addf %broadcast_in_dim3A_1449, %mul3A_1460 : vector<16xf32>
        %mul3A_1462 = arith.mulf %mul3A_253, %gather3A_1457 : vector<16xf32>
        %add3A_1463 = arith.addf %broadcast_in_dim3A_1451, %mul3A_1462 : vector<16xf32>
        %mul3A_1464 = arith.mulf %mul3A_257, %gather3A_1457 : vector<16xf32>
        %add3A_1465 = arith.addf %broadcast_in_dim3A_1453, %mul3A_1464 : vector<16xf32>
        %add3A_1466 = arith.constant 16 : i32
        %add3A_1467 = vector.broadcast %add3A_1466 : i32 to vector<16xi32>
        %add3A_1468 = arith.addi %and3A_1445, %add3A_1467 : vector<16xi32>
        %gather3A_1469 = tpu.vector_load_idx %arg9[%select_n3A_241, %add3A_1468] : memref<320x128xf32, #tpu.memory_space<vmem>>[vector<16xi32>, vector<16xi32>], vector<16xf32>,
        %mul3A_1470 = arith.mulf %mul3A_261, %gather3A_1469 : vector<16xf32>
        %add3A_1471 = arith.addf %add3A_1459, %mul3A_1470 : vector<16xf32>
        %mul3A_1472 = arith.mulf %mul3A_265, %gather3A_1469 : vector<16xf32>
        %add3A_1473 = arith.addf %add3A_1461, %mul3A_1472 : vector<16xf32>
        %mul3A_1474 = arith.mulf %mul3A_269, %gather3A_1469 : vector<16xf32>
        %add3A_1475 = arith.addf %add3A_1463, %mul3A_1474 : vector<16xf32>
        %mul3A_1476 = arith.mulf %mul3A_273, %gather3A_1469 : vector<16xf32>
        %add3A_1477 = arith.addf %add3A_1465, %mul3A_1476 : vector<16xf32>
        %add3A_1478 = arith.constant 32 : i32
        %add3A_1479 = vector.broadcast %add3A_1478 : i32 to vector<16xi32>
        %add3A_1480 = arith.addi %and3A_1445, %add3A_1479 : vector<16xi32>
        %gather3A_1481 = tpu.vector_load_idx %arg9[%select_n3A_241, %add3A_1480] : memref<320x128xf32, #tpu.memory_space<vmem>>[vector<16xi32>, vector<16xi32>], vector<16xf32>,
        %mul3A_1482 = arith.mulf %mul3A_277, %gather3A_1481 : vector<16xf32>
        %add3A_1483 = arith.addf %add3A_1471, %mul3A_1482 : vector<16xf32>
        %mul3A_1484 = arith.mulf %mul3A_281, %gather3A_1481 : vector<16xf32>
        %add3A_1485 = arith.addf %add3A_1473, %mul3A_1484 : vector<16xf32>
        %mul3A_1486 = arith.mulf %mul3A_285, %gather3A_1481 : vector<16xf32>
        %add3A_1487 = arith.addf %add3A_1475, %mul3A_1486 : vector<16xf32>
        %mul3A_1488 = arith.mulf %mul3A_289, %gather3A_1481 : vector<16xf32>
        %add3A_1489 = arith.addf %add3A_1477, %mul3A_1488 : vector<16xf32>
        %add3A_1490 = arith.constant 48 : i32
        %add3A_1491 = vector.broadcast %add3A_1490 : i32 to vector<16xi32>
        %add3A_1492 = arith.addi %and3A_1445, %add3A_1491 : vector<16xi32>
        %gather3A_1493 = tpu.vector_load_idx %arg9[%select_n3A_241, %add3A_1492] : memref<320x128xf32, #tpu.memory_space<vmem>>[vector<16xi32>, vector<16xi32>], vector<16xf32>,
        %mul3A_1494 = arith.mulf %mul3A_293, %gather3A_1493 : vector<16xf32>
        %add3A_1495 = arith.addf %add3A_1483, %mul3A_1494 : vector<16xf32>
        %mul3A_1496 = arith.mulf %mul3A_297, %gather3A_1493 : vector<16xf32>
        %add3A_1497 = arith.addf %add3A_1485, %mul3A_1496 : vector<16xf32>
        %mul3A_1498 = arith.mulf %mul3A_301, %gather3A_1493 : vector<16xf32>
        %add3A_1499 = arith.addf %add3A_1487, %mul3A_1498 : vector<16xf32>
        %mul3A_1500 = arith.mulf %mul3A_305, %gather3A_1493 : vector<16xf32>
        %add3A_1501 = arith.addf %add3A_1489, %mul3A_1500 : vector<16xf32>
        %add3A_1502 = arith.constant 64 : i32
        %add3A_1503 = vector.broadcast %add3A_1502 : i32 to vector<16xi32>
        %add3A_1504 = arith.addi %and3A_1445, %add3A_1503 : vector<16xi32>
        %gather3A_1505 = tpu.vector_load_idx %arg9[%select_n3A_241, %add3A_1504] : memref<320x128xf32, #tpu.memory_space<vmem>>[vector<16xi32>, vector<16xi32>], vector<16xf32>,
        %mul3A_1506 = arith.mulf %mul3A_309, %gather3A_1505 : vector<16xf32>
        %add3A_1507 = arith.addf %add3A_1495, %mul3A_1506 : vector<16xf32>
        %mul3A_1508 = arith.mulf %mul3A_313, %gather3A_1505 : vector<16xf32>
        %add3A_1509 = arith.addf %add3A_1497, %mul3A_1508 : vector<16xf32>
        %mul3A_1510 = arith.mulf %mul3A_317, %gather3A_1505 : vector<16xf32>
        %add3A_1511 = arith.addf %add3A_1499, %mul3A_1510 : vector<16xf32>
        %mul3A_1512 = arith.mulf %mul3A_321, %gather3A_1505 : vector<16xf32>
        %add3A_1513 = arith.addf %add3A_1501, %mul3A_1512 : vector<16xf32>
        %add3A_1514 = arith.constant 80 : i32
        %add3A_1515 = vector.broadcast %add3A_1514 : i32 to vector<16xi32>
        %add3A_1516 = arith.addi %and3A_1445, %add3A_1515 : vector<16xi32>
        %gather3A_1517 = tpu.vector_load_idx %arg9[%select_n3A_241, %add3A_1516] : memref<320x128xf32, #tpu.memory_space<vmem>>[vector<16xi32>, vector<16xi32>], vector<16xf32>,
        %mul3A_1518 = arith.mulf %mul3A_325, %gather3A_1517 : vector<16xf32>
        %add3A_1519 = arith.addf %add3A_1507, %mul3A_1518 : vector<16xf32>
        %mul3A_1520 = arith.mulf %mul3A_329, %gather3A_1517 : vector<16xf32>
        %add3A_1521 = arith.addf %add3A_1509, %mul3A_1520 : vector<16xf32>
        %mul3A_1522 = arith.mulf %mul3A_333, %gather3A_1517 : vector<16xf32>
        %add3A_1523 = arith.addf %add3A_1511, %mul3A_1522 : vector<16xf32>
        %mul3A_1524 = arith.mulf %mul3A_337, %gather3A_1517 : vector<16xf32>
        %add3A_1525 = arith.addf %add3A_1513, %mul3A_1524 : vector<16xf32>
        %add3A_1526 = arith.constant 96 : i32
        %add3A_1527 = vector.broadcast %add3A_1526 : i32 to vector<16xi32>
        %add3A_1528 = arith.addi %and3A_1445, %add3A_1527 : vector<16xi32>
        %gather3A_1529 = tpu.vector_load_idx %arg9[%select_n3A_241, %add3A_1528] : memref<320x128xf32, #tpu.memory_space<vmem>>[vector<16xi32>, vector<16xi32>], vector<16xf32>,
        %mul3A_1530 = arith.mulf %mul3A_341, %gather3A_1529 : vector<16xf32>
        %add3A_1531 = arith.addf %add3A_1519, %mul3A_1530 : vector<16xf32>
        %mul3A_1532 = arith.mulf %mul3A_345, %gather3A_1529 : vector<16xf32>
        %add3A_1533 = arith.addf %add3A_1521, %mul3A_1532 : vector<16xf32>
        %mul3A_1534 = arith.mulf %mul3A_349, %gather3A_1529 : vector<16xf32>
        %add3A_1535 = arith.addf %add3A_1523, %mul3A_1534 : vector<16xf32>
        %mul3A_1536 = arith.mulf %mul3A_353, %gather3A_1529 : vector<16xf32>
        %add3A_1537 = arith.addf %add3A_1525, %mul3A_1536 : vector<16xf32>
        %add3A_1538 = arith.constant 112 : i32
        %add3A_1539 = vector.broadcast %add3A_1538 : i32 to vector<16xi32>
        %add3A_1540 = arith.addi %and3A_1445, %add3A_1539 : vector<16xi32>
        %gather3A_1541 = tpu.vector_load_idx %arg9[%select_n3A_241, %add3A_1540] : memref<320x128xf32, #tpu.memory_space<vmem>>[vector<16xi32>, vector<16xi32>], vector<16xf32>,
        %mul3A_1542 = arith.mulf %mul3A_357, %gather3A_1541 : vector<16xf32>
        %add3A_1543 = arith.addf %add3A_1531, %mul3A_1542 : vector<16xf32>
        %mul3A_1544 = arith.mulf %mul3A_361, %gather3A_1541 : vector<16xf32>
        %add3A_1545 = arith.addf %add3A_1533, %mul3A_1544 : vector<16xf32>
        %mul3A_1546 = arith.mulf %mul3A_365, %gather3A_1541 : vector<16xf32>
        %add3A_1547 = arith.addf %add3A_1535, %mul3A_1546 : vector<16xf32>
        %mul3A_1548 = arith.mulf %mul3A_369, %gather3A_1541 : vector<16xf32>
        %add3A_1549 = arith.addf %add3A_1537, %mul3A_1548 : vector<16xf32>
        tpu.vector_store_idx %arg10[%add3A_229, %and3A_1445], %add3A_1543 : memref<256x64xf32, #tpu.memory_space<vmem>>[vector<16xi32>, vector<16xi32>], vector<16xf32>,
        %add3A_1550 = arith.constant 16 : i32
        %add3A_1551 = vector.broadcast %add3A_1550 : i32 to vector<16xi32>
        %add3A_1552 = arith.addi %and3A_1445, %add3A_1551 : vector<16xi32>
        tpu.vector_store_idx %arg10[%add3A_229, %add3A_1552], %add3A_1545 : memref<256x64xf32, #tpu.memory_space<vmem>>[vector<16xi32>, vector<16xi32>], vector<16xf32>,
        %add3A_1553 = arith.constant 32 : i32
        %add3A_1554 = vector.broadcast %add3A_1553 : i32 to vector<16xi32>
        %add3A_1555 = arith.addi %and3A_1445, %add3A_1554 : vector<16xi32>
        tpu.vector_store_idx %arg10[%add3A_229, %add3A_1555], %add3A_1547 : memref<256x64xf32, #tpu.memory_space<vmem>>[vector<16xi32>, vector<16xi32>], vector<16xf32>,
        %add3A_1556 = arith.constant 48 : i32
        %add3A_1557 = vector.broadcast %add3A_1556 : i32 to vector<16xi32>
        %add3A_1558 = arith.addi %and3A_1445, %add3A_1557 : vector<16xi32>
        tpu.vector_store_idx %arg10[%add3A_229, %add3A_1558], %add3A_1549 : memref<256x64xf32, #tpu.memory_space<vmem>>[vector<16xi32>, vector<16xi32>], vector<16xf32>,
        %add3A_1559 = arith.constant 10 : i32
        %add3A_1560 = vector.broadcast %add3A_1559 : i32 to vector<16xi32>
        %add3A_1561 = arith.addi %iota3A, %add3A_1560 : vector<16xi32>
        %and3A_1562 = arith.constant 15 : i32
        %and3A_1563 = vector.broadcast %and3A_1562 : i32 to vector<16xi32>
        %and3A_1564 = arith.andi %add3A_1561, %and3A_1563 : vector<16xi32>
        %broadcast_in_dim3A_1565 = arith.constant 0.000000e+00 : f32
        %broadcast_in_dim3A_1566 = vector.broadcast %broadcast_in_dim3A_1565 : f32 to vector<16xf32>
        %broadcast_in_dim3A_1567 = arith.constant 0.000000e+00 : f32
        %broadcast_in_dim3A_1568 = vector.broadcast %broadcast_in_dim3A_1567 : f32 to vector<16xf32>
        %broadcast_in_dim3A_1569 = arith.constant 0.000000e+00 : f32
        %broadcast_in_dim3A_1570 = vector.broadcast %broadcast_in_dim3A_1569 : f32 to vector<16xf32>
        %broadcast_in_dim3A_1571 = arith.constant 0.000000e+00 : f32
        %broadcast_in_dim3A_1572 = vector.broadcast %broadcast_in_dim3A_1571 : f32 to vector<16xf32>
        %add3A_1573 = arith.constant 0 : i32
        %add3A_1574 = vector.broadcast %add3A_1573 : i32 to vector<16xi32>
        %add3A_1575 = arith.addi %and3A_1564, %add3A_1574 : vector<16xi32>
        %gather3A_1576 = tpu.vector_load_idx %arg9[%select_n3A_241, %add3A_1575] : memref<320x128xf32, #tpu.memory_space<vmem>>[vector<16xi32>, vector<16xi32>], vector<16xf32>,
        %mul3A_1577 = arith.mulf %mul3A_245, %gather3A_1576 : vector<16xf32>
        %add3A_1578 = arith.addf %broadcast_in_dim3A_1566, %mul3A_1577 : vector<16xf32>
        %mul3A_1579 = arith.mulf %mul3A_249, %gather3A_1576 : vector<16xf32>
        %add3A_1580 = arith.addf %broadcast_in_dim3A_1568, %mul3A_1579 : vector<16xf32>
        %mul3A_1581 = arith.mulf %mul3A_253, %gather3A_1576 : vector<16xf32>
        %add3A_1582 = arith.addf %broadcast_in_dim3A_1570, %mul3A_1581 : vector<16xf32>
        %mul3A_1583 = arith.mulf %mul3A_257, %gather3A_1576 : vector<16xf32>
        %add3A_1584 = arith.addf %broadcast_in_dim3A_1572, %mul3A_1583 : vector<16xf32>
        %add3A_1585 = arith.constant 16 : i32
        %add3A_1586 = vector.broadcast %add3A_1585 : i32 to vector<16xi32>
        %add3A_1587 = arith.addi %and3A_1564, %add3A_1586 : vector<16xi32>
        %gather3A_1588 = tpu.vector_load_idx %arg9[%select_n3A_241, %add3A_1587] : memref<320x128xf32, #tpu.memory_space<vmem>>[vector<16xi32>, vector<16xi32>], vector<16xf32>,
        %mul3A_1589 = arith.mulf %mul3A_261, %gather3A_1588 : vector<16xf32>
        %add3A_1590 = arith.addf %add3A_1578, %mul3A_1589 : vector<16xf32>
        %mul3A_1591 = arith.mulf %mul3A_265, %gather3A_1588 : vector<16xf32>
        %add3A_1592 = arith.addf %add3A_1580, %mul3A_1591 : vector<16xf32>
        %mul3A_1593 = arith.mulf %mul3A_269, %gather3A_1588 : vector<16xf32>
        %add3A_1594 = arith.addf %add3A_1582, %mul3A_1593 : vector<16xf32>
        %mul3A_1595 = arith.mulf %mul3A_273, %gather3A_1588 : vector<16xf32>
        %add3A_1596 = arith.addf %add3A_1584, %mul3A_1595 : vector<16xf32>
        %add3A_1597 = arith.constant 32 : i32
        %add3A_1598 = vector.broadcast %add3A_1597 : i32 to vector<16xi32>
        %add3A_1599 = arith.addi %and3A_1564, %add3A_1598 : vector<16xi32>
        %gather3A_1600 = tpu.vector_load_idx %arg9[%select_n3A_241, %add3A_1599] : memref<320x128xf32, #tpu.memory_space<vmem>>[vector<16xi32>, vector<16xi32>], vector<16xf32>,
        %mul3A_1601 = arith.mulf %mul3A_277, %gather3A_1600 : vector<16xf32>
        %add3A_1602 = arith.addf %add3A_1590, %mul3A_1601 : vector<16xf32>
        %mul3A_1603 = arith.mulf %mul3A_281, %gather3A_1600 : vector<16xf32>
        %add3A_1604 = arith.addf %add3A_1592, %mul3A_1603 : vector<16xf32>
        %mul3A_1605 = arith.mulf %mul3A_285, %gather3A_1600 : vector<16xf32>
        %add3A_1606 = arith.addf %add3A_1594, %mul3A_1605 : vector<16xf32>
        %mul3A_1607 = arith.mulf %mul3A_289, %gather3A_1600 : vector<16xf32>
        %add3A_1608 = arith.addf %add3A_1596, %mul3A_1607 : vector<16xf32>
        %add3A_1609 = arith.constant 48 : i32
        %add3A_1610 = vector.broadcast %add3A_1609 : i32 to vector<16xi32>
        %add3A_1611 = arith.addi %and3A_1564, %add3A_1610 : vector<16xi32>
        %gather3A_1612 = tpu.vector_load_idx %arg9[%select_n3A_241, %add3A_1611] : memref<320x128xf32, #tpu.memory_space<vmem>>[vector<16xi32>, vector<16xi32>], vector<16xf32>,
        %mul3A_1613 = arith.mulf %mul3A_293, %gather3A_1612 : vector<16xf32>
        %add3A_1614 = arith.addf %add3A_1602, %mul3A_1613 : vector<16xf32>
        %mul3A_1615 = arith.mulf %mul3A_297, %gather3A_1612 : vector<16xf32>
        %add3A_1616 = arith.addf %add3A_1604, %mul3A_1615 : vector<16xf32>
        %mul3A_1617 = arith.mulf %mul3A_301, %gather3A_1612 : vector<16xf32>
        %add3A_1618 = arith.addf %add3A_1606, %mul3A_1617 : vector<16xf32>
        %mul3A_1619 = arith.mulf %mul3A_305, %gather3A_1612 : vector<16xf32>
        %add3A_1620 = arith.addf %add3A_1608, %mul3A_1619 : vector<16xf32>
        %add3A_1621 = arith.constant 64 : i32
        %add3A_1622 = vector.broadcast %add3A_1621 : i32 to vector<16xi32>
        %add3A_1623 = arith.addi %and3A_1564, %add3A_1622 : vector<16xi32>
        %gather3A_1624 = tpu.vector_load_idx %arg9[%select_n3A_241, %add3A_1623] : memref<320x128xf32, #tpu.memory_space<vmem>>[vector<16xi32>, vector<16xi32>], vector<16xf32>,
        %mul3A_1625 = arith.mulf %mul3A_309, %gather3A_1624 : vector<16xf32>
        %add3A_1626 = arith.addf %add3A_1614, %mul3A_1625 : vector<16xf32>
        %mul3A_1627 = arith.mulf %mul3A_313, %gather3A_1624 : vector<16xf32>
        %add3A_1628 = arith.addf %add3A_1616, %mul3A_1627 : vector<16xf32>
        %mul3A_1629 = arith.mulf %mul3A_317, %gather3A_1624 : vector<16xf32>
        %add3A_1630 = arith.addf %add3A_1618, %mul3A_1629 : vector<16xf32>
        %mul3A_1631 = arith.mulf %mul3A_321, %gather3A_1624 : vector<16xf32>
        %add3A_1632 = arith.addf %add3A_1620, %mul3A_1631 : vector<16xf32>
        %add3A_1633 = arith.constant 80 : i32
        %add3A_1634 = vector.broadcast %add3A_1633 : i32 to vector<16xi32>
        %add3A_1635 = arith.addi %and3A_1564, %add3A_1634 : vector<16xi32>
        %gather3A_1636 = tpu.vector_load_idx %arg9[%select_n3A_241, %add3A_1635] : memref<320x128xf32, #tpu.memory_space<vmem>>[vector<16xi32>, vector<16xi32>], vector<16xf32>,
        %mul3A_1637 = arith.mulf %mul3A_325, %gather3A_1636 : vector<16xf32>
        %add3A_1638 = arith.addf %add3A_1626, %mul3A_1637 : vector<16xf32>
        %mul3A_1639 = arith.mulf %mul3A_329, %gather3A_1636 : vector<16xf32>
        %add3A_1640 = arith.addf %add3A_1628, %mul3A_1639 : vector<16xf32>
        %mul3A_1641 = arith.mulf %mul3A_333, %gather3A_1636 : vector<16xf32>
        %add3A_1642 = arith.addf %add3A_1630, %mul3A_1641 : vector<16xf32>
        %mul3A_1643 = arith.mulf %mul3A_337, %gather3A_1636 : vector<16xf32>
        %add3A_1644 = arith.addf %add3A_1632, %mul3A_1643 : vector<16xf32>
        %add3A_1645 = arith.constant 96 : i32
        %add3A_1646 = vector.broadcast %add3A_1645 : i32 to vector<16xi32>
        %add3A_1647 = arith.addi %and3A_1564, %add3A_1646 : vector<16xi32>
        %gather3A_1648 = tpu.vector_load_idx %arg9[%select_n3A_241, %add3A_1647] : memref<320x128xf32, #tpu.memory_space<vmem>>[vector<16xi32>, vector<16xi32>], vector<16xf32>,
        %mul3A_1649 = arith.mulf %mul3A_341, %gather3A_1648 : vector<16xf32>
        %add3A_1650 = arith.addf %add3A_1638, %mul3A_1649 : vector<16xf32>
        %mul3A_1651 = arith.mulf %mul3A_345, %gather3A_1648 : vector<16xf32>
        %add3A_1652 = arith.addf %add3A_1640, %mul3A_1651 : vector<16xf32>
        %mul3A_1653 = arith.mulf %mul3A_349, %gather3A_1648 : vector<16xf32>
        %add3A_1654 = arith.addf %add3A_1642, %mul3A_1653 : vector<16xf32>
        %mul3A_1655 = arith.mulf %mul3A_353, %gather3A_1648 : vector<16xf32>
        %add3A_1656 = arith.addf %add3A_1644, %mul3A_1655 : vector<16xf32>
        %add3A_1657 = arith.constant 112 : i32
        %add3A_1658 = vector.broadcast %add3A_1657 : i32 to vector<16xi32>
        %add3A_1659 = arith.addi %and3A_1564, %add3A_1658 : vector<16xi32>
        %gather3A_1660 = tpu.vector_load_idx %arg9[%select_n3A_241, %add3A_1659] : memref<320x128xf32, #tpu.memory_space<vmem>>[vector<16xi32>, vector<16xi32>], vector<16xf32>,
        %mul3A_1661 = arith.mulf %mul3A_357, %gather3A_1660 : vector<16xf32>
        %add3A_1662 = arith.addf %add3A_1650, %mul3A_1661 : vector<16xf32>
        %mul3A_1663 = arith.mulf %mul3A_361, %gather3A_1660 : vector<16xf32>
        %add3A_1664 = arith.addf %add3A_1652, %mul3A_1663 : vector<16xf32>
        %mul3A_1665 = arith.mulf %mul3A_365, %gather3A_1660 : vector<16xf32>
        %add3A_1666 = arith.addf %add3A_1654, %mul3A_1665 : vector<16xf32>
        %mul3A_1667 = arith.mulf %mul3A_369, %gather3A_1660 : vector<16xf32>
        %add3A_1668 = arith.addf %add3A_1656, %mul3A_1667 : vector<16xf32>
        tpu.vector_store_idx %arg10[%add3A_229, %and3A_1564], %add3A_1662 : memref<256x64xf32, #tpu.memory_space<vmem>>[vector<16xi32>, vector<16xi32>], vector<16xf32>,
        %add3A_1669 = arith.constant 16 : i32
        %add3A_1670 = vector.broadcast %add3A_1669 : i32 to vector<16xi32>
        %add3A_1671 = arith.addi %and3A_1564, %add3A_1670 : vector<16xi32>
        tpu.vector_store_idx %arg10[%add3A_229, %add3A_1671], %add3A_1664 : memref<256x64xf32, #tpu.memory_space<vmem>>[vector<16xi32>, vector<16xi32>], vector<16xf32>,
        %add3A_1672 = arith.constant 32 : i32
        %add3A_1673 = vector.broadcast %add3A_1672 : i32 to vector<16xi32>
        %add3A_1674 = arith.addi %and3A_1564, %add3A_1673 : vector<16xi32>
        tpu.vector_store_idx %arg10[%add3A_229, %add3A_1674], %add3A_1666 : memref<256x64xf32, #tpu.memory_space<vmem>>[vector<16xi32>, vector<16xi32>], vector<16xf32>,
        %add3A_1675 = arith.constant 48 : i32
        %add3A_1676 = vector.broadcast %add3A_1675 : i32 to vector<16xi32>
        %add3A_1677 = arith.addi %and3A_1564, %add3A_1676 : vector<16xi32>
        tpu.vector_store_idx %arg10[%add3A_229, %add3A_1677], %add3A_1668 : memref<256x64xf32, #tpu.memory_space<vmem>>[vector<16xi32>, vector<16xi32>], vector<16xf32>,
        %add3A_1678 = arith.constant 11 : i32
        %add3A_1679 = vector.broadcast %add3A_1678 : i32 to vector<16xi32>
        %add3A_1680 = arith.addi %iota3A, %add3A_1679 : vector<16xi32>
        %and3A_1681 = arith.constant 15 : i32
        %and3A_1682 = vector.broadcast %and3A_1681 : i32 to vector<16xi32>
        %and3A_1683 = arith.andi %add3A_1680, %and3A_1682 : vector<16xi32>
        %broadcast_in_dim3A_1684 = arith.constant 0.000000e+00 : f32
        %broadcast_in_dim3A_1685 = vector.broadcast %broadcast_in_dim3A_1684 : f32 to vector<16xf32>
        %broadcast_in_dim3A_1686 = arith.constant 0.000000e+00 : f32
        %broadcast_in_dim3A_1687 = vector.broadcast %broadcast_in_dim3A_1686 : f32 to vector<16xf32>
        %broadcast_in_dim3A_1688 = arith.constant 0.000000e+00 : f32
        %broadcast_in_dim3A_1689 = vector.broadcast %broadcast_in_dim3A_1688 : f32 to vector<16xf32>
        %broadcast_in_dim3A_1690 = arith.constant 0.000000e+00 : f32
        %broadcast_in_dim3A_1691 = vector.broadcast %broadcast_in_dim3A_1690 : f32 to vector<16xf32>
        %add3A_1692 = arith.constant 0 : i32
        %add3A_1693 = vector.broadcast %add3A_1692 : i32 to vector<16xi32>
        %add3A_1694 = arith.addi %and3A_1683, %add3A_1693 : vector<16xi32>
        %gather3A_1695 = tpu.vector_load_idx %arg9[%select_n3A_241, %add3A_1694] : memref<320x128xf32, #tpu.memory_space<vmem>>[vector<16xi32>, vector<16xi32>], vector<16xf32>,
        %mul3A_1696 = arith.mulf %mul3A_245, %gather3A_1695 : vector<16xf32>
        %add3A_1697 = arith.addf %broadcast_in_dim3A_1685, %mul3A_1696 : vector<16xf32>
        %mul3A_1698 = arith.mulf %mul3A_249, %gather3A_1695 : vector<16xf32>
        %add3A_1699 = arith.addf %broadcast_in_dim3A_1687, %mul3A_1698 : vector<16xf32>
        %mul3A_1700 = arith.mulf %mul3A_253, %gather3A_1695 : vector<16xf32>
        %add3A_1701 = arith.addf %broadcast_in_dim3A_1689, %mul3A_1700 : vector<16xf32>
        %mul3A_1702 = arith.mulf %mul3A_257, %gather3A_1695 : vector<16xf32>
        %add3A_1703 = arith.addf %broadcast_in_dim3A_1691, %mul3A_1702 : vector<16xf32>
        %add3A_1704 = arith.constant 16 : i32
        %add3A_1705 = vector.broadcast %add3A_1704 : i32 to vector<16xi32>
        %add3A_1706 = arith.addi %and3A_1683, %add3A_1705 : vector<16xi32>
        %gather3A_1707 = tpu.vector_load_idx %arg9[%select_n3A_241, %add3A_1706] : memref<320x128xf32, #tpu.memory_space<vmem>>[vector<16xi32>, vector<16xi32>], vector<16xf32>,
        %mul3A_1708 = arith.mulf %mul3A_261, %gather3A_1707 : vector<16xf32>
        %add3A_1709 = arith.addf %add3A_1697, %mul3A_1708 : vector<16xf32>
        %mul3A_1710 = arith.mulf %mul3A_265, %gather3A_1707 : vector<16xf32>
        %add3A_1711 = arith.addf %add3A_1699, %mul3A_1710 : vector<16xf32>
        %mul3A_1712 = arith.mulf %mul3A_269, %gather3A_1707 : vector<16xf32>
        %add3A_1713 = arith.addf %add3A_1701, %mul3A_1712 : vector<16xf32>
        %mul3A_1714 = arith.mulf %mul3A_273, %gather3A_1707 : vector<16xf32>
        %add3A_1715 = arith.addf %add3A_1703, %mul3A_1714 : vector<16xf32>
        %add3A_1716 = arith.constant 32 : i32
        %add3A_1717 = vector.broadcast %add3A_1716 : i32 to vector<16xi32>
        %add3A_1718 = arith.addi %and3A_1683, %add3A_1717 : vector<16xi32>
        %gather3A_1719 = tpu.vector_load_idx %arg9[%select_n3A_241, %add3A_1718] : memref<320x128xf32, #tpu.memory_space<vmem>>[vector<16xi32>, vector<16xi32>], vector<16xf32>,
        %mul3A_1720 = arith.mulf %mul3A_277, %gather3A_1719 : vector<16xf32>
        %add3A_1721 = arith.addf %add3A_1709, %mul3A_1720 : vector<16xf32>
        %mul3A_1722 = arith.mulf %mul3A_281, %gather3A_1719 : vector<16xf32>
        %add3A_1723 = arith.addf %add3A_1711, %mul3A_1722 : vector<16xf32>
        %mul3A_1724 = arith.mulf %mul3A_285, %gather3A_1719 : vector<16xf32>
        %add3A_1725 = arith.addf %add3A_1713, %mul3A_1724 : vector<16xf32>
        %mul3A_1726 = arith.mulf %mul3A_289, %gather3A_1719 : vector<16xf32>
        %add3A_1727 = arith.addf %add3A_1715, %mul3A_1726 : vector<16xf32>
        %add3A_1728 = arith.constant 48 : i32
        %add3A_1729 = vector.broadcast %add3A_1728 : i32 to vector<16xi32>
        %add3A_1730 = arith.addi %and3A_1683, %add3A_1729 : vector<16xi32>
        %gather3A_1731 = tpu.vector_load_idx %arg9[%select_n3A_241, %add3A_1730] : memref<320x128xf32, #tpu.memory_space<vmem>>[vector<16xi32>, vector<16xi32>], vector<16xf32>,
        %mul3A_1732 = arith.mulf %mul3A_293, %gather3A_1731 : vector<16xf32>
        %add3A_1733 = arith.addf %add3A_1721, %mul3A_1732 : vector<16xf32>
        %mul3A_1734 = arith.mulf %mul3A_297, %gather3A_1731 : vector<16xf32>
        %add3A_1735 = arith.addf %add3A_1723, %mul3A_1734 : vector<16xf32>
        %mul3A_1736 = arith.mulf %mul3A_301, %gather3A_1731 : vector<16xf32>
        %add3A_1737 = arith.addf %add3A_1725, %mul3A_1736 : vector<16xf32>
        %mul3A_1738 = arith.mulf %mul3A_305, %gather3A_1731 : vector<16xf32>
        %add3A_1739 = arith.addf %add3A_1727, %mul3A_1738 : vector<16xf32>
        %add3A_1740 = arith.constant 64 : i32
        %add3A_1741 = vector.broadcast %add3A_1740 : i32 to vector<16xi32>
        %add3A_1742 = arith.addi %and3A_1683, %add3A_1741 : vector<16xi32>
        %gather3A_1743 = tpu.vector_load_idx %arg9[%select_n3A_241, %add3A_1742] : memref<320x128xf32, #tpu.memory_space<vmem>>[vector<16xi32>, vector<16xi32>], vector<16xf32>,
        %mul3A_1744 = arith.mulf %mul3A_309, %gather3A_1743 : vector<16xf32>
        %add3A_1745 = arith.addf %add3A_1733, %mul3A_1744 : vector<16xf32>
        %mul3A_1746 = arith.mulf %mul3A_313, %gather3A_1743 : vector<16xf32>
        %add3A_1747 = arith.addf %add3A_1735, %mul3A_1746 : vector<16xf32>
        %mul3A_1748 = arith.mulf %mul3A_317, %gather3A_1743 : vector<16xf32>
        %add3A_1749 = arith.addf %add3A_1737, %mul3A_1748 : vector<16xf32>
        %mul3A_1750 = arith.mulf %mul3A_321, %gather3A_1743 : vector<16xf32>
        %add3A_1751 = arith.addf %add3A_1739, %mul3A_1750 : vector<16xf32>
        %add3A_1752 = arith.constant 80 : i32
        %add3A_1753 = vector.broadcast %add3A_1752 : i32 to vector<16xi32>
        %add3A_1754 = arith.addi %and3A_1683, %add3A_1753 : vector<16xi32>
        %gather3A_1755 = tpu.vector_load_idx %arg9[%select_n3A_241, %add3A_1754] : memref<320x128xf32, #tpu.memory_space<vmem>>[vector<16xi32>, vector<16xi32>], vector<16xf32>,
        %mul3A_1756 = arith.mulf %mul3A_325, %gather3A_1755 : vector<16xf32>
        %add3A_1757 = arith.addf %add3A_1745, %mul3A_1756 : vector<16xf32>
        %mul3A_1758 = arith.mulf %mul3A_329, %gather3A_1755 : vector<16xf32>
        %add3A_1759 = arith.addf %add3A_1747, %mul3A_1758 : vector<16xf32>
        %mul3A_1760 = arith.mulf %mul3A_333, %gather3A_1755 : vector<16xf32>
        %add3A_1761 = arith.addf %add3A_1749, %mul3A_1760 : vector<16xf32>
        %mul3A_1762 = arith.mulf %mul3A_337, %gather3A_1755 : vector<16xf32>
        %add3A_1763 = arith.addf %add3A_1751, %mul3A_1762 : vector<16xf32>
        %add3A_1764 = arith.constant 96 : i32
        %add3A_1765 = vector.broadcast %add3A_1764 : i32 to vector<16xi32>
        %add3A_1766 = arith.addi %and3A_1683, %add3A_1765 : vector<16xi32>
        %gather3A_1767 = tpu.vector_load_idx %arg9[%select_n3A_241, %add3A_1766] : memref<320x128xf32, #tpu.memory_space<vmem>>[vector<16xi32>, vector<16xi32>], vector<16xf32>,
        %mul3A_1768 = arith.mulf %mul3A_341, %gather3A_1767 : vector<16xf32>
        %add3A_1769 = arith.addf %add3A_1757, %mul3A_1768 : vector<16xf32>
        %mul3A_1770 = arith.mulf %mul3A_345, %gather3A_1767 : vector<16xf32>
        %add3A_1771 = arith.addf %add3A_1759, %mul3A_1770 : vector<16xf32>
        %mul3A_1772 = arith.mulf %mul3A_349, %gather3A_1767 : vector<16xf32>
        %add3A_1773 = arith.addf %add3A_1761, %mul3A_1772 : vector<16xf32>
        %mul3A_1774 = arith.mulf %mul3A_353, %gather3A_1767 : vector<16xf32>
        %add3A_1775 = arith.addf %add3A_1763, %mul3A_1774 : vector<16xf32>
        %add3A_1776 = arith.constant 112 : i32
        %add3A_1777 = vector.broadcast %add3A_1776 : i32 to vector<16xi32>
        %add3A_1778 = arith.addi %and3A_1683, %add3A_1777 : vector<16xi32>
        %gather3A_1779 = tpu.vector_load_idx %arg9[%select_n3A_241, %add3A_1778] : memref<320x128xf32, #tpu.memory_space<vmem>>[vector<16xi32>, vector<16xi32>], vector<16xf32>,
        %mul3A_1780 = arith.mulf %mul3A_357, %gather3A_1779 : vector<16xf32>
        %add3A_1781 = arith.addf %add3A_1769, %mul3A_1780 : vector<16xf32>
        %mul3A_1782 = arith.mulf %mul3A_361, %gather3A_1779 : vector<16xf32>
        %add3A_1783 = arith.addf %add3A_1771, %mul3A_1782 : vector<16xf32>
        %mul3A_1784 = arith.mulf %mul3A_365, %gather3A_1779 : vector<16xf32>
        %add3A_1785 = arith.addf %add3A_1773, %mul3A_1784 : vector<16xf32>
        %mul3A_1786 = arith.mulf %mul3A_369, %gather3A_1779 : vector<16xf32>
        %add3A_1787 = arith.addf %add3A_1775, %mul3A_1786 : vector<16xf32>
        tpu.vector_store_idx %arg10[%add3A_229, %and3A_1683], %add3A_1781 : memref<256x64xf32, #tpu.memory_space<vmem>>[vector<16xi32>, vector<16xi32>], vector<16xf32>,
        %add3A_1788 = arith.constant 16 : i32
        %add3A_1789 = vector.broadcast %add3A_1788 : i32 to vector<16xi32>
        %add3A_1790 = arith.addi %and3A_1683, %add3A_1789 : vector<16xi32>
        tpu.vector_store_idx %arg10[%add3A_229, %add3A_1790], %add3A_1783 : memref<256x64xf32, #tpu.memory_space<vmem>>[vector<16xi32>, vector<16xi32>], vector<16xf32>,
        %add3A_1791 = arith.constant 32 : i32
        %add3A_1792 = vector.broadcast %add3A_1791 : i32 to vector<16xi32>
        %add3A_1793 = arith.addi %and3A_1683, %add3A_1792 : vector<16xi32>
        tpu.vector_store_idx %arg10[%add3A_229, %add3A_1793], %add3A_1785 : memref<256x64xf32, #tpu.memory_space<vmem>>[vector<16xi32>, vector<16xi32>], vector<16xf32>,
        %add3A_1794 = arith.constant 48 : i32
        %add3A_1795 = vector.broadcast %add3A_1794 : i32 to vector<16xi32>
        %add3A_1796 = arith.addi %and3A_1683, %add3A_1795 : vector<16xi32>
        tpu.vector_store_idx %arg10[%add3A_229, %add3A_1796], %add3A_1787 : memref<256x64xf32, #tpu.memory_space<vmem>>[vector<16xi32>, vector<16xi32>], vector<16xf32>,
        %add3A_1797 = arith.constant 12 : i32
        %add3A_1798 = vector.broadcast %add3A_1797 : i32 to vector<16xi32>
        %add3A_1799 = arith.addi %iota3A, %add3A_1798 : vector<16xi32>
        %and3A_1800 = arith.constant 15 : i32
        %and3A_1801 = vector.broadcast %and3A_1800 : i32 to vector<16xi32>
        %and3A_1802 = arith.andi %add3A_1799, %and3A_1801 : vector<16xi32>
        %broadcast_in_dim3A_1803 = arith.constant 0.000000e+00 : f32
        %broadcast_in_dim3A_1804 = vector.broadcast %broadcast_in_dim3A_1803 : f32 to vector<16xf32>
        %broadcast_in_dim3A_1805 = arith.constant 0.000000e+00 : f32
        %broadcast_in_dim3A_1806 = vector.broadcast %broadcast_in_dim3A_1805 : f32 to vector<16xf32>
        %broadcast_in_dim3A_1807 = arith.constant 0.000000e+00 : f32
        %broadcast_in_dim3A_1808 = vector.broadcast %broadcast_in_dim3A_1807 : f32 to vector<16xf32>
        %broadcast_in_dim3A_1809 = arith.constant 0.000000e+00 : f32
        %broadcast_in_dim3A_1810 = vector.broadcast %broadcast_in_dim3A_1809 : f32 to vector<16xf32>
        %add3A_1811 = arith.constant 0 : i32
        %add3A_1812 = vector.broadcast %add3A_1811 : i32 to vector<16xi32>
        %add3A_1813 = arith.addi %and3A_1802, %add3A_1812 : vector<16xi32>
        %gather3A_1814 = tpu.vector_load_idx %arg9[%select_n3A_241, %add3A_1813] : memref<320x128xf32, #tpu.memory_space<vmem>>[vector<16xi32>, vector<16xi32>], vector<16xf32>,
        %mul3A_1815 = arith.mulf %mul3A_245, %gather3A_1814 : vector<16xf32>
        %add3A_1816 = arith.addf %broadcast_in_dim3A_1804, %mul3A_1815 : vector<16xf32>
        %mul3A_1817 = arith.mulf %mul3A_249, %gather3A_1814 : vector<16xf32>
        %add3A_1818 = arith.addf %broadcast_in_dim3A_1806, %mul3A_1817 : vector<16xf32>
        %mul3A_1819 = arith.mulf %mul3A_253, %gather3A_1814 : vector<16xf32>
        %add3A_1820 = arith.addf %broadcast_in_dim3A_1808, %mul3A_1819 : vector<16xf32>
        %mul3A_1821 = arith.mulf %mul3A_257, %gather3A_1814 : vector<16xf32>
        %add3A_1822 = arith.addf %broadcast_in_dim3A_1810, %mul3A_1821 : vector<16xf32>
        %add3A_1823 = arith.constant 16 : i32
        %add3A_1824 = vector.broadcast %add3A_1823 : i32 to vector<16xi32>
        %add3A_1825 = arith.addi %and3A_1802, %add3A_1824 : vector<16xi32>
        %gather3A_1826 = tpu.vector_load_idx %arg9[%select_n3A_241, %add3A_1825] : memref<320x128xf32, #tpu.memory_space<vmem>>[vector<16xi32>, vector<16xi32>], vector<16xf32>,
        %mul3A_1827 = arith.mulf %mul3A_261, %gather3A_1826 : vector<16xf32>
        %add3A_1828 = arith.addf %add3A_1816, %mul3A_1827 : vector<16xf32>
        %mul3A_1829 = arith.mulf %mul3A_265, %gather3A_1826 : vector<16xf32>
        %add3A_1830 = arith.addf %add3A_1818, %mul3A_1829 : vector<16xf32>
        %mul3A_1831 = arith.mulf %mul3A_269, %gather3A_1826 : vector<16xf32>
        %add3A_1832 = arith.addf %add3A_1820, %mul3A_1831 : vector<16xf32>
        %mul3A_1833 = arith.mulf %mul3A_273, %gather3A_1826 : vector<16xf32>
        %add3A_1834 = arith.addf %add3A_1822, %mul3A_1833 : vector<16xf32>
        %add3A_1835 = arith.constant 32 : i32
        %add3A_1836 = vector.broadcast %add3A_1835 : i32 to vector<16xi32>
        %add3A_1837 = arith.addi %and3A_1802, %add3A_1836 : vector<16xi32>
        %gather3A_1838 = tpu.vector_load_idx %arg9[%select_n3A_241, %add3A_1837] : memref<320x128xf32, #tpu.memory_space<vmem>>[vector<16xi32>, vector<16xi32>], vector<16xf32>,
        %mul3A_1839 = arith.mulf %mul3A_277, %gather3A_1838 : vector<16xf32>
        %add3A_1840 = arith.addf %add3A_1828, %mul3A_1839 : vector<16xf32>
        %mul3A_1841 = arith.mulf %mul3A_281, %gather3A_1838 : vector<16xf32>
        %add3A_1842 = arith.addf %add3A_1830, %mul3A_1841 : vector<16xf32>
        %mul3A_1843 = arith.mulf %mul3A_285, %gather3A_1838 : vector<16xf32>
        %add3A_1844 = arith.addf %add3A_1832, %mul3A_1843 : vector<16xf32>
        %mul3A_1845 = arith.mulf %mul3A_289, %gather3A_1838 : vector<16xf32>
        %add3A_1846 = arith.addf %add3A_1834, %mul3A_1845 : vector<16xf32>
        %add3A_1847 = arith.constant 48 : i32
        %add3A_1848 = vector.broadcast %add3A_1847 : i32 to vector<16xi32>
        %add3A_1849 = arith.addi %and3A_1802, %add3A_1848 : vector<16xi32>
        %gather3A_1850 = tpu.vector_load_idx %arg9[%select_n3A_241, %add3A_1849] : memref<320x128xf32, #tpu.memory_space<vmem>>[vector<16xi32>, vector<16xi32>], vector<16xf32>,
        %mul3A_1851 = arith.mulf %mul3A_293, %gather3A_1850 : vector<16xf32>
        %add3A_1852 = arith.addf %add3A_1840, %mul3A_1851 : vector<16xf32>
        %mul3A_1853 = arith.mulf %mul3A_297, %gather3A_1850 : vector<16xf32>
        %add3A_1854 = arith.addf %add3A_1842, %mul3A_1853 : vector<16xf32>
        %mul3A_1855 = arith.mulf %mul3A_301, %gather3A_1850 : vector<16xf32>
        %add3A_1856 = arith.addf %add3A_1844, %mul3A_1855 : vector<16xf32>
        %mul3A_1857 = arith.mulf %mul3A_305, %gather3A_1850 : vector<16xf32>
        %add3A_1858 = arith.addf %add3A_1846, %mul3A_1857 : vector<16xf32>
        %add3A_1859 = arith.constant 64 : i32
        %add3A_1860 = vector.broadcast %add3A_1859 : i32 to vector<16xi32>
        %add3A_1861 = arith.addi %and3A_1802, %add3A_1860 : vector<16xi32>
        %gather3A_1862 = tpu.vector_load_idx %arg9[%select_n3A_241, %add3A_1861] : memref<320x128xf32, #tpu.memory_space<vmem>>[vector<16xi32>, vector<16xi32>], vector<16xf32>,
        %mul3A_1863 = arith.mulf %mul3A_309, %gather3A_1862 : vector<16xf32>
        %add3A_1864 = arith.addf %add3A_1852, %mul3A_1863 : vector<16xf32>
        %mul3A_1865 = arith.mulf %mul3A_313, %gather3A_1862 : vector<16xf32>
        %add3A_1866 = arith.addf %add3A_1854, %mul3A_1865 : vector<16xf32>
        %mul3A_1867 = arith.mulf %mul3A_317, %gather3A_1862 : vector<16xf32>
        %add3A_1868 = arith.addf %add3A_1856, %mul3A_1867 : vector<16xf32>
        %mul3A_1869 = arith.mulf %mul3A_321, %gather3A_1862 : vector<16xf32>
        %add3A_1870 = arith.addf %add3A_1858, %mul3A_1869 : vector<16xf32>
        %add3A_1871 = arith.constant 80 : i32
        %add3A_1872 = vector.broadcast %add3A_1871 : i32 to vector<16xi32>
        %add3A_1873 = arith.addi %and3A_1802, %add3A_1872 : vector<16xi32>
        %gather3A_1874 = tpu.vector_load_idx %arg9[%select_n3A_241, %add3A_1873] : memref<320x128xf32, #tpu.memory_space<vmem>>[vector<16xi32>, vector<16xi32>], vector<16xf32>,
        %mul3A_1875 = arith.mulf %mul3A_325, %gather3A_1874 : vector<16xf32>
        %add3A_1876 = arith.addf %add3A_1864, %mul3A_1875 : vector<16xf32>
        %mul3A_1877 = arith.mulf %mul3A_329, %gather3A_1874 : vector<16xf32>
        %add3A_1878 = arith.addf %add3A_1866, %mul3A_1877 : vector<16xf32>
        %mul3A_1879 = arith.mulf %mul3A_333, %gather3A_1874 : vector<16xf32>
        %add3A_1880 = arith.addf %add3A_1868, %mul3A_1879 : vector<16xf32>
        %mul3A_1881 = arith.mulf %mul3A_337, %gather3A_1874 : vector<16xf32>
        %add3A_1882 = arith.addf %add3A_1870, %mul3A_1881 : vector<16xf32>
        %add3A_1883 = arith.constant 96 : i32
        %add3A_1884 = vector.broadcast %add3A_1883 : i32 to vector<16xi32>
        %add3A_1885 = arith.addi %and3A_1802, %add3A_1884 : vector<16xi32>
        %gather3A_1886 = tpu.vector_load_idx %arg9[%select_n3A_241, %add3A_1885] : memref<320x128xf32, #tpu.memory_space<vmem>>[vector<16xi32>, vector<16xi32>], vector<16xf32>,
        %mul3A_1887 = arith.mulf %mul3A_341, %gather3A_1886 : vector<16xf32>
        %add3A_1888 = arith.addf %add3A_1876, %mul3A_1887 : vector<16xf32>
        %mul3A_1889 = arith.mulf %mul3A_345, %gather3A_1886 : vector<16xf32>
        %add3A_1890 = arith.addf %add3A_1878, %mul3A_1889 : vector<16xf32>
        %mul3A_1891 = arith.mulf %mul3A_349, %gather3A_1886 : vector<16xf32>
        %add3A_1892 = arith.addf %add3A_1880, %mul3A_1891 : vector<16xf32>
        %mul3A_1893 = arith.mulf %mul3A_353, %gather3A_1886 : vector<16xf32>
        %add3A_1894 = arith.addf %add3A_1882, %mul3A_1893 : vector<16xf32>
        %add3A_1895 = arith.constant 112 : i32
        %add3A_1896 = vector.broadcast %add3A_1895 : i32 to vector<16xi32>
        %add3A_1897 = arith.addi %and3A_1802, %add3A_1896 : vector<16xi32>
        %gather3A_1898 = tpu.vector_load_idx %arg9[%select_n3A_241, %add3A_1897] : memref<320x128xf32, #tpu.memory_space<vmem>>[vector<16xi32>, vector<16xi32>], vector<16xf32>,
        %mul3A_1899 = arith.mulf %mul3A_357, %gather3A_1898 : vector<16xf32>
        %add3A_1900 = arith.addf %add3A_1888, %mul3A_1899 : vector<16xf32>
        %mul3A_1901 = arith.mulf %mul3A_361, %gather3A_1898 : vector<16xf32>
        %add3A_1902 = arith.addf %add3A_1890, %mul3A_1901 : vector<16xf32>
        %mul3A_1903 = arith.mulf %mul3A_365, %gather3A_1898 : vector<16xf32>
        %add3A_1904 = arith.addf %add3A_1892, %mul3A_1903 : vector<16xf32>
        %mul3A_1905 = arith.mulf %mul3A_369, %gather3A_1898 : vector<16xf32>
        %add3A_1906 = arith.addf %add3A_1894, %mul3A_1905 : vector<16xf32>
        tpu.vector_store_idx %arg10[%add3A_229, %and3A_1802], %add3A_1900 : memref<256x64xf32, #tpu.memory_space<vmem>>[vector<16xi32>, vector<16xi32>], vector<16xf32>,
        %add3A_1907 = arith.constant 16 : i32
        %add3A_1908 = vector.broadcast %add3A_1907 : i32 to vector<16xi32>
        %add3A_1909 = arith.addi %and3A_1802, %add3A_1908 : vector<16xi32>
        tpu.vector_store_idx %arg10[%add3A_229, %add3A_1909], %add3A_1902 : memref<256x64xf32, #tpu.memory_space<vmem>>[vector<16xi32>, vector<16xi32>], vector<16xf32>,
        %add3A_1910 = arith.constant 32 : i32
        %add3A_1911 = vector.broadcast %add3A_1910 : i32 to vector<16xi32>
        %add3A_1912 = arith.addi %and3A_1802, %add3A_1911 : vector<16xi32>
        tpu.vector_store_idx %arg10[%add3A_229, %add3A_1912], %add3A_1904 : memref<256x64xf32, #tpu.memory_space<vmem>>[vector<16xi32>, vector<16xi32>], vector<16xf32>,
        %add3A_1913 = arith.constant 48 : i32
        %add3A_1914 = vector.broadcast %add3A_1913 : i32 to vector<16xi32>
        %add3A_1915 = arith.addi %and3A_1802, %add3A_1914 : vector<16xi32>
        tpu.vector_store_idx %arg10[%add3A_229, %add3A_1915], %add3A_1906 : memref<256x64xf32, #tpu.memory_space<vmem>>[vector<16xi32>, vector<16xi32>], vector<16xf32>,
        %add3A_1916 = arith.constant 13 : i32
        %add3A_1917 = vector.broadcast %add3A_1916 : i32 to vector<16xi32>
        %add3A_1918 = arith.addi %iota3A, %add3A_1917 : vector<16xi32>
        %and3A_1919 = arith.constant 15 : i32
        %and3A_1920 = vector.broadcast %and3A_1919 : i32 to vector<16xi32>
        %and3A_1921 = arith.andi %add3A_1918, %and3A_1920 : vector<16xi32>
        %broadcast_in_dim3A_1922 = arith.constant 0.000000e+00 : f32
        %broadcast_in_dim3A_1923 = vector.broadcast %broadcast_in_dim3A_1922 : f32 to vector<16xf32>
        %broadcast_in_dim3A_1924 = arith.constant 0.000000e+00 : f32
        %broadcast_in_dim3A_1925 = vector.broadcast %broadcast_in_dim3A_1924 : f32 to vector<16xf32>
        %broadcast_in_dim3A_1926 = arith.constant 0.000000e+00 : f32
        %broadcast_in_dim3A_1927 = vector.broadcast %broadcast_in_dim3A_1926 : f32 to vector<16xf32>
        %broadcast_in_dim3A_1928 = arith.constant 0.000000e+00 : f32
        %broadcast_in_dim3A_1929 = vector.broadcast %broadcast_in_dim3A_1928 : f32 to vector<16xf32>
        %add3A_1930 = arith.constant 0 : i32
        %add3A_1931 = vector.broadcast %add3A_1930 : i32 to vector<16xi32>
        %add3A_1932 = arith.addi %and3A_1921, %add3A_1931 : vector<16xi32>
        %gather3A_1933 = tpu.vector_load_idx %arg9[%select_n3A_241, %add3A_1932] : memref<320x128xf32, #tpu.memory_space<vmem>>[vector<16xi32>, vector<16xi32>], vector<16xf32>,
        %mul3A_1934 = arith.mulf %mul3A_245, %gather3A_1933 : vector<16xf32>
        %add3A_1935 = arith.addf %broadcast_in_dim3A_1923, %mul3A_1934 : vector<16xf32>
        %mul3A_1936 = arith.mulf %mul3A_249, %gather3A_1933 : vector<16xf32>
        %add3A_1937 = arith.addf %broadcast_in_dim3A_1925, %mul3A_1936 : vector<16xf32>
        %mul3A_1938 = arith.mulf %mul3A_253, %gather3A_1933 : vector<16xf32>
        %add3A_1939 = arith.addf %broadcast_in_dim3A_1927, %mul3A_1938 : vector<16xf32>
        %mul3A_1940 = arith.mulf %mul3A_257, %gather3A_1933 : vector<16xf32>
        %add3A_1941 = arith.addf %broadcast_in_dim3A_1929, %mul3A_1940 : vector<16xf32>
        %add3A_1942 = arith.constant 16 : i32
        %add3A_1943 = vector.broadcast %add3A_1942 : i32 to vector<16xi32>
        %add3A_1944 = arith.addi %and3A_1921, %add3A_1943 : vector<16xi32>
        %gather3A_1945 = tpu.vector_load_idx %arg9[%select_n3A_241, %add3A_1944] : memref<320x128xf32, #tpu.memory_space<vmem>>[vector<16xi32>, vector<16xi32>], vector<16xf32>,
        %mul3A_1946 = arith.mulf %mul3A_261, %gather3A_1945 : vector<16xf32>
        %add3A_1947 = arith.addf %add3A_1935, %mul3A_1946 : vector<16xf32>
        %mul3A_1948 = arith.mulf %mul3A_265, %gather3A_1945 : vector<16xf32>
        %add3A_1949 = arith.addf %add3A_1937, %mul3A_1948 : vector<16xf32>
        %mul3A_1950 = arith.mulf %mul3A_269, %gather3A_1945 : vector<16xf32>
        %add3A_1951 = arith.addf %add3A_1939, %mul3A_1950 : vector<16xf32>
        %mul3A_1952 = arith.mulf %mul3A_273, %gather3A_1945 : vector<16xf32>
        %add3A_1953 = arith.addf %add3A_1941, %mul3A_1952 : vector<16xf32>
        %add3A_1954 = arith.constant 32 : i32
        %add3A_1955 = vector.broadcast %add3A_1954 : i32 to vector<16xi32>
        %add3A_1956 = arith.addi %and3A_1921, %add3A_1955 : vector<16xi32>
        %gather3A_1957 = tpu.vector_load_idx %arg9[%select_n3A_241, %add3A_1956] : memref<320x128xf32, #tpu.memory_space<vmem>>[vector<16xi32>, vector<16xi32>], vector<16xf32>,
        %mul3A_1958 = arith.mulf %mul3A_277, %gather3A_1957 : vector<16xf32>
        %add3A_1959 = arith.addf %add3A_1947, %mul3A_1958 : vector<16xf32>
        %mul3A_1960 = arith.mulf %mul3A_281, %gather3A_1957 : vector<16xf32>
        %add3A_1961 = arith.addf %add3A_1949, %mul3A_1960 : vector<16xf32>
        %mul3A_1962 = arith.mulf %mul3A_285, %gather3A_1957 : vector<16xf32>
        %add3A_1963 = arith.addf %add3A_1951, %mul3A_1962 : vector<16xf32>
        %mul3A_1964 = arith.mulf %mul3A_289, %gather3A_1957 : vector<16xf32>
        %add3A_1965 = arith.addf %add3A_1953, %mul3A_1964 : vector<16xf32>
        %add3A_1966 = arith.constant 48 : i32
        %add3A_1967 = vector.broadcast %add3A_1966 : i32 to vector<16xi32>
        %add3A_1968 = arith.addi %and3A_1921, %add3A_1967 : vector<16xi32>
        %gather3A_1969 = tpu.vector_load_idx %arg9[%select_n3A_241, %add3A_1968] : memref<320x128xf32, #tpu.memory_space<vmem>>[vector<16xi32>, vector<16xi32>], vector<16xf32>,
        %mul3A_1970 = arith.mulf %mul3A_293, %gather3A_1969 : vector<16xf32>
        %add3A_1971 = arith.addf %add3A_1959, %mul3A_1970 : vector<16xf32>
        %mul3A_1972 = arith.mulf %mul3A_297, %gather3A_1969 : vector<16xf32>
        %add3A_1973 = arith.addf %add3A_1961, %mul3A_1972 : vector<16xf32>
        %mul3A_1974 = arith.mulf %mul3A_301, %gather3A_1969 : vector<16xf32>
        %add3A_1975 = arith.addf %add3A_1963, %mul3A_1974 : vector<16xf32>
        %mul3A_1976 = arith.mulf %mul3A_305, %gather3A_1969 : vector<16xf32>
        %add3A_1977 = arith.addf %add3A_1965, %mul3A_1976 : vector<16xf32>
        %add3A_1978 = arith.constant 64 : i32
        %add3A_1979 = vector.broadcast %add3A_1978 : i32 to vector<16xi32>
        %add3A_1980 = arith.addi %and3A_1921, %add3A_1979 : vector<16xi32>
        %gather3A_1981 = tpu.vector_load_idx %arg9[%select_n3A_241, %add3A_1980] : memref<320x128xf32, #tpu.memory_space<vmem>>[vector<16xi32>, vector<16xi32>], vector<16xf32>,
        %mul3A_1982 = arith.mulf %mul3A_309, %gather3A_1981 : vector<16xf32>
        %add3A_1983 = arith.addf %add3A_1971, %mul3A_1982 : vector<16xf32>
        %mul3A_1984 = arith.mulf %mul3A_313, %gather3A_1981 : vector<16xf32>
        %add3A_1985 = arith.addf %add3A_1973, %mul3A_1984 : vector<16xf32>
        %mul3A_1986 = arith.mulf %mul3A_317, %gather3A_1981 : vector<16xf32>
        %add3A_1987 = arith.addf %add3A_1975, %mul3A_1986 : vector<16xf32>
        %mul3A_1988 = arith.mulf %mul3A_321, %gather3A_1981 : vector<16xf32>
        %add3A_1989 = arith.addf %add3A_1977, %mul3A_1988 : vector<16xf32>
        %add3A_1990 = arith.constant 80 : i32
        %add3A_1991 = vector.broadcast %add3A_1990 : i32 to vector<16xi32>
        %add3A_1992 = arith.addi %and3A_1921, %add3A_1991 : vector<16xi32>
        %gather3A_1993 = tpu.vector_load_idx %arg9[%select_n3A_241, %add3A_1992] : memref<320x128xf32, #tpu.memory_space<vmem>>[vector<16xi32>, vector<16xi32>], vector<16xf32>,
        %mul3A_1994 = arith.mulf %mul3A_325, %gather3A_1993 : vector<16xf32>
        %add3A_1995 = arith.addf %add3A_1983, %mul3A_1994 : vector<16xf32>
        %mul3A_1996 = arith.mulf %mul3A_329, %gather3A_1993 : vector<16xf32>
        %add3A_1997 = arith.addf %add3A_1985, %mul3A_1996 : vector<16xf32>
        %mul3A_1998 = arith.mulf %mul3A_333, %gather3A_1993 : vector<16xf32>
        %add3A_1999 = arith.addf %add3A_1987, %mul3A_1998 : vector<16xf32>
        %mul3A_2000 = arith.mulf %mul3A_337, %gather3A_1993 : vector<16xf32>
        %add3A_2001 = arith.addf %add3A_1989, %mul3A_2000 : vector<16xf32>
        %add3A_2002 = arith.constant 96 : i32
        %add3A_2003 = vector.broadcast %add3A_2002 : i32 to vector<16xi32>
        %add3A_2004 = arith.addi %and3A_1921, %add3A_2003 : vector<16xi32>
        %gather3A_2005 = tpu.vector_load_idx %arg9[%select_n3A_241, %add3A_2004] : memref<320x128xf32, #tpu.memory_space<vmem>>[vector<16xi32>, vector<16xi32>], vector<16xf32>,
        %mul3A_2006 = arith.mulf %mul3A_341, %gather3A_2005 : vector<16xf32>
        %add3A_2007 = arith.addf %add3A_1995, %mul3A_2006 : vector<16xf32>
        %mul3A_2008 = arith.mulf %mul3A_345, %gather3A_2005 : vector<16xf32>
        %add3A_2009 = arith.addf %add3A_1997, %mul3A_2008 : vector<16xf32>
        %mul3A_2010 = arith.mulf %mul3A_349, %gather3A_2005 : vector<16xf32>
        %add3A_2011 = arith.addf %add3A_1999, %mul3A_2010 : vector<16xf32>
        %mul3A_2012 = arith.mulf %mul3A_353, %gather3A_2005 : vector<16xf32>
        %add3A_2013 = arith.addf %add3A_2001, %mul3A_2012 : vector<16xf32>
        %add3A_2014 = arith.constant 112 : i32
        %add3A_2015 = vector.broadcast %add3A_2014 : i32 to vector<16xi32>
        %add3A_2016 = arith.addi %and3A_1921, %add3A_2015 : vector<16xi32>
        %gather3A_2017 = tpu.vector_load_idx %arg9[%select_n3A_241, %add3A_2016] : memref<320x128xf32, #tpu.memory_space<vmem>>[vector<16xi32>, vector<16xi32>], vector<16xf32>,
        %mul3A_2018 = arith.mulf %mul3A_357, %gather3A_2017 : vector<16xf32>
        %add3A_2019 = arith.addf %add3A_2007, %mul3A_2018 : vector<16xf32>
        %mul3A_2020 = arith.mulf %mul3A_361, %gather3A_2017 : vector<16xf32>
        %add3A_2021 = arith.addf %add3A_2009, %mul3A_2020 : vector<16xf32>
        %mul3A_2022 = arith.mulf %mul3A_365, %gather3A_2017 : vector<16xf32>
        %add3A_2023 = arith.addf %add3A_2011, %mul3A_2022 : vector<16xf32>
        %mul3A_2024 = arith.mulf %mul3A_369, %gather3A_2017 : vector<16xf32>
        %add3A_2025 = arith.addf %add3A_2013, %mul3A_2024 : vector<16xf32>
        tpu.vector_store_idx %arg10[%add3A_229, %and3A_1921], %add3A_2019 : memref<256x64xf32, #tpu.memory_space<vmem>>[vector<16xi32>, vector<16xi32>], vector<16xf32>,
        %add3A_2026 = arith.constant 16 : i32
        %add3A_2027 = vector.broadcast %add3A_2026 : i32 to vector<16xi32>
        %add3A_2028 = arith.addi %and3A_1921, %add3A_2027 : vector<16xi32>
        tpu.vector_store_idx %arg10[%add3A_229, %add3A_2028], %add3A_2021 : memref<256x64xf32, #tpu.memory_space<vmem>>[vector<16xi32>, vector<16xi32>], vector<16xf32>,
        %add3A_2029 = arith.constant 32 : i32
        %add3A_2030 = vector.broadcast %add3A_2029 : i32 to vector<16xi32>
        %add3A_2031 = arith.addi %and3A_1921, %add3A_2030 : vector<16xi32>
        tpu.vector_store_idx %arg10[%add3A_229, %add3A_2031], %add3A_2023 : memref<256x64xf32, #tpu.memory_space<vmem>>[vector<16xi32>, vector<16xi32>], vector<16xf32>,
        %add3A_2032 = arith.constant 48 : i32
        %add3A_2033 = vector.broadcast %add3A_2032 : i32 to vector<16xi32>
        %add3A_2034 = arith.addi %and3A_1921, %add3A_2033 : vector<16xi32>
        tpu.vector_store_idx %arg10[%add3A_229, %add3A_2034], %add3A_2025 : memref<256x64xf32, #tpu.memory_space<vmem>>[vector<16xi32>, vector<16xi32>], vector<16xf32>,
        %add3A_2035 = arith.constant 14 : i32
        %add3A_2036 = vector.broadcast %add3A_2035 : i32 to vector<16xi32>
        %add3A_2037 = arith.addi %iota3A, %add3A_2036 : vector<16xi32>
        %and3A_2038 = arith.constant 15 : i32
        %and3A_2039 = vector.broadcast %and3A_2038 : i32 to vector<16xi32>
        %and3A_2040 = arith.andi %add3A_2037, %and3A_2039 : vector<16xi32>
        %broadcast_in_dim3A_2041 = arith.constant 0.000000e+00 : f32
        %broadcast_in_dim3A_2042 = vector.broadcast %broadcast_in_dim3A_2041 : f32 to vector<16xf32>
        %broadcast_in_dim3A_2043 = arith.constant 0.000000e+00 : f32
        %broadcast_in_dim3A_2044 = vector.broadcast %broadcast_in_dim3A_2043 : f32 to vector<16xf32>
        %broadcast_in_dim3A_2045 = arith.constant 0.000000e+00 : f32
        %broadcast_in_dim3A_2046 = vector.broadcast %broadcast_in_dim3A_2045 : f32 to vector<16xf32>
        %broadcast_in_dim3A_2047 = arith.constant 0.000000e+00 : f32
        %broadcast_in_dim3A_2048 = vector.broadcast %broadcast_in_dim3A_2047 : f32 to vector<16xf32>
        %add3A_2049 = arith.constant 0 : i32
        %add3A_2050 = vector.broadcast %add3A_2049 : i32 to vector<16xi32>
        %add3A_2051 = arith.addi %and3A_2040, %add3A_2050 : vector<16xi32>
        %gather3A_2052 = tpu.vector_load_idx %arg9[%select_n3A_241, %add3A_2051] : memref<320x128xf32, #tpu.memory_space<vmem>>[vector<16xi32>, vector<16xi32>], vector<16xf32>,
        %mul3A_2053 = arith.mulf %mul3A_245, %gather3A_2052 : vector<16xf32>
        %add3A_2054 = arith.addf %broadcast_in_dim3A_2042, %mul3A_2053 : vector<16xf32>
        %mul3A_2055 = arith.mulf %mul3A_249, %gather3A_2052 : vector<16xf32>
        %add3A_2056 = arith.addf %broadcast_in_dim3A_2044, %mul3A_2055 : vector<16xf32>
        %mul3A_2057 = arith.mulf %mul3A_253, %gather3A_2052 : vector<16xf32>
        %add3A_2058 = arith.addf %broadcast_in_dim3A_2046, %mul3A_2057 : vector<16xf32>
        %mul3A_2059 = arith.mulf %mul3A_257, %gather3A_2052 : vector<16xf32>
        %add3A_2060 = arith.addf %broadcast_in_dim3A_2048, %mul3A_2059 : vector<16xf32>
        %add3A_2061 = arith.constant 16 : i32
        %add3A_2062 = vector.broadcast %add3A_2061 : i32 to vector<16xi32>
        %add3A_2063 = arith.addi %and3A_2040, %add3A_2062 : vector<16xi32>
        %gather3A_2064 = tpu.vector_load_idx %arg9[%select_n3A_241, %add3A_2063] : memref<320x128xf32, #tpu.memory_space<vmem>>[vector<16xi32>, vector<16xi32>], vector<16xf32>,
        %mul3A_2065 = arith.mulf %mul3A_261, %gather3A_2064 : vector<16xf32>
        %add3A_2066 = arith.addf %add3A_2054, %mul3A_2065 : vector<16xf32>
        %mul3A_2067 = arith.mulf %mul3A_265, %gather3A_2064 : vector<16xf32>
        %add3A_2068 = arith.addf %add3A_2056, %mul3A_2067 : vector<16xf32>
        %mul3A_2069 = arith.mulf %mul3A_269, %gather3A_2064 : vector<16xf32>
        %add3A_2070 = arith.addf %add3A_2058, %mul3A_2069 : vector<16xf32>
        %mul3A_2071 = arith.mulf %mul3A_273, %gather3A_2064 : vector<16xf32>
        %add3A_2072 = arith.addf %add3A_2060, %mul3A_2071 : vector<16xf32>
        %add3A_2073 = arith.constant 32 : i32
        %add3A_2074 = vector.broadcast %add3A_2073 : i32 to vector<16xi32>
        %add3A_2075 = arith.addi %and3A_2040, %add3A_2074 : vector<16xi32>
        %gather3A_2076 = tpu.vector_load_idx %arg9[%select_n3A_241, %add3A_2075] : memref<320x128xf32, #tpu.memory_space<vmem>>[vector<16xi32>, vector<16xi32>], vector<16xf32>,
        %mul3A_2077 = arith.mulf %mul3A_277, %gather3A_2076 : vector<16xf32>
        %add3A_2078 = arith.addf %add3A_2066, %mul3A_2077 : vector<16xf32>
        %mul3A_2079 = arith.mulf %mul3A_281, %gather3A_2076 : vector<16xf32>
        %add3A_2080 = arith.addf %add3A_2068, %mul3A_2079 : vector<16xf32>
        %mul3A_2081 = arith.mulf %mul3A_285, %gather3A_2076 : vector<16xf32>
        %add3A_2082 = arith.addf %add3A_2070, %mul3A_2081 : vector<16xf32>
        %mul3A_2083 = arith.mulf %mul3A_289, %gather3A_2076 : vector<16xf32>
        %add3A_2084 = arith.addf %add3A_2072, %mul3A_2083 : vector<16xf32>
        %add3A_2085 = arith.constant 48 : i32
        %add3A_2086 = vector.broadcast %add3A_2085 : i32 to vector<16xi32>
        %add3A_2087 = arith.addi %and3A_2040, %add3A_2086 : vector<16xi32>
        %gather3A_2088 = tpu.vector_load_idx %arg9[%select_n3A_241, %add3A_2087] : memref<320x128xf32, #tpu.memory_space<vmem>>[vector<16xi32>, vector<16xi32>], vector<16xf32>,
        %mul3A_2089 = arith.mulf %mul3A_293, %gather3A_2088 : vector<16xf32>
        %add3A_2090 = arith.addf %add3A_2078, %mul3A_2089 : vector<16xf32>
        %mul3A_2091 = arith.mulf %mul3A_297, %gather3A_2088 : vector<16xf32>
        %add3A_2092 = arith.addf %add3A_2080, %mul3A_2091 : vector<16xf32>
        %mul3A_2093 = arith.mulf %mul3A_301, %gather3A_2088 : vector<16xf32>
        %add3A_2094 = arith.addf %add3A_2082, %mul3A_2093 : vector<16xf32>
        %mul3A_2095 = arith.mulf %mul3A_305, %gather3A_2088 : vector<16xf32>
        %add3A_2096 = arith.addf %add3A_2084, %mul3A_2095 : vector<16xf32>
        %add3A_2097 = arith.constant 64 : i32
        %add3A_2098 = vector.broadcast %add3A_2097 : i32 to vector<16xi32>
        %add3A_2099 = arith.addi %and3A_2040, %add3A_2098 : vector<16xi32>
        %gather3A_2100 = tpu.vector_load_idx %arg9[%select_n3A_241, %add3A_2099] : memref<320x128xf32, #tpu.memory_space<vmem>>[vector<16xi32>, vector<16xi32>], vector<16xf32>,
        %mul3A_2101 = arith.mulf %mul3A_309, %gather3A_2100 : vector<16xf32>
        %add3A_2102 = arith.addf %add3A_2090, %mul3A_2101 : vector<16xf32>
        %mul3A_2103 = arith.mulf %mul3A_313, %gather3A_2100 : vector<16xf32>
        %add3A_2104 = arith.addf %add3A_2092, %mul3A_2103 : vector<16xf32>
        %mul3A_2105 = arith.mulf %mul3A_317, %gather3A_2100 : vector<16xf32>
        %add3A_2106 = arith.addf %add3A_2094, %mul3A_2105 : vector<16xf32>
        %mul3A_2107 = arith.mulf %mul3A_321, %gather3A_2100 : vector<16xf32>
        %add3A_2108 = arith.addf %add3A_2096, %mul3A_2107 : vector<16xf32>
        %add3A_2109 = arith.constant 80 : i32
        %add3A_2110 = vector.broadcast %add3A_2109 : i32 to vector<16xi32>
        %add3A_2111 = arith.addi %and3A_2040, %add3A_2110 : vector<16xi32>
        %gather3A_2112 = tpu.vector_load_idx %arg9[%select_n3A_241, %add3A_2111] : memref<320x128xf32, #tpu.memory_space<vmem>>[vector<16xi32>, vector<16xi32>], vector<16xf32>,
        %mul3A_2113 = arith.mulf %mul3A_325, %gather3A_2112 : vector<16xf32>
        %add3A_2114 = arith.addf %add3A_2102, %mul3A_2113 : vector<16xf32>
        %mul3A_2115 = arith.mulf %mul3A_329, %gather3A_2112 : vector<16xf32>
        %add3A_2116 = arith.addf %add3A_2104, %mul3A_2115 : vector<16xf32>
        %mul3A_2117 = arith.mulf %mul3A_333, %gather3A_2112 : vector<16xf32>
        %add3A_2118 = arith.addf %add3A_2106, %mul3A_2117 : vector<16xf32>
        %mul3A_2119 = arith.mulf %mul3A_337, %gather3A_2112 : vector<16xf32>
        %add3A_2120 = arith.addf %add3A_2108, %mul3A_2119 : vector<16xf32>
        %add3A_2121 = arith.constant 96 : i32
        %add3A_2122 = vector.broadcast %add3A_2121 : i32 to vector<16xi32>
        %add3A_2123 = arith.addi %and3A_2040, %add3A_2122 : vector<16xi32>
        %gather3A_2124 = tpu.vector_load_idx %arg9[%select_n3A_241, %add3A_2123] : memref<320x128xf32, #tpu.memory_space<vmem>>[vector<16xi32>, vector<16xi32>], vector<16xf32>,
        %mul3A_2125 = arith.mulf %mul3A_341, %gather3A_2124 : vector<16xf32>
        %add3A_2126 = arith.addf %add3A_2114, %mul3A_2125 : vector<16xf32>
        %mul3A_2127 = arith.mulf %mul3A_345, %gather3A_2124 : vector<16xf32>
        %add3A_2128 = arith.addf %add3A_2116, %mul3A_2127 : vector<16xf32>
        %mul3A_2129 = arith.mulf %mul3A_349, %gather3A_2124 : vector<16xf32>
        %add3A_2130 = arith.addf %add3A_2118, %mul3A_2129 : vector<16xf32>
        %mul3A_2131 = arith.mulf %mul3A_353, %gather3A_2124 : vector<16xf32>
        %add3A_2132 = arith.addf %add3A_2120, %mul3A_2131 : vector<16xf32>
        %add3A_2133 = arith.constant 112 : i32
        %add3A_2134 = vector.broadcast %add3A_2133 : i32 to vector<16xi32>
        %add3A_2135 = arith.addi %and3A_2040, %add3A_2134 : vector<16xi32>
        %gather3A_2136 = tpu.vector_load_idx %arg9[%select_n3A_241, %add3A_2135] : memref<320x128xf32, #tpu.memory_space<vmem>>[vector<16xi32>, vector<16xi32>], vector<16xf32>,
        %mul3A_2137 = arith.mulf %mul3A_357, %gather3A_2136 : vector<16xf32>
        %add3A_2138 = arith.addf %add3A_2126, %mul3A_2137 : vector<16xf32>
        %mul3A_2139 = arith.mulf %mul3A_361, %gather3A_2136 : vector<16xf32>
        %add3A_2140 = arith.addf %add3A_2128, %mul3A_2139 : vector<16xf32>
        %mul3A_2141 = arith.mulf %mul3A_365, %gather3A_2136 : vector<16xf32>
        %add3A_2142 = arith.addf %add3A_2130, %mul3A_2141 : vector<16xf32>
        %mul3A_2143 = arith.mulf %mul3A_369, %gather3A_2136 : vector<16xf32>
        %add3A_2144 = arith.addf %add3A_2132, %mul3A_2143 : vector<16xf32>
        tpu.vector_store_idx %arg10[%add3A_229, %and3A_2040], %add3A_2138 : memref<256x64xf32, #tpu.memory_space<vmem>>[vector<16xi32>, vector<16xi32>], vector<16xf32>,
        %add3A_2145 = arith.constant 16 : i32
        %add3A_2146 = vector.broadcast %add3A_2145 : i32 to vector<16xi32>
        %add3A_2147 = arith.addi %and3A_2040, %add3A_2146 : vector<16xi32>
        tpu.vector_store_idx %arg10[%add3A_229, %add3A_2147], %add3A_2140 : memref<256x64xf32, #tpu.memory_space<vmem>>[vector<16xi32>, vector<16xi32>], vector<16xf32>,
        %add3A_2148 = arith.constant 32 : i32
        %add3A_2149 = vector.broadcast %add3A_2148 : i32 to vector<16xi32>
        %add3A_2150 = arith.addi %and3A_2040, %add3A_2149 : vector<16xi32>
        tpu.vector_store_idx %arg10[%add3A_229, %add3A_2150], %add3A_2142 : memref<256x64xf32, #tpu.memory_space<vmem>>[vector<16xi32>, vector<16xi32>], vector<16xf32>,
        %add3A_2151 = arith.constant 48 : i32
        %add3A_2152 = vector.broadcast %add3A_2151 : i32 to vector<16xi32>
        %add3A_2153 = arith.addi %and3A_2040, %add3A_2152 : vector<16xi32>
        tpu.vector_store_idx %arg10[%add3A_229, %add3A_2153], %add3A_2144 : memref<256x64xf32, #tpu.memory_space<vmem>>[vector<16xi32>, vector<16xi32>], vector<16xf32>,
        %add3A_2154 = arith.constant 15 : i32
        %add3A_2155 = vector.broadcast %add3A_2154 : i32 to vector<16xi32>
        %add3A_2156 = arith.addi %iota3A, %add3A_2155 : vector<16xi32>
        %and3A_2157 = arith.constant 15 : i32
        %and3A_2158 = vector.broadcast %and3A_2157 : i32 to vector<16xi32>
        %and3A_2159 = arith.andi %add3A_2156, %and3A_2158 : vector<16xi32>
        %broadcast_in_dim3A_2160 = arith.constant 0.000000e+00 : f32
        %broadcast_in_dim3A_2161 = vector.broadcast %broadcast_in_dim3A_2160 : f32 to vector<16xf32>
        %broadcast_in_dim3A_2162 = arith.constant 0.000000e+00 : f32
        %broadcast_in_dim3A_2163 = vector.broadcast %broadcast_in_dim3A_2162 : f32 to vector<16xf32>
        %broadcast_in_dim3A_2164 = arith.constant 0.000000e+00 : f32
        %broadcast_in_dim3A_2165 = vector.broadcast %broadcast_in_dim3A_2164 : f32 to vector<16xf32>
        %broadcast_in_dim3A_2166 = arith.constant 0.000000e+00 : f32
        %broadcast_in_dim3A_2167 = vector.broadcast %broadcast_in_dim3A_2166 : f32 to vector<16xf32>
        %add3A_2168 = arith.constant 0 : i32
        %add3A_2169 = vector.broadcast %add3A_2168 : i32 to vector<16xi32>
        %add3A_2170 = arith.addi %and3A_2159, %add3A_2169 : vector<16xi32>
        %gather3A_2171 = tpu.vector_load_idx %arg9[%select_n3A_241, %add3A_2170] : memref<320x128xf32, #tpu.memory_space<vmem>>[vector<16xi32>, vector<16xi32>], vector<16xf32>,
        %mul3A_2172 = arith.mulf %mul3A_245, %gather3A_2171 : vector<16xf32>
        %add3A_2173 = arith.addf %broadcast_in_dim3A_2161, %mul3A_2172 : vector<16xf32>
        %mul3A_2174 = arith.mulf %mul3A_249, %gather3A_2171 : vector<16xf32>
        %add3A_2175 = arith.addf %broadcast_in_dim3A_2163, %mul3A_2174 : vector<16xf32>
        %mul3A_2176 = arith.mulf %mul3A_253, %gather3A_2171 : vector<16xf32>
        %add3A_2177 = arith.addf %broadcast_in_dim3A_2165, %mul3A_2176 : vector<16xf32>
        %mul3A_2178 = arith.mulf %mul3A_257, %gather3A_2171 : vector<16xf32>
        %add3A_2179 = arith.addf %broadcast_in_dim3A_2167, %mul3A_2178 : vector<16xf32>
        %add3A_2180 = arith.constant 16 : i32
        %add3A_2181 = vector.broadcast %add3A_2180 : i32 to vector<16xi32>
        %add3A_2182 = arith.addi %and3A_2159, %add3A_2181 : vector<16xi32>
        %gather3A_2183 = tpu.vector_load_idx %arg9[%select_n3A_241, %add3A_2182] : memref<320x128xf32, #tpu.memory_space<vmem>>[vector<16xi32>, vector<16xi32>], vector<16xf32>,
        %mul3A_2184 = arith.mulf %mul3A_261, %gather3A_2183 : vector<16xf32>
        %add3A_2185 = arith.addf %add3A_2173, %mul3A_2184 : vector<16xf32>
        %mul3A_2186 = arith.mulf %mul3A_265, %gather3A_2183 : vector<16xf32>
        %add3A_2187 = arith.addf %add3A_2175, %mul3A_2186 : vector<16xf32>
        %mul3A_2188 = arith.mulf %mul3A_269, %gather3A_2183 : vector<16xf32>
        %add3A_2189 = arith.addf %add3A_2177, %mul3A_2188 : vector<16xf32>
        %mul3A_2190 = arith.mulf %mul3A_273, %gather3A_2183 : vector<16xf32>
        %add3A_2191 = arith.addf %add3A_2179, %mul3A_2190 : vector<16xf32>
        %add3A_2192 = arith.constant 32 : i32
        %add3A_2193 = vector.broadcast %add3A_2192 : i32 to vector<16xi32>
        %add3A_2194 = arith.addi %and3A_2159, %add3A_2193 : vector<16xi32>
        %gather3A_2195 = tpu.vector_load_idx %arg9[%select_n3A_241, %add3A_2194] : memref<320x128xf32, #tpu.memory_space<vmem>>[vector<16xi32>, vector<16xi32>], vector<16xf32>,
        %mul3A_2196 = arith.mulf %mul3A_277, %gather3A_2195 : vector<16xf32>
        %add3A_2197 = arith.addf %add3A_2185, %mul3A_2196 : vector<16xf32>
        %mul3A_2198 = arith.mulf %mul3A_281, %gather3A_2195 : vector<16xf32>
        %add3A_2199 = arith.addf %add3A_2187, %mul3A_2198 : vector<16xf32>
        %mul3A_2200 = arith.mulf %mul3A_285, %gather3A_2195 : vector<16xf32>
        %add3A_2201 = arith.addf %add3A_2189, %mul3A_2200 : vector<16xf32>
        %mul3A_2202 = arith.mulf %mul3A_289, %gather3A_2195 : vector<16xf32>
        %add3A_2203 = arith.addf %add3A_2191, %mul3A_2202 : vector<16xf32>
        %add3A_2204 = arith.constant 48 : i32
        %add3A_2205 = vector.broadcast %add3A_2204 : i32 to vector<16xi32>
        %add3A_2206 = arith.addi %and3A_2159, %add3A_2205 : vector<16xi32>
        %gather3A_2207 = tpu.vector_load_idx %arg9[%select_n3A_241, %add3A_2206] : memref<320x128xf32, #tpu.memory_space<vmem>>[vector<16xi32>, vector<16xi32>], vector<16xf32>,
        %mul3A_2208 = arith.mulf %mul3A_293, %gather3A_2207 : vector<16xf32>
        %add3A_2209 = arith.addf %add3A_2197, %mul3A_2208 : vector<16xf32>
        %mul3A_2210 = arith.mulf %mul3A_297, %gather3A_2207 : vector<16xf32>
        %add3A_2211 = arith.addf %add3A_2199, %mul3A_2210 : vector<16xf32>
        %mul3A_2212 = arith.mulf %mul3A_301, %gather3A_2207 : vector<16xf32>
        %add3A_2213 = arith.addf %add3A_2201, %mul3A_2212 : vector<16xf32>
        %mul3A_2214 = arith.mulf %mul3A_305, %gather3A_2207 : vector<16xf32>
        %add3A_2215 = arith.addf %add3A_2203, %mul3A_2214 : vector<16xf32>
        %add3A_2216 = arith.constant 64 : i32
        %add3A_2217 = vector.broadcast %add3A_2216 : i32 to vector<16xi32>
        %add3A_2218 = arith.addi %and3A_2159, %add3A_2217 : vector<16xi32>
        %gather3A_2219 = tpu.vector_load_idx %arg9[%select_n3A_241, %add3A_2218] : memref<320x128xf32, #tpu.memory_space<vmem>>[vector<16xi32>, vector<16xi32>], vector<16xf32>,
        %mul3A_2220 = arith.mulf %mul3A_309, %gather3A_2219 : vector<16xf32>
        %add3A_2221 = arith.addf %add3A_2209, %mul3A_2220 : vector<16xf32>
        %mul3A_2222 = arith.mulf %mul3A_313, %gather3A_2219 : vector<16xf32>
        %add3A_2223 = arith.addf %add3A_2211, %mul3A_2222 : vector<16xf32>
        %mul3A_2224 = arith.mulf %mul3A_317, %gather3A_2219 : vector<16xf32>
        %add3A_2225 = arith.addf %add3A_2213, %mul3A_2224 : vector<16xf32>
        %mul3A_2226 = arith.mulf %mul3A_321, %gather3A_2219 : vector<16xf32>
        %add3A_2227 = arith.addf %add3A_2215, %mul3A_2226 : vector<16xf32>
        %add3A_2228 = arith.constant 80 : i32
        %add3A_2229 = vector.broadcast %add3A_2228 : i32 to vector<16xi32>
        %add3A_2230 = arith.addi %and3A_2159, %add3A_2229 : vector<16xi32>
        %gather3A_2231 = tpu.vector_load_idx %arg9[%select_n3A_241, %add3A_2230] : memref<320x128xf32, #tpu.memory_space<vmem>>[vector<16xi32>, vector<16xi32>], vector<16xf32>,
        %mul3A_2232 = arith.mulf %mul3A_325, %gather3A_2231 : vector<16xf32>
        %add3A_2233 = arith.addf %add3A_2221, %mul3A_2232 : vector<16xf32>
        %mul3A_2234 = arith.mulf %mul3A_329, %gather3A_2231 : vector<16xf32>
        %add3A_2235 = arith.addf %add3A_2223, %mul3A_2234 : vector<16xf32>
        %mul3A_2236 = arith.mulf %mul3A_333, %gather3A_2231 : vector<16xf32>
        %add3A_2237 = arith.addf %add3A_2225, %mul3A_2236 : vector<16xf32>
        %mul3A_2238 = arith.mulf %mul3A_337, %gather3A_2231 : vector<16xf32>
        %add3A_2239 = arith.addf %add3A_2227, %mul3A_2238 : vector<16xf32>
        %add3A_2240 = arith.constant 96 : i32
        %add3A_2241 = vector.broadcast %add3A_2240 : i32 to vector<16xi32>
        %add3A_2242 = arith.addi %and3A_2159, %add3A_2241 : vector<16xi32>
        %gather3A_2243 = tpu.vector_load_idx %arg9[%select_n3A_241, %add3A_2242] : memref<320x128xf32, #tpu.memory_space<vmem>>[vector<16xi32>, vector<16xi32>], vector<16xf32>,
        %mul3A_2244 = arith.mulf %mul3A_341, %gather3A_2243 : vector<16xf32>
        %add3A_2245 = arith.addf %add3A_2233, %mul3A_2244 : vector<16xf32>
        %mul3A_2246 = arith.mulf %mul3A_345, %gather3A_2243 : vector<16xf32>
        %add3A_2247 = arith.addf %add3A_2235, %mul3A_2246 : vector<16xf32>
        %mul3A_2248 = arith.mulf %mul3A_349, %gather3A_2243 : vector<16xf32>
        %add3A_2249 = arith.addf %add3A_2237, %mul3A_2248 : vector<16xf32>
        %mul3A_2250 = arith.mulf %mul3A_353, %gather3A_2243 : vector<16xf32>
        %add3A_2251 = arith.addf %add3A_2239, %mul3A_2250 : vector<16xf32>
        %add3A_2252 = arith.constant 112 : i32
        %add3A_2253 = vector.broadcast %add3A_2252 : i32 to vector<16xi32>
        %add3A_2254 = arith.addi %and3A_2159, %add3A_2253 : vector<16xi32>
        %gather3A_2255 = tpu.vector_load_idx %arg9[%select_n3A_241, %add3A_2254] : memref<320x128xf32, #tpu.memory_space<vmem>>[vector<16xi32>, vector<16xi32>], vector<16xf32>,
        %mul3A_2256 = arith.mulf %mul3A_357, %gather3A_2255 : vector<16xf32>
        %add3A_2257 = arith.addf %add3A_2245, %mul3A_2256 : vector<16xf32>
        %mul3A_2258 = arith.mulf %mul3A_361, %gather3A_2255 : vector<16xf32>
        %add3A_2259 = arith.addf %add3A_2247, %mul3A_2258 : vector<16xf32>
        %mul3A_2260 = arith.mulf %mul3A_365, %gather3A_2255 : vector<16xf32>
        %add3A_2261 = arith.addf %add3A_2249, %mul3A_2260 : vector<16xf32>
        %mul3A_2262 = arith.mulf %mul3A_369, %gather3A_2255 : vector<16xf32>
        %add3A_2263 = arith.addf %add3A_2251, %mul3A_2262 : vector<16xf32>
        tpu.vector_store_idx %arg10[%add3A_229, %and3A_2159], %add3A_2257 : memref<256x64xf32, #tpu.memory_space<vmem>>[vector<16xi32>, vector<16xi32>], vector<16xf32>,
        %add3A_2264 = arith.constant 16 : i32
        %add3A_2265 = vector.broadcast %add3A_2264 : i32 to vector<16xi32>
        %add3A_2266 = arith.addi %and3A_2159, %add3A_2265 : vector<16xi32>
        tpu.vector_store_idx %arg10[%add3A_229, %add3A_2266], %add3A_2259 : memref<256x64xf32, #tpu.memory_space<vmem>>[vector<16xi32>, vector<16xi32>], vector<16xf32>,
        %add3A_2267 = arith.constant 32 : i32
        %add3A_2268 = vector.broadcast %add3A_2267 : i32 to vector<16xi32>
        %add3A_2269 = arith.addi %and3A_2159, %add3A_2268 : vector<16xi32>
        tpu.vector_store_idx %arg10[%add3A_229, %add3A_2269], %add3A_2261 : memref<256x64xf32, #tpu.memory_space<vmem>>[vector<16xi32>, vector<16xi32>], vector<16xf32>,
        %add3A_2270 = arith.constant 48 : i32
        %add3A_2271 = vector.broadcast %add3A_2270 : i32 to vector<16xi32>
        %add3A_2272 = arith.addi %and3A_2159, %add3A_2271 : vector<16xi32>
        tpu.vector_store_idx %arg10[%add3A_229, %add3A_2272], %add3A_2263 : memref<256x64xf32, #tpu.memory_space<vmem>>[vector<16xi32>, vector<16xi32>], vector<16xf32>,
      }
      %scan3A_66 = arith.constant 16 : i32
      "tpu.region"() ({
        %run_scoped3A = tpu.sem_alloc : memref<!tpu.dma_semaphore, #tpu.memory_space<semaphore_mem>>
        %dma_start3A_67 = arith.constant 0 : i32
        %dma_start3A_68 = tpu.memref_slice %arg6[%add3A_14, %dma_start3A_67] : memref<1048576x64xf32, #tpu.memory_space<hbm>> -> memref<256x64xf32, #tpu.memory_space<hbm>>
        %dma_start3A_69 = arith.constant 0 : i32
        %dma_start3A_70 = tpu.memref_slice %arg6[%add3A_14, %dma_start3A_69] : memref<1048576x64xf32, #tpu.memory_space<hbm>> -> memref<256x64xf32, #tpu.memory_space<hbm>>
        tpu.enqueue_dma source(%arg10 : memref<256x64xf32, #tpu.memory_space<vmem>>) target(%dma_start3A_70 : memref<256x64xf32, #tpu.memory_space<hbm>>) target_semaphore(%run_scoped3A : memref<!tpu.dma_semaphore, #tpu.memory_space<semaphore_mem>>)
        %dma_wait3A_71 = arith.constant 0 : i32
        %dma_wait3A_72 = tpu.memref_slice %arg6[%add3A_14, %dma_wait3A_71] : memref<1048576x64xf32, #tpu.memory_space<hbm>> -> memref<256x64xf32, #tpu.memory_space<hbm>>
        %dma_wait3A_73 = arith.constant 0 : i32
        %dma_wait3A_74 = tpu.memref_slice %arg6[%add3A_14, %dma_wait3A_73] : memref<1048576x64xf32, #tpu.memory_space<hbm>> -> memref<256x64xf32, #tpu.memory_space<hbm>>
        tpu.wait_dma2 semaphore(%run_scoped3A : memref<!tpu.dma_semaphore, #tpu.memory_space<semaphore_mem>>) src(%arg10 : memref<256x64xf32, #tpu.memory_space<vmem>>) dst(%dma_wait3A_74 : memref<256x64xf32, #tpu.memory_space<hbm>>)
        tpu.yield
      }) : () -> ()
    }
    %scan3A_10 = arith.constant 128 : i32
    return
  }
}

module attributes {stable_mosaic.version = 14 : i64} {
  func.func @_tc_body(%arg0: i32, %arg1: memref<4096x64xf32, #tpu.memory_space<vmem>>, %arg2: memref<4096x3xf32, #tpu.memory_space<vmem>>, %arg3: memref<16x64xf32, #tpu.memory_space<vmem>>, %arg4: memref<3x64xf32, #tpu.memory_space<vmem>>, %arg5: memref<64x16xf32, #tpu.memory_space<vmem>>, %arg6: memref<64x3xf32, #tpu.memory_space<vmem>>, %arg7: memref<1x64xf32, #tpu.memory_space<vmem>>, %arg8: memref<64x64xf32, #tpu.memory_space<vmem>>, %arg9: memref<64x64xf32, #tpu.memory_space<vmem>>, %arg10: memref<1x64xf32, #tpu.memory_space<vmem>>, %arg11: memref<64x1xf32, #tpu.memory_space<vmem>>, %arg12: memref<1x64xf32, #tpu.memory_space<vmem>>, %arg13: memref<1x1xf32, #tpu.memory_space<vmem>>, %arg14: memref<4096x1xf32, #tpu.memory_space<vmem>>, %arg15: memref<4096x3xf32, #tpu.memory_space<vmem>>) attributes {dimension_semantics = [#tpu.dimension_semantics<arbitrary>], iteration_bounds = array<i64: 256>, scalar_prefetch = 0 : i64, scratch_operands = 0 : i64, tpu.core_type = #tpu.core_type<tc>, window_params = [{transform_indices = @transform_0, window_bounds = array<i64: 4096, 64>}, {transform_indices = @transform_1, window_bounds = array<i64: 4096, 3>}, {pipeline_mode = #tpu.pipeline_mode<synchronous>, transform_indices = @transform_2, window_bounds = array<i64: 16, 64>}, {pipeline_mode = #tpu.pipeline_mode<synchronous>, transform_indices = @transform_3, window_bounds = array<i64: 3, 64>}, {pipeline_mode = #tpu.pipeline_mode<synchronous>, transform_indices = @transform_4, window_bounds = array<i64: 64, 16>}, {pipeline_mode = #tpu.pipeline_mode<synchronous>, transform_indices = @transform_5, window_bounds = array<i64: 64, 3>}, {pipeline_mode = #tpu.pipeline_mode<synchronous>, transform_indices = @transform_6, window_bounds = array<i64: 1, 64>}, {pipeline_mode = #tpu.pipeline_mode<synchronous>, transform_indices = @transform_7, window_bounds = array<i64: 64, 64>}, {pipeline_mode = #tpu.pipeline_mode<synchronous>, transform_indices = @transform_8, window_bounds = array<i64: 64, 64>}, {pipeline_mode = #tpu.pipeline_mode<synchronous>, transform_indices = @transform_9, window_bounds = array<i64: 1, 64>}, {pipeline_mode = #tpu.pipeline_mode<synchronous>, transform_indices = @transform_10, window_bounds = array<i64: 64, 1>}, {pipeline_mode = #tpu.pipeline_mode<synchronous>, transform_indices = @transform_11, window_bounds = array<i64: 1, 64>}, {pipeline_mode = #tpu.pipeline_mode<synchronous>, transform_indices = @transform_12, window_bounds = array<i64: 1, 1>}, {transform_indices = @transform_13, window_bounds = array<i64: 4096, 1>}, {transform_indices = @transform_14, window_bounds = array<i64: 4096, 3>}]} {
    %get3A = arith.constant 0 : index
    %get3A_0 = arith.constant 0 : index
    %get3A_1 = vector.load %arg1[%get3A, %get3A_0] : memref<4096x64xf32, #tpu.memory_space<vmem>>, vector<4096x64xf32>
    %slice3A = vector.extract_strided_slice %get3A_1 {offsets = [0, 0], sizes = [4096, 16], strides = [1, 1]} : vector<4096x64xf32> to vector<4096x16xf32>
    %get3A_2 = arith.constant 0 : index
    %get3A_3 = arith.constant 0 : index
    %get3A_4 = vector.load %arg2[%get3A_2, %get3A_3] : memref<4096x3xf32, #tpu.memory_space<vmem>>, vector<4096x3xf32>
    %get3A_5 = arith.constant 0 : index
    %get3A_6 = arith.constant 0 : index
    %get3A_7 = vector.load %arg3[%get3A_5, %get3A_6] : memref<16x64xf32, #tpu.memory_space<vmem>>, vector<16x64xf32>
    %dot_general3A = arith.constant dense<0.000000e+00> : vector<4096x64xf32>
    %dot_general3A_8 = tpu.matmul %slice3A, %get3A_7, %dot_general3A {dimension_numbers = #tpu.dot_dimension_numbers<[1], [0], [0], [1], [0, 0, 1, 1], [], []>, transpose_lhs_hint = false} : vector<4096x16xf32>, vector<16x64xf32>, vector<4096x64xf32> -> vector<4096x64xf32>
    %get3A_9 = arith.constant 0 : index
    %get3A_10 = arith.constant 0 : index
    %get3A_11 = vector.load %arg7[%get3A_9, %get3A_10] : memref<1x64xf32, #tpu.memory_space<vmem>>, vector<1x64xf32>
    %add3A = vector.broadcast %get3A_11 : vector<1x64xf32> to vector<4096x64xf32>
    %add3A_12 = arith.addf %dot_general3A_8, %add3A : vector<4096x64xf32>
    %slice3A_13 = vector.extract_strided_slice %get3A_4 {offsets = [0, 0], sizes = [4096, 1], strides = [1, 1]} : vector<4096x3xf32> to vector<4096x1xf32>
    %get3A_14 = arith.constant 0 : index
    %get3A_15 = arith.constant 0 : index
    %get3A_16 = vector.load %arg4[%get3A_14, %get3A_15] : memref<3x64xf32, #tpu.memory_space<vmem>>, vector<1x64xf32>
    %mul3A = vector.broadcast %slice3A_13 : vector<4096x1xf32> to vector<4096x64xf32>
    %mul3A_17 = vector.broadcast %get3A_16 : vector<1x64xf32> to vector<4096x64xf32>
    %mul3A_18 = arith.mulf %mul3A, %mul3A_17 : vector<4096x64xf32>
    %add3A_19 = arith.addf %add3A_12, %mul3A_18 : vector<4096x64xf32>
    %slice3A_20 = vector.extract_strided_slice %get3A_4 {offsets = [0, 1], sizes = [4096, 1], strides = [1, 1]} : vector<4096x3xf32> to vector<4096x1xf32>
    %get3A_21 = arith.constant 1 : index
    %get3A_22 = arith.constant 0 : index
    %get3A_23 = vector.load %arg4[%get3A_21, %get3A_22] : memref<3x64xf32, #tpu.memory_space<vmem>>, vector<1x64xf32>
    %mul3A_24 = vector.broadcast %slice3A_20 : vector<4096x1xf32> to vector<4096x64xf32>
    %mul3A_25 = vector.broadcast %get3A_23 : vector<1x64xf32> to vector<4096x64xf32>
    %mul3A_26 = arith.mulf %mul3A_24, %mul3A_25 : vector<4096x64xf32>
    %add3A_27 = arith.addf %add3A_19, %mul3A_26 : vector<4096x64xf32>
    %slice3A_28 = vector.extract_strided_slice %get3A_4 {offsets = [0, 2], sizes = [4096, 1], strides = [1, 1]} : vector<4096x3xf32> to vector<4096x1xf32>
    %get3A_29 = arith.constant 2 : index
    %get3A_30 = arith.constant 0 : index
    %get3A_31 = vector.load %arg4[%get3A_29, %get3A_30] : memref<3x64xf32, #tpu.memory_space<vmem>>, vector<1x64xf32>
    %mul3A_32 = vector.broadcast %slice3A_28 : vector<4096x1xf32> to vector<4096x64xf32>
    %mul3A_33 = vector.broadcast %get3A_31 : vector<1x64xf32> to vector<4096x64xf32>
    %mul3A_34 = arith.mulf %mul3A_32, %mul3A_33 : vector<4096x64xf32>
    %add3A_35 = arith.addf %add3A_27, %mul3A_34 : vector<4096x64xf32>
    %mul3A_36 = arith.constant 3.000000e+01 : f32
    %mul3A_37 = vector.broadcast %mul3A_36 : f32 to vector<4096x64xf32>
    %mul3A_38 = arith.mulf %mul3A_37, %add3A_35 : vector<4096x64xf32>
    %mul3A_39 = arith.constant 0.318309873 : f32
    %mul3A_40 = vector.broadcast %mul3A_39 : f32 to vector<4096x64xf32>
    %mul3A_41 = arith.mulf %mul3A_38, %mul3A_40 : vector<4096x64xf32>
    %add3A_42 = arith.constant 5.000000e-01 : f32
    %add3A_43 = vector.broadcast %add3A_42 : f32 to vector<4096x64xf32>
    %add3A_44 = arith.addf %mul3A_41, %add3A_43 : vector<4096x64xf32>
    %floor3A = math.floor %add3A_44 : vector<4096x64xf32>
    %mul3A_45 = arith.constant 3.14159274 : f32
    %mul3A_46 = vector.broadcast %mul3A_45 : f32 to vector<4096x64xf32>
    %mul3A_47 = arith.mulf %floor3A, %mul3A_46 : vector<4096x64xf32>
    %sub3A = arith.subf %mul3A_38, %mul3A_47 : vector<4096x64xf32>
    %mul3A_48 = arith.constant 8.74227765E-8 : f32
    %mul3A_49 = vector.broadcast %mul3A_48 : f32 to vector<4096x64xf32>
    %mul3A_50 = arith.mulf %floor3A, %mul3A_49 : vector<4096x64xf32>
    %add3A_51 = arith.addf %sub3A, %mul3A_50 : vector<4096x64xf32>
    %mul3A_52 = arith.mulf %add3A_51, %add3A_51 : vector<4096x64xf32>
    %mul3A_53 = arith.constant 2.75255616E-6 : f32
    %mul3A_54 = vector.broadcast %mul3A_53 : f32 to vector<4096x64xf32>
    %mul3A_55 = arith.mulf %mul3A_54, %mul3A_52 : vector<4096x64xf32>
    %add3A_56 = arith.constant -1.98408743E-4 : f32
    %add3A_57 = vector.broadcast %add3A_56 : f32 to vector<4096x64xf32>
    %add3A_58 = arith.addf %mul3A_55, %add3A_57 : vector<4096x64xf32>
    %mul3A_59 = arith.mulf %add3A_58, %mul3A_52 : vector<4096x64xf32>
    %add3A_60 = arith.constant 0.00833332911 : f32
    %add3A_61 = vector.broadcast %add3A_60 : f32 to vector<4096x64xf32>
    %add3A_62 = arith.addf %mul3A_59, %add3A_61 : vector<4096x64xf32>
    %mul3A_63 = arith.mulf %add3A_62, %mul3A_52 : vector<4096x64xf32>
    %add3A_64 = arith.constant -0.166666672 : f32
    %add3A_65 = vector.broadcast %add3A_64 : f32 to vector<4096x64xf32>
    %add3A_66 = arith.addf %mul3A_63, %add3A_65 : vector<4096x64xf32>
    %mul3A_67 = arith.mulf %add3A_51, %mul3A_52 : vector<4096x64xf32>
    %mul3A_68 = arith.mulf %mul3A_67, %add3A_66 : vector<4096x64xf32>
    %add3A_69 = arith.addf %add3A_51, %mul3A_68 : vector<4096x64xf32>
    %convert_element_type3A = arith.fptosi %floor3A : vector<4096x64xf32> to vector<4096x64xi32>
    %and3A = arith.constant 1 : i32
    %and3A_70 = vector.broadcast %and3A : i32 to vector<4096x64xi32>
    %and3A_71 = arith.andi %convert_element_type3A, %and3A_70 : vector<4096x64xi32>
    %shift_left3A = arith.constant 31 : i32
    %shift_left3A_72 = vector.broadcast %shift_left3A : i32 to vector<4096x64xi32>
    %shift_left3A_73 = arith.shli %and3A_71, %shift_left3A_72 : vector<4096x64xi32>
    %bitcast_convert_type3A = tpu.bitcast %add3A_69 : vector<4096x64xf32> -> vector<4096x64xi32>
    %xor3A = arith.xori %bitcast_convert_type3A, %shift_left3A_73 : vector<4096x64xi32>
    %bitcast_convert_type3A_74 = tpu.bitcast %xor3A : vector<4096x64xi32> -> vector<4096x64xf32>
    %get3A_75 = arith.constant 0 : index
    %get3A_76 = arith.constant 0 : index
    %get3A_77 = vector.load %arg8[%get3A_75, %get3A_76] : memref<64x64xf32, #tpu.memory_space<vmem>>, vector<64x64xf32>
    %dot_general3A_78 = arith.constant dense<0.000000e+00> : vector<4096x64xf32>
    %dot_general3A_79 = tpu.matmul %bitcast_convert_type3A_74, %get3A_77, %dot_general3A_78 {dimension_numbers = #tpu.dot_dimension_numbers<[1], [0], [0], [1], [0, 0, 1, 1], [], []>, transpose_lhs_hint = false} : vector<4096x64xf32>, vector<64x64xf32>, vector<4096x64xf32> -> vector<4096x64xf32>
    %get3A_80 = arith.constant 0 : index
    %get3A_81 = arith.constant 0 : index
    %get3A_82 = vector.load %arg10[%get3A_80, %get3A_81] : memref<1x64xf32, #tpu.memory_space<vmem>>, vector<1x64xf32>
    %add3A_83 = vector.broadcast %get3A_82 : vector<1x64xf32> to vector<4096x64xf32>
    %add3A_84 = arith.addf %dot_general3A_79, %add3A_83 : vector<4096x64xf32>
    %mul3A_85 = arith.constant 3.000000e+01 : f32
    %mul3A_86 = vector.broadcast %mul3A_85 : f32 to vector<4096x64xf32>
    %mul3A_87 = arith.mulf %mul3A_86, %add3A_84 : vector<4096x64xf32>
    %mul3A_88 = arith.constant 0.318309873 : f32
    %mul3A_89 = vector.broadcast %mul3A_88 : f32 to vector<4096x64xf32>
    %mul3A_90 = arith.mulf %mul3A_87, %mul3A_89 : vector<4096x64xf32>
    %add3A_91 = arith.constant 5.000000e-01 : f32
    %add3A_92 = vector.broadcast %add3A_91 : f32 to vector<4096x64xf32>
    %add3A_93 = arith.addf %mul3A_90, %add3A_92 : vector<4096x64xf32>
    %floor3A_94 = math.floor %add3A_93 : vector<4096x64xf32>
    %mul3A_95 = arith.constant 3.14159274 : f32
    %mul3A_96 = vector.broadcast %mul3A_95 : f32 to vector<4096x64xf32>
    %mul3A_97 = arith.mulf %floor3A_94, %mul3A_96 : vector<4096x64xf32>
    %sub3A_98 = arith.subf %mul3A_87, %mul3A_97 : vector<4096x64xf32>
    %mul3A_99 = arith.constant 8.74227765E-8 : f32
    %mul3A_100 = vector.broadcast %mul3A_99 : f32 to vector<4096x64xf32>
    %mul3A_101 = arith.mulf %floor3A_94, %mul3A_100 : vector<4096x64xf32>
    %add3A_102 = arith.addf %sub3A_98, %mul3A_101 : vector<4096x64xf32>
    %mul3A_103 = arith.mulf %add3A_102, %add3A_102 : vector<4096x64xf32>
    %mul3A_104 = arith.constant 2.75255616E-6 : f32
    %mul3A_105 = vector.broadcast %mul3A_104 : f32 to vector<4096x64xf32>
    %mul3A_106 = arith.mulf %mul3A_105, %mul3A_103 : vector<4096x64xf32>
    %add3A_107 = arith.constant -1.98408743E-4 : f32
    %add3A_108 = vector.broadcast %add3A_107 : f32 to vector<4096x64xf32>
    %add3A_109 = arith.addf %mul3A_106, %add3A_108 : vector<4096x64xf32>
    %mul3A_110 = arith.mulf %add3A_109, %mul3A_103 : vector<4096x64xf32>
    %add3A_111 = arith.constant 0.00833332911 : f32
    %add3A_112 = vector.broadcast %add3A_111 : f32 to vector<4096x64xf32>
    %add3A_113 = arith.addf %mul3A_110, %add3A_112 : vector<4096x64xf32>
    %mul3A_114 = arith.mulf %add3A_113, %mul3A_103 : vector<4096x64xf32>
    %add3A_115 = arith.constant -0.166666672 : f32
    %add3A_116 = vector.broadcast %add3A_115 : f32 to vector<4096x64xf32>
    %add3A_117 = arith.addf %mul3A_114, %add3A_116 : vector<4096x64xf32>
    %mul3A_118 = arith.mulf %add3A_102, %mul3A_103 : vector<4096x64xf32>
    %mul3A_119 = arith.mulf %mul3A_118, %add3A_117 : vector<4096x64xf32>
    %add3A_120 = arith.addf %add3A_102, %mul3A_119 : vector<4096x64xf32>
    %convert_element_type3A_121 = arith.fptosi %floor3A_94 : vector<4096x64xf32> to vector<4096x64xi32>
    %and3A_122 = arith.constant 1 : i32
    %and3A_123 = vector.broadcast %and3A_122 : i32 to vector<4096x64xi32>
    %and3A_124 = arith.andi %convert_element_type3A_121, %and3A_123 : vector<4096x64xi32>
    %shift_left3A_125 = arith.constant 31 : i32
    %shift_left3A_126 = vector.broadcast %shift_left3A_125 : i32 to vector<4096x64xi32>
    %shift_left3A_127 = arith.shli %and3A_124, %shift_left3A_126 : vector<4096x64xi32>
    %bitcast_convert_type3A_128 = tpu.bitcast %add3A_120 : vector<4096x64xf32> -> vector<4096x64xi32>
    %xor3A_129 = arith.xori %bitcast_convert_type3A_128, %shift_left3A_127 : vector<4096x64xi32>
    %bitcast_convert_type3A_130 = tpu.bitcast %xor3A_129 : vector<4096x64xi32> -> vector<4096x64xf32>
    %get3A_131 = arith.constant 0 : index
    %get3A_132 = arith.constant 0 : index
    %get3A_133 = vector.load %arg11[%get3A_131, %get3A_132] : memref<64x1xf32, #tpu.memory_space<vmem>>, vector<64x1xf32>
    %dot_general3A_134 = arith.constant dense<0.000000e+00> : vector<4096x1xf32>
    %dot_general3A_135 = tpu.matmul %bitcast_convert_type3A_130, %get3A_133, %dot_general3A_134 {dimension_numbers = #tpu.dot_dimension_numbers<[1], [0], [0], [1], [0, 0, 1, 1], [], []>, transpose_lhs_hint = false} : vector<4096x64xf32>, vector<64x1xf32>, vector<4096x1xf32> -> vector<4096x1xf32>
    %get3A_136 = arith.constant 0 : index
    %get3A_137 = arith.constant 0 : index
    %get3A_138 = vector.load %arg13[%get3A_136, %get3A_137] : memref<1x1xf32, #tpu.memory_space<vmem>>, vector<1x1xf32>
    %add3A_139 = vector.broadcast %get3A_138 : vector<1x1xf32> to vector<4096x1xf32>
    %add3A_140 = arith.addf %dot_general3A_135, %add3A_139 : vector<4096x1xf32>
    %swap3A = arith.constant 0 : index
    %swap3A_141 = arith.constant 0 : index
    %swap3A_142 = vector.load %arg14[%swap3A, %swap3A_141] : memref<4096x1xf32, #tpu.memory_space<vmem>>, vector<4096x1xf32>
    tpu.vector_store %arg14[%swap3A, %swap3A_141], %add3A_140 {strides = array<i32>} : memref<4096x1xf32, #tpu.memory_space<vmem>>, vector<4096x1xf32>,
    %add3A_143 = arith.constant 1.57079637 : f32
    %add3A_144 = vector.broadcast %add3A_143 : f32 to vector<4096x64xf32>
    %add3A_145 = arith.addf %mul3A_87, %add3A_144 : vector<4096x64xf32>
    %mul3A_146 = arith.constant 0.318309873 : f32
    %mul3A_147 = vector.broadcast %mul3A_146 : f32 to vector<4096x64xf32>
    %mul3A_148 = arith.mulf %add3A_145, %mul3A_147 : vector<4096x64xf32>
    %add3A_149 = arith.constant 5.000000e-01 : f32
    %add3A_150 = vector.broadcast %add3A_149 : f32 to vector<4096x64xf32>
    %add3A_151 = arith.addf %mul3A_148, %add3A_150 : vector<4096x64xf32>
    %floor3A_152 = math.floor %add3A_151 : vector<4096x64xf32>
    %mul3A_153 = arith.constant 3.14159274 : f32
    %mul3A_154 = vector.broadcast %mul3A_153 : f32 to vector<4096x64xf32>
    %mul3A_155 = arith.mulf %floor3A_152, %mul3A_154 : vector<4096x64xf32>
    %sub3A_156 = arith.subf %add3A_145, %mul3A_155 : vector<4096x64xf32>
    %mul3A_157 = arith.constant 8.74227765E-8 : f32
    %mul3A_158 = vector.broadcast %mul3A_157 : f32 to vector<4096x64xf32>
    %mul3A_159 = arith.mulf %floor3A_152, %mul3A_158 : vector<4096x64xf32>
    %add3A_160 = arith.addf %sub3A_156, %mul3A_159 : vector<4096x64xf32>
    %mul3A_161 = arith.mulf %add3A_160, %add3A_160 : vector<4096x64xf32>
    %mul3A_162 = arith.constant 2.75255616E-6 : f32
    %mul3A_163 = vector.broadcast %mul3A_162 : f32 to vector<4096x64xf32>
    %mul3A_164 = arith.mulf %mul3A_163, %mul3A_161 : vector<4096x64xf32>
    %add3A_165 = arith.constant -1.98408743E-4 : f32
    %add3A_166 = vector.broadcast %add3A_165 : f32 to vector<4096x64xf32>
    %add3A_167 = arith.addf %mul3A_164, %add3A_166 : vector<4096x64xf32>
    %mul3A_168 = arith.mulf %add3A_167, %mul3A_161 : vector<4096x64xf32>
    %add3A_169 = arith.constant 0.00833332911 : f32
    %add3A_170 = vector.broadcast %add3A_169 : f32 to vector<4096x64xf32>
    %add3A_171 = arith.addf %mul3A_168, %add3A_170 : vector<4096x64xf32>
    %mul3A_172 = arith.mulf %add3A_171, %mul3A_161 : vector<4096x64xf32>
    %add3A_173 = arith.constant -0.166666672 : f32
    %add3A_174 = vector.broadcast %add3A_173 : f32 to vector<4096x64xf32>
    %add3A_175 = arith.addf %mul3A_172, %add3A_174 : vector<4096x64xf32>
    %mul3A_176 = arith.mulf %add3A_160, %mul3A_161 : vector<4096x64xf32>
    %mul3A_177 = arith.mulf %mul3A_176, %add3A_175 : vector<4096x64xf32>
    %add3A_178 = arith.addf %add3A_160, %mul3A_177 : vector<4096x64xf32>
    %convert_element_type3A_179 = arith.fptosi %floor3A_152 : vector<4096x64xf32> to vector<4096x64xi32>
    %and3A_180 = arith.constant 1 : i32
    %and3A_181 = vector.broadcast %and3A_180 : i32 to vector<4096x64xi32>
    %and3A_182 = arith.andi %convert_element_type3A_179, %and3A_181 : vector<4096x64xi32>
    %shift_left3A_183 = arith.constant 31 : i32
    %shift_left3A_184 = vector.broadcast %shift_left3A_183 : i32 to vector<4096x64xi32>
    %shift_left3A_185 = arith.shli %and3A_182, %shift_left3A_184 : vector<4096x64xi32>
    %bitcast_convert_type3A_186 = tpu.bitcast %add3A_178 : vector<4096x64xf32> -> vector<4096x64xi32>
    %xor3A_187 = arith.xori %bitcast_convert_type3A_186, %shift_left3A_185 : vector<4096x64xi32>
    %bitcast_convert_type3A_188 = tpu.bitcast %xor3A_187 : vector<4096x64xi32> -> vector<4096x64xf32>
    %mul3A_189 = arith.constant 3.000000e+01 : f32
    %mul3A_190 = vector.broadcast %mul3A_189 : f32 to vector<4096x64xf32>
    %mul3A_191 = arith.mulf %mul3A_190, %bitcast_convert_type3A_188 : vector<4096x64xf32>
    %get3A_192 = arith.constant 0 : index
    %get3A_193 = arith.constant 0 : index
    %get3A_194 = vector.load %arg12[%get3A_192, %get3A_193] : memref<1x64xf32, #tpu.memory_space<vmem>>, vector<1x64xf32>
    %mul3A_195 = vector.broadcast %get3A_194 : vector<1x64xf32> to vector<4096x64xf32>
    %mul3A_196 = arith.mulf %mul3A_191, %mul3A_195 : vector<4096x64xf32>
    %get3A_197 = arith.constant 0 : index
    %get3A_198 = arith.constant 0 : index
    %get3A_199 = vector.load %arg9[%get3A_197, %get3A_198] : memref<64x64xf32, #tpu.memory_space<vmem>>, vector<64x64xf32>
    %dot_general3A_200 = arith.constant dense<0.000000e+00> : vector<4096x64xf32>
    %dot_general3A_201 = tpu.matmul %mul3A_196, %get3A_199, %dot_general3A_200 {dimension_numbers = #tpu.dot_dimension_numbers<[1], [0], [0], [1], [0, 0, 1, 1], [], []>, transpose_lhs_hint = false} : vector<4096x64xf32>, vector<64x64xf32>, vector<4096x64xf32> -> vector<4096x64xf32>
    %add3A_202 = arith.constant 1.57079637 : f32
    %add3A_203 = vector.broadcast %add3A_202 : f32 to vector<4096x64xf32>
    %add3A_204 = arith.addf %mul3A_38, %add3A_203 : vector<4096x64xf32>
    %mul3A_205 = arith.constant 0.318309873 : f32
    %mul3A_206 = vector.broadcast %mul3A_205 : f32 to vector<4096x64xf32>
    %mul3A_207 = arith.mulf %add3A_204, %mul3A_206 : vector<4096x64xf32>
    %add3A_208 = arith.constant 5.000000e-01 : f32
    %add3A_209 = vector.broadcast %add3A_208 : f32 to vector<4096x64xf32>
    %add3A_210 = arith.addf %mul3A_207, %add3A_209 : vector<4096x64xf32>
    %floor3A_211 = math.floor %add3A_210 : vector<4096x64xf32>
    %mul3A_212 = arith.constant 3.14159274 : f32
    %mul3A_213 = vector.broadcast %mul3A_212 : f32 to vector<4096x64xf32>
    %mul3A_214 = arith.mulf %floor3A_211, %mul3A_213 : vector<4096x64xf32>
    %sub3A_215 = arith.subf %add3A_204, %mul3A_214 : vector<4096x64xf32>
    %mul3A_216 = arith.constant 8.74227765E-8 : f32
    %mul3A_217 = vector.broadcast %mul3A_216 : f32 to vector<4096x64xf32>
    %mul3A_218 = arith.mulf %floor3A_211, %mul3A_217 : vector<4096x64xf32>
    %add3A_219 = arith.addf %sub3A_215, %mul3A_218 : vector<4096x64xf32>
    %mul3A_220 = arith.mulf %add3A_219, %add3A_219 : vector<4096x64xf32>
    %mul3A_221 = arith.constant 2.75255616E-6 : f32
    %mul3A_222 = vector.broadcast %mul3A_221 : f32 to vector<4096x64xf32>
    %mul3A_223 = arith.mulf %mul3A_222, %mul3A_220 : vector<4096x64xf32>
    %add3A_224 = arith.constant -1.98408743E-4 : f32
    %add3A_225 = vector.broadcast %add3A_224 : f32 to vector<4096x64xf32>
    %add3A_226 = arith.addf %mul3A_223, %add3A_225 : vector<4096x64xf32>
    %mul3A_227 = arith.mulf %add3A_226, %mul3A_220 : vector<4096x64xf32>
    %add3A_228 = arith.constant 0.00833332911 : f32
    %add3A_229 = vector.broadcast %add3A_228 : f32 to vector<4096x64xf32>
    %add3A_230 = arith.addf %mul3A_227, %add3A_229 : vector<4096x64xf32>
    %mul3A_231 = arith.mulf %add3A_230, %mul3A_220 : vector<4096x64xf32>
    %add3A_232 = arith.constant -0.166666672 : f32
    %add3A_233 = vector.broadcast %add3A_232 : f32 to vector<4096x64xf32>
    %add3A_234 = arith.addf %mul3A_231, %add3A_233 : vector<4096x64xf32>
    %mul3A_235 = arith.mulf %add3A_219, %mul3A_220 : vector<4096x64xf32>
    %mul3A_236 = arith.mulf %mul3A_235, %add3A_234 : vector<4096x64xf32>
    %add3A_237 = arith.addf %add3A_219, %mul3A_236 : vector<4096x64xf32>
    %convert_element_type3A_238 = arith.fptosi %floor3A_211 : vector<4096x64xf32> to vector<4096x64xi32>
    %and3A_239 = arith.constant 1 : i32
    %and3A_240 = vector.broadcast %and3A_239 : i32 to vector<4096x64xi32>
    %and3A_241 = arith.andi %convert_element_type3A_238, %and3A_240 : vector<4096x64xi32>
    %shift_left3A_242 = arith.constant 31 : i32
    %shift_left3A_243 = vector.broadcast %shift_left3A_242 : i32 to vector<4096x64xi32>
    %shift_left3A_244 = arith.shli %and3A_241, %shift_left3A_243 : vector<4096x64xi32>
    %bitcast_convert_type3A_245 = tpu.bitcast %add3A_237 : vector<4096x64xf32> -> vector<4096x64xi32>
    %xor3A_246 = arith.xori %bitcast_convert_type3A_245, %shift_left3A_244 : vector<4096x64xi32>
    %bitcast_convert_type3A_247 = tpu.bitcast %xor3A_246 : vector<4096x64xi32> -> vector<4096x64xf32>
    %mul3A_248 = arith.constant 3.000000e+01 : f32
    %mul3A_249 = vector.broadcast %mul3A_248 : f32 to vector<4096x64xf32>
    %mul3A_250 = arith.mulf %mul3A_249, %bitcast_convert_type3A_247 : vector<4096x64xf32>
    %mul3A_251 = arith.mulf %mul3A_250, %dot_general3A_201 : vector<4096x64xf32>
    %get3A_252 = arith.constant 0 : index
    %get3A_253 = arith.constant 0 : index
    %get3A_254 = vector.load %arg5[%get3A_252, %get3A_253] : memref<64x16xf32, #tpu.memory_space<vmem>>, vector<64x16xf32>
    %dot_general3A_255 = arith.constant dense<0.000000e+00> : vector<4096x16xf32>
    %dot_general3A_256 = tpu.matmul %mul3A_251, %get3A_254, %dot_general3A_255 {dimension_numbers = #tpu.dot_dimension_numbers<[1], [0], [0], [1], [0, 0, 1, 1], [], []>, transpose_lhs_hint = false} : vector<4096x64xf32>, vector<64x16xf32>, vector<4096x16xf32> -> vector<4096x16xf32>
    %get3A_257 = arith.constant 0 : index
    %get3A_258 = arith.constant 0 : index
    %get3A_259 = vector.load %arg6[%get3A_257, %get3A_258] : memref<64x3xf32, #tpu.memory_space<vmem>>, vector<64x3xf32>
    %dot_general3A_260 = arith.constant dense<0.000000e+00> : vector<4096x3xf32>
    %dot_general3A_261 = tpu.matmul %mul3A_251, %get3A_259, %dot_general3A_260 {dimension_numbers = #tpu.dot_dimension_numbers<[1], [0], [0], [1], [0, 0, 1, 1], [], []>, transpose_lhs_hint = false} : vector<4096x64xf32>, vector<64x3xf32>, vector<4096x3xf32> -> vector<4096x3xf32>
    %slice3A_262 = vector.extract_strided_slice %get3A_1 {offsets = [0, 16], sizes = [4096, 16], strides = [1, 1]} : vector<4096x64xf32> to vector<4096x16xf32>
    %mul3A_263 = arith.mulf %dot_general3A_256, %slice3A_262 : vector<4096x16xf32>
    %reduce_sum3A = arith.constant dense<0.000000e+00> : vector<4096xf32>
    %reduce_sum3A_264 = vector.multi_reduction <add>, %mul3A_263, %reduce_sum3A [1] : vector<4096x16xf32> to vector<4096xf32>
    %broadcast_in_dim3A = vector.shape_cast %reduce_sum3A_264 : vector<4096xf32> to vector<4096x1xf32>
    %slice3A_265 = vector.extract_strided_slice %get3A_1 {offsets = [0, 32], sizes = [4096, 16], strides = [1, 1]} : vector<4096x64xf32> to vector<4096x16xf32>
    %mul3A_266 = arith.mulf %dot_general3A_256, %slice3A_265 : vector<4096x16xf32>
    %reduce_sum3A_267 = arith.constant dense<0.000000e+00> : vector<4096xf32>
    %reduce_sum3A_268 = vector.multi_reduction <add>, %mul3A_266, %reduce_sum3A_267 [1] : vector<4096x16xf32> to vector<4096xf32>
    %broadcast_in_dim3A_269 = vector.shape_cast %reduce_sum3A_268 : vector<4096xf32> to vector<4096x1xf32>
    %slice3A_270 = vector.extract_strided_slice %get3A_1 {offsets = [0, 48], sizes = [4096, 16], strides = [1, 1]} : vector<4096x64xf32> to vector<4096x16xf32>
    %mul3A_271 = arith.mulf %dot_general3A_256, %slice3A_270 : vector<4096x16xf32>
    %reduce_sum3A_272 = arith.constant dense<0.000000e+00> : vector<4096xf32>
    %reduce_sum3A_273 = vector.multi_reduction <add>, %mul3A_271, %reduce_sum3A_272 [1] : vector<4096x16xf32> to vector<4096xf32>
    %broadcast_in_dim3A_274 = vector.shape_cast %reduce_sum3A_273 : vector<4096xf32> to vector<4096x1xf32>
    %concatenate3A = tpu.concatenate %broadcast_in_dim3A, %broadcast_in_dim3A_269, %broadcast_in_dim3A_274 in 1 : vector<4096x1xf32>, vector<4096x1xf32>, vector<4096x1xf32> -> vector<4096x3xf32>
    %add3A_275 = arith.addf %dot_general3A_261, %concatenate3A : vector<4096x3xf32>
    %swap3A_276 = arith.constant 0 : index
    %swap3A_277 = arith.constant 0 : index
    %swap3A_278 = vector.load %arg15[%swap3A_276, %swap3A_277] : memref<4096x3xf32, #tpu.memory_space<vmem>>, vector<4096x3xf32>
    tpu.vector_store %arg15[%swap3A_276, %swap3A_277], %add3A_275 {strides = array<i32>} : memref<4096x3xf32, #tpu.memory_space<vmem>>, vector<4096x3xf32>,
    return
  }
  func.func @transform_0(%arg0: i32) -> (i32, i32) {
    %c0_i32 = arith.constant 0 : i32
    %c0_i32_0 = arith.constant 0 : i32
    return %arg0, %c0_i32 : i32, i32
  }
  func.func @transform_1(%arg0: i32) -> (i32, i32) {
    %c0_i32 = arith.constant 0 : i32
    %c0_i32_0 = arith.constant 0 : i32
    return %arg0, %c0_i32 : i32, i32
  }
  func.func @transform_2(%arg0: i32) -> (i32, i32) {
    %c0_i32 = arith.constant 0 : i32
    %c0_i32_0 = arith.constant 0 : i32
    %c0_i32_1 = arith.constant 0 : i32
    return %c0_i32, %c0_i32_0 : i32, i32
  }
  func.func @transform_3(%arg0: i32) -> (i32, i32) {
    %c0_i32 = arith.constant 0 : i32
    %c0_i32_0 = arith.constant 0 : i32
    %c0_i32_1 = arith.constant 0 : i32
    return %c0_i32, %c0_i32_0 : i32, i32
  }
  func.func @transform_4(%arg0: i32) -> (i32, i32) {
    %c0_i32 = arith.constant 0 : i32
    %c0_i32_0 = arith.constant 0 : i32
    %c0_i32_1 = arith.constant 0 : i32
    return %c0_i32, %c0_i32_0 : i32, i32
  }
  func.func @transform_5(%arg0: i32) -> (i32, i32) {
    %c0_i32 = arith.constant 0 : i32
    %c0_i32_0 = arith.constant 0 : i32
    %c0_i32_1 = arith.constant 0 : i32
    return %c0_i32, %c0_i32_0 : i32, i32
  }
  func.func @transform_6(%arg0: i32) -> (i32, i32) {
    %c0_i32 = arith.constant 0 : i32
    %c0_i32_0 = arith.constant 0 : i32
    %c0_i32_1 = arith.constant 0 : i32
    return %c0_i32, %c0_i32_0 : i32, i32
  }
  func.func @transform_7(%arg0: i32) -> (i32, i32) {
    %c0_i32 = arith.constant 0 : i32
    %c0_i32_0 = arith.constant 0 : i32
    %c0_i32_1 = arith.constant 0 : i32
    return %c0_i32, %c0_i32_0 : i32, i32
  }
  func.func @transform_8(%arg0: i32) -> (i32, i32) {
    %c0_i32 = arith.constant 0 : i32
    %c0_i32_0 = arith.constant 0 : i32
    %c0_i32_1 = arith.constant 0 : i32
    return %c0_i32, %c0_i32_0 : i32, i32
  }
  func.func @transform_9(%arg0: i32) -> (i32, i32) {
    %c0_i32 = arith.constant 0 : i32
    %c0_i32_0 = arith.constant 0 : i32
    %c0_i32_1 = arith.constant 0 : i32
    return %c0_i32, %c0_i32_0 : i32, i32
  }
  func.func @transform_10(%arg0: i32) -> (i32, i32) {
    %c0_i32 = arith.constant 0 : i32
    %c0_i32_0 = arith.constant 0 : i32
    %c0_i32_1 = arith.constant 0 : i32
    return %c0_i32, %c0_i32_0 : i32, i32
  }
  func.func @transform_11(%arg0: i32) -> (i32, i32) {
    %c0_i32 = arith.constant 0 : i32
    %c0_i32_0 = arith.constant 0 : i32
    %c0_i32_1 = arith.constant 0 : i32
    return %c0_i32, %c0_i32_0 : i32, i32
  }
  func.func @transform_12(%arg0: i32) -> (i32, i32) {
    %c0_i32 = arith.constant 0 : i32
    %c0_i32_0 = arith.constant 0 : i32
    %c0_i32_1 = arith.constant 0 : i32
    return %c0_i32, %c0_i32_0 : i32, i32
  }
  func.func @transform_13(%arg0: i32) -> (i32, i32) {
    %c0_i32 = arith.constant 0 : i32
    %c0_i32_0 = arith.constant 0 : i32
    return %arg0, %c0_i32 : i32, i32
  }
  func.func @transform_14(%arg0: i32) -> (i32, i32) {
    %c0_i32 = arith.constant 0 : i32
    %c0_i32_0 = arith.constant 0 : i32
    return %arg0, %c0_i32 : i32, i32
  }
}

</mosaic_0001>

<sc_bundles>
// kernel: kernel.4.cloned.1.call-start
scs
__scs_entry_jumppad:
0x0: {  	(pc) =	sbr.rel $0x88, $3  }
0x1: {  	(tag) =	ssettag $0x0;
	lr =	simm.s32 $0x1  }
0x2: {  	[smem:$0x3F97] =	sst lr;
	_ =	strace $0xD0000000  }
0x3: {  	_ = 	snop  }
0x4: {  	_ = 	snop  }
0x5: {  	_ = 	snop  }
0x6: {  	_ = 	snop  }
0x7: {  	_ = 	snop  }
__scs_overlays_trampoline_lowered:
0x8: {  	[smem:$0x3FA6] =	sst s0  }
0x9: {  	[smem:$0x3FA7] =	sst s1  }
0xa: {  	[smem:$0x3FA8] =	sst s2  }
0xb: {  	[smem:$0x3FA9] =	sst s3  }
0xc: {  	[smem:$0x3FAA] =	sst s4  }
0xd: {  	[smem:$0x3FAB] =	sst s5  }
0xe: {  	[smem:$0x3FAC] =	sst s6  }
0xf: {  	[smem:$0x3FAD] =	sst s7  }
0x10: {  	[smem:$0x3FAE] =	sst s8  }
0x11: {  	[smem:$0x3FAF] =	sst s9;
	s0 =	simm.s32 @!p0 $0x0  }
0x12: {  	s1 =	sld [smem:$0x3F95];
	s0 =	simm.s32 @p0 $0x1  }
0x13: {  	[smem:$0x3FB0] =	sst s0;
	s0 =	simm.s32 @!p1 $0x0  }
0x14: {  	s2 =	sld [smem:$0x3F94];
	s0 =	simm.s32 @p1 $0x1  }
0x15: {  	[smem:$0x3FB1] =	sst s0;
	s0 =	simm.s32 @!p2 $0x0  }
0x16: {  	s3 =	sld [smem:$0x3FDB];
	s0 =	simm.s32 @p2 $0x1  }
0x17: {  	s4 =	simm.s32 $0x1BF5;
	[smem:$0x3FB3] =	sst s0  }
0x18: {  	s0 =	sld [smem:$0x3F96];
	_ =	swait.ge [sflag:s4], $0x0  }
0x19: {  	s7 =	sld [smem:$0x3F97]  }
0x1a: {  	s8 =	sadd.s32 $0xFFFFE003, lr  }
0x1b: {  	s9 =	sadd.s32 $0xFFFFFEF7, lr;
	s5 =	simm.s32 $0xFFFFFFFF;
	p2 =	slt.u32 s8, $0xFFFFF086  }
0x1c: {  	p1 =	slt.u32 s9, $0xF7A;
	s5 =	simm.s32 @!p2 $0x0  }
0x1d: {  	s5 =	simm.s32 @p1 $0x1;
	p0 =	seq.s32 s7, s2  }
0x1e: {  	s7 =	smul.u32 @!p0 $0xF7A, s2;
	p2 =	seq.s32 @!p0 s5, $0x0  }
0x1f: {  	s9 =	smul.u32 $0xF7A, s1;
	s8 =	simm.s32 @!p0 $0x1BF5;
	p2 =	por !p2, p0  }
0x20: {  	[sflag:s8] =	ssyncset.s32 @!p0 $0xFFFFF086;
	s6 =	sadd.s32 @!p0 s3, s7;
	s7 =	simm.s32 @!p0 $0x108  }
0x21: {  	s3 =	sadd.s32 s3, s9;
	s6 =	sadd.s32 @!p0 $0x88, s6;
	s7 =	simm.s32 @p2 $0x1082  }
0x22: {  	[simem:s7], [sflag:s8] =	dma.local @!p0 [hbm:s6], $0xF7A  }
0x23: {  	s9 =	sor.u32 $0xD0000000, s2;
	s6 =	simm.s32 $0x108;
	_ =	swait.ge @!p0 [sflag:s8], $0x0  }
0x24: {  	s3 =	sadd.s32 $0x88, s3;
	s6 =	simm.s32 @!p1 $0x1082;
	[sflag:s4] =	ssyncset.s32 $0xFFFFF086  }
0x25: {  	[simem:s6], [sflag:s4] =	dma.local [hbm:s3], $0xF7A  }
0x26: {  	[smem:$0x3F97] =	sst s1;
	(tag) =	ssettag s2;
	_ =	strace s9  }
0x27: {  	s1 =	sld [smem:$0x3FA7]  }
0x28: {  	s2 =	sld [smem:$0x3FA8]  }
0x29: {  	s4 =	sld [smem:$0x3FAA]  }
0x2a: {  	p0 =	seq.s32 s5, $0x0;
	s5 =	sld [smem:$0x3FAB]  }
0x2b: {  	s6 =	sld [smem:$0x3FAC]  }
0x2c: {  	s7 =	sld [smem:$0x3FAD]  }
0x2d: {  	s3 =	simm.s32 $0x108;
	s8 =	sld [smem:$0x3FAE]  }
0x2e: {  	s3 =	simm.s32 @!p0 $0x1082;
	s9 =	sld [smem:$0x3FAF]  }
0x2f: {  	lr =	sadd.s32 s0, s3;
	s0 =	sld [smem:$0x3FA6]  }
0x30: {  	s3 =	sld [smem:$0x3FA9]  }
0x31: {  	[smem:$0x3FB2] =	sst s10  }
0x32: {  	s10 =	sld [smem:$0x3FB0];
	_ =	sdelay $0x3  }
0x33: {  	p0 =	seq.s32 s10, $0x1;
	s10 =	sld [smem:$0x3FB2];
	_ =	sdelay $0x3  }
0x34: {  	[smem:$0x3FB2] =	sst s10  }
0x35: {  	s10 =	sld [smem:$0x3FB1];
	_ =	sdelay $0x3  }
0x36: {  	p1 =	seq.s32 s10, $0x1;
	s10 =	sld [smem:$0x3FB2];
	_ =	sdelay $0x3  }
0x37: {  	[smem:$0x3FB2] =	sst s10  }
0x38: {  	s10 =	sld [smem:$0x3FB3]  }
0x39: {  	_ = 	snop;
	(pc) =	sbr.ind lr, $3  }
0x3a: {  	_ = 	snop  }
0x3b: {  	_ = 	snop  }
0x3c: {  	p2 =	seq.s32 s10, $0x1;
	s10 =	sld [smem:$0x3FB2]  }
0x3d: {  	_ =	shalt  }
0x3e: {  	_ =	shalt  }
0x3f: {  	_ =	shalt  }
0x40: {  	_ =	shalt  }
0x41: {  	_ =	shalt  }
0x42: {  	_ =	shalt  }
0x43: {  	_ =	shalt  }
0x44: {  	_ =	shalt  }
0x45: {  	_ =	shalt  }
0x46: {  	_ =	shalt  }
0x47: {  	_ =	shalt  }
0x48: {  	_ =	shalt  }
0x49: {  	_ =	shalt  }
0x4a: {  	_ =	shalt  }
0x4b: {  	_ =	shalt  }
0x4c: {  	_ =	shalt  }
0x4d: {  	_ =	shalt  }
0x4e: {  	_ =	shalt  }
0x4f: {  	_ =	shalt  }
0x50: {  	_ =	shalt  }
0x51: {  	_ =	shalt  }
0x52: {  	_ =	shalt  }
0x53: {  	_ =	shalt  }
0x54: {  	_ =	shalt  }
0x55: {  	_ =	shalt  }
0x56: {  	_ =	shalt  }
0x57: {  	_ =	shalt  }
0x58: {  	_ =	shalt  }
0x59: {  	_ =	shalt  }
0x5a: {  	_ =	shalt  }
0x5b: {  	_ =	shalt  }
0x5c: {  	_ =	shalt  }
0x5d: {  	_ =	shalt  }
0x5e: {  	_ =	shalt  }
0x5f: {  	_ =	shalt  }
0x60: {  	_ =	shalt  }
0x61: {  	_ =	shalt  }
0x62: {  	_ =	shalt  }
0x63: {  	_ =	shalt  }
0x64: {  	_ =	shalt  }
0x65: {  	_ =	shalt  }
0x66: {  	_ =	shalt  }
0x67: {  	_ =	shalt  }
0x68: {  	_ =	shalt  }
0x69: {  	_ =	shalt  }
0x6a: {  	_ =	shalt  }
0x6b: {  	_ =	shalt  }
0x6c: {  	_ =	shalt  }
0x6d: {  	_ =	shalt  }
0x6e: {  	_ =	shalt  }
0x6f: {  	_ =	shalt  }
0x70: {  	_ =	shalt  }
0x71: {  	_ =	shalt  }
0x72: {  	_ =	shalt  }
0x73: {  	_ =	shalt  }
0x74: {  	_ =	shalt  }
0x75: {  	_ =	shalt  }
0x76: {  	_ =	shalt  }
0x77: {  	_ =	shalt  }
0x78: {  	_ =	shalt  }
0x79: {  	_ =	shalt  }
0x7a: {  	_ =	shalt  }
0x7b: {  	_ =	shalt  }
0x7c: {  	_ =	shalt  }
0x7d: {  	_ =	shalt  }
0x7e: {  	_ =	shalt  }
0x7f: {  	_ =	shalt  }
0x80: {  	_ =	shalt  }
0x81: {  	_ =	shalt  }
0x82: {  	_ =	shalt  }
0x83: {  	_ =	shalt  }
0x84: {  	_ =	shalt  }
0x85: {  	_ =	shalt  }
0x86: {  	_ =	shalt  }
0x87: {  	_ =	shalt  }
.Lfunc_end0:
.L_simem_size_0:
called_computation.1_lowered:
.L_overlay_start_0:
0x88: {  	s2 =	sld [smem:$0x3FD9]  }
0x89: {  	s3 =	sld [smem:$0x3FFE];
	_ =	sdelay $0x1  }
0x8a: {  	s1 =	srdreg.scid  }
0x8b: {  	s0 =	sand.u32 $0x1, s1  }
0x8c: {  	s14 =	sshll.u32 s0, $0xA;
	s2 =	sadd.s32 s3, s2  }
0x8d: {  	s2 =	sadd.s32 s2, s14  }
0x8e: {  	[smem:$0x3FBE] =	sst s2  }
0x8f: {  	_ = 	snop  }
0x90: {  	s2 =	sld [smem:$0x3FD0];
	_ =	sdelay $0x2  }
0x91: {  	s15 =	simm.s32 $0xA;
	s4 =	simm.s32 $0x10  }
0x92: {  	[smem:s4], [sflag:s15] =	dma.local [hbm:s2], $0x1  }
0x93: {  	_ =	swait.eq [sflag:s15], $0x1  }
0x94: {  	[sflag:s15] =	ssyncset.done $0x0  }
0x95: {  	s16 =	sld [smem:$0x10];
	[sflag:s15] =	ssyncadd.s32 $0xFFFFFFFF  }
0x96: {  	s17 =	sld [smem:$0x11];
	(tm) =	ssettm $0x1  }
0x97: {  	s18 =	sld [smem:$0x3FFB];
	_ =	sdelay $0x3  }
0x98: {  	_ =	strace s18  }
0x99: {  	s4 =	sld [smem:$0x3FFC];
	_ =	sdelay $0x3  }
0x9a: {  	_ =	strace s4  }
0x9b: {  	s4 =	sld [smem:$0x3FFD];
	_ =	sdelay $0x3  }
0x9c: {  	_ =	strace s4  }
0x9d: {  	_ =	strace $0x8FFFFFFF  }
0x9e: {  	s19 =	sld [smem:$0x3FDB];
	_ =	sdelay $0x1  }
0x9f: {  	s5 =	simm.s32 $_scs_section_size  }
0xa0: {  	s6 =	simm.s32 $_size__tile_overlayer_lowered;
	s7 =	simm.s32 $_tile_overlayer_lowered  }
0xa1: {  	s22 =	simm.s32 $0x1BFF;
	s21 =	sshll.u32 s7, $0x1;
	s4 =	sadd.s32 s5, s19  }
0xa2: {  	s8 =	simm.s32 $0x0;
	s20 =	sshll.u32 s6, $0x1;
	s6 =	sadd.s32 s21, s4  }
0xa3: {  	[timem:s8], [sflag:s22] =	dma.local [hbm:s6], s20  }
0xa4: {  	_ =	swait.ge [sflag:s22], s20  }
0xa5: {  	s5 =	ssub.s32 $0x0, s20;
	[sflag:s22] =	ssyncset.done $0x0  }
0xa6: {  	[sflag:s22] =	ssyncadd.s32 s5;
	_ =	sdelay $0x1  }
0xa7: {  	s23 =	simm.s32 $0x1B8B  }
0xa8: {  	_ =	swait.ge [sflag:s23], $0x1  }
0xa9: {  	[sflag:s23] =	ssyncset.done $0x0  }
0xaa: {  	s25 =	simm.s32 $0x1B8E;
	s24 =	sld [smem:$0x3FFE];
	[sflag:s23] =	ssyncadd.s32 $0xFFFFFFFF  }
0xab: {  	s26 =	simm.s32 $execute0_lowered;
	[smem:$0x3FD2] =	sst s25  }
0xac: {  	s6 =	sshll.u32 s26, $0x1;
	_ =	strace $0x80000049;
	[dreg:$0x1] =	wrdreg $0xFFFFFFFF  }
0xad: {  	s28 =	simm.s32 $_size_execute0_lowered;
	s4 =	sadd.s32 s4, s6;
	[dreg:$0x0] =	wrdreg $0x0  }
0xae: {  	s6 =	sshll.u32 s28, $0x1;
	[dreg:$0x2] =	wrdreg s4  }
0xaf: {  	[dreg:$0x3] =	wrdreg s6  }
0xb0: {  	[dreg:$0x4] =	wrdreg $0xC0  }
0xb1: {  	_ =	task [dreg:s8], $0x5FFFF  }
0xb2: {  	[dreg:$0x1] =	wrdreg $0xFFFFFFFF  }
0xb3: {  	[dreg:$0x0] =	wrdreg $0x60  }
0xb4: {  	[dreg:$0x2] =	wrdreg s17  }
0xb5: {  	[dreg:$0x3] =	wrdreg s24  }
0xb6: {  	[dreg:$0x4] =	wrdreg s16  }
0xb7: {  	[dreg:$0x5] =	wrdreg $0x9  }
0xb8: {  	_ =	task.clear_ibuf [dreg:s8], $0x6FFFF;
	_ =	strace $0x90000049  }
0xb9: {  	s29 =	simm.s32 $0x9;
	_ =	strace $0x8000004B  }
0xba: {  	_ =	swait.ge [sflag:s29], $0x1  }
0xbb: {  	[sflag:s29] =	ssyncadd.s32 $0xFFFFFFFF  }
0xbc: {  	_ =	strace $0x9000004B  }
0xbd: {  	_ =	sfence  }
0xbe: {  	s30 =	sld [smem:$0x0];
	_ =	sdelay $0x2  }
0xbf: {  	s31 =	sshll.u32 s1, $0xD;
	s1 =	sshrl.u32 s1, $0x2  }
0xc0: {  	s3 =	sand.u32 $0x4000, s31;
	s1 =	sadd.s32 s1, s30  }
0xc1: {  	s0 =	sor.u32 s3, s0;
	s1 =	sshll.u32 s1, $0x11  }
0xc2: {  	s0 =	sor.u32 s1, s0  }
0xc3: {  	s0 =	sadd.s32 $0x8F2B, s0  }
0xc4: {  	[sflag:s0] =	ssyncadd.remote.s32 $0x1  }
0xc5: {  	_ =	sfence.sel $0xFFFF  }
0xc6: {  	[dreg:$0x0] =	wrdreg $0xFFFFFFFF;
	(pc) =	sbr.abs _section_cstart, $3  }
0xc7: {  	[dreg:$0x1] =	wrdreg $0xFFFFFFFF  }
0xc8: {  	_ =	task.clear_ibuf [dreg:s8], $0x2FFFF;
	_ =	strace $0x9FFFFFFF  }
0xc9: {  	(tm) =	ssettm $0x7FFFFFFF  }
tec
execute0_lowered:
.L_overlay_start_1:
0x0: {  	(tag) =	ssettag $0x1  }
0x1: {  	s0 =	rddreg [dreg:$0x0]  }
0x2: {  	s7 =	rddreg [dreg:$0x1];
	v59 =	vimm.s32 $0x38373635  }
0x3: {  	s2 =	rddreg [dreg:$0x2];
	s3 =	simm.s32 $0x0;
	v61 =	vimm.s32 $0x404F4E4D;
	v28 =	vunpack.c.0.s8.s32 v59  }
0x4: {  	v60 =	vimm.s32 $0x4C4B4A49;
	[smem:$0x7FF] =	sst s3;
	v27 =	vunpack.c.0.s8.s32 v61  }
0x5: {  	s1 =	rddreg [dreg:$0x3];
	v62 =	vimm.s32 $0x44434241;
	v35 =	vunpack.c.0.s8.s32 v60;
	_ =	strace $0x8000004A;
	[tilespmem:$0x1FCD0] =	vst v28  }
0x6: {  	v8 =	vimm.s32 $0x5C5B5A59;
	v38 =	vunpack.c.0.s8.s32 v62;
	[tilespmem:$0x1FCE0] =	vst v27  }
0x7: {  	v9 =	vimm.s32 $0x505F5E5D;
	v7 =	vunpack.c.0.s8.s32 v8;
	[tilespmem:$0x1FCF0] =	vst v35  }
0x8: {  	v10 =	vimm.s32 $0x54535251;
	v8 =	vunpack.c.0.s8.s32 v9;
	[tilespmem:$0x1FD00] =	vst v38  }
0x9: {  	v11 =	vimm.s32 $0x58575655;
	v9 =	vunpack.c.0.s8.s32 v10;
	[tilespmem:$0x1FD70] =	vst v7  }
0xa: {  	v12 =	vimm.s32 $0x6C6B6A69;
	v10 =	vunpack.c.0.s8.s32 v11;
	[tilespmem:$0x1FD80] =	vst v8  }
0xb: {  	v13 =	vimm.s32 $0x606F6E6D;
	v11 =	vunpack.c.0.s8.s32 v12;
	[tilespmem:$0x1FD90] =	vst v9  }
0xc: {  	v14 =	vimm.s32 $0x64636261;
	v12 =	vunpack.c.0.s8.s32 v13;
	[tilespmem:$0x1FDA0] =	vst v10  }
0xd: {  	v34 =	vimm.s32 $0x68676665;
	v13 =	vunpack.c.0.s8.s32 v14;
	[tilespmem:$0x1FDB0] =	vst v11  }
0xe: {  	v36 =	vimm.s32 $0x7C7B7A79;
	v14 =	vunpack.c.0.s8.s32 v34;
	[tilespmem:$0x1FDC0] =	vst v12  }
0xf: {  	v39 =	vimm.s32 $0x707F7E7D;
	v15 =	vunpack.c.0.s8.s32 v36;
	[tilespmem:$0x1FDD0] =	vst v13  }
0x10: {  	v49 =	vimm.s32 $0x101F1E1D;
	v16 =	vunpack.c.0.s8.s32 v39;
	[tilespmem:$0x1FDE0] =	vst v14  }
0x11: {  	v50 =	vimm.s32 $0x14131211;
	v21 =	vunpack.c.0.s8.s32 v49;
	[tilespmem:$0x1FE50] =	vst v15  }
0x12: {  	v51 =	vimm.s32 $0x18171615;
	v19 =	vunpack.c.0.s8.s32 v50;
	[tilespmem:$0x1FE60] =	vst v16  }
0x13: {  	v52 =	vimm.s32 $0x2C2B2A29;
	v22 =	vunpack.c.0.s8.s32 v51;
	[tilespmem:$0x1FEA0] =	vst v21  }
0x14: {  	v53 =	vimm.s32 $0x202F2E2D;
	v24 =	vunpack.c.0.s8.s32 v52;
	[tilespmem:$0x1FEB0] =	vst v19  }
0x15: {  	v54 =	vimm.s32 $0x24232221;
	v26 =	vunpack.c.0.s8.s32 v53;
	[tilespmem:$0x1FEC0] =	vst v22  }
0x16: {  	v55 =	vimm.s32 $0x28272625;
	v32 =	vunpack.c.0.s8.s32 v54;
	[tilespmem:$0x1FED0] =	vst v24  }
0x17: {  	v0 =	vimm.s32 $0xFEDCBA9;
	v56 =	vimm.s32 $0x3C3B3A39;
	v37 =	vunpack.c.0.s8.s32 v55;
	[tilespmem:$0x1FEE0] =	vst v26  }
0x18: {  	v1 =	vimm.s32 $0x87654321;
	v57 =	vimm.s32 $0x303F3E3D;
	v23 =	vunpack.c.0.s8.s32 v56;
	[tilespmem:$0x1FEF0] =	vst v32  }
0x19: {  	v46 =	vimm.s32 $0x52741630;
	v4 =	vimm.s32 $0x78777675;
	v33 =	vunpack.c.0.s8.s32 v57;
	[tilespmem:$0x1FF00] =	vst v37  }
0x1a: {  	v48 =	vimm.s32 $0x1C1B1A19;
	v57 =	vunpack.c.0.s8.s32 v4;
	v50 =	vimm.s32 $0x2D2C2B2A;
	[tilespmem:$0x1FF10] =	vst v23  }
0x1b: {  	v0 =	vunpack.c.l.s4.s8 v0;
	v54 =	vimm.s32 $0x29282726;
	v51 =	vunpack.c.0.s8.s32 v50;
	[tilespmem:$0x1FF20] =	vst v33  }
0x1c: {  	v63 =	vimm.s32 $0x48474645;
	v1 =	vunpack.c.l.s4.s8 v1;
	v55 =	vunpack.c.0.s8.s32 v54;
	[tilespmem:$0x1FF60] =	vst v57  }
0x1d: {  	v40 =	vimm.s32 $0x10FEDCBA;
	v2 =	vunpack.c.0.s8.s32 v0;
	v0 =	vunpack.c.l.s4.s8 v46;
	[tilespmem:$0x1F6B0] =	vst v51  }
0x1e: {  	v45 =	vimm.s32 $0x1D1C1B1A;
	v59 =	vimm.s32 $0x35343332;
	v3 =	vunpack.c.0.s8.s32 v1;
	[tilespmem:$0x1F6E0] =	vst v55  }
0x1f: {  	v60 =	vunpack.c.0.s8.s32 v59;
	[tilespmem:$0x1F640] =	vst v2;
	v30 =	vunpack.c.0.s8.s32 v0;
	v0 =	vunpack.c.0.s8.s32 v45  }
0x20: {  	[tilespmem:$0x1F650] =	vst v3;
	v3 =	vcombine.low v3, v2;
	v2 =	vunpack.c.0.s8.s32 v48;
	v48 =	vimm.s32 $0x15141312  }
0x21: {  	v6 =	vunpack.c.0.s8.s32 v63;
	v63 =	vimm.s32 $0x41404F4E;
	[tilespmem:$0x1F670] =	vst v0;
	v0 =	vunpack.c.0.s8.s32 v48  }
0x22: {  	v41 =	vunpack.c.l.s4.s8 v40;
	v49 =	vimm.s32 $0x19181716;
	v36 =	vunpack.c.0.s8.s32 v63;
	[tilespmem:$0x1F710] =	vst v60  }
0x23: {  	[tilespmem:$0x1F690] =	vst v0;
	v0 =	vunpack.c.0.s8.s32 v49  }
0x24: {  	v52 =	vimm.s32 $0x21202F2E;
	v34 =	vunpack.c.0.s8.s32 v41;
	[tilespmem:$0x1F740] =	vst v36  }
0x25: {  	v47 =	vimm.f32 $1.200000050e+00;
	v46 =	vimm.s32 $0x11101F1E;
	[tilespmem:$0x1F6A0] =	vst v0;
	v0 =	vunpack.c.0.s8.s32 v52  }
0x26: {  	v53 =	vimm.s32 $0x25242322;
	(erf) = vrcp.f32 v47;
	v47 =	vunpack.c.0.s8.s32 v46;
	[tilespmem:$0x1FF70] =	vst v34  }
0x27: {  	v42 =	vimm.s32 $0x98765432;
	v41 =	vimm.s32 $0x5D5C5B5A;
	[tilespmem:$0x1F6C0] =	vst v0;
	v0 =	vunpack.c.0.s8.s32 v53  }
0x28: {  	v56 =	vimm.s32 $0x3D3C3B3A;
	v1 =	vunpack.c.l.s4.s8 v42;
	v42 =	vunpack.c.0.s8.s32 v41;
	[tilespmem:$0x1F680] =	vst v47  }
0x29: {  	v58 =	vimm.s32 $0x34333231;
	[tilespmem:$0x1F6D0] =	vst v0;
	v0 =	vunpack.c.0.s8.s32 v56  }
0x2a: {  	v25 =	vunpack.c.0.s8.s32 v58;
	v58 =	vimm.s32 $0x31303F3E;
	v43 =	vunpack.c.0.s8.s32 v1;
	[tilespmem:$0x1F770] =	vst v42  }
0x2b: {  	[tilespmem:$0x1F6F0] =	vst v0;
	v0 =	vunpack.c.0.s8.s32 v58  }
0x2c: {  	v61 =	vimm.s32 $0x39383736;
	[tilespmem:$0x1F660] =	vst v43  }
0x2d: {  	[tilespmem:$0x1F700] =	vst v0;
	v0 =	vunpack.c.0.s8.s32 v61  }
0x2e: {  	v62 =	vimm.s32 $0x4D4C4B4A;
	[tilespmem:$0x1FE90] =	vst v2  }
0x2f: {  	v46 =	vimm.s32 $0x59585756;
	[tilespmem:$0x1F720] =	vst v0;
	v0 =	vunpack.c.0.s8.s32 v62  }
0x30: {  	v39 =	vimm.s32 $0x45444342;
	v47 =	vunpack.c.0.s8.s32 v46;
	[tilespmem:$0x1FFF0] =	vst v30  }
0x31: {  	v29 =	vand.u32 $0xF, v3;
	v3 =	vimm.s32 $0x74737271;
	[tilespmem:$0x1F730] =	vst v0;
	v0 =	vunpack.c.0.s8.s32 v39  }
0x32: {  	v40 =	vimm.s32 $0x49484746;
	v44 =	vunpack.c.0.s8.s32 v3;
	[tilespmem:$0x1F7A0] =	vst v47;
	v3 =	vimm.s32 $0x65646362  }
0x33: {  	v51 =	vunpack.c.0.s8.s32 v3;
	v3 =	vimm.s32 $0x69686766;
	[tilespmem:$0x1F750] =	vst v0;
	v0 =	vunpack.c.0.s8.s32 v40  }
0x34: {  	v4 =	vimm.s32 $0x76543210;
	v43 =	vimm.s32 $0x51505F5E;
	[tilespmem:$0x1FE80] =	vst v29;
	v3 =	vunpack.c.0.s8.s32 v3  }
0x35: {  	v52 =	vunpack.c.l.s4.s8 v4;
	v4 =	vimm.s32 $0x7D7C7B7A;
	[tilespmem:$0x1F760] =	vst v0;
	v0 =	vunpack.c.0.s8.s32 v43  }
0x36: {  	v45 =	vimm.s32 $0x55545352;
	[tilespmem:$0x1F7E0] =	vst v3;
	v3 =	vunpack.c.0.s8.s32 v4  }
0x37: {  	[tilespmem:$0x1F780] =	vst v0;
	v0 =	vunpack.c.0.s8.s32 v45  }
0x38: {  	v48 =	vimm.s32 $0x6D6C6B6A;
	[tilespmem:$0x1F7F0] =	vst v3  }
0x39: {  	v50 =	vimm.s32 $0xFEDCBA98;
	v3 =	vimm.s32 $0x71707F7E;
	[tilespmem:$0x1F790] =	vst v0;
	v0 =	vunpack.c.0.s8.s32 v48  }
0x3a: {  	v1 =	vunpack.c.l.s4.s8 v50;
	v49 =	vimm.s32 $0x61606F6E;
	[tilespmem:$0x1FF50] =	vst v44;
	v3 =	vunpack.c.0.s8.s32 v3  }
0x3b: {  	[tilespmem:$0x1F7B0] =	vst v0;
	v0 =	vunpack.c.0.s8.s32 v49  }
0x3c: {  	v1 =	vunpack.c.0.s8.s32 v1;
	v4 =	vimm.s32 $0x75747372;
	[tilespmem:$0x1F810] =	vst v3  }
0x3d: {  	v3 =	vunpack.c.0.s8.s32 v4;
	v58 =	vimm.s32 $0x16151413;
	[tilespmem:$0x1F7C0] =	vst v0;
	v0 =	vunpack.c.0.s8.s32 v52  }
0x3e: {  	v5 =	vimm.s32 $0x210FEDCB;
	v1 =	vand.u32 $0xF, v1;
	[tilespmem:$0x1F7D0] =	vst v51;
	v59 =	vunpack.c.0.s8.s32 v58  }
0x3f: {  	v54 =	vunpack.c.l.s4.s8 v5;
	v5 =	vimm.s32 $0x79787776;
	[tilespmem:$0x1F820] =	vst v3;
	v0 =	vcombine.low v1, v0  }
0x40: {  	v53 =	vimm.s32 $0xA9876543;
	v58 =	vimm.s32 $0x6E6D6C6B;
	v3 =	vunpack.c.0.s8.s32 v5;
	[tilespmem:$0x1F880] =	vst v59  }
0x41: {  	v59 =	vunpack.c.0.s8.s32 v58;
	v62 =	vimm.s32 $0x2221202F;
	[tilespmem:$0x1F800] =	vst v0;
	v0 =	vunpack.c.l.s4.s8 v53  }
0x42: {  	[tilespmem:$0x1F830] =	vst v3;
	v63 =	vunpack.c.0.s8.s32 v62  }
0x43: {  	v3 =	vimm.s32 $0x76757473;
	[tilespmem:$0x1F9A0] =	vst v59;
	v0 =	vunpack.c.0.s8.s32 v0  }
0x44: {  	v55 =	vimm.s32 $0x1E1D1C1B;
	v3 =	vunpack.c.0.s8.s32 v3;
	[tilespmem:$0x1F8B0] =	vst v63  }
0x45: {  	v62 =	vimm.s32 $0x6A696867;
	[tilespmem:$0x1F850] =	vst v0;
	v0 =	vunpack.c.0.s8.s32 v55  }
0x46: {  	v56 =	vimm.s32 $0x1211101F;
	v63 =	vunpack.c.0.s8.s32 v62;
	[tilespmem:$0x1FA00] =	vst v3  }
0x47: {  	v4 =	vimm.s32 $0x7A797877;
	[tilespmem:$0x1F860] =	vst v0;
	v0 =	vunpack.c.0.s8.s32 v56  }
0x48: {  	v60 =	vimm.s32 $0x1A191817;
	v3 =	vunpack.c.0.s8.s32 v4;
	[tilespmem:$0x1F9D0] =	vst v63  }
0x49: {  	v40 =	vimm.s32 $0x3E3D3C3B;
	[tilespmem:$0x1F870] =	vst v0;
	v0 =	vunpack.c.0.s8.s32 v60  }
0x4a: {  	v61 =	vimm.s32 $0x2E2D2C2B;
	v41 =	vunpack.c.0.s8.s32 v40;
	[tilespmem:$0x1FA10] =	vst v3  }
0x4b: {  	v45 =	vimm.s32 $0x3A393837;
	[tilespmem:$0x1F890] =	vst v0;
	v0 =	vunpack.c.0.s8.s32 v61  }
0x4c: {  	v36 =	vimm.s32 $0x26252423;
	[tilespmem:$0x1F8E0] =	vst v41;
	v46 =	vunpack.c.0.s8.s32 v45  }
0x4d: {  	v49 =	vimm.s32 $0x46454443;
	[tilespmem:$0x1F8A0] =	vst v0;
	v0 =	vunpack.c.0.s8.s32 v36  }
0x4e: {  	v39 =	vimm.s32 $0x2A292827;
	[tilespmem:$0x1F910] =	vst v46;
	v50 =	vunpack.c.0.s8.s32 v49  }
0x4f: {  	[tilespmem:$0x1F8C0] =	vst v0;
	v0 =	vunpack.c.0.s8.s32 v39  }
0x50: {  	v42 =	vimm.s32 $0x3231303F;
	[tilespmem:$0x1F940] =	vst v50;
	v1 =	vunpack.c.0.s8.s32 v54  }
0x51: {  	v53 =	vimm.s32 $0x5251505F;
	[tilespmem:$0x1F8D0] =	vst v0;
	v0 =	vunpack.c.0.s8.s32 v42;
	v42 =	vimm.s32 $0xBA987654  }
0x52: {  	v43 =	vimm.s32 $0x36353433;
	[tilespmem:$0x1F840] =	vst v1;
	v54 =	vunpack.c.0.s8.s32 v53;
	v1 =	vunpack.c.l.s4.s8 v42  }
0x53: {  	[tilespmem:$0x1F8F0] =	vst v0;
	v0 =	vunpack.c.0.s8.s32 v43  }
0x54: {  	v47 =	vimm.s32 $0x4E4D4C4B;
	[tilespmem:$0x1F970] =	vst v54;
	v43 =	vunpack.c.0.s8.s32 v1  }
0x55: {  	v46 =	vimm.s32 $0x13121110;
	[tilespmem:$0x1F900] =	vst v0;
	v0 =	vunpack.c.0.s8.s32 v47  }
0x56: {  	v47 =	vunpack.c.0.s8.s32 v46;
	[tilespmem:$0x1FA30] =	vst v43  }
0x57: {  	v17 =	vlaneseq.u32;
	v48 =	vimm.s32 $0x4241404F;
	v46 =	vimm.s32 $0x5B5A5958;
	[tilespmem:$0x1F920] =	vst v0  }
0x58: {  	v0 =	vunpack.c.0.s8.s32 v48;
	[tilespmem:$0x1FA50] =	vst v47;
	v47 =	vunpack.c.0.s8.s32 v46;
	v46 =	vor.u32 $0x20, v17  }
0x59: {  	[tilespmem:$0x1FF90] =	vst v46  }
0x5a: {  	v51 =	vimm.s32 $0x4A494847;
	[tilespmem:$0x1F930] =	vst v0  }
0x5b: {  	v50 =	vimm.s32 $0x2F2E2D2C;
	v0 =	vunpack.c.0.s8.s32 v51;
	[tilespmem:$0x1FB70] =	vst v47;
	v47 =	vor.u32 $0x30, v17  }
0x5c: {  	v52 =	vimm.s32 $0x5E5D5C5B;
	v51 =	vunpack.c.0.s8.s32 v50;
	[tilespmem:$0x1FFA0] =	vst v47  }
0x5d: {  	v50 =	vimm.s32 $0x67666564;
	[tilespmem:$0x1F950] =	vst v0;
	v0 =	vunpack.c.0.s8.s32 v52  }
0x5e: {  	[tilespmem:$0x1FA80] =	vst v51;
	v51 =	vunpack.c.0.s8.s32 v50  }
0x5f: {  	v55 =	vimm.s32 $0x56555453;
	[tilespmem:$0x1F960] =	vst v0  }
0x60: {  	v54 =	vimm.s32 $0x2B2A2928;
	v0 =	vunpack.c.0.s8.s32 v55;
	[tilespmem:$0x1FBA0] =	vst v51;
	v51 =	vor.u32 $0x10, v17  }
0x61: {  	v56 =	vimm.s32 $0x5A595857;
	v55 =	vunpack.c.0.s8.s32 v54;
	[tilespmem:$0x1FF80] =	vst v51  }
0x62: {  	v54 =	vimm.s32 $0x73727170;
	[tilespmem:$0x1F980] =	vst v0;
	v0 =	vunpack.c.0.s8.s32 v56  }
0x63: {  	v60 =	vimm.s32 $0x6261606F;
	[tilespmem:$0x1FAB0] =	vst v55;
	v55 =	vunpack.c.0.s8.s32 v54  }
0x64: {  	v59 =	vimm.s32 $0x37363534;
	v3 =	vimm.s32 $0x7B7A7978;
	[tilespmem:$0x1F990] =	vst v0;
	v0 =	vunpack.c.0.s8.s32 v60  }
0x65: {  	v60 =	vunpack.c.0.s8.s32 v59;
	[tilespmem:$0x1FBD0] =	vst v55;
	v59 =	vunpack.c.0.s8.s32 v3;
	v3 =	vimm.s32 $0xDCBA9876  }
0x66: {  	v61 =	vimm.s32 $0x66656463;
	v3 =	vunpack.c.l.s4.s8 v3;
	[tilespmem:$0x1F9B0] =	vst v0  }
0x67: {  	v0 =	vunpack.c.0.s8.s32 v61;
	[tilespmem:$0x1FAE0] =	vst v60  }
0x68: {  	v36 =	vimm.s32 $0x7E7D7C7B;
	[tilespmem:$0x1FBF0] =	vst v59;
	v3 =	vunpack.c.0.s8.s32 v3  }
0x69: {  	v4 =	vimm.s32 $0x6543210F;
	v63 =	vimm.s32 $0x43424140;
	[tilespmem:$0x1F9C0] =	vst v0;
	v0 =	vunpack.c.0.s8.s32 v36  }
0x6a: {  	v4 =	vunpack.c.l.s4.s8 v4;
	v40 =	vimm.s32 $0x3210FEDC;
	v36 =	vunpack.c.0.s8.s32 v63;
	[tilespmem:$0x1FC30] =	vst v3  }
0x6b: {  	vm0 =	vcmask $0x1F10;
	v41 =	vunpack.c.l.s4.s8 v40;
	v39 =	vimm.s32 $0x7271707F;
	[tilespmem:$0x1F9E0] =	vst v0  }
0x6c: {  	v3 =	vunpack.c.0.s8.s32 v4;
	v4 =	vsel vm0, v26, v24;
	v0 =	vunpack.c.0.s8.s32 v39;
	[tilespmem:$0x1FB10] =	vst v36  }
0x6d: {  	[tilespmem:$0x1FCA0] =	vst v4  }
0x6e: {  	[tilespmem:$0x1F9F0] =	vst v0;
	v0 =	vunpack.c.0.s8.s32 v41  }
0x6f: {  	v45 =	vimm.s32 $0x1F1E1D1C;
	[tilespmem:$0x1FC40] =	vst v3  }
0x70: {  	v3 =	vsel vm0, v22, v19;
	[tilespmem:$0x1FA20] =	vst v0;
	v0 =	vunpack.c.0.s8.s32 v45  }
0x71: {  	v48 =	vimm.s32 $0x17161514;
	[tilespmem:$0x1FC80] =	vst v3  }
0x72: {  	v36 =	vmov v6;
	v6 =	vsel vm0, v37, v32;
	[tilespmem:$0x1FA40] =	vst v0;
	v0 =	vunpack.c.0.s8.s32 v48  }
0x73: {  	v49 =	vimm.s32 $0x1B1A1918;
	[tilespmem:$0x1FCB0] =	vst v6  }
0x74: {  	[tilespmem:$0x1FA60] =	vst v0;
	v0 =	vunpack.c.0.s8.s32 v49  }
0x75: {  	v52 =	vimm.s32 $0x23222120;
	[tilespmem:$0x1FF40] =	vst v36  }
0x76: {  	v50 =	vcombine.low v6, v4;
	v4 =	vsel vm0, v27, v35;
	[tilespmem:$0x1FA70] =	vst v0;
	v0 =	vunpack.c.0.s8.s32 v52  }
0x77: {  	v53 =	vimm.s32 $0x27262524;
	[tilespmem:$0x1FD40] =	vst v4  }
0x78: {  	v6 =	vsel vm0, v36, v38;
	[tilespmem:$0x1FA90] =	vst v0;
	v0 =	vunpack.c.0.s8.s32 v53  }
0x79: {  	v56 =	vimm.s32 $0x3F3E3D3C;
	v41 =	vimm.s32 $0x5F5E5D5C;
	[tilespmem:$0x1FD50] =	vst v6  }
0x7a: {  	v42 =	vunpack.c.0.s8.s32 v41;
	v41 =	vor.u32 $0x60, v17;
	[tilespmem:$0x1FAA0] =	vst v0;
	v0 =	vunpack.c.0.s8.s32 v56  }
0x7b: {  	v58 =	vimm.s32 $0x33323130;
	[tilespmem:$0x1FFD0] =	vst v41  }
0x7c: {  	[tilespmem:$0x1FAC0] =	vst v0;
	v0 =	vunpack.c.0.s8.s32 v58  }
0x7d: {  	v61 =	vimm.s32 $0x3B3A3938;
	[tilespmem:$0x1FB40] =	vst v42  }
0x7e: {  	v58 =	vimm.s32 $0x77767574;
	[tilespmem:$0x1FAD0] =	vst v0;
	v0 =	vunpack.c.0.s8.s32 v61  }
0x7f: {  	v62 =	vimm.s32 $0x4F4E4D4C;
	[tilespmem:$0x1FCC0] =	vst v50;
	v1 =	vunpack.c.0.s8.s32 v58  }
0x80: {  	v60 =	vimm.s32 $0xCBA98765;
	[tilespmem:$0x1FAF0] =	vst v0;
	v0 =	vunpack.c.0.s8.s32 v62  }
0x81: {  	v39 =	vimm.s32 $0x47464544;
	v61 =	vunpack.c.l.s4.s8 v60;
	[tilespmem:$0x1FBE0] =	vst v1  }
0x82: {  	v60 =	vcombine.low v6, v4;
	v4 =	vsel vm0, v12, v11;
	[tilespmem:$0x1FB00] =	vst v0;
	v0 =	vunpack.c.0.s8.s32 v39  }
0x83: {  	v40 =	vimm.s32 $0x4B4A4948;
	[tilespmem:$0x1FE20] =	vst v4  }
0x84: {  	v6 =	vsel vm0, v14, v13;
	[tilespmem:$0x1FB20] =	vst v0;
	v0 =	vunpack.c.0.s8.s32 v40  }
0x85: {  	v43 =	vimm.s32 $0x53525150;
	[tilespmem:$0x1FE30] =	vst v6  }
0x86: {  	v62 =	vimm.s32 $0x543210FE;
	[tilespmem:$0x1FB30] =	vst v0;
	v0 =	vunpack.c.0.s8.s32 v43  }
0x87: {  	v45 =	vimm.s32 $0x57565554;
	[tilespmem:$0x1FD60] =	vst v60;
	v1 =	vunpack.c.l.s4.s8 v62;
	v62 =	vcombine.low v6, v4  }
0x88: {  	[tilespmem:$0x1FB50] =	vst v0;
	v0 =	vunpack.c.0.s8.s32 v45  }
0x89: {  	v48 =	vimm.s32 $0x6F6E6D6C;
	v63 =	vunpack.c.0.s8.s32 v1;
	[tilespmem:$0x1FE40] =	vst v62  }
0x8a: {  	[tilespmem:$0x1FB60] =	vst v0;
	v0 =	vunpack.c.0.s8.s32 v48  }
0x8b: {  	v49 =	vimm.s32 $0x63626160;
	[tilespmem:$0x1FC20] =	vst v63  }
0x8c: {  	v63 =	vsel vm0, v16, v15;
	[tilespmem:$0x1FB80] =	vst v0;
	v0 =	vunpack.c.0.s8.s32 v49  }
0x8d: {  	v52 =	vimm.s32 $0x6B6A6968;
	[tilespmem:$0x1FE70] =	vst v63  }
0x8e: {  	v45 =	vor.u32 $0x70, v17;
	[tilespmem:$0x1FB90] =	vst v0;
	v0 =	vunpack.c.0.s8.s32 v52  }
0x8f: {  	v53 =	vimm.s32 $0x7F7E7D7C;
	[tilespmem:$0x1FC60] =	vst v45  }
0x90: {  	v48 =	vsel vm0, v21, v2;
	[tilespmem:$0x1FBB0] =	vst v0;
	v0 =	vunpack.c.0.s8.s32 v53  }
0x91: {  	v56 =	vimm.s32 $0x43210FED;
	[tilespmem:$0x1FC70] =	vst v48  }
0x92: {  	v49 =	vor.u32 $0x50, v17;
	[tilespmem:$0x1FBC0] =	vst v0;
	v0 =	vunpack.c.l.s4.s8 v56  }
0x93: {  	[tilespmem:$0x1FFC0] =	vst v49;
	v52 =	vsel vm0, v33, v23  }
0x94: {  	[tilespmem:$0x1FD10] =	vst v52;
	v53 =	vor.u32 $0x40, v17;
	v0 =	vunpack.c.0.s8.s32 v0  }
0x95: {  	v5 =	vimm.s32 $0xEDCBA987;
	[tilespmem:$0x1FFB0] =	vst v53  }
0x96: {  	v43 =	vunpack.c.l.s4.s8 v5;
	v56 =	vmov v25;
	[tilespmem:$0x1FC00] =	vst v0;
	v0 =	vunpack.c.0.s8.s32 v61  }
0x97: {  	[tilespmem:$0x1FF30] =	vst v56  }
0x98: {  	v61 =	vsel vm0, v8, v7;
	[tilespmem:$0x1FC10] =	vst v0;
	v0 =	vunpack.c.0.s8.s32 v43  }
0x99: {  	s5 =	srdreg.scid;
	s12 =	simm.s32 $0x8400;
	s13 =	simm.s32 $0x300;
	[tilespmem:$0x1FDF0] =	vst v61  }
0x9a: {  	s14 =	simm.s32 $0x80;
	s15 =	simm.s32 $0x400;
	s16 =	simm.s32 $0x380;
	[tilespmem:$0x1FC50] =	vst v0;
	v0 =	vcombine.low v3, v48;
	v3 =	vsel vm0, v28, v25  }
0x9b: {  	s17 =	simm.s32 $0x4400;
	s18 =	simm.s32 $0x1;
	s19 =	simm.s32 $0xA400;
	[tilespmem:$0x1FD20] =	vst v3  }
0x9c: {  	s20 =	simm.s32 $0x0;
	s4 =	sadd.s32 $0x2003400, s7;
	s8 =	sand.u32 $0x1, s5;
	v25 =	vpop (erf);
	[tilespmem:$0x1FC90] =	vst v0;
	v0 =	vcombine.low v3, v52  }
0x9d: {  	s6 =	sadd.s32 $0x5003400, s7;
	s5 =	stileid.u32;
	s9 =	ssub.s32 $0x2, s8;
	[tilespmem:$0x1FFE0] =	vst v25;
	v3 =	vsel vm0, v10, v9  }
0x9e: {  	s11 =	sshll.u32 s5, $0x10;
	s8 =	sshll.u32 s8, $0xF;
	s10 =	sshrl.u32 s9, $0x1;
	[tilespmem:$0x1FD30] =	vst v0;
	v0 =	vcombine.low v3, v61  }
0x9f: {  	s7 =	sadd.s32 $0x3400, s7;
	s8 =	sor.u32 s8, s11;
	s9 =	ssub.s32 s9, s10;
	v5 =	vmul.u32 $0x3, v17;
	[tilespmem:$0x1FE00] =	vst v3  }
0xa0: {  	v18 =	vimm.f32 $3.333333250e+00;
	s11 =	simm.s32 $0x2;
	s10 =	simm.s32 $0xE400;
	s9 =	smax.u32 s9, $0x1;
	[tilespmem:$0x1FE10] =	vst v0  }
.LBB2_1:
0xa1: {  	[tilespmem:s10], [sflag:$0x2] =	stream.linear.gather [hbm4b:s2+s3], $0x8000, $0x38;
	[tilespmem:$0x16400] =	vst v63  }
0xa2: {  	_ =	swait.ge [sflag:s11], $0x8000  }
0xa3: {  	[sflag:s11] =	ssyncset.done $0x0  }
0xa4: {  	[sflag:s11] =	ssyncadd.s32 $0xFFFF8000  }
0xa5: {  	[tilespmem:s12], [sflag:$0x2] =	stream.linear.gather [hbm4b:s6+s3], $0x2000, $0x38;
	[tilespmem:$0x16400] =	vst v63  }
0xa6: {  	_ =	swait.ge [sflag:s11], $0x2000  }
0xa7: {  	[sflag:s11] =	ssyncset.done $0x0  }
0xa8: {  	s21 =	simm.s32 $0x0;
	[sflag:s11] =	ssyncadd.s32 $0xFFFFE000  }
.LBB2_2:
0xa9: {  	s22 =	sshll.u32 s21, $0x8  }
0xaa: {  	s22 =	sadd.s32 s8, s22  }
0xab: {  	s23 =	smul.u32 $0x3, s22;
	_ =	sdelay $0x1  }
0xac: {  	s24 =	sshrl.u32 s23, $0x3;
	s23 =	simm.s32 $0x0  }
0xad: {  	s25 =	simm.s32 $0x2;
	s24 =	sadd.s32 s0, s24;
	v0 =	vadd.s32 s23, v5  }
0xae: {  	v4 =	vadd.s32 s25, v5;
	[tilespmem:s23], [sflag:$0x2] =	stream.linear.gather [hbm4b:s24+s23], $0x300, $0x38;
	v0 =	vand.u32 $0x7F8, v0;
	[tilespmem:$0x16400] =	vst v63  }
0xaf: {  	s24 =	simm.s32 $0x1;
	v0 =	vor.u32 v30, v0  }
0xb0: {  	v3 =	vadd.s32 s24, v5;
	_ =	swait.ge [sflag:s11], $0x300  }
0xb1: {  	[sflag:s11] =	ssyncset.done $0x0  }
0xb2: {  	[sflag:s11] =	ssyncadd.s32 $0xFFFFFD00  }
0xb3: {  	v4 =	vld.idx.msk [tilespmem:v4+s3+$0x0], $0xffff  }
0xb4: {  	v0 =	vld.idx.msk [tilespmem:v0+s3+$0x0], $0xffff  }
0xb5: {  	v3 =	vld.idx.msk [tilespmem:v3+s3+$0x0], $0xffff;
	_ =	sdelay $0x3  }
0xb6: {  	v4 =	vmul.f32 $1.280000000e+02, v4  }
0xb7: {  	v0 =	vmul.f32 $1.280000000e+02, v0;
	v3 =	vmul.f32 $1.280000000e+02, v3  }
0xb8: {  	s25 =	simm.s32 $0x30;
	v4 =	vtrunc.f32 v4  }
0xb9: {  	v6 =	vadd.s32 s25, v5;
	v7 =	vtrunc.f32 v0;
	v3 =	vtrunc.f32 v3  }
0xba: {  	s26 =	simm.s32 $0x0;
	v9 =	vand.u32 $0x7F8, v6;
	v7 =	vcvt.f32.s32 v7;
	v8 =	vcvt.f32.s32 v3  }
0xbb: {  	s28 =	simm.s32 $0x31;
	s26 =	sand.u32 $0xFFFFFF80, s26;
	s29 =	sand.u32 $0x70, s23;
	v6 =	vcvt.f32.s32 v4;
	v4 =	vor.u32 v30, v9  }
0xbc: {  	s26 =	sor.u32 s29, s26;
	v0 =	vadd.s32 s28, v5;
	vm1 =	vgt.s32 v7, $0x0;
	vm2 =	vgt.s32 v8, $0x0  }
0xbd: {  	v3 =	vor.u32 s26, v17;
	s26 =	simm.s32 $0x2;
	v7 =	vnsel vm1, $0x0, v7;
	v8 =	vnsel vm2, $0x0, v8  }
.LBB2_3:
0xbe: {  	p0 =	sne.s32 s26, $0xF;
	v7 =	vmin.u32 v7, $0x7F;
	v8 =	vmin.u32 v8, $0x7F;
	vm1 =	vgt.s32 v6, $0x0  }
0xbf: {  	s28 =	sadd.s32 $0x2, s25;
	v6 =	vnsel vm1, $0x0, v6;
	v7 =	vshll.u32 v7, $0xE;
	v8 =	vshll.u32 v8, $0x7  }
0xc0: {  	v9 =	vadd.s32 s28, v5;
	v6 =	vmin.u32 v6, $0x7F;
	v7 =	vor.u32 v7, v8  }
0xc1: {  	v6 =	vor.u32 v6, v7  }
0xc2: {  	[tilespmem:v3+s13+$0x0] =	vst.idx.msk $0xffff, v6  }
0xc3: {  	v3 =	vld.idx.msk [tilespmem:v4+s3+$0x0], $0xffff  }
0xc4: {  	v0 =	vld.idx.msk [tilespmem:v0+s3+$0x0], $0xffff  }
0xc5: {  	v4 =	vld.idx.msk [tilespmem:v9+s3+$0x0], $0xffff;
	_ =	sdelay $0x4  }
0xc6: {  	s25 =	sadd.s32 $0x30, s25;
	v3 =	vmul.f32 $1.280000000e+02, v3;
	v0 =	vmul.f32 $1.280000000e+02, v0  }
0xc7: {  	s24 =	sshll.u32 s24, $0x4;
	s23 =	sadd.s32 $0x10, s23;
	s28 =	sadd.s32 $0x1, s25;
	v4 =	vmul.f32 $1.280000000e+02, v4  }
.Ltmp0:
0xc8: {  	s29 =	sand.u32 $0x70, s23;
	s24 =	sand.u32 $0xFFFFFF80, s24;
	v6 =	vadd.s32 s25, v5;
	v3 =	vtrunc.f32 v3;
	v7 =	vtrunc.f32 v0;
	(pc) =	sbr.rel @p0 .LBB2_3-.Ltmp0, $4  }
0xc9: {  	v0 =	vadd.s32 s28, v5;
	v8 =	vcvt.f32.s32 v3;
	s28 =	sor.u32 s29, s24;
	s24 =	smov.u32 s26;
	v9 =	vcvt.f32.s32 v7  }
0xca: {  	v7 =	vand.u32 $0x7F8, v6;
	v4 =	vtrunc.f32 v4;
	v3 =	vor.u32 s28, v17  }
0xcb: {  	vm1 =	vgt.s32 v8, $0x0;
	v6 =	vcvt.f32.s32 v4;
	vm2 =	vgt.s32 v9, $0x0  }
0xcc: {  	s26 =	sadd.s32 $0x1, s26;
	v4 =	vor.u32 v30, v7;
	v7 =	vnsel vm1, $0x0, v8;
	v8 =	vnsel vm2, $0x0, v9  }
0xcd: {  	v7 =	vmin.u32 v7, $0x7F;
	v8 =	vmin.u32 v8, $0x7F;
	vm1 =	vgt.s32 v6, $0x0  }
0xce: {  	s25 =	sadd.s32 $0x2, s25;
	v6 =	vnsel vm1, $0x0, v6;
	v7 =	vshll.u32 v7, $0xE;
	v8 =	vshll.u32 v8, $0x7  }
0xcf: {  	v9 =	vadd.s32 s25, v5;
	v6 =	vmin.u32 v6, $0x7F;
	v7 =	vor.u32 v7, v8  }
0xd0: {  	v6 =	vor.u32 v6, v7  }
0xd1: {  	[tilespmem:v3+s13+$0x0] =	vst.idx.msk $0xffff, v6  }
0xd2: {  	v3 =	vld.idx.msk [tilespmem:v4+s3+$0x0], $0xffff  }
0xd3: {  	v0 =	vld.idx.msk [tilespmem:v0+s3+$0x0], $0xffff  }
0xd4: {  	v4 =	vld.idx.msk [tilespmem:v9+s3+$0x0], $0xffff;
	_ =	sdelay $0x3  }
0xd5: {  	v3 =	vmul.f32 $1.280000000e+02, v3;
	v0 =	vmul.f32 $1.280000000e+02, v0  }
0xd6: {  	v4 =	vmul.f32 $1.280000000e+02, v4  }
0xd7: {  	v3 =	vtrunc.f32 v3;
	v0 =	vtrunc.f32 v0  }
0xd8: {  	s24 =	sshll.u32 s24, $0x4;
	s23 =	sadd.s32 $0x10, s23;
	v3 =	vcvt.f32.s32 v3;
	v0 =	vcvt.f32.s32 v0  }
0xd9: {  	s23 =	sand.u32 $0x70, s23;
	s24 =	sand.u32 $0xFFFFFF80, s24;
	v4 =	vtrunc.f32 v4  }
0xda: {  	s23 =	sor.u32 s23, s24;
	v4 =	vcvt.f32.s32 v4;
	vm1 =	vgt.s32 v3, $0x0;
	vm2 =	vgt.s32 v0, $0x0  }
0xdb: {  	v6 =	vor.u32 s23, v17;
	v3 =	vnsel vm1, $0x0, v3;
	v0 =	vnsel vm2, $0x0, v0  }
0xdc: {  	vm1 =	vgt.s32 v4, $0x0;
	v3 =	vmin.u32 v3, $0x7F;
	v0 =	vmin.u32 v0, $0x7F  }
0xdd: {  	v4 =	vnsel vm1, $0x0, v4;
	v3 =	vshll.u32 v3, $0xE;
	v0 =	vshll.u32 v0, $0x7  }
0xde: {  	v4 =	vmin.u32 v4, $0x7F;
	v0 =	vor.u32 v3, v0  }
0xdf: {  	v0 =	vor.u32 v4, v0  }
0xe0: {  	[tilespmem:v6+s13+$0x0] =	vst.idx.msk $0xffff, v0  }
0xe1: {  	[tilespmem:s15], [sflag:$0x1] =	stream.indirect.gather [hbm4b:s4+s14], $0x80, s13, s14, $0xb8;
	[tilespmem:$0x16400] =	vst v63  }
0xe2: {  	_ = 	snop  }
0xe3: {  	[tilespmem:s17], [sflag:$0x1] =	stream.indirect.gather [hbm4b:s4+s14], $0x80, s16, s14, $0xb8;
	[tilespmem:$0x16400] =	vst v63  }
0xe4: {  	_ =	swait.ge [sflag:s18], $0x4000  }
0xe5: {  	[sflag:s18] =	ssyncset.done $0x0  }
0xe6: {  	[sflag:s18] =	ssyncadd.s32 $0xFFFFC000  }
0xe7: {  	_ =	swait.ge [sflag:s18], $0x4000  }
0xe8: {  	[sflag:s18] =	ssyncset.done $0x0  }
0xe9: {  	s24 =	simm.s32 $0x0;
	s23 =	simm.s32 $0x2;
	[sflag:s18] =	ssyncadd.s32 $0xFFFFC000  }
.LBB2_5:
0xea: {  	s31 =	sadd.s32 $0xFFFFFFFF, s23;
	v4 =	vadd.s32 s23, v5  }
0xeb: {  	v3 =	vadd.s32 s31, v5  }
0xec: {  	s25 =	sadd.s32 $0xFFFFFFFE, s23  }
0xed: {  	v0 =	vadd.s32 s25, v5  }
0xee: {  	v0 =	vand.u32 $0x7F8, v0  }
0xef: {  	v0 =	vor.u32 v30, v0;
	v4 =	vld.idx.msk [tilespmem:v4+s3+$0x0], $0xffff  }
0xf0: {  	v3 =	vld.idx.msk [tilespmem:v3+s3+$0x0], $0xffff;
	_ =	sdelay $0x3  }
0xf1: {  	v0 =	vld.idx.msk [tilespmem:v0+s3+$0x0], $0xffff;
	v9 =	vmul.f32 $1.280000000e+02, v4  }
0xf2: {  	v14 =	vmul.f32 $3.200000000e+01, v4;
	v4 =	vadd.f32 $1.000000010e-01, v4;
	v7 =	vmul.f32 $1.280000000e+02, v3  }
0xf3: {  	v13 =	vmul.f32 $3.200000000e+01, v3;
	v12 =	vtrunc.f32 v9  }
0xf4: {  	v14 =	vtrunc.f32 v14;
	v4 =	vmul.f32 v4, v25  }
0xf5: {  	v3 =	vadd.f32 $1.000000010e-01, v3;
	v10 =	vtrunc.f32 v7;
	v13 =	vtrunc.f32 v13  }
0xf6: {  	v12 =	vcvt.f32.s32 v12;
	v6 =	vmul.f32 $1.280000000e+02, v0  }
0xf7: {  	v14 =	vcvt.f32.s32 v14;
	v3 =	vmul.f32 v3, v25  }
0xf8: {  	v11 =	vmul.f32 $3.200000000e+01, v0;
	v8 =	vtrunc.f32 v6  }
0xf9: {  	v10 =	vcvt.f32.s32 v10;
	v8 =	vcvt.f32.s32 v8  }
0xfa: {  	v13 =	vcvt.f32.s32 v13;
	v11 =	vtrunc.f32 v11  }
0xfb: {  	v0 =	vadd.f32 $1.000000010e-01, v0;
	v11 =	vcvt.f32.s32 v11;
	vm1 =	vgt.s32 v8, $0x0  }
0xfc: {  	v4 =	vmul.f32 $4.000000000e+00, v4;
	v8 =	vnsel vm1, $0x0, v8;
	vm1 =	vgt.s32 v10, $0x0  }
0xfd: {  	v0 =	vmul.f32 v0, v25;
	v10 =	vnsel vm1, $0x0, v10;
	vm1 =	vgt.s32 v11, $0x0  }
0xfe: {  	v3 =	vmul.f32 $4.000000000e+00, v3;
	v11 =	vnsel vm1, $0x0, v11;
	vm1 =	vgt.s32 v13, $0x0  }
0xff: {  	v43 =	vtrunc.f32 v4;
	v0 =	vmul.f32 $4.000000000e+00, v0;
	v13 =	vnsel vm1, $0x0, v13  }
0x100: {  	vm1 =	vgt.s32 v14, $0x0;
	v11 =	vmin.u32 v11, $0x1F;
	v13 =	vmin.u32 v13, $0x1F  }
0x101: {  	v14 =	vnsel vm1, $0x0, v14;
	v11 =	vshll.u32 v11, $0xA;
	v13 =	vshll.u32 v13, $0x5  }
0x102: {  	v42 =	vtrunc.f32 v3;
	v14 =	vmin.u32 v14, $0x1F;
	v11 =	vor.u32 v11, v13  }
0x103: {  	v15 =	vtrunc.f32 v0;
	v8 =	vmin.u32 v8, $0x7F;
	v11 =	vor.u32 v14, v11  }
0x104: {  	v15 =	vcvt.f32.s32 v15;
	v10 =	vmin.u32 v10, $0x7F;
	v13 =	vcvt.f32.s32 v42  }
0x105: {  	v8 =	vcvt.s32.f32 v8;
	vm1 =	vgt.s32 v12, $0x0;
	v14 =	vcvt.f32.s32 v43  }
0x106: {  	v10 =	vcvt.s32.f32 v10;
	v12 =	vnsel vm1, $0x0, v12;
	vm1 =	vgt.s32 v13, $0x0  }
0x107: {  	v12 =	vmin.u32 v12, $0x7F;
	v13 =	vnsel vm1, $0x0, v13;
	vm1 =	vgt.s32 v14, $0x0  }
0x108: {  	v12 =	vcvt.s32.f32 v12;
	v14 =	vnsel vm1, $0x0, v14;
	vm1 =	vgt.s32 v15, $0x0;
	v11 =	vld.idx.msk [tilespmem:v11+s10+$0x0], $0xffff  }
0x109: {  	v13 =	vmin.u32 v13, $0x3;
	v15 =	vnsel vm1, $0x0, v15;
	v14 =	vmin.u32 v14, $0x3  }
0x10a: {  	v16 =	vcvt.s32.f32 v13;
	v15 =	vmin.u32 v15, $0x3;
	v17 =	vcvt.s32.f32 v14  }
0x10b: {  	v7 =	vsub.f32 v7, v10;
	v9 =	vsub.f32 v9, v12;
	v45 =	vcvt.s32.f32 v15  }
0x10c: {  	v19 =	vlaneseq.u32;
	v3 =	vsub.f32 v3, v16;
	v4 =	vsub.f32 v4, v17  }
0x10d: {  	v6 =	vsub.f32 v6, v8;
	v0 =	vsub.f32 v0, v45;
	vm1 =	vgt.s32 v11, $0x0  }
0x10e: {  	v12 =	vor.u32 s24, v19;
	v7 =	vsel vm1, v7, v3;
	v4 =	vsel vm1, v9, v4  }
0x10f: {  	v0 =	vsel vm1, v6, v0;
	v3 =	vsub.f32 $1.000000000e+00, v7;
	v6 =	vsub.f32 $1.000000000e+00, v4  }
0x110: {  	v54 =	vshll.u32 v13, $0x2;
	v50 =	vshll.u32 v15, $0x4;
	v48 =	vsub.f32 $1.000000000e+00, v0  }
0x111: {  	v11 =	vsel vm1, $0x43000000, v18;
	v45 =	vmul.f32 v4, v7;
	v10 =	vmul.f32 v6, v3  }
0x112: {  	v9 =	vor.u32 v50, v54;
	v55 =	vmul.f32 v6, v48;
	v59 =	vmul.f32 v3, v48  }
0x113: {  	v9 =	vor.u32 v14, v9;
	v16 =	vmul.f32 v4, v3;
	v17 =	vmul.f32 v4, v48  }
0x114: {  	v9 =	vor.u32 $0x100, v9;
	v18 =	vmul.f32 v6, v7;
	v23 =	vmul.f32 v7, v48  }
0x115: {  	v61 =	vmovc v29;
	v9 =	vsel vm1, v12, v9;
	v29 =	vmul.f32 v45, v48;
	v6 =	vmul.f32 v6, v0  }
0x116: {  	v38 =	vxor.u32 $0x80000000, v45;
	v4 =	vmul.f32 v4, v0;
	v7 =	vmul.f32 v7, v0  }
0x117: {  	v15 =	vmul.f32 v45, v11;
	v25 =	vshll.u32 v9, $0x7;
	v41 =	vmul.f32 v10, v48  }
0x118: {  	v62 =	vxor.u32 $0x80000000, v10;
	v63 =	vxor.u32 $0x80000000, v55;
	v1 =	vxor.u32 $0x80000000, v59  }
0x119: {  	v37 =	vmul.f32 v16, v48;
	v2 =	vxor.u32 $0x80000000, v16;
	v43 =	vmul.f32 v59, v11  }
0x11a: {  	v22 =	vxor.u32 $0x80000000, v17;
	v35 =	vmul.f32 v18, v48;
	v36 =	vmul.f32 v55, v11  }
0x11b: {  	v33 =	vxor.u32 $0x80000000, v18;
	v55 =	vmul.f32 v23, v11;
	v48 =	vmul.f32 v3, v0  }
0x11c: {  	v40 =	vor.u32 v19, v25;
	v56 =	vmul.f32 v10, v0;
	v24 =	vmul.f32 v16, v11  }
0x11d: {  	v52 =	vmovc v34;
	v34 =	vxor.u32 $0x80000000, v23;
	v21 =	vmul.f32 v62, v11;
	v62 =	vmul.f32 v63, v11  }
0x11e: {  	v50 =	vxor.u32 $0x80000000, v6;
	v60 =	vmul.f32 v1, v11;
	v42 =	vmul.f32 v2, v11  }
0x11f: {  	v39 =	vmul.f32 v22, v11;
	v59 =	vmul.f32 v33, v11;
	v1 =	vor.u32 v51, v25  }
0x120: {  	v23 =	vxor.u32 $0x80000000, v4;
	v58 =	vmul.f32 v34, v11;
	v33 =	vmul.f32 v38, v11  }
0x121: {  	v9 =	vor.u32 v46, v25;
	v63 =	vmul.f32 v10, v11;
	v2 =	vmul.f32 v50, v11;
	v8 =	vld.idx.msk [tilespmem:v40+s15+$0x0], $0xffff  }
0x122: {  	v32 =	vxor.u32 $0x80000000, v7;
	v38 =	vmul.f32 v16, v0;
	v16 =	vmul.f32 v23, v11  }
0x123: {  	v3 =	vld [tilespmem:$0x1FFD0];
	v23 =	vmul.f32 v6, v11;
	v14 =	vmul.f32 v32, v11  }
0x124: {  	v22 =	vmul.f32 v45, v0;
	v54 =	vxor.u32 $0x80000000, v48;
	v40 =	vor.u32 v47, v25;
	v6 =	vld.idx.msk [tilespmem:v1+s15+$0x0], $0xffff  }
0x125: {  	v34 =	vmul.f32 v48, v11;
	v31 =	vmul.f32 v54, v11  }
0x126: {  	v45 =	vor.u32 v53, v25;
	v54 =	vmul.f32 v18, v0;
	v9 =	vld.idx.msk [tilespmem:v9+s15+$0x0], $0xffff;
	v46 =	vmul.f32 v41, v8  }
0x127: {  	v51 =	vmov v21;
	v47 =	vmul.f32 v21, v8;
	v21 =	vmul.f32 v4, v11  }
0x128: {  	v4 =	vmul.f32 v62, v8;
	v0 =	vadd.f32 $0.0e+00, v46;
	v46 =	vor.u32 v49, v25  }
0x129: {  	v50 =	vor.u32 v3, v25;
	v10 =	vld.idx.msk [tilespmem:v40+s15+$0x0], $0xffff;
	v32 =	vmul.f32 v37, v6;
	v53 =	vmul.f32 v42, v6  }
0x12a: {  	v48 =	vmul.f32 v39, v6;
	v13 =	vadd.f32 $0.0e+00, v47;
	v4 =	vadd.f32 $0.0e+00, v4  }
0x12b: {  	v49 =	vld.idx.msk [tilespmem:v45+s15+$0x0], $0xffff;
	v0 =	vadd.f32 v0, v32;
	v32 =	vmul.f32 v35, v9  }
0x12c: {  	v3 =	vld [tilespmem:$0x1FC60];
	v47 =	vmul.f32 v59, v9;
	v13 =	vadd.f32 v13, v53;
	v4 =	vadd.f32 v4, v48  }
0x12d: {  	v53 =	vmul.f32 v36, v9;
	v0 =	vadd.f32 v0, v32;
	v32 =	vmul.f32 v58, v9;
	v9 =	vld.idx.msk [tilespmem:v46+s15+$0x0], $0xffff  }
0x12e: {  	v30 =	vmul.f32 v17, v11;
	v45 =	vmul.f32 v29, v10  }
0x12f: {  	v28 =	vmul.f32 v7, v11;
	v7 =	vadd.f32 v13, v47;
	v4 =	vadd.f32 v4, v53;
	v47 =	vld.idx.msk [tilespmem:v50+s15+$0x0], $0xffff  }
0x130: {  	v53 =	vmul.f32 v30, v10;
	v1 =	vmul.f32 v56, v49;
	v0 =	vadd.f32 v0, v45  }
0x131: {  	v13 =	vor.u32 v3, v25  }
0x132: {  	v3 =	vld [tilespmem:$0x1FF80];
	v4 =	vadd.f32 v4, v53;
	v0 =	vadd.f32 v0, v1;
	v53 =	vmul.f32 v38, v9;
	_ =	sdelay $0x1  }
0x133: {  	v8 =	vmul.f32 v60, v8;
	v46 =	vmul.f32 v54, v47;
	v0 =	vadd.f32 v0, v53  }
0x134: {  	v6 =	vmul.f32 v43, v6  }
0x135: {  	v8 =	vadd.f32 $0.0e+00, v8;
	v0 =	vadd.f32 v0, v46;
	v46 =	vshll.u32 v12, $0x6  }
0x136: {  	v18 =	vmul.f32 v18, v11;
	v11 =	vor.u32 v3, v46;
	v3 =	vld [tilespmem:$0x1FF90]  }
0x137: {  	v6 =	vadd.f32 v8, v6;
	v48 =	vmul.f32 v33, v10  }
0x138: {  	v10 =	vmul.f32 v55, v10  }
0x139: {  	v6 =	vadd.f32 v6, v32;
	v7 =	vadd.f32 v7, v48;
	v32 =	vmul.f32 v63, v49  }
0x13a: {  	v50 =	vmul.f32 v31, v49;
	v48 =	vmul.f32 v2, v49;
	v13 =	vld.idx.msk [tilespmem:v13+s15+$0x0], $0xffff  }
0x13b: {  	v6 =	vadd.f32 v6, v10;
	v7 =	vadd.f32 v7, v32;
	v12 =	vor.u32 v3, v46;
	v3 =	vld [tilespmem:$0x1FFA0]  }
0x13c: {  	v4 =	vadd.f32 v4, v48;
	v48 =	vmul.f32 v18, v47;
	v45 =	vmul.f32 v16, v9  }
0x13d: {  	v32 =	vmul.f32 v24, v9;
	v6 =	vadd.f32 v6, v50;
	v9 =	vmul.f32 v34, v9  }
0x13e: {  	v49 =	vmul.f32 v23, v47;
	v50 =	vmul.f32 v14, v47;
	v4 =	vadd.f32 v4, v45  }
0x13f: {  	v7 =	vadd.f32 v7, v32;
	v6 =	vadd.f32 v6, v9;
	v10 =	vor.u32 v19, v46  }
0x140: {  	v4 =	vadd.f32 v4, v49;
	v53 =	vmul.f32 v22, v13;
	v49 =	vor.u32 v3, v46;
	v3 =	vld [tilespmem:$0x1FC90]  }
0x141: {  	v7 =	vadd.f32 v7, v48;
	v32 =	vmul.f32 v15, v13  }
0x142: {  	v6 =	vadd.f32 v6, v50;
	v48 =	vmul.f32 v21, v13;
	v0 =	vadd.f32 v0, v53  }
0x143: {  	v20 =	vmovc v14;
	v14 =	vld [tilespmem:$0x1FCC0];
	v50 =	vmul.f32 v28, v13;
	v7 =	vadd.f32 v7, v32;
	v53 =	vor.u32 v61, v25  }
0x144: {  	v4 =	vadd.f32 v4, v48;
	[tilespmem:v10+s19+$0x0] =	vst.idx.msk $0xffff, v0  }
0x145: {  	v10 =	vadd.f32 v6, v50;
	[tilespmem:v11+s19+$0x0] =	vst.idx.msk $0xffff, v7;
	v11 =	vor.u32 v3, v25  }
0x146: {  	[tilespmem:v12+s19+$0x0] =	vst.idx.msk $0xffff, v4  }
0x147: {  	[tilespmem:v49+s19+$0x0] =	vst.idx.msk $0xffff, v10  }
0x148: {  	v6 =	vor.u32 v14, v25;
	v4 =	vld.idx.msk [tilespmem:v53+s15+$0x0], $0xffff;
	_ =	sdelay $0x1  }
0x149: {  	v0 =	vld.idx.msk [tilespmem:v11+s15+$0x0], $0xffff;
	_ =	sdelay $0x1  }
0x14a: {  	v19 =	vld [tilespmem:$0x1FD30]  }
0x14b: {  	v6 =	vld.idx.msk [tilespmem:v6+s15+$0x0], $0xffff;
	v7 =	vmul.f32 v4, v41;
	v12 =	vmul.f32 v4, v51  }
0x14c: {  	v13 =	vmul.f32 v4, v62;
	v4 =	vmul.f32 v4, v60  }
0x14d: {  	v47 =	vld [tilespmem:$0x1FD60];
	v7 =	vadd.f32 $0.0e+00, v7;
	v48 =	vmul.f32 v0, v37;
	v50 =	vmul.f32 v0, v42  }
0x14e: {  	v4 =	vadd.f32 $0.0e+00, v4;
	v53 =	vmul.f32 v0, v39;
	v0 =	vmul.f32 v0, v43  }
0x14f: {  	v9 =	vor.u32 v19, v25  }
0x150: {  	v32 =	vmovc v62;
	v62 =	vld [tilespmem:$0x1FE10];
	v7 =	vadd.f32 v48, v7;
	v0 =	vadd.f32 v0, v4;
	v4 =	vmul.f32 v6, v35;
	_ =	sdelay $0x1  }
0x151: {  	v11 =	vor.u32 v47, v25;
	v4 =	vadd.f32 v4, v7;
	v7 =	vld [tilespmem:$0x1FE40]  }
0x152: {  	v26 =	vld [tilespmem:$0x1FE70];
	_ =	sdelay $0x1  }
0x153: {  	v9 =	vld.idx.msk [tilespmem:v9+s15+$0x0], $0xffff;
	v8 =	vadd.f32 $0.0e+00, v12;
	v12 =	vor.u32 v62, v25;
	_ =	sdelay $0x1  }
0x154: {  	v1 =	vmovc v24;
	v24 =	vsel vm0, v57, v44;
	v10 =	vadd.f32 $0.0e+00, v13;
	v11 =	vld.idx.msk [tilespmem:v11+s15+$0x0], $0xffff;
	v7 =	vor.u32 v7, v25  }
0x155: {  	v57 =	vcombine.low v24, v26;
	v49 =	vmovc v37;
	v37 =	vmul.f32 v6, v59;
	v8 =	vadd.f32 v50, v8  }
0x156: {  	v10 =	vadd.f32 v53, v10;
	v53 =	vmul.f32 v6, v36;
	v6 =	vmul.f32 v6, v58  }
0x157: {  	v62 =	vmul.f32 v9, v29;
	v48 =	vor.u32 v57, v25;
	v8 =	vadd.f32 v37, v8;
	v12 =	vld.idx.msk [tilespmem:v12+s15+$0x0], $0xffff  }
0x158: {  	[tilespmem:$0x1F0F0] =	vst v24;
	v37 =	vmul.f32 v9, v33;
	v0 =	vadd.f32 v6, v0;
	v6 =	vmul.f32 v9, v30  }
0x159: {  	v10 =	vadd.f32 v53, v10;
	v9 =	vmul.f32 v9, v55;
	v50 =	vmul.f32 v11, v56;
	v7 =	vld.idx.msk [tilespmem:v7+s15+$0x0], $0xffff  }
0x15a: {  	v24 =	vmovc v56;
	v53 =	vmul.f32 v11, v63;
	v56 =	vmul.f32 v11, v2;
	v4 =	vadd.f32 v62, v4  }
0x15b: {  	v11 =	vmul.f32 v11, v31;
	v8 =	vadd.f32 v37, v8;
	v0 =	vadd.f32 v9, v0  }
0x15c: {  	v6 =	vadd.f32 v6, v10;
	v4 =	vadd.f32 v50, v4;
	v57 =	vmul.f32 v12, v38  }
0x15d: {  	v47 =	vld.idx.msk [tilespmem:v48+s15+$0x0], $0xffff;
	v0 =	vadd.f32 v11, v0;
	v62 =	vmul.f32 v12, v16;
	v37 =	vmul.f32 v12, v34  }
0x15e: {  	v6 =	vadd.f32 v56, v6;
	v44 =	vmul.f32 v7, v54;
	v48 =	vmul.f32 v7, v18  }
0x15f: {  	v0 =	vadd.f32 v37, v0;
	v50 =	vmul.f32 v7, v23;
	v7 =	vmul.f32 v7, v20  }
0x160: {  	v4 =	vadd.f32 v57, v4;
	v6 =	vadd.f32 v62, v6;
	v62 =	vor.u32 v3, v46;
	v3 =	vld [tilespmem:$0x1F660]  }
0x161: {  	v26 =	vmovc v58;
	v58 =	vmul.f32 v12, v1;
	v0 =	vadd.f32 v7, v0;
	v7 =	vor.u32 v61, v46  }
0x162: {  	v8 =	vadd.f32 v53, v8;
	v53 =	vmul.f32 v47, v22;
	v4 =	vadd.f32 v44, v4;
	_ =	sdelay $0x1  }
0x163: {  	v8 =	vadd.f32 v58, v8;
	v4 =	vadd.f32 v53, v4  }
0x164: {  	v58 =	vmov v22;
	v22 =	vcombine.low v3, v52;
	v3 =	vld [tilespmem:$0x1F670]  }
0x165: {  	v37 =	vmul.f32 v47, v15;
	v8 =	vadd.f32 v48, v8;
	[tilespmem:v7+s19+$0x0] =	vst.idx.msk $0xffff, v4;
	v4 =	vld [tilespmem:$0x1F680];
	_ =	sdelay $0x1  }
0x166: {  	v57 =	vor.u32 v19, v46;
	v53 =	vor.u32 v14, v46;
	v8 =	vadd.f32 v37, v8  }
0x167: {  	v52 =	vmul.f32 v47, v21;
	v10 =	vand.u32 $0xF, v22;
	v6 =	vadd.f32 v50, v6  }
0x168: {  	v47 =	vmul.f32 v47, v28;
	v14 =	vor.u32 v10, v25;
	[tilespmem:v62+s19+$0x0] =	vst.idx.msk $0xffff, v8;
	v62 =	vld [tilespmem:$0x1F690]  }
0x169: {  	v6 =	vadd.f32 v52, v6;
	v3 =	vsel vm0, v4, v3;
	v4 =	vld [tilespmem:$0x1F6A0]  }
0x16a: {  	v0 =	vadd.f32 v47, v0  }
0x16b: {  	v56 =	vmov v18;
	v18 =	vmov v15;
	v15 =	vld [tilespmem:$0x1F6D0];
	[tilespmem:v53+s19+$0x0] =	vst.idx.msk $0xffff, v6  }
0x16c: {  	v48 =	vld [tilespmem:$0x1F700];
	[tilespmem:v57+s19+$0x0] =	vst.idx.msk $0xffff, v0  }
0x16d: {  	v0 =	vld.idx.msk [tilespmem:v14+s15+$0x0], $0xffff  }
0x16e: {  	v7 =	vld [tilespmem:$0x1F6C0];
	[tilespmem:$0x1F110] =	vst v3;
	v4 =	vsel vm0, v4, v62  }
0x16f: {  	[tilespmem:$0x1F100] =	vst v4;
	v4 =	vcombine.low v4, v3;
	v3 =	vld [tilespmem:$0x1F6B0]  }
0x170: {  	v61 =	vld [tilespmem:$0x1F750]  }
0x171: {  	v47 =	vld [tilespmem:$0x1F6F0]  }
0x172: {  	v57 =	vld [tilespmem:$0x1F730];
	v22 =	vmul.f32 v0, v41;
	v44 =	vmul.f32 v0, v51;
	v6 =	vor.u32 v4, v25  }
0x173: {  	v45 =	vmov v60;
	v53 =	vmul.f32 v0, v32;
	v0 =	vmul.f32 v0, v60;
	v60 =	vld [tilespmem:$0x1F740]  }
0x174: {  	v3 =	vsel vm0, v7, v3;
	v7 =	vld [tilespmem:$0x1F6E0]  }
0x175: {  	v19 =	vmov v32;
	v32 =	vld [tilespmem:$0x1F760]  }
0x176: {  	v52 =	vld [tilespmem:$0x1F720]  }
0x177: {  	v6 =	vld.idx.msk [tilespmem:v6+s15+$0x0], $0xffff  }
0x178: {  	v8 =	vadd.f32 $0.0e+00, v22;
	v22 =	vld [tilespmem:$0x1F770]  }
0x179: {  	v12 =	vadd.f32 $0.0e+00, v53;
	v53 =	vld [tilespmem:$0x1F7B0];
	v7 =	vsel vm0, v7, v15  }
0x17a: {  	v14 =	vsel vm0, v60, v57;
	v15 =	vsel vm0, v32, v61;
	v32 =	vld [tilespmem:$0x1F780];
	[tilespmem:$0x1F120] =	vst v7;
	v7 =	vcombine.low v7, v3  }
0x17b: {  	v37 =	vmovc v41;
	v9 =	vadd.f32 $0.0e+00, v44;
	[tilespmem:$0x1F130] =	vst v3;
	v3 =	vmov v51;
	v51 =	vld [tilespmem:$0x1F710];
	v41 =	vcombine.low v15, v14  }
0x17c: {  	v57 =	vmovc v39;
	v60 =	vmul.f32 v6, v42;
	v61 =	vmul.f32 v6, v39;
	v39 =	vld [tilespmem:$0x1F790];
	v11 =	vor.u32 v7, v25  }
0x17d: {  	v50 =	vsel vm0, v48, v47;
	v44 =	vmovc v49;
	v47 =	vmul.f32 v6, v49;
	v49 =	vor.u32 v41, v25;
	v41 =	vld [tilespmem:$0x1F7A0]  }
0x17e: {  	v9 =	vadd.f32 v60, v9;
	v60 =	vld [tilespmem:$0x1F7C0]  }
0x17f: {  	v12 =	vadd.f32 v61, v12;
	v61 =	vld [tilespmem:$0x1F7D0]  }
0x180: {  	[tilespmem:$0x1F170] =	vst v14;
	v14 =	vsel vm0, v32, v22;
	v32 =	vld [tilespmem:$0x1F7E0]  }
0x181: {  	[tilespmem:$0x1F160] =	vst v15;
	v13 =	vsel vm0, v52, v51;
	v11 =	vld.idx.msk [tilespmem:v11+s15+$0x0], $0xffff  }
0x182: {  	[tilespmem:$0x1F140] =	vst v13;
	v13 =	vcombine.low v13, v50;
	v15 =	vsel vm0, v41, v39  }
0x183: {  	[tilespmem:$0x1F190] =	vst v14;
	v52 =	vcombine.low v15, v14;
	v14 =	vsel vm0, v60, v53;
	v53 =	vld [tilespmem:$0x1F7F0]  }
0x184: {  	v48 =	vor.u32 v13, v25;
	v60 =	vld [tilespmem:$0x1F820]  }
0x185: {  	[tilespmem:$0x1F180] =	vst v15;
	v15 =	vsel vm0, v32, v61;
	v61 =	vld [tilespmem:$0x1F830]  }
0x186: {  	v40 =	vmovc v43;
	v6 =	vmul.f32 v6, v43;
	v43 =	vmov v59;
	v51 =	vmul.f32 v11, v59;
	v59 =	vld [tilespmem:$0x1F810]  }
0x187: {  	v10 =	vor.u32 v10, v46  }
0x188: {  	v0 =	vadd.f32 $0.0e+00, v0;
	v8 =	vadd.f32 v47, v8;
	v47 =	vor.u32 v52, v25  }
0x189: {  	[tilespmem:$0x1F150] =	vst v50;
	v4 =	vor.u32 v4, v46;
	v39 =	vcombine.low v15, v14;
	v48 =	vld.idx.msk [tilespmem:v48+s15+$0x0], $0xffff  }
0x18a: {  	v0 =	vadd.f32 v6, v0;
	v49 =	vld.idx.msk [tilespmem:v49+s15+$0x0], $0xffff;
	[tilespmem:$0x1F1B0] =	vst v14;
	v6 =	vmul.f32 v11, v35  }
0x18b: {  	[tilespmem:$0x1F1A0] =	vst v15;
	v50 =	vor.u32 v39, v25;
	v15 =	vsel vm0, v61, v60;
	v14 =	vsel vm0, v59, v53  }
0x18c: {  	v7 =	vor.u32 v7, v46;
	v41 =	vmul.f32 v11, v26;
	v39 =	vcombine.low v15, v14  }
0x18d: {  	v32 =	vmul.f32 v11, v36;
	v6 =	vadd.f32 v6, v8;
	v8 =	vadd.f32 v51, v9;
	v47 =	vld.idx.msk [tilespmem:v47+s15+$0x0], $0xffff  }
0x18e: {  	v0 =	vadd.f32 v41, v0;
	v60 =	vmul.f32 v48, v29;
	v51 =	vor.u32 v39, v25  }
0x18f: {  	v59 =	vadd.f32 v32, v12;
	v61 =	vmul.f32 v48, v33;
	v22 =	vmul.f32 v48, v30  }
0x190: {  	v41 =	vmul.f32 v49, v24;
	v50 =	vld.idx.msk [tilespmem:v50+s15+$0x0], $0xffff;
	v32 =	vmul.f32 v48, v55;
	v6 =	vadd.f32 v60, v6  }
0x191: {  	v53 =	vmul.f32 v49, v63;
	v8 =	vadd.f32 v61, v8;
	v52 =	vadd.f32 v22, v59  }
0x192: {  	v0 =	vadd.f32 v32, v0;
	v59 =	vmul.f32 v49, v31;
	v60 =	vmul.f32 v47, v38  }
0x193: {  	v61 =	vmul.f32 v47, v1;
	v39 =	vmov v55;
	v55 =	vmul.f32 v49, v2;
	v49 =	vld.idx.msk [tilespmem:v51+s15+$0x0], $0xffff  }
0x194: {  	v6 =	vadd.f32 v41, v6;
	v8 =	vadd.f32 v53, v8;
	v41 =	vmul.f32 v47, v16  }
0x195: {  	v0 =	vadd.f32 v59, v0;
	v53 =	vmul.f32 v50, v54;
	v59 =	vmul.f32 v50, v56  }
0x196: {  	v9 =	vadd.f32 v55, v52;
	v6 =	vadd.f32 v60, v6;
	v52 =	vmul.f32 v47, v34  }
0x197: {  	v22 =	vmovc v16;
	v16 =	vld [tilespmem:$0x1F880];
	v8 =	vadd.f32 v61, v8;
	v60 =	vmul.f32 v50, v23;
	v61 =	vmul.f32 v50, v20  }
0x198: {  	v51 =	vld [tilespmem:$0x1F840];
	v9 =	vadd.f32 v41, v9;
	v41 =	vmovc v23;
	v6 =	vadd.f32 v53, v6;
	v23 =	vmul.f32 v49, v58  }
0x199: {  	v0 =	vadd.f32 v52, v0;
	v8 =	vadd.f32 v59, v8;
	v52 =	vld [tilespmem:$0x1F850];
	v50 =	vmul.f32 v49, v18  }
0x19a: {  	v53 =	vld [tilespmem:$0x1F860];
	v9 =	vadd.f32 v60, v9;
	v12 =	vmul.f32 v49, v21;
	v6 =	vadd.f32 v23, v6  }
0x19b: {  	v59 =	vld [tilespmem:$0x1F870];
	v8 =	vadd.f32 v50, v8  }
0x19c: {  	v60 =	vld [tilespmem:$0x1F890];
	v9 =	vadd.f32 v12, v9;
	[tilespmem:v10+s19+$0x0] =	vst.idx.msk $0xffff, v6  }
0x19d: {  	v6 =	vld [tilespmem:$0x1F8A0];
	[tilespmem:v4+s19+$0x0] =	vst.idx.msk $0xffff, v8  }
0x19e: {  	[tilespmem:v7+s19+$0x0] =	vst.idx.msk $0xffff, v9;
	v7 =	vld [tilespmem:$0x1F8B0];
	_ =	sdelay $0x2  }
0x19f: {  	v11 =	vcombine.low v52, v51  }
0x1a0: {  	v13 =	vor.u32 v13, v46;
	[tilespmem:$0x1F1D0] =	vst v14;
	v0 =	vadd.f32 v61, v0;
	v14 =	vsel vm0, v59, v53;
	v53 =	vld [tilespmem:$0x1F8C0]  }
0x1a1: {  	[tilespmem:$0x1F1C0] =	vst v15;
	v11 =	vand.u32 $0xF, v11;
	v15 =	vsel vm0, v60, v16;
	v7 =	vsel vm0, v7, v6;
	v6 =	vld [tilespmem:$0x1F8D0]  }
0x1a2: {  	v61 =	vmul.f32 v49, v28;
	v52 =	vor.u32 v11, v25;
	v49 =	vcombine.low v15, v14;
	_ =	sdelay $0x1  }
0x1a3: {  	v48 =	vld [tilespmem:$0x1F8E0];
	v0 =	vadd.f32 v61, v0;
	v4 =	vor.u32 v49, v25  }
0x1a4: {  	v51 =	vld [tilespmem:$0x1F910]  }
0x1a5: {  	v61 =	vld [tilespmem:$0x1F8F0];
	[tilespmem:v13+s19+$0x0] =	vst.idx.msk $0xffff, v0;
	v6 =	vsel vm0, v6, v53  }
0x1a6: {  	v0 =	vld.idx.msk [tilespmem:v52+s15+$0x0], $0xffff;
	[tilespmem:$0x1F200] =	vst v6;
	v6 =	vcombine.low v6, v7  }
0x1a7: {  	v60 =	vld [tilespmem:$0x1F900]  }
0x1a8: {  	v4 =	vld.idx.msk [tilespmem:v4+s15+$0x0], $0xffff;
	v8 =	vor.u32 v6, v25  }
0x1a9: {  	[tilespmem:$0x1F1F0] =	vst v14  }
0x1aa: {  	[tilespmem:$0x1F1E0] =	vst v15  }
0x1ab: {  	v50 =	vsel vm0, v61, v48;
	[tilespmem:$0x1F210] =	vst v7;
	v7 =	vmul.f32 v0, v37  }
0x1ac: {  	v48 =	vld [tilespmem:$0x1F920];
	[tilespmem:$0x1F230] =	vst v50;
	v12 =	vsel vm0, v51, v60  }
0x1ad: {  	[tilespmem:$0x1F220] =	vst v12;
	v59 =	vmul.f32 v4, v44;
	v7 =	vadd.f32 $0.0e+00, v7;
	v8 =	vld.idx.msk [tilespmem:v8+s15+$0x0], $0xffff  }
0x1ae: {  	v12 =	vcombine.low v12, v50;
	v47 =	vmul.f32 v0, v3;
	v50 =	vld [tilespmem:$0x1F930]  }
0x1af: {  	v7 =	vadd.f32 v59, v7;
	v59 =	vld [tilespmem:$0x1F940]  }
0x1b0: {  	v10 =	vadd.f32 $0.0e+00, v47;
	v53 =	vmul.f32 v4, v42;
	v51 =	vld [tilespmem:$0x1F950];
	_ =	sdelay $0x1  }
0x1b1: {  	v10 =	vadd.f32 v53, v10;
	v53 =	vld [tilespmem:$0x1F960]  }
0x1b2: {  	v16 =	vld [tilespmem:$0x1F980]  }
0x1b3: {  	v52 =	vmul.f32 v0, v19;
	v14 =	vsel vm0, v50, v48;
	v50 =	vld [tilespmem:$0x1F990]  }
0x1b4: {  	v15 =	vsel vm0, v51, v59;
	v48 =	vld [tilespmem:$0x1F970]  }
0x1b5: {  	v9 =	vadd.f32 $0.0e+00, v52;
	v52 =	vcombine.low v15, v14  }
0x1b6: {  	v51 =	vld [tilespmem:$0x1F9A0]  }
0x1b7: {  	v13 =	vor.u32 v52, v25;
	v52 =	vld [tilespmem:$0x1F9B0]  }
0x1b8: {  	[tilespmem:$0x1F240] =	vst v15;
	v15 =	vsel vm0, v50, v16;
	v16 =	vld [tilespmem:$0x1F9C0]  }
0x1b9: {  	[tilespmem:$0x1F250] =	vst v14;
	v14 =	vsel vm0, v48, v53;
	v53 =	vld [tilespmem:$0x1F9D0];
	_ =	sdelay $0x2  }
0x1ba: {  	v47 =	vor.u32 v12, v25  }
0x1bb: {  	[tilespmem:$0x1F270] =	vst v14;
	v50 =	vcombine.low v15, v14;
	v14 =	vsel vm0, v52, v51;
	v52 =	vld [tilespmem:$0x1F9F0]  }
0x1bc: {  	v0 =	vmul.f32 v0, v45;
	[tilespmem:$0x1F260] =	vst v15;
	v15 =	vsel vm0, v53, v16;
	v53 =	vld [tilespmem:$0x1F9E0];
	_ =	sdelay $0x1  }
0x1bd: {  	v0 =	vadd.f32 $0.0e+00, v0;
	v48 =	vmul.f32 v4, v57;
	v4 =	vmul.f32 v4, v40  }
0x1be: {  	v47 =	vld.idx.msk [tilespmem:v47+s15+$0x0], $0xffff;
	v51 =	vmul.f32 v8, v35;
	[tilespmem:$0x1F280] =	vst v15;
	v15 =	vcombine.low v15, v14  }
0x1bf: {  	v0 =	vadd.f32 v4, v0;
	v16 =	vld [tilespmem:$0x1FA00]  }
0x1c0: {  	v4 =	vadd.f32 v51, v7;
	v7 =	vor.u32 v15, v25;
	v15 =	vsel vm0, v52, v53;
	v53 =	vld [tilespmem:$0x1FA10]  }
0x1c1: {  	v50 =	vor.u32 v50, v25  }
0x1c2: {  	v9 =	vadd.f32 v48, v9;
	v48 =	vmul.f32 v8, v43;
	v13 =	vld.idx.msk [tilespmem:v13+s15+$0x0], $0xffff  }
0x1c3: {  	v51 =	vmul.f32 v8, v36  }
0x1c4: {  	v10 =	vadd.f32 v48, v10;
	v8 =	vmul.f32 v8, v26  }
0x1c5: {  	[tilespmem:$0x1F290] =	vst v14;
	v9 =	vadd.f32 v51, v9;
	v51 =	vmul.f32 v47, v29;
	v14 =	vsel vm0, v53, v16  }
0x1c6: {  	v32 =	vmov v31;
	v0 =	vadd.f32 v8, v0;
	v50 =	vld.idx.msk [tilespmem:v50+s15+$0x0], $0xffff;
	[tilespmem:$0x1F2B0] =	vst v15;
	v15 =	vcombine.low v14, v15  }
0x1c7: {  	v48 =	vmul.f32 v13, v24;
	v4 =	vadd.f32 v51, v4;
	[tilespmem:$0x1F2A0] =	vst v14;
	v14 =	vmul.f32 v47, v33  }
0x1c8: {  	v31 =	vmovc v39;
	v8 =	vor.u32 v15, v25;
	v15 =	vmul.f32 v47, v30;
	v47 =	vmul.f32 v47, v39  }
0x1c9: {  	v4 =	vadd.f32 v48, v4;
	v7 =	vld.idx.msk [tilespmem:v7+s15+$0x0], $0xffff;
	v10 =	vadd.f32 v14, v10;
	v39 =	vmul.f32 v13, v63  }
0x1ca: {  	v9 =	vadd.f32 v15, v9;
	v0 =	vadd.f32 v47, v0  }
0x1cb: {  	v17 =	vld [tilespmem:$0x1FA60];
	v47 =	vmul.f32 v13, v2;
	v10 =	vadd.f32 v39, v10;
	v39 =	vmul.f32 v50, v38  }
0x1cc: {  	v51 =	vld [tilespmem:$0x1FA40];
	v52 =	vmul.f32 v50, v1;
	v53 =	vmov v2;
	v13 =	vmul.f32 v13, v32  }
0x1cd: {  	v48 =	vld [tilespmem:$0x1FA20];
	v2 =	vmovc v32;
	v32 =	vmul.f32 v50, v22;
	v9 =	vadd.f32 v47, v9;
	v4 =	vadd.f32 v39, v4  }
0x1ce: {  	v39 =	vmul.f32 v50, v34;
	v10 =	vadd.f32 v52, v10;
	v52 =	vmul.f32 v7, v54;
	v50 =	vld [tilespmem:$0x1FA30]  }
0x1cf: {  	v0 =	vadd.f32 v13, v0;
	v8 =	vld.idx.msk [tilespmem:v8+s15+$0x0], $0xffff;
	v9 =	vadd.f32 v32, v9;
	v32 =	vmul.f32 v7, v41  }
0x1d0: {  	v15 =	vmul.f32 v7, v56;
	v4 =	vadd.f32 v52, v4;
	v52 =	vld [tilespmem:$0x1FA50]  }
0x1d1: {  	v0 =	vadd.f32 v39, v0;
	v7 =	vmul.f32 v7, v20;
	v9 =	vadd.f32 v32, v9;
	v32 =	vld [tilespmem:$0x1FA70]  }
0x1d2: {  	v12 =	vor.u32 v12, v46;
	v6 =	vor.u32 v6, v46;
	v13 =	vor.u32 v49, v46  }
0x1d3: {  	v55 =	vmovc v34;
	v0 =	vadd.f32 v7, v0;
	v7 =	vor.u32 v11, v46;
	v11 =	vcombine.low v50, v48  }
0x1d4: {  	v23 =	vmovc v28;
	v10 =	vadd.f32 v15, v10;
	v34 =	vmul.f32 v8, v58;
	v39 =	vmul.f32 v8, v18  }
0x1d5: {  	v47 =	vmul.f32 v8, v21;
	v8 =	vmul.f32 v8, v23;
	v11 =	vand.u32 $0xF, v11  }
0x1d6: {  	v48 =	vld [tilespmem:$0x1FAB0];
	v15 =	vsel vm0, v52, v51;
	v4 =	vadd.f32 v34, v4;
	v34 =	vsel vm0, v32, v17  }
0x1d7: {  	v52 =	vld [tilespmem:$0x1FAC0];
	v10 =	vadd.f32 v39, v10;
	v39 =	vor.u32 v11, v25;
	v49 =	vcombine.low v34, v15  }
0x1d8: {  	v32 =	vld [tilespmem:$0x1FAD0];
	[tilespmem:v7+s19+$0x0] =	vst.idx.msk $0xffff, v4;
	v4 =	vadd.f32 v47, v9  }
0x1d9: {  	v0 =	vadd.f32 v8, v0;
	v47 =	vld [tilespmem:$0x1FA80];
	[tilespmem:v13+s19+$0x0] =	vst.idx.msk $0xffff, v10;
	v7 =	vor.u32 v49, v25  }
0x1da: {  	[tilespmem:v6+s19+$0x0] =	vst.idx.msk $0xffff, v4;
	v6 =	vld [tilespmem:$0x1FA90]  }
0x1db: {  	v17 =	vld [tilespmem:$0x1FB30];
	[tilespmem:v12+s19+$0x0] =	vst.idx.msk $0xffff, v0  }
0x1dc: {  	v0 =	vld.idx.msk [tilespmem:v39+s15+$0x0], $0xffff  }
0x1dd: {  	v39 =	vld [tilespmem:$0x1FAE0]  }
0x1de: {  	v4 =	vld.idx.msk [tilespmem:v7+s15+$0x0], $0xffff  }
0x1df: {  	v7 =	vsel vm0, v6, v47;
	v6 =	vld [tilespmem:$0x1FAA0]  }
0x1e0: {  	v47 =	vld [tilespmem:$0x1FAF0]  }
0x1e1: {  	[tilespmem:$0x1F2C0] =	vst v34;
	v34 =	vsel vm0, v32, v52;
	v52 =	vld [tilespmem:$0x1FB10];
	v51 =	vmul.f32 v0, v3  }
0x1e2: {  	v32 =	vld [tilespmem:$0x1FB20]  }
0x1e3: {  	v10 =	vadd.f32 $0.0e+00, v51;
	v51 =	vld [tilespmem:$0x1FB00]  }
0x1e4: {  	[tilespmem:$0x1F2F0] =	vst v7;
	v6 =	vsel vm0, v48, v6  }
0x1e5: {  	v12 =	vsel vm0, v47, v39;
	[tilespmem:$0x1F2E0] =	vst v6;
	v6 =	vcombine.low v6, v7;
	v7 =	vmul.f32 v0, v37  }
0x1e6: {  	v50 =	vmul.f32 v4, v44;
	[tilespmem:$0x1F300] =	vst v12;
	v12 =	vcombine.low v12, v34  }
0x1e7: {  	[tilespmem:$0x1F310] =	vst v34;
	v34 =	vsel vm0, v17, v32;
	v17 =	vld [tilespmem:$0x1FB60];
	v8 =	vor.u32 v6, v25;
	v7 =	vadd.f32 $0.0e+00, v7  }
0x1e8: {  	[tilespmem:$0x1F2D0] =	vst v15;
	v15 =	vsel vm0, v52, v51;
	v52 =	vld [tilespmem:$0x1FB70]  }
0x1e9: {  	v7 =	vadd.f32 v50, v7;
	v50 =	vmul.f32 v4, v42  }
0x1ea: {  	v51 =	vld [tilespmem:$0x1FB50]  }
0x1eb: {  	v10 =	vadd.f32 v50, v10;
	v50 =	vld [tilespmem:$0x1FB40]  }
0x1ec: {  	v8 =	vld.idx.msk [tilespmem:v8+s15+$0x0], $0xffff  }
0x1ed: {  	v32 =	vsel vm0, v52, v17;
	v17 =	vld [tilespmem:$0x1FBA0]  }
0x1ee: {  	v48 =	vmul.f32 v0, v19;
	v52 =	vld [tilespmem:$0x1FBB0]  }
0x1ef: {  	v0 =	vmul.f32 v0, v45  }
0x1f0: {  	v39 =	vld [tilespmem:$0x1FB80];
	v9 =	vadd.f32 $0.0e+00, v48;
	v48 =	vcombine.low v34, v15  }
0x1f1: {  	v14 =	vmov v1;
	v0 =	vadd.f32 $0.0e+00, v0;
	[tilespmem:$0x1F330] =	vst v15;
	v15 =	vsel vm0, v51, v50;
	v51 =	vld [tilespmem:$0x1FB90]  }
0x1f2: {  	[tilespmem:$0x1F320] =	vst v34;
	v13 =	vor.u32 v48, v25;
	v48 =	vmul.f32 v4, v57;
	v4 =	vmul.f32 v4, v40  }
0x1f3: {  	[tilespmem:$0x1F340] =	vst v32;
	v34 =	vcombine.low v32, v15;
	v32 =	vmul.f32 v8, v35;
	v1 =	vsel vm0, v52, v17;
	v52 =	vld [tilespmem:$0x1FBD0]  }
0x1f4: {  	v47 =	vor.u32 v12, v25;
	v17 =	vld [tilespmem:$0x1FBE0]  }
0x1f5: {  	v0 =	vadd.f32 v4, v0;
	v4 =	vadd.f32 v32, v7;
	v32 =	vld [tilespmem:$0x1FBF0]  }
0x1f6: {  	[tilespmem:$0x1F350] =	vst v15;
	v15 =	vsel vm0, v51, v39;
	v39 =	vld [tilespmem:$0x1FBC0];
	_ =	sdelay $0x1  }
0x1f7: {  	v9 =	vadd.f32 v48, v9  }
0x1f8: {  	v47 =	vld.idx.msk [tilespmem:v47+s15+$0x0], $0xffff;
	v48 =	vmul.f32 v8, v43;
	v50 =	vor.u32 v34, v25;
	v34 =	vcombine.low v1, v15  }
0x1f9: {  	v13 =	vld.idx.msk [tilespmem:v13+s15+$0x0], $0xffff;
	v51 =	vmul.f32 v8, v36;
	v8 =	vmul.f32 v8, v26  }
0x1fa: {  	[tilespmem:$0x1F370] =	vst v15;
	v7 =	vor.u32 v34, v25;
	v34 =	vsel vm0, v32, v17;
	v15 =	vsel vm0, v52, v39  }
0x1fb: {  	v10 =	vadd.f32 v48, v10;
	v48 =	vcombine.low v34, v15  }
0x1fc: {  	v0 =	vadd.f32 v8, v0  }
0x1fd: {  	v50 =	vld.idx.msk [tilespmem:v50+s15+$0x0], $0xffff;
	[tilespmem:$0x1F380] =	vst v34;
	v39 =	vmul.f32 v47, v29;
	v8 =	vor.u32 v48, v25  }
0x1fe: {  	v9 =	vadd.f32 v51, v9;
	[tilespmem:$0x1F390] =	vst v15;
	v15 =	vmul.f32 v47, v33;
	v34 =	vmul.f32 v47, v30  }
0x1ff: {  	v52 =	vmul.f32 v13, v53;
	v47 =	vmul.f32 v47, v31;
	v4 =	vadd.f32 v39, v4  }
0x200: {  	v39 =	vmul.f32 v13, v63;
	v10 =	vadd.f32 v15, v10;
	v7 =	vld.idx.msk [tilespmem:v7+s15+$0x0], $0xffff;
	v48 =	vmul.f32 v13, v24  }
0x201: {  	v27 =	vmovc v31;
	v9 =	vadd.f32 v34, v9;
	v0 =	vadd.f32 v47, v0;
	v13 =	vmul.f32 v13, v2  }
0x202: {  	v28 =	vmovc v63;
	v34 =	vmov v53;
	v4 =	vadd.f32 v48, v4;
	v53 =	vmul.f32 v50, v38;
	v8 =	vld.idx.msk [tilespmem:v8+s15+$0x0], $0xffff  }
0x203: {  	[tilespmem:$0x1F360] =	vst v1;
	v63 =	vmul.f32 v50, v14;
	v1 =	vmul.f32 v50, v22;
	v10 =	vadd.f32 v39, v10  }
0x204: {  	v31 =	vmovc v2;
	v2 =	vmul.f32 v50, v55;
	v9 =	vadd.f32 v52, v9;
	v48 =	vld [tilespmem:$0x1FC00];
	v4 =	vadd.f32 v53, v4  }
0x205: {  	v50 =	vld [tilespmem:$0x1FC10];
	v10 =	vadd.f32 v63, v10;
	v39 =	vmul.f32 v7, v54;
	v52 =	vmul.f32 v7, v56  }
0x206: {  	v51 =	vld [tilespmem:$0x1FEB0];
	v0 =	vadd.f32 v13, v0;
	v9 =	vadd.f32 v1, v9;
	v53 =	vmul.f32 v7, v41  }
0x207: {  	v4 =	vadd.f32 v39, v4;
	v10 =	vadd.f32 v52, v10;
	v52 =	vld [tilespmem:$0x1FEA0];
	v63 =	vmul.f32 v8, v58  }
0x208: {  	v0 =	vadd.f32 v2, v0;
	v7 =	vmul.f32 v7, v20;
	v9 =	vadd.f32 v53, v9;
	v53 =	vld [tilespmem:$0x1FEC0]  }
0x209: {  	v4 =	vadd.f32 v63, v4;
	v63 =	vld [tilespmem:$0x1FE90]  }
0x20a: {  	v0 =	vadd.f32 v7, v0;
	v7 =	vor.u32 v11, v46;
	v11 =	vcombine.low v50, v48  }
0x20b: {  	v13 =	vor.u32 v49, v46;
	v39 =	vmul.f32 v8, v18  }
0x20c: {  	v6 =	vor.u32 v6, v46;
	v12 =	vor.u32 v12, v46;
	v11 =	vand.u32 $0xF, v11  }
0x20d: {  	v47 =	vmul.f32 v8, v21;
	v8 =	vmul.f32 v8, v23;
	v10 =	vadd.f32 v39, v10  }
0x20e: {  	v1 =	vsel vm0, v51, v52;
	v39 =	vor.u32 v11, v25;
	v2 =	vsel vm0, v63, v53  }
0x20f: {  	[tilespmem:v7+s19+$0x0] =	vst.idx.msk $0xffff, v4;
	v4 =	vadd.f32 v47, v9;
	v49 =	vcombine.low v2, v1  }
0x210: {  	v0 =	vadd.f32 v8, v0;
	[tilespmem:v13+s19+$0x0] =	vst.idx.msk $0xffff, v10  }
0x211: {  	v15 =	vld [tilespmem:$0x1FD00];
	[tilespmem:v6+s19+$0x0] =	vst.idx.msk $0xffff, v4;
	v7 =	vor.u32 v49, v25  }
0x212: {  	v48 =	vld [tilespmem:$0x1FCD0];
	[tilespmem:v12+s19+$0x0] =	vst.idx.msk $0xffff, v0  }
0x213: {  	v0 =	vld.idx.msk [tilespmem:v39+s15+$0x0], $0xffff  }
0x214: {  	v50 =	vld [tilespmem:$0x1FF10]  }
0x215: {  	v51 =	vld [tilespmem:$0x1FEF0]  }
0x216: {  	v4 =	vld.idx.msk [tilespmem:v7+s15+$0x0], $0xffff  }
0x217: {  	v52 =	vld [tilespmem:$0x1FEE0]  }
0x218: {  	v6 =	vld [tilespmem:$0x1FED0];
	v63 =	vmul.f32 v0, v3  }
0x219: {  	v53 =	vld [tilespmem:$0x1FF00]  }
0x21a: {  	v47 =	vld [tilespmem:$0x1FF20]  }
0x21b: {  	v39 =	vmov v44;
	v9 =	vmul.f32 v4, v44;
	v44 =	vld [tilespmem:$0x1FF30]  }
0x21c: {  	[tilespmem:$0x1F3B0] =	vst v1;
	v1 =	vsel vm0, v51, v52;
	v10 =	vadd.f32 $0.0e+00, v63;
	v63 =	vmovc v42;
	v52 =	vmul.f32 v4, v42;
	v42 =	vld [tilespmem:$0x1FCE0];
	_ =	sdelay $0x1  }
0x21d: {  	[tilespmem:$0x1F3A0] =	vst v2;
	v2 =	vsel vm0, v6, v53  }
0x21e: {  	[tilespmem:$0x1F3C0] =	vst v2;
	v6 =	vcombine.low v2, v1;
	v2 =	vsel vm0, v50, v48;
	v48 =	vld [tilespmem:$0x1FCF0]  }
0x21f: {  	[tilespmem:$0x1F3D0] =	vst v1;
	v7 =	vmul.f32 v0, v37;
	v1 =	vsel vm0, v44, v47;
	v44 =	vld [tilespmem:$0x1FF40]  }
0x220: {  	[tilespmem:$0x1F3F0] =	vst v1;
	v12 =	vcombine.low v2, v1;
	v1 =	vsel vm0, v15, v42;
	v15 =	vld [tilespmem:$0x1FD80]  }
0x221: {  	v51 =	vmul.f32 v0, v19;
	v7 =	vadd.f32 $0.0e+00, v7;
	v42 =	vld [tilespmem:$0x1FD90]  }
0x222: {  	v8 =	vor.u32 v6, v25  }
0x223: {  	v7 =	vadd.f32 v9, v7;
	v9 =	vadd.f32 $0.0e+00, v51;
	v51 =	vld [tilespmem:$0x1FD70]  }
0x224: {  	v10 =	vadd.f32 v52, v10;
	v52 =	vld [tilespmem:$0x1FDA0]  }
0x225: {  	v16 =	vmovc v20;
	v20 =	vmov v57;
	[tilespmem:$0x1F3E0] =	vst v2;
	v2 =	vsel vm0, v48, v44;
	v48 =	vmul.f32 v4, v57;
	v57 =	vld [tilespmem:$0x1FDC0]  }
0x226: {  	v44 =	vsel vm0, v42, v15;
	v15 =	vld [tilespmem:$0x1FDD0]  }
0x227: {  	v8 =	vld.idx.msk [tilespmem:v8+s15+$0x0], $0xffff;
	_ =	sdelay $0x2  }
0x228: {  	[tilespmem:$0x1F410] =	vst v1;
	v50 =	vcombine.low v2, v1;
	v1 =	vsel vm0, v51, v52;
	v52 =	vld [tilespmem:$0x1FDB0]  }
0x229: {  	v0 =	vmul.f32 v0, v45;
	v42 =	vsel vm0, v15, v57;
	v57 =	vld [tilespmem:$0x1FDE0]  }
0x22a: {  	v17 =	vmov v35;
	v35 =	vmul.f32 v8, v35  }
0x22b: {  	v0 =	vadd.f32 $0.0e+00, v0;
	v4 =	vmul.f32 v4, v40  }
0x22c: {  	v47 =	vor.u32 v12, v25;
	[tilespmem:$0x1F430] =	vst v44;
	v9 =	vadd.f32 v48, v9  }
0x22d: {  	[tilespmem:$0x1F420] =	vst v1;
	v0 =	vadd.f32 v4, v0;
	v4 =	vadd.f32 v35, v7;
	v48 =	vmul.f32 v8, v43  }
0x22e: {  	v35 =	vmovc v43;
	v43 =	vld [tilespmem:$0x1FF50];
	v13 =	vor.u32 v50, v25;
	v50 =	vcombine.low v1, v44;
	v1 =	vsel vm0, v52, v57  }
0x22f: {  	v44 =	vld [tilespmem:$0x1FE60];
	[tilespmem:$0x1F450] =	vst v42;
	v42 =	vcombine.low v1, v42  }
0x230: {  	v57 =	vld [tilespmem:$0x1FF60]  }
0x231: {  	v50 =	vor.u32 v50, v25;
	v7 =	vor.u32 v42, v25;
	v42 =	vld [tilespmem:$0x1FE50]  }
0x232: {  	v47 =	vld.idx.msk [tilespmem:v47+s15+$0x0], $0xffff;
	_ =	sdelay $0x1  }
0x233: {  	v13 =	vld.idx.msk [tilespmem:v13+s15+$0x0], $0xffff  }
0x234: {  	v51 =	vmul.f32 v8, v36;
	v8 =	vmul.f32 v8, v26  }
0x235: {  	v50 =	vld.idx.msk [tilespmem:v50+s15+$0x0], $0xffff;
	v52 =	vsel vm0, v43, v44;
	[tilespmem:$0x1F440] =	vst v1;
	v1 =	vsel vm0, v42, v57  }
0x236: {  	v44 =	vmul.f32 v47, v29;
	v43 =	vcombine.low v1, v52  }
0x237: {  	v10 =	vadd.f32 v48, v10;
	v0 =	vadd.f32 v8, v0  }
0x238: {  	[tilespmem:$0x1F400] =	vst v2;
	v4 =	vadd.f32 v44, v4;
	v48 =	vmul.f32 v13, v24;
	v8 =	vor.u32 v43, v25  }
0x239: {  	v9 =	vadd.f32 v51, v9;
	v51 =	vmul.f32 v13, v28;
	v2 =	vmul.f32 v13, v34;
	v7 =	vld.idx.msk [tilespmem:v7+s15+$0x0], $0xffff  }
0x23a: {  	[tilespmem:$0x1F470] =	vst v52;
	v4 =	vadd.f32 v48, v4;
	v44 =	vmul.f32 v50, v38;
	v57 =	vmul.f32 v47, v33  }
0x23b: {  	[tilespmem:$0x1F460] =	vst v1;
	v1 =	vmul.f32 v47, v30;
	v47 =	vmul.f32 v47, v27  }
0x23c: {  	v13 =	vmul.f32 v13, v31;
	v4 =	vadd.f32 v44, v4;
	v42 =	vmovc v22;
	v10 =	vadd.f32 v57, v10  }
0x23d: {  	v9 =	vadd.f32 v1, v9;
	v0 =	vadd.f32 v47, v0;
	v1 =	vmul.f32 v50, v22;
	v8 =	vld.idx.msk [tilespmem:v8+s15+$0x0], $0xffff  }
0x23e: {  	v10 =	vadd.f32 v51, v10;
	v43 =	vmovc v34;
	v34 =	vmul.f32 v50, v14;
	v22 =	vmul.f32 v7, v56  }
0x23f: {  	v48 =	vld [tilespmem:$0x1FC30];
	v52 =	vmovc v27;
	v9 =	vadd.f32 v2, v9;
	v0 =	vadd.f32 v13, v0;
	v2 =	vmul.f32 v50, v55  }
0x240: {  	v44 =	vld [tilespmem:$0x1FC20];
	v27 =	vmovc v56;
	v13 =	vmul.f32 v7, v54;
	v56 =	vmul.f32 v7, v41;
	v10 =	vadd.f32 v34, v10  }
0x241: {  	v7 =	vmul.f32 v7, v16;
	v9 =	vadd.f32 v1, v9;
	v0 =	vadd.f32 v2, v0  }
0x242: {  	v51 =	vld [tilespmem:$0x1F680];
	v4 =	vadd.f32 v13, v4;
	v10 =	vadd.f32 v22, v10;
	v22 =	vmovc v58;
	v58 =	vmul.f32 v8, v58  }
0x243: {  	v9 =	vadd.f32 v56, v9;
	v56 =	vld [tilespmem:$0x1F670]  }
0x244: {  	v0 =	vadd.f32 v7, v0;
	v7 =	vor.u32 v11, v46;
	v4 =	vadd.f32 v58, v4;
	v58 =	vld [tilespmem:$0x1F6A0]  }
0x245: {  	v50 =	vcombine.low v48, v44;
	v13 =	vor.u32 v49, v46  }
0x246: {  	v6 =	vor.u32 v6, v46;
	v12 =	vor.u32 v12, v46;
	v15 =	vmul.f32 v8, v18  }
0x247: {  	v11 =	vand.u32 $0xF, v50;
	v1 =	vsel vm0, v62, v51;
	v47 =	vmul.f32 v8, v21  }
0x248: {  	v62 =	vor.u32 v11, v25;
	v8 =	vmul.f32 v8, v23;
	v10 =	vadd.f32 v15, v10  }
0x249: {  	[tilespmem:v7+s19+$0x0] =	vst.idx.msk $0xffff, v4;
	v4 =	vadd.f32 v47, v9;
	v2 =	vsel vm0, v56, v58  }
0x24a: {  	v49 =	vmov v21;
	v21 =	vld [tilespmem:$0x1F6D0];
	v0 =	vadd.f32 v8, v0;
	[tilespmem:v13+s19+$0x0] =	vst.idx.msk $0xffff, v10;
	v50 =	vcombine.low v2, v1  }
0x24b: {  	v44 =	vmov v23;
	v23 =	vld [tilespmem:$0x1F6B0];
	[tilespmem:v6+s19+$0x0] =	vst.idx.msk $0xffff, v4  }
0x24c: {  	v6 =	vld [tilespmem:$0x1F6E0];
	[tilespmem:v12+s19+$0x0] =	vst.idx.msk $0xffff, v0;
	v7 =	vor.u32 v50, v25  }
0x24d: {  	v0 =	vld.idx.msk [tilespmem:v62+s15+$0x0], $0xffff  }
0x24e: {  	v15 =	vld [tilespmem:$0x1F6C0]  }
0x24f: {  	v56 =	vld [tilespmem:$0x1F700]  }
0x250: {  	v62 =	vld [tilespmem:$0x1F6F0]  }
0x251: {  	v53 =	vmov v3;
	v4 =	vld.idx.msk [tilespmem:v7+s15+$0x0], $0xffff  }
0x252: {  	[tilespmem:$0x1F480] =	vst v2;
	v2 =	vsel vm0, v23, v6;
	v23 =	vld [tilespmem:$0x1F720];
	v47 =	vmul.f32 v0, v53  }
0x253: {  	v58 =	vld [tilespmem:$0x1F710];
	v51 =	vmul.f32 v0, v19  }
0x254: {  	v7 =	vmul.f32 v0, v37;
	v9 =	vadd.f32 $0.0e+00, v47;
	v47 =	vld [tilespmem:$0x1F750]  }
0x255: {  	[tilespmem:$0x1F490] =	vst v1;
	v1 =	vsel vm0, v21, v15;
	v12 =	vadd.f32 $0.0e+00, v51;
	v51 =	vld [tilespmem:$0x1F760]  }
0x256: {  	v21 =	vmovc v39;
	v6 =	vcombine.low v2, v1;
	v7 =	vadd.f32 $0.0e+00, v7;
	v48 =	vmul.f32 v4, v39;
	v39 =	vld [tilespmem:$0x1F740]  }
0x257: {  	[tilespmem:$0x1F4A0] =	vst v2;
	v2 =	vsel vm0, v62, v23;
	v62 =	vld [tilespmem:$0x1F770]  }
0x258: {  	[tilespmem:$0x1F4B0] =	vst v1;
	v1 =	vsel vm0, v58, v56;
	v8 =	vor.u32 v6, v25;
	v7 =	vadd.f32 v48, v7;
	v48 =	vld [tilespmem:$0x1F730]  }
0x259: {  	v23 =	vmov v63;
	v10 =	vcombine.low v2, v1;
	v13 =	vmul.f32 v4, v63;
	v63 =	vld [tilespmem:$0x1F7A0];
	_ =	sdelay $0x1  }
0x25a: {  	v56 =	vld [tilespmem:$0x1F780];
	[tilespmem:$0x1F4D0] =	vst v1;
	v1 =	vsel vm0, v47, v39;
	v47 =	vor.u32 v10, v25  }
0x25b: {  	v58 =	vld [tilespmem:$0x1F790]  }
0x25c: {  	[tilespmem:$0x1F4C0] =	vst v2;
	v8 =	vld.idx.msk [tilespmem:v8+s15+$0x0], $0xffff;
	v2 =	vsel vm0, v48, v51  }
0x25d: {  	v51 =	vmul.f32 v4, v20;
	[tilespmem:$0x1F4E0] =	vst v2;
	v48 =	vcombine.low v2, v1;
	v2 =	vsel vm0, v62, v63;
	v62 =	vld [tilespmem:$0x1F7B0]  }
0x25e: {  	v63 =	vld [tilespmem:$0x1F7E0]  }
0x25f: {  	v12 =	vadd.f32 v51, v12;
	v51 =	vld.idx.msk [tilespmem:v47+s15+$0x0], $0xffff  }
0x260: {  	v47 =	vld [tilespmem:$0x1F7C0]  }
0x261: {  	[tilespmem:$0x1F4F0] =	vst v1;
	v1 =	vsel vm0, v58, v56;
	v56 =	vor.u32 v48, v25;
	v48 =	vld [tilespmem:$0x1F7D0];
	_ =	sdelay $0x2  }
0x262: {  	v32 =	vmovc v29;
	v3 =	vmovc v26;
	v26 =	vmov v45;
	v29 =	vmov v17;
	v58 =	vmul.f32 v8, v17;
	v17 =	vld [tilespmem:$0x1F830]  }
0x263: {  	v0 =	vmul.f32 v0, v45;
	[tilespmem:$0x1F510] =	vst v2;
	v45 =	vcombine.low v2, v1;
	v2 =	vsel vm0, v62, v63;
	v62 =	vld [tilespmem:$0x1F7F0]  }
0x264: {  	[tilespmem:$0x1F500] =	vst v1;
	v1 =	vsel vm0, v48, v47;
	v47 =	vld [tilespmem:$0x1F810]  }
0x265: {  	v48 =	vld [tilespmem:$0x1F820];
	_ =	sdelay $0x1  }
0x266: {  	v0 =	vadd.f32 $0.0e+00, v0;
	v4 =	vmul.f32 v4, v40;
	[tilespmem:$0x1F520] =	vst v1;
	v1 =	vcombine.low v2, v1  }
0x267: {  	v9 =	vadd.f32 v13, v9;
	v13 =	vor.u32 v45, v25  }
0x268: {  	v0 =	vadd.f32 v4, v0;
	v1 =	vor.u32 v1, v25  }
0x269: {  	v4 =	vmul.f32 v8, v35;
	[tilespmem:$0x1F530] =	vst v2;
	v15 =	vsel vm0, v62, v17;
	v2 =	vsel vm0, v48, v47  }
0x26a: {  	v45 =	vmul.f32 v8, v36;
	v56 =	vld.idx.msk [tilespmem:v56+s15+$0x0], $0xffff;
	[tilespmem:$0x1F550] =	vst v2;
	v2 =	vcombine.low v15, v2  }
0x26b: {  	v4 =	vadd.f32 v4, v9  }
0x26c: {  	v8 =	vmul.f32 v8, v3;
	v9 =	vadd.f32 v45, v12;
	v12 =	vld.idx.msk [tilespmem:v13+s15+$0x0], $0xffff;
	v13 =	vor.u32 v2, v25  }
0x26d: {  	v7 =	vadd.f32 v58, v7;
	v45 =	vmul.f32 v51, v32;
	v1 =	vld.idx.msk [tilespmem:v1+s15+$0x0], $0xffff  }
0x26e: {  	v57 =	vmovc v24;
	v0 =	vadd.f32 v8, v0;
	v62 =	vmul.f32 v51, v30;
	v47 =	vmul.f32 v51, v33  }
0x26f: {  	v7 =	vadd.f32 v45, v7;
	[tilespmem:$0x1F540] =	vst v15;
	v63 =	vmul.f32 v56, v57;
	v15 =	vmul.f32 v56, v28  }
0x270: {  	v8 =	vadd.f32 v62, v9;
	v4 =	vadd.f32 v47, v4;
	v47 =	vmul.f32 v56, v43  }
0x271: {  	v62 =	vmul.f32 v12, v38;
	v9 =	vld.idx.msk [tilespmem:v13+s15+$0x0], $0xffff  }
0x272: {  	v7 =	vadd.f32 v63, v7;
	v8 =	vadd.f32 v47, v8;
	v47 =	vmul.f32 v1, v54  }
0x273: {  	v63 =	vmul.f32 v12, v14;
	v4 =	vadd.f32 v15, v4;
	v15 =	vmovc v14;
	v14 =	vmul.f32 v12, v42  }
0x274: {  	v34 =	vmovc v41;
	v11 =	vor.u32 v11, v46;
	v17 =	vmov v3;
	v7 =	vadd.f32 v62, v7  }
0x275: {  	v3 =	vld [tilespmem:$0x1FC50];
	v48 =	vmovc v55;
	v12 =	vmul.f32 v12, v55;
	v4 =	vadd.f32 v63, v4;
	v8 =	vadd.f32 v14, v8  }
0x276: {  	v63 =	vmul.f32 v1, v34;
	v7 =	vadd.f32 v47, v7;
	v47 =	vmovc v22;
	v55 =	vmul.f32 v9, v22;
	v22 =	vld [tilespmem:$0x1FC40]  }
0x277: {  	v51 =	vmul.f32 v51, v52  }
0x278: {  	v14 =	vmovc v54;
	v8 =	vadd.f32 v63, v8;
	v54 =	vmul.f32 v9, v49;
	v7 =	vadd.f32 v55, v7  }
0x279: {  	v0 =	vadd.f32 v51, v0;
	v56 =	vmul.f32 v56, v31  }
0x27a: {  	[tilespmem:v11+s19+$0x0] =	vst.idx.msk $0xffff, v7;
	v7 =	vor.u32 v10, v46;
	v10 =	vadd.f32 v54, v8;
	v8 =	vld [tilespmem:$0x1F860]  }
0x27b: {  	v45 =	vmov v57;
	v57 =	vor.u32 v50, v46;
	v50 =	vcombine.low v3, v22;
	v3 =	vld [tilespmem:$0x1F890]  }
0x27c: {  	v0 =	vadd.f32 v56, v0  }
0x27d: {  	v58 =	vld [tilespmem:$0x1F870];
	v62 =	vmul.f32 v1, v27  }
0x27e: {  	v0 =	vadd.f32 v12, v0;
	v12 =	vld [tilespmem:$0x1F8B0]  }
0x27f: {  	v4 =	vadd.f32 v62, v4;
	v62 =	vld [tilespmem:$0x1F880]  }
0x280: {  	v51 =	vmul.f32 v9, v18;
	v2 =	vsel vm0, v8, v3;
	v3 =	vld [tilespmem:$0x1F8C0];
	_ =	sdelay $0x1  }
0x281: {  	v1 =	vmul.f32 v1, v16;
	v4 =	vadd.f32 v51, v4;
	_ =	sdelay $0x1  }
0x282: {  	v1 =	vadd.f32 v1, v0;
	v0 =	vsel vm0, v62, v58;
	[tilespmem:v57+s19+$0x0] =	vst.idx.msk $0xffff, v4;
	v4 =	vld [tilespmem:$0x1F8D0]  }
0x283: {  	[tilespmem:$0x1F570] =	vst v2;
	v58 =	vcombine.low v2, v0;
	v2 =	vsel vm0, v3, v12;
	v3 =	vld [tilespmem:$0x1F8A0];
	_ =	sdelay $0x3  }
0x284: {  	v13 =	vmov v44;
	v9 =	vmul.f32 v9, v44;
	v44 =	vld [tilespmem:$0x1F930]  }
0x285: {  	v4 =	vsel vm0, v3, v4;
	v3 =	vld [tilespmem:$0x1F8E0]  }
0x286: {  	[tilespmem:$0x1F580] =	vst v4;
	v62 =	vcombine.low v4, v2;
	v4 =	vld [tilespmem:$0x1F910];
	_ =	sdelay $0x3  }
0x287: {  	v51 =	vsel vm0, v59, v44;
	v59 =	vld [tilespmem:$0x1F920]  }
0x288: {  	v4 =	vsel vm0, v3, v4;
	v3 =	vld [tilespmem:$0x1F950]  }
0x289: {  	v6 =	vor.u32 v6, v46  }
0x28a: {  	v63 =	vand.u32 $0xF, v50  }
0x28b: {  	v55 =	vor.u32 v63, v25  }
0x28c: {  	v11 =	vld [tilespmem:$0x1F970];
	v22 =	vsel vm0, v60, v61  }
0x28d: {  	v1 =	vadd.f32 v9, v1;
	[tilespmem:$0x1F5B0] =	vst v4;
	v61 =	vcombine.low v4, v22;
	v4 =	vsel vm0, v59, v3;
	v3 =	vld [tilespmem:$0x1F980]  }
0x28e: {  	[tilespmem:v6+s19+$0x0] =	vst.idx.msk $0xffff, v10  }
0x28f: {  	[tilespmem:v7+s19+$0x0] =	vst.idx.msk $0xffff, v1  }
0x290: {  	[tilespmem:$0x1F560] =	vst v0;
	v0 =	vld.idx.msk [tilespmem:v55+s15+$0x0], $0xffff  }
0x291: {  	[tilespmem:$0x1F5D0] =	vst v4;
	v9 =	vcombine.low v4, v51;
	v4 =	vld [tilespmem:$0x1F990]  }
0x292: {  	[tilespmem:$0x1F590] =	vst v2;
	v2 =	vsel vm0, v3, v11;
	v3 =	vld [tilespmem:$0x1F960];
	_ =	sdelay $0x2  }
0x293: {  	v44 =	vld [tilespmem:$0x1F9A0]  }
0x294: {  	v7 =	vmov v37;
	v8 =	vmul.f32 v0, v37;
	v37 =	vld [tilespmem:$0x1F9B0]  }
0x295: {  	[tilespmem:$0x1F5A0] =	vst v22;
	v3 =	vsel vm0, v3, v4;
	v4 =	vld [tilespmem:$0x1F9D0]  }
0x296: {  	[tilespmem:$0x1F5F0] =	vst v3;
	v22 =	vcombine.low v3, v2;
	v3 =	vld [tilespmem:$0x1F9C0];
	_ =	sdelay $0x2  }
0x297: {  	v10 =	vor.u32 v58, v25;
	_ =	sdelay $0x1  }
0x298: {  	v4 =	vsel vm0, v44, v4;
	v3 =	vsel vm0, v3, v37  }
0x299: {  	v39 =	vmov v20;
	[tilespmem:$0x1F600] =	vst v3;
	v20 =	vcombine.low v4, v3;
	v3 =	vld [tilespmem:$0x1F9F0]  }
0x29a: {  	[tilespmem:$0x1F610] =	vst v4;
	v4 =	vld [tilespmem:$0x1FA00]  }
0x29b: {  	v60 =	vld.idx.msk [tilespmem:v10+s15+$0x0], $0xffff  }
0x29c: {  	v50 =	vor.u32 v62, v25  }
0x29d: {  	v56 =	vor.u32 v61, v25  }
0x29e: {  	v55 =	vld [tilespmem:$0x1FA10]  }
0x29f: {  	v3 =	vsel vm0, v4, v3;
	v4 =	vld [tilespmem:$0x1F9E0]  }
0x2a0: {  	v24 =	vmovc v19;
	v1 =	vadd.f32 $0.0e+00, v8;
	v19 =	vmul.f32 v60, v21;
	v12 =	vor.u32 v9, v25  }
0x2a1: {  	v10 =	vmul.f32 v0, v53;
	v54 =	vld.idx.msk [tilespmem:v50+s15+$0x0], $0xffff  }
0x2a2: {  	v6 =	vmov v21;
	v1 =	vadd.f32 v19, v1;
	v21 =	vld.idx.msk [tilespmem:v56+s15+$0x0], $0xffff;
	v50 =	vor.u32 v22, v25  }
0x2a3: {  	[tilespmem:$0x1F5C0] =	vst v51;
	v59 =	vadd.f32 $0.0e+00, v10;
	v51 =	vmul.f32 v60, v23;
	v56 =	vmul.f32 v0, v24  }
0x2a4: {  	v0 =	vmul.f32 v0, v26;
	v20 =	vor.u32 v20, v25;
	v4 =	vsel vm0, v4, v55  }
0x2a5: {  	v19 =	vadd.f32 v51, v59;
	v22 =	vld.idx.msk [tilespmem:v12+s15+$0x0], $0xffff;
	v37 =	vmov v24;
	v24 =	vcombine.low v4, v3  }
0x2a6: {  	v10 =	vmovc v23;
	v9 =	vmul.f32 v54, v29;
	v11 =	vmovc v26;
	v23 =	vadd.f32 $0.0e+00, v56;
	v0 =	vadd.f32 $0.0e+00, v0;
	[tilespmem:$0x1F5E0] =	vst v2  }
0x2a7: {  	v26 =	vmul.f32 v21, v32;
	v12 =	vmul.f32 v60, v39;
	v2 =	vld.idx.msk [tilespmem:v50+s15+$0x0], $0xffff;
	v24 =	vor.u32 v24, v25  }
0x2a8: {  	v1 =	vadd.f32 v9, v1;
	v51 =	vmul.f32 v21, v33;
	v60 =	vmul.f32 v60, v40  }
0x2a9: {  	v44 =	vmul.f32 v54, v35;
	v23 =	vadd.f32 v12, v23;
	v50 =	vmul.f32 v54, v36;
	v20 =	vld.idx.msk [tilespmem:v20+s15+$0x0], $0xffff  }
0x2aa: {  	v1 =	vadd.f32 v26, v1;
	v0 =	vadd.f32 v60, v0;
	v26 =	vmul.f32 v22, v45  }
0x2ab: {  	v60 =	vor.u32 v63, v46;
	v19 =	vadd.f32 v44, v19;
	v23 =	vadd.f32 v50, v23  }
0x2ac: {  	v1 =	vadd.f32 v26, v1;
	v26 =	vmul.f32 v21, v30;
	v55 =	vmul.f32 v2, v38;
	v24 =	vld.idx.msk [tilespmem:v24+s15+$0x0], $0xffff  }
0x2ad: {  	v54 =	vmul.f32 v54, v17;
	v63 =	vmul.f32 v22, v28;
	v19 =	vadd.f32 v51, v19  }
0x2ae: {  	v23 =	vadd.f32 v26, v23;
	v1 =	vadd.f32 v55, v1;
	v26 =	vmul.f32 v20, v14  }
0x2af: {  	v0 =	vadd.f32 v54, v0;
	v21 =	vmul.f32 v21, v52  }
0x2b0: {  	v19 =	vadd.f32 v63, v19;
	v1 =	vadd.f32 v26, v1;
	v26 =	vmul.f32 v22, v43  }
0x2b1: {  	v8 =	vmovc v43;
	v0 =	vadd.f32 v21, v0;
	v43 =	vmul.f32 v22, v31;
	v12 =	vmul.f32 v24, v47  }
0x2b2: {  	v51 =	vmul.f32 v2, v15;
	v57 =	vmul.f32 v2, v42;
	v50 =	vadd.f32 v26, v23  }
0x2b3: {  	v2 =	vmul.f32 v2, v48;
	v0 =	vadd.f32 v43, v0;
	v1 =	vadd.f32 v12, v1  }
0x2b4: {  	v59 =	vadd.f32 v51, v19;
	v19 =	vmul.f32 v20, v27;
	v21 =	vadd.f32 v57, v50;
	v50 =	vld [tilespmem:$0x1F800]  }
0x2b5: {  	v0 =	vadd.f32 v2, v0;
	v57 =	vld [tilespmem:$0x1FA50];
	[tilespmem:v60+s19+$0x0] =	vst.idx.msk $0xffff, v1;
	v60 =	vmul.f32 v20, v34  }
0x2b6: {  	v1 =	vadd.f32 v19, v59;
	v19 =	vmul.f32 v20, v16;
	v20 =	vor.u32 v58, v46;
	v58 =	vld [tilespmem:$0x1FA60]  }
0x2b7: {  	v2 =	vadd.f32 v60, v21;
	v60 =	vld [tilespmem:$0x1FA40]  }
0x2b8: {  	v0 =	vadd.f32 v19, v0;
	v19 =	vor.u32 v61, v46;
	v61 =	vld [tilespmem:$0x1FA70];
	_ =	sdelay $0x1  }
0x2b9: {  	v63 =	vor.u32 v62, v46;
	v9 =	vmul.f32 v24, v18  }
0x2ba: {  	v56 =	vmov v15;
	v15 =	vmul.f32 v24, v49  }
0x2bb: {  	v54 =	vmul.f32 v24, v13;
	v24 =	vor.u32 v50, v25;
	v1 =	vadd.f32 v9, v1  }
0x2bc: {  	v2 =	vadd.f32 v15, v2;
	v59 =	vsel vm0, v58, v57;
	v26 =	vsel vm0, v60, v61  }
0x2bd: {  	v0 =	vadd.f32 v54, v0;
	[tilespmem:v20+s19+$0x0] =	vst.idx.msk $0xffff, v1;
	v1 =	vcombine.low v26, v59  }
0x2be: {  	[tilespmem:v63+s19+$0x0] =	vst.idx.msk $0xffff, v2  }
0x2bf: {  	v51 =	vld [tilespmem:$0x1FAD0];
	[tilespmem:v19+s19+$0x0] =	vst.idx.msk $0xffff, v0;
	v62 =	vor.u32 v1, v25  }
0x2c0: {  	v2 =	vld.idx.msk [tilespmem:v24+s15+$0x0], $0xffff  }
0x2c1: {  	v22 =	vld [tilespmem:$0x1FA80]  }
0x2c2: {  	v23 =	vld [tilespmem:$0x1FAB0]  }
0x2c3: {  	v54 =	vld [tilespmem:$0x1FAE0]  }
0x2c4: {  	v0 =	vld.idx.msk [tilespmem:v62+s15+$0x0], $0xffff  }
0x2c5: {  	v12 =	vmov v48;
	v21 =	vld [tilespmem:$0x1FAA0];
	v48 =	vmul.f32 v2, v53  }
0x2c6: {  	v63 =	vld [tilespmem:$0x1FA90];
	_ =	sdelay $0x1  }
0x2c7: {  	v43 =	vmov v13;
	v13 =	vld [tilespmem:$0x1FB60];
	v20 =	vsel vm0, v22, v23  }
0x2c8: {  	v57 =	vsel vm0, v54, v51;
	v22 =	vadd.f32 $0.0e+00, v48;
	v48 =	vmovc v6;
	v54 =	vmul.f32 v0, v6;
	v6 =	vld [tilespmem:$0x1FB50]  }
0x2c9: {  	v58 =	vld [tilespmem:$0x1FAC0]  }
0x2ca: {  	v55 =	vmov v42;
	v19 =	vsel vm0, v21, v63;
	v63 =	vld [tilespmem:$0x1FB30];
	v42 =	vmul.f32 v2, v7  }
0x2cb: {  	v62 =	vld [tilespmem:$0x1FB00]  }
0x2cc: {  	v21 =	vadd.f32 $0.0e+00, v42;
	v42 =	vld [tilespmem:$0x1FB70]  }
0x2cd: {  	v15 =	vsel vm0, v13, v6;
	v6 =	vld [tilespmem:$0x1FB40]  }
0x2ce: {  	v59 =	vld [tilespmem:$0x1FAF0];
	v19 =	vcombine.low v20, v19  }
0x2cf: {  	v60 =	vld [tilespmem:$0x1FB10]  }
0x2d0: {  	v61 =	vld [tilespmem:$0x1FB20];
	v20 =	vor.u32 v19, v25  }
0x2d1: {  	v9 =	vsel vm0, v62, v63;
	v63 =	vld [tilespmem:$0x1FBA0]  }
0x2d2: {  	v51 =	vsel vm0, v6, v42;
	v6 =	vld [tilespmem:$0x1FB90]  }
0x2d3: {  	v24 =	vsel vm0, v58, v59  }
0x2d4: {  	v23 =	vcombine.low v24, v57;
	v57 =	vmul.f32 v0, v10  }
0x2d5: {  	v20 =	vld.idx.msk [tilespmem:v20+s15+$0x0], $0xffff  }
0x2d6: {  	v26 =	vsel vm0, v61, v60;
	v22 =	vadd.f32 v57, v22;
	v57 =	vmul.f32 v0, v39;
	v42 =	vmovc v39;
	v39 =	vld [tilespmem:$0x1FBB0]  }
0x2d7: {  	v24 =	vcombine.low v9, v26;
	v26 =	vmul.f32 v2, v37;
	v60 =	vsel vm0, v63, v6;
	v6 =	vld [tilespmem:$0x1FB80];
	_ =	sdelay $0x1  }
0x2d8: {  	v26 =	vadd.f32 $0.0e+00, v26;
	_ =	sdelay $0x1  }
0x2d9: {  	v59 =	vmul.f32 v20, v29;
	v26 =	vadd.f32 v57, v26  }
0x2da: {  	v57 =	vmul.f32 v20, v36;
	v62 =	vcombine.low v51, v15;
	v51 =	vsel vm0, v6, v39;
	v39 =	vld [tilespmem:$0x1FBD0]  }
0x2db: {  	v15 =	vmul.f32 v20, v35;
	v20 =	vmul.f32 v20, v17;
	v6 =	vmov v17;
	v17 =	vld [tilespmem:$0x1FBE0];
	_ =	sdelay $0x1  }
0x2dc: {  	v58 =	vor.u32 v23, v25;
	_ =	sdelay $0x1  }
0x2dd: {  	v2 =	vmul.f32 v2, v11;
	v24 =	vor.u32 v24, v25;
	v63 =	vld [tilespmem:$0x1FBC0]  }
0x2de: {  	v21 =	vadd.f32 v54, v21;
	v13 =	vcombine.low v51, v60;
	v51 =	vsel vm0, v17, v39;
	v17 =	vld [tilespmem:$0x1FBF0]  }
0x2df: {  	v0 =	vmul.f32 v0, v40;
	v2 =	vadd.f32 $0.0e+00, v2;
	v54 =	vor.u32 v62, v25  }
0x2e0: {  	v58 =	vld.idx.msk [tilespmem:v58+s15+$0x0], $0xffff  }
0x2e1: {  	v0 =	vadd.f32 v0, v2  }
0x2e2: {  	v2 =	vadd.f32 v59, v21;
	v21 =	vadd.f32 v15, v22;
	v22 =	vld.idx.msk [tilespmem:v24+s15+$0x0], $0xffff  }
0x2e3: {  	v24 =	vor.u32 v13, v25;
	v13 =	vsel vm0, v63, v17  }
0x2e4: {  	v1 =	vor.u32 v1, v46;
	v19 =	vor.u32 v19, v46;
	v54 =	vld.idx.msk [tilespmem:v54+s15+$0x0], $0xffff;
	v15 =	vcombine.low v13, v51  }
0x2e5: {  	v26 =	vadd.f32 v57, v26;
	v0 =	vadd.f32 v20, v0;
	v20 =	vmul.f32 v58, v33  }
0x2e6: {  	v39 =	vmul.f32 v58, v32;
	v51 =	vmul.f32 v58, v30;
	v57 =	vor.u32 v15, v25  }
0x2e7: {  	v23 =	vor.u32 v23, v46;
	v20 =	vadd.f32 v20, v21;
	v62 =	vmul.f32 v22, v28  }
0x2e8: {  	v2 =	vadd.f32 v39, v2;
	v24 =	vld.idx.msk [tilespmem:v24+s15+$0x0], $0xffff;
	v61 =	vadd.f32 v51, v26;
	v26 =	vmul.f32 v22, v45  }
0x2e9: {  	v20 =	vadd.f32 v62, v20;
	v58 =	vmul.f32 v58, v52;
	v13 =	vmul.f32 v54, v56  }
0x2ea: {  	[tilespmem:$0x1F630] =	vst v3;
	v3 =	vld [tilespmem:$0x1F640];
	v63 =	vmul.f32 v22, v8;
	v2 =	vadd.f32 v26, v2;
	v26 =	vmul.f32 v54, v38  }
0x2eb: {  	v0 =	vadd.f32 v58, v0;
	v22 =	vmul.f32 v22, v31;
	v20 =	vadd.f32 v13, v20;
	v15 =	vld.idx.msk [tilespmem:v57+s15+$0x0], $0xffff  }
0x2ec: {  	v44 =	vmovc v14;
	v14 =	vld [tilespmem:$0x1F650];
	v21 =	vadd.f32 v63, v61;
	v2 =	vadd.f32 v26, v2;
	v26 =	vmul.f32 v54, v55  }
0x2ed: {  	v39 =	vmovc v38;
	v0 =	vadd.f32 v22, v0;
	v38 =	vmul.f32 v24, v44;
	v54 =	vmul.f32 v54, v12  }
0x2ee: {  	v51 =	vmovc v45;
	v45 =	vmul.f32 v24, v34;
	v21 =	vadd.f32 v26, v21;
	v26 =	vmul.f32 v24, v27  }
0x2ef: {  	v61 =	vor.u32 v50, v46;
	v0 =	vadd.f32 v54, v0;
	v24 =	vmul.f32 v24, v16  }
0x2f0: {  	v63 =	vld [tilespmem:$0x1FC80];
	v2 =	vadd.f32 v38, v2;
	v20 =	vadd.f32 v26, v20;
	v26 =	vmul.f32 v15, v47  }
0x2f1: {  	v0 =	vadd.f32 v24, v0;
	v24 =	vcombine.low v3, v14;
	v3 =	vld [tilespmem:$0x1FC70];
	v60 =	vmul.f32 v15, v18  }
0x2f2: {  	v21 =	vadd.f32 v45, v21;
	v2 =	vadd.f32 v26, v2;
	v26 =	vmul.f32 v15, v49  }
0x2f3: {  	v22 =	vmul.f32 v15, v43;
	v20 =	vadd.f32 v60, v20  }
0x2f4: {  	[tilespmem:v61+s19+$0x0] =	vst.idx.msk $0xffff, v2;
	v21 =	vadd.f32 v26, v21  }
0x2f5: {  	v0 =	vadd.f32 v22, v0;
	[tilespmem:v1+s19+$0x0] =	vst.idx.msk $0xffff, v20  }
0x2f6: {  	v58 =	vcombine.low v3, v63;
	v3 =	vld [tilespmem:$0x1FCB0];
	[tilespmem:v19+s19+$0x0] =	vst.idx.msk $0xffff, v21  }
0x2f7: {  	[tilespmem:v23+s19+$0x0] =	vst.idx.msk $0xffff, v0;
	v23 =	vld [tilespmem:$0x1FCA0];
	_ =	sdelay $0x3  }
0x2f8: {  	v38 =	vld [tilespmem:$0x1FD20]  }
0x2f9: {  	v2 =	vcombine.low v23, v3;
	v3 =	vld [tilespmem:$0x1FD10];
	_ =	sdelay $0x3  }
0x2fa: {  	v60 =	vld [tilespmem:$0x1FD50]  }
0x2fb: {  	v21 =	vcombine.low v3, v38;
	v3 =	vld [tilespmem:$0x1FD40]  }
0x2fc: {  	v24 =	vand.u32 $0xF, v24  }
0x2fd: {  	v62 =	vor.u32 v24, v25;
	_ =	sdelay $0x1  }
0x2fe: {  	v63 =	vld [tilespmem:$0x1FE00];
	v22 =	vor.u32 v58, v25  }
0x2ff: {  	v61 =	vcombine.low v3, v60;
	v3 =	vld [tilespmem:$0x1FDF0];
	_ =	sdelay $0x1  }
0x300: {  	v0 =	vld.idx.msk [tilespmem:v62+s15+$0x0], $0xffff  }
0x301: {  	v19 =	vor.u32 v2, v25  }
0x302: {  	v1 =	vld.idx.msk [tilespmem:v22+s15+$0x0], $0xffff  }
0x303: {  	v50 =	vor.u32 v21, v25;
	v15 =	vcombine.low v3, v63;
	v3 =	vld [tilespmem:$0x1FE20]  }
0x304: {  	v63 =	vld [tilespmem:$0x1FE30]  }
0x305: {  	v20 =	vmul.f32 v0, v7  }
0x306: {  	v26 =	vmul.f32 v0, v53;
	v62 =	vmul.f32 v0, v37;
	v19 =	vld.idx.msk [tilespmem:v19+s15+$0x0], $0xffff;
	v54 =	vor.u32 v61, v25  }
0x307: {  	v0 =	vmul.f32 v0, v11;
	v20 =	vadd.f32 $0.0e+00, v20;
	v45 =	vmul.f32 v1, v48  }
0x308: {  	v26 =	vadd.f32 $0.0e+00, v26;
	v22 =	vadd.f32 $0.0e+00, v62;
	v23 =	vld.idx.msk [tilespmem:v50+s15+$0x0], $0xffff;
	v57 =	vor.u32 v15, v25  }
0x309: {  	v0 =	vadd.f32 $0.0e+00, v0;
	v38 =	vmul.f32 v1, v10;
	v14 =	vcombine.low v3, v63;
	v3 =	vld [tilespmem:$0x1FE70]  }
0x30a: {  	v20 =	vadd.f32 v45, v20;
	v45 =	vmul.f32 v1, v42;
	v1 =	vmul.f32 v1, v40;
	v63 =	vld [tilespmem:$0x1F0F0]  }
0x30b: {  	v26 =	vadd.f32 v38, v26;
	v50 =	vmul.f32 v19, v29;
	v54 =	vld.idx.msk [tilespmem:v54+s15+$0x0], $0xffff  }
0x30c: {  	v22 =	vadd.f32 v45, v22;
	v0 =	vadd.f32 v1, v0  }
0x30d: {  	v38 =	vmul.f32 v19, v35;
	v20 =	vadd.f32 v50, v20;
	v50 =	vmul.f32 v19, v36;
	v57 =	vld.idx.msk [tilespmem:v57+s15+$0x0], $0xffff  }
0x30e: {  	v19 =	vmul.f32 v19, v6;
	v59 =	vor.u32 v14, v25;
	v14 =	vmul.f32 v23, v32  }
0x30f: {  	v1 =	vadd.f32 v38, v26;
	v22 =	vadd.f32 v50, v22;
	v26 =	vcombine.low v3, v63  }
0x310: {  	v45 =	vmovc v36;
	v0 =	vadd.f32 v19, v0;
	v36 =	vmul.f32 v54, v51;
	v20 =	vadd.f32 v14, v20  }
0x311: {  	v15 =	vmul.f32 v23, v33;
	v19 =	vor.u32 v26, v25;
	v26 =	vmul.f32 v23, v30  }
0x312: {  	v3 =	vld [tilespmem:$0x1FF70];
	v20 =	vadd.f32 v36, v20;
	v23 =	vmul.f32 v23, v52;
	v63 =	vmul.f32 v57, v39  }
0x313: {  	v50 =	vmul.f32 v54, v28;
	v62 =	vmul.f32 v54, v8;
	v22 =	vadd.f32 v26, v22;
	v26 =	vld.idx.msk [tilespmem:v59+s15+$0x0], $0xffff  }
0x314: {  	v54 =	vmul.f32 v54, v31;
	v0 =	vadd.f32 v23, v0;
	v20 =	vadd.f32 v63, v20;
	v63 =	vld [tilespmem:$0x1F660]  }
0x315: {  	v13 =	vmul.f32 v57, v56  }
0x316: {  	v14 =	vmul.f32 v57, v55;
	v57 =	vmul.f32 v57, v12;
	v0 =	vadd.f32 v54, v0;
	v19 =	vld.idx.msk [tilespmem:v19+s15+$0x0], $0xffff  }
0x317: {  	v24 =	vor.u32 v24, v46;
	v22 =	vadd.f32 v62, v22  }
0x318: {  	v1 =	vadd.f32 v15, v1;
	v0 =	vadd.f32 v57, v0;
	v60 =	vmul.f32 v26, v16  }
0x319: {  	v22 =	vadd.f32 v14, v22;
	v15 =	vmul.f32 v26, v44;
	v14 =	vcombine.low v3, v63;
	v3 =	vld [tilespmem:$0x1F100]  }
0x31a: {  	v1 =	vadd.f32 v50, v1;
	v50 =	vmul.f32 v26, v27;
	v0 =	vadd.f32 v60, v0;
	v60 =	vld [tilespmem:$0x1F110]  }
0x31b: {  	v57 =	vmul.f32 v26, v34;
	v20 =	vadd.f32 v15, v20;
	v26 =	vmul.f32 v19, v47  }
0x31c: {  	v61 =	vor.u32 v58, v46;
	v1 =	vadd.f32 v13, v1  }
0x31d: {  	v22 =	vadd.f32 v57, v22;
	v15 =	vmul.f32 v19, v49;
	v20 =	vadd.f32 v26, v20  }
0x31e: {  	v2 =	vor.u32 v2, v46;
	v63 =	vld [tilespmem:$0x1F120];
	v1 =	vadd.f32 v50, v1;
	v26 =	vmul.f32 v19, v18  }
0x31f: {  	[tilespmem:v24+s19+$0x0] =	vst.idx.msk $0xffff, v20;
	v20 =	vadd.f32 v15, v22;
	v22 =	vcombine.low v60, v3;
	v3 =	vld [tilespmem:$0x1F130]  }
0x320: {  	v1 =	vadd.f32 v26, v1  }
0x321: {  	v21 =	vor.u32 v21, v46;
	v54 =	vand.u32 $0xF, v14  }
0x322: {  	v19 =	vmul.f32 v19, v43;
	v26 =	vor.u32 v54, v25;
	[tilespmem:v61+s19+$0x0] =	vst.idx.msk $0xffff, v1  }
0x323: {  	[tilespmem:v2+s19+$0x0] =	vst.idx.msk $0xffff, v20;
	v20 =	vld [tilespmem:$0x1F150]  }
0x324: {  	v0 =	vadd.f32 v19, v0;
	v2 =	vcombine.low v3, v63;
	v3 =	vld [tilespmem:$0x1F140];
	_ =	sdelay $0x1  }
0x325: {  	[tilespmem:v21+s19+$0x0] =	vst.idx.msk $0xffff, v0  }
0x326: {  	v0 =	vld.idx.msk [tilespmem:v26+s15+$0x0], $0xffff  }
0x327: {  	v26 =	vld [tilespmem:$0x1F170]  }
0x328: {  	v20 =	vcombine.low v20, v3;
	v3 =	vld [tilespmem:$0x1F160];
	_ =	sdelay $0x1  }
0x329: {  	v61 =	vor.u32 v22, v25;
	_ =	sdelay $0x1  }
0x32a: {  	v9 =	vmov v29;
	v29 =	vmov v28;
	v28 =	vld [tilespmem:$0x1F190]  }
0x32b: {  	v26 =	vcombine.low v26, v3;
	v3 =	vld [tilespmem:$0x1F180];
	_ =	sdelay $0x1  }
0x32c: {  	v1 =	vld.idx.msk [tilespmem:v61+s15+$0x0], $0xffff  }
0x32d: {  	v19 =	vor.u32 v2, v25;
	v13 =	vmul.f32 v0, v7  }
0x32e: {  	v14 =	vmul.f32 v0, v53  }
0x32f: {  	v24 =	vor.u32 v20, v25;
	v21 =	vadd.f32 $0.0e+00, v13;
	v13 =	vcombine.low v28, v3;
	v3 =	vld [tilespmem:$0x1F1A0]  }
0x330: {  	v28 =	vld [tilespmem:$0x1F1B0]  }
0x331: {  	v23 =	vadd.f32 $0.0e+00, v14;
	v15 =	vmul.f32 v1, v10  }
0x332: {  	v19 =	vld.idx.msk [tilespmem:v19+s15+$0x0], $0xffff;
	v14 =	vmul.f32 v0, v37;
	v26 =	vor.u32 v26, v25  }
0x333: {  	v57 =	vmul.f32 v1, v48;
	v0 =	vmul.f32 v0, v11;
	v23 =	vadd.f32 v15, v23  }
0x334: {  	v15 =	vadd.f32 $0.0e+00, v14;
	v24 =	vld.idx.msk [tilespmem:v24+s15+$0x0], $0xffff;
	v58 =	vor.u32 v13, v25;
	v13 =	vmul.f32 v1, v42  }
0x335: {  	v0 =	vadd.f32 $0.0e+00, v0;
	v1 =	vmul.f32 v1, v40;
	v14 =	vcombine.low v28, v3;
	v3 =	vld [tilespmem:$0x1F1C0]  }
0x336: {  	v17 =	vmov v35;
	v21 =	vadd.f32 v57, v21;
	v57 =	vadd.f32 v13, v15;
	v28 =	vld [tilespmem:$0x1F1D0]  }
0x337: {  	v15 =	vmul.f32 v19, v9;
	v0 =	vadd.f32 v1, v0;
	v1 =	vld.idx.msk [tilespmem:v26+s15+$0x0], $0xffff;
	v26 =	vor.u32 v14, v25  }
0x338: {  	v35 =	vmov v32;
	v13 =	vmul.f32 v19, v17  }
0x339: {  	v38 =	vmovc v30;
	v32 =	vmul.f32 v24, v32;
	v21 =	vadd.f32 v15, v21;
	v14 =	vmul.f32 v19, v45  }
0x33a: {  	v23 =	vadd.f32 v13, v23;
	v13 =	vmul.f32 v24, v38;
	v19 =	vmul.f32 v19, v6;
	v58 =	vld.idx.msk [tilespmem:v58+s15+$0x0], $0xffff  }
0x33b: {  	v21 =	vadd.f32 v32, v21;
	v57 =	vadd.f32 v14, v57;
	v15 =	vcombine.low v28, v3  }
0x33c: {  	v0 =	vadd.f32 v19, v0;
	v19 =	vmul.f32 v24, v33;
	v24 =	vmul.f32 v24, v52;
	v26 =	vld.idx.msk [tilespmem:v26+s15+$0x0], $0xffff  }
0x33d: {  	v32 =	vmul.f32 v1, v8;
	v14 =	vadd.f32 v13, v57;
	v59 =	vor.u32 v15, v25  }
0x33e: {  	[tilespmem:$0x1F620] =	vst v4;
	v19 =	vadd.f32 v19, v23;
	v15 =	vmul.f32 v1, v51  }
0x33f: {  	v4 =	vmovc v8;
	v0 =	vadd.f32 v24, v0;
	v23 =	vadd.f32 v32, v14;
	v14 =	vmul.f32 v58, v55  }
0x340: {  	v30 =	vmovc v31;
	v24 =	vmul.f32 v1, v29;
	v8 =	vmul.f32 v58, v39;
	v21 =	vadd.f32 v15, v21  }
0x341: {  	v3 =	vld [tilespmem:$0x1F850];
	v1 =	vmul.f32 v1, v30;
	v23 =	vadd.f32 v14, v23;
	v60 =	vmul.f32 v26, v34  }
0x342: {  	v19 =	vadd.f32 v24, v19;
	v24 =	vmul.f32 v58, v56;
	v13 =	vadd.f32 v8, v21;
	v21 =	vld.idx.msk [tilespmem:v59+s15+$0x0], $0xffff  }
0x343: {  	v23 =	vadd.f32 v60, v23;
	v60 =	vld [tilespmem:$0x1F840]  }
0x344: {  	v0 =	vadd.f32 v1, v0;
	v19 =	vadd.f32 v24, v19;
	v24 =	vmul.f32 v58, v12  }
0x345: {  	v31 =	vmov v55;
	v15 =	vmul.f32 v26, v44;
	v55 =	vmul.f32 v26, v27  }
0x346: {  	v0 =	vadd.f32 v24, v0;
	v24 =	vmul.f32 v26, v16;
	v26 =	vor.u32 v54, v46  }
0x347: {  	v1 =	vadd.f32 v15, v13;
	v19 =	vadd.f32 v55, v19;
	v8 =	vmul.f32 v21, v18  }
0x348: {  	v0 =	vadd.f32 v24, v0;
	v61 =	vmul.f32 v21, v47;
	v24 =	vcombine.low v60, v3;
	v3 =	vld [tilespmem:$0x1F1E0]  }
0x349: {  	v22 =	vor.u32 v22, v46;
	v19 =	vadd.f32 v8, v19;
	v8 =	vld [tilespmem:$0x1F1F0]  }
0x34a: {  	v2 =	vor.u32 v2, v46;
	v20 =	vor.u32 v20, v46;
	v1 =	vadd.f32 v61, v1  }
0x34b: {  	v61 =	vmul.f32 v21, v49;
	v21 =	vmul.f32 v21, v43;
	v24 =	vand.u32 $0xF, v24  }
0x34c: {  	v14 =	vor.u32 v24, v25  }
0x34d: {  	[tilespmem:v26+s19+$0x0] =	vst.idx.msk $0xffff, v1;
	v15 =	vadd.f32 v61, v23;
	v0 =	vadd.f32 v21, v0;
	v21 =	vld [tilespmem:$0x1F200]  }
0x34e: {  	[tilespmem:v22+s19+$0x0] =	vst.idx.msk $0xffff, v19;
	v22 =	vld [tilespmem:$0x1F210];
	v57 =	vcombine.low v8, v3  }
0x34f: {  	v23 =	vld [tilespmem:$0x1F230];
	[tilespmem:v2+s19+$0x0] =	vst.idx.msk $0xffff, v15  }
0x350: {  	[tilespmem:v20+s19+$0x0] =	vst.idx.msk $0xffff, v0;
	v3 =	vld [tilespmem:$0x1F220];
	v19 =	vor.u32 v57, v25  }
0x351: {  	v0 =	vld.idx.msk [tilespmem:v14+s15+$0x0], $0xffff  }
0x352: {  	v59 =	vld [tilespmem:$0x1F250]  }
0x353: {  	v61 =	vld [tilespmem:$0x1F260];
	v1 =	vcombine.low v22, v21  }
0x354: {  	v8 =	vld [tilespmem:$0x1F270]  }
0x355: {  	v2 =	vld.idx.msk [tilespmem:v19+s15+$0x0], $0xffff;
	v19 =	vor.u32 v1, v25  }
0x356: {  	v20 =	vcombine.low v23, v3;
	v3 =	vmov v7;
	v54 =	vmul.f32 v0, v7;
	v7 =	vld [tilespmem:$0x1F240];
	_ =	sdelay $0x2  }
0x357: {  	v14 =	vcombine.low v8, v61;
	v61 =	vld [tilespmem:$0x1F280];
	v23 =	vor.u32 v20, v25  }
0x358: {  	v60 =	vmul.f32 v0, v37;
	v21 =	vadd.f32 $0.0e+00, v54;
	v54 =	vmul.f32 v0, v53;
	v19 =	vld.idx.msk [tilespmem:v19+s15+$0x0], $0xffff  }
0x359: {  	v8 =	vld [tilespmem:$0x1F290];
	v0 =	vmul.f32 v0, v11;
	v26 =	vcombine.low v59, v7  }
0x35a: {  	v22 =	vadd.f32 $0.0e+00, v60;
	v58 =	vmul.f32 v2, v48;
	v54 =	vadd.f32 $0.0e+00, v54  }
0x35b: {  	v0 =	vadd.f32 $0.0e+00, v0;
	v15 =	vmul.f32 v2, v10;
	v26 =	vor.u32 v26, v25  }
0x35c: {  	v60 =	vmul.f32 v2, v42;
	v2 =	vmul.f32 v2, v40;
	v21 =	vadd.f32 v58, v21  }
0x35d: {  	v23 =	vld.idx.msk [tilespmem:v23+s15+$0x0], $0xffff;
	v58 =	vor.u32 v14, v25;
	v54 =	vadd.f32 v15, v54;
	v13 =	vmul.f32 v19, v17  }
0x35e: {  	v28 =	vmov v27;
	v27 =	vmov v10;
	v10 =	vcombine.low v8, v61;
	v61 =	vld [tilespmem:$0x1F2B0]  }
0x35f: {  	v0 =	vadd.f32 v2, v0;
	v2 =	vadd.f32 v13, v54;
	v54 =	vld [tilespmem:$0x1F2A0]  }
0x360: {  	v26 =	vld.idx.msk [tilespmem:v26+s15+$0x0], $0xffff  }
0x361: {  	v62 =	vmov v12;
	v12 =	vmul.f32 v19, v9  }
0x362: {  	v22 =	vadd.f32 v60, v22;
	v59 =	vor.u32 v10, v25;
	v58 =	vld.idx.msk [tilespmem:v58+s15+$0x0], $0xffff  }
0x363: {  	v14 =	vmul.f32 v19, v45;
	v21 =	vadd.f32 v12, v21;
	v13 =	vmul.f32 v23, v35  }
0x364: {  	v24 =	vor.u32 v24, v46;
	v19 =	vmul.f32 v19, v6;
	v12 =	vcombine.low v61, v54  }
0x365: {  	v41 =	vmovc v18;
	v22 =	vadd.f32 v14, v22;
	v21 =	vadd.f32 v13, v21;
	v8 =	vmul.f32 v26, v51  }
0x366: {  	v63 =	vmovc v16;
	v14 =	vmul.f32 v23, v33;
	v0 =	vadd.f32 v19, v0;
	v19 =	vor.u32 v12, v25  }
0x367: {  	v16 =	vmovc v6;
	v15 =	vmul.f32 v23, v38;
	v6 =	vld [tilespmem:$0x1FA30];
	v12 =	vmul.f32 v58, v39;
	v21 =	vadd.f32 v8, v21  }
0x368: {  	v1 =	vor.u32 v1, v46;
	v23 =	vmul.f32 v23, v52;
	v2 =	vadd.f32 v14, v2;
	v54 =	vld.idx.msk [tilespmem:v59+s15+$0x0], $0xffff  }
0x369: {  	v18 =	vmovc v9;
	v22 =	vadd.f32 v15, v22;
	v9 =	vmul.f32 v26, v29;
	v21 =	vadd.f32 v12, v21;
	v12 =	vld [tilespmem:$0x1FA20]  }
0x36a: {  	v0 =	vadd.f32 v23, v0;
	v10 =	vmul.f32 v26, v4;
	v26 =	vmul.f32 v26, v30  }
0x36b: {  	v13 =	vmul.f32 v58, v56;
	v61 =	vor.u32 v57, v46;
	v2 =	vadd.f32 v9, v2;
	v19 =	vld.idx.msk [tilespmem:v19+s15+$0x0], $0xffff  }
0x36c: {  	v22 =	vadd.f32 v10, v22;
	v0 =	vadd.f32 v26, v0;
	v26 =	vmul.f32 v58, v31  }
0x36d: {  	v57 =	vld [tilespmem:$0x1F2D0];
	v58 =	vmul.f32 v58, v62;
	v2 =	vadd.f32 v13, v2;
	v14 =	vmul.f32 v54, v44  }
0x36e: {  	v22 =	vadd.f32 v26, v22;
	v26 =	vmul.f32 v54, v34;
	v13 =	vcombine.low v12, v6;
	v6 =	vld [tilespmem:$0x1F2C0]  }
0x36f: {  	v15 =	vmul.f32 v54, v28;
	v0 =	vadd.f32 v58, v0;
	v60 =	vmul.f32 v54, v63  }
0x370: {  	v21 =	vadd.f32 v14, v21;
	v22 =	vadd.f32 v26, v22;
	v26 =	vmul.f32 v19, v47  }
0x371: {  	v20 =	vor.u32 v20, v46;
	v2 =	vadd.f32 v15, v2;
	v14 =	vmul.f32 v19, v49  }
0x372: {  	v59 =	vld [tilespmem:$0x1F2E0];
	v0 =	vadd.f32 v60, v0;
	v21 =	vadd.f32 v26, v21;
	v26 =	vmul.f32 v19, v41  }
0x373: {  	v54 =	vand.u32 $0xF, v13;
	v15 =	vadd.f32 v14, v22;
	v22 =	vcombine.low v57, v6;
	v6 =	vld [tilespmem:$0x1F2F0]  }
0x374: {  	v19 =	vmul.f32 v19, v43;
	v2 =	vadd.f32 v26, v2;
	v26 =	vor.u32 v54, v25  }
0x375: {  	[tilespmem:v24+s19+$0x0] =	vst.idx.msk $0xffff, v21  }
0x376: {  	v0 =	vadd.f32 v19, v0;
	[tilespmem:v61+s19+$0x0] =	vst.idx.msk $0xffff, v2  }
0x377: {  	v60 =	vld [tilespmem:$0x1F310];
	[tilespmem:v1+s19+$0x0] =	vst.idx.msk $0xffff, v15  }
0x378: {  	[tilespmem:v20+s19+$0x0] =	vst.idx.msk $0xffff, v0;
	v2 =	vcombine.low v6, v59;
	v6 =	vld [tilespmem:$0x1F300]  }
0x379: {  	v0 =	vld.idx.msk [tilespmem:v26+s15+$0x0], $0xffff;
	_ =	sdelay $0x2  }
0x37a: {  	v58 =	vor.u32 v22, v25  }
0x37b: {  	v13 =	vld [tilespmem:$0x1F330]  }
0x37c: {  	v20 =	vcombine.low v60, v6;
	v6 =	vmov v3;
	v61 =	vmul.f32 v0, v3;
	v3 =	vld [tilespmem:$0x1F320];
	_ =	sdelay $0x2  }
0x37d: {  	v1 =	vld.idx.msk [tilespmem:v58+s15+$0x0], $0xffff  }
0x37e: {  	v19 =	vor.u32 v2, v25;
	v21 =	vadd.f32 $0.0e+00, v61;
	v61 =	vld [tilespmem:$0x1F350]  }
0x37f: {  	v26 =	vcombine.low v13, v3;
	v3 =	vld [tilespmem:$0x1F340];
	_ =	sdelay $0x2  }
0x380: {  	v12 =	vmul.f32 v0, v53  }
0x381: {  	v24 =	vor.u32 v20, v25;
	v19 =	vld.idx.msk [tilespmem:v19+s15+$0x0], $0xffff;
	v15 =	vmul.f32 v1, v27  }
0x382: {  	v23 =	vadd.f32 $0.0e+00, v12;
	v26 =	vor.u32 v26, v25;
	v12 =	vcombine.low v61, v3;
	v3 =	vld [tilespmem:$0x1F360]  }
0x383: {  	v13 =	vmul.f32 v0, v37;
	v0 =	vmul.f32 v0, v11;
	v61 =	vld [tilespmem:$0x1F370]  }
0x384: {  	v14 =	vmul.f32 v1, v48;
	v23 =	vadd.f32 v15, v23  }
0x385: {  	v15 =	vmul.f32 v1, v42;
	v1 =	vmul.f32 v1, v40;
	v0 =	vadd.f32 $0.0e+00, v0  }
0x386: {  	v21 =	vadd.f32 v14, v21;
	v24 =	vld.idx.msk [tilespmem:v24+s15+$0x0], $0xffff;
	v14 =	vadd.f32 $0.0e+00, v13;
	v58 =	vor.u32 v12, v25  }
0x387: {  	v13 =	vmul.f32 v19, v18;
	v0 =	vadd.f32 v1, v0;
	v1 =	vld.idx.msk [tilespmem:v26+s15+$0x0], $0xffff  }
0x388: {  	v57 =	vadd.f32 v15, v14;
	v14 =	vmul.f32 v19, v17;
	v12 =	vcombine.low v61, v3;
	v3 =	vld [tilespmem:$0x1F380]  }
0x389: {  	v15 =	vmul.f32 v19, v45;
	v19 =	vmul.f32 v19, v16;
	v61 =	vld [tilespmem:$0x1F390]  }
0x38a: {  	v23 =	vadd.f32 v14, v23;
	v26 =	vor.u32 v12, v25  }
0x38b: {  	v10 =	vmul.f32 v24, v35;
	v0 =	vadd.f32 v19, v0;
	v19 =	vmul.f32 v24, v33;
	v58 =	vld.idx.msk [tilespmem:v58+s15+$0x0], $0xffff  }
0x38c: {  	v12 =	vmul.f32 v24, v38;
	v24 =	vmul.f32 v24, v52  }
0x38d: {  	v21 =	vadd.f32 v13, v21;
	v19 =	vadd.f32 v19, v23;
	v14 =	vmul.f32 v1, v51  }
0x38e: {  	v0 =	vadd.f32 v24, v0;
	v24 =	vmul.f32 v1, v29;
	v9 =	vcombine.low v61, v3  }
0x38f: {  	v57 =	vadd.f32 v15, v57;
	v15 =	vmul.f32 v1, v4;
	v1 =	vmul.f32 v1, v30;
	v26 =	vld.idx.msk [tilespmem:v26+s15+$0x0], $0xffff  }
0x390: {  	v3 =	vld [tilespmem:$0x1FC10];
	v19 =	vadd.f32 v24, v19;
	v59 =	vor.u32 v9, v25;
	v24 =	vmul.f32 v58, v56  }
0x391: {  	v21 =	vadd.f32 v10, v21;
	v61 =	vld [tilespmem:$0x1FC00]  }
0x392: {  	v0 =	vadd.f32 v1, v0;
	v19 =	vadd.f32 v24, v19;
	v24 =	vmul.f32 v58, v62  }
0x393: {  	v13 =	vadd.f32 v12, v57;
	v21 =	vadd.f32 v14, v21;
	v8 =	vmul.f32 v58, v39  }
0x394: {  	v0 =	vadd.f32 v24, v0;
	v24 =	vmul.f32 v26, v63  }
0x395: {  	v23 =	vadd.f32 v15, v13;
	v9 =	vadd.f32 v8, v21;
	v21 =	vld.idx.msk [tilespmem:v59+s15+$0x0], $0xffff;
	v13 =	vmul.f32 v26, v28  }
0x396: {  	v0 =	vadd.f32 v24, v0;
	v24 =	vcombine.low v61, v3;
	v3 =	vld [tilespmem:$0x1F3A0]  }
0x397: {  	v10 =	vmul.f32 v58, v31;
	v19 =	vadd.f32 v13, v19;
	v13 =	vld [tilespmem:$0x1F3B0]  }
0x398: {  	v12 =	vmul.f32 v26, v44  }
0x399: {  	v23 =	vadd.f32 v10, v23;
	v14 =	vmul.f32 v26, v34  }
0x39a: {  	v22 =	vor.u32 v22, v46;
	v26 =	vor.u32 v54, v46;
	v1 =	vadd.f32 v12, v9  }
0x39b: {  	v23 =	vadd.f32 v14, v23;
	v15 =	vmul.f32 v21, v47;
	v12 =	vmul.f32 v21, v49  }
0x39c: {  	v2 =	vor.u32 v2, v46;
	v60 =	vmul.f32 v21, v41;
	v57 =	vcombine.low v13, v3;
	v3 =	vld [tilespmem:$0x1F3E0]  }
0x39d: {  	v20 =	vor.u32 v20, v46;
	v1 =	vadd.f32 v15, v1;
	v15 =	vadd.f32 v12, v23;
	v23 =	vld [tilespmem:$0x1F3F0]  }
0x39e: {  	v24 =	vand.u32 $0xF, v24;
	v21 =	vmul.f32 v21, v43;
	v19 =	vadd.f32 v60, v19  }
0x39f: {  	v14 =	vor.u32 v24, v25;
	[tilespmem:v26+s19+$0x0] =	vst.idx.msk $0xffff, v1  }
0x3a0: {  	v59 =	vld [tilespmem:$0x1F410];
	v0 =	vadd.f32 v21, v0;
	[tilespmem:v22+s19+$0x0] =	vst.idx.msk $0xffff, v19  }
0x3a1: {  	v21 =	vld [tilespmem:$0x1F3C0];
	[tilespmem:v2+s19+$0x0] =	vst.idx.msk $0xffff, v15  }
0x3a2: {  	[tilespmem:v20+s19+$0x0] =	vst.idx.msk $0xffff, v0;
	v20 =	vcombine.low v23, v3;
	v3 =	vld [tilespmem:$0x1F400]  }
0x3a3: {  	v22 =	vld [tilespmem:$0x1F3D0]  }
0x3a4: {  	v0 =	vld.idx.msk [tilespmem:v14+s15+$0x0], $0xffff  }
0x3a5: {  	v19 =	vor.u32 v57, v25  }
0x3a6: {  	v12 =	vld [tilespmem:$0x1F430]  }
0x3a7: {  	v26 =	vcombine.low v59, v3;
	v3 =	vld [tilespmem:$0x1F420];
	_ =	sdelay $0x1  }
0x3a8: {  	v1 =	vcombine.low v22, v21;
	v61 =	vmul.f32 v0, v37  }
0x3a9: {  	v23 =	vor.u32 v20, v25;
	v2 =	vld.idx.msk [tilespmem:v19+s15+$0x0], $0xffff  }
0x3aa: {  	v19 =	vor.u32 v1, v25;
	v22 =	vadd.f32 $0.0e+00, v61;
	v61 =	vld [tilespmem:$0x1F450]  }
0x3ab: {  	v13 =	vcombine.low v12, v3;
	v3 =	vld [tilespmem:$0x1F440];
	_ =	sdelay $0x2  }
0x3ac: {  	v54 =	vmul.f32 v0, v6;
	v23 =	vld.idx.msk [tilespmem:v23+s15+$0x0], $0xffff  }
0x3ad: {  	v60 =	vmul.f32 v0, v53;
	v26 =	vor.u32 v26, v25;
	v19 =	vld.idx.msk [tilespmem:v19+s15+$0x0], $0xffff  }
0x3ae: {  	v0 =	vmul.f32 v0, v11;
	v21 =	vadd.f32 $0.0e+00, v54;
	v12 =	vcombine.low v61, v3;
	v3 =	vld [tilespmem:$0x1F460]  }
0x3af: {  	v58 =	vmul.f32 v2, v48;
	v54 =	vadd.f32 $0.0e+00, v60;
	v14 =	vmul.f32 v2, v27;
	v61 =	vld [tilespmem:$0x1F470]  }
0x3b0: {  	v0 =	vadd.f32 $0.0e+00, v0;
	v15 =	vmul.f32 v2, v42  }
0x3b1: {  	v2 =	vmul.f32 v2, v40;
	v21 =	vadd.f32 v58, v21;
	v54 =	vadd.f32 v14, v54  }
0x3b2: {  	v58 =	vor.u32 v13, v25;
	v26 =	vld.idx.msk [tilespmem:v26+s15+$0x0], $0xffff;
	v9 =	vmul.f32 v23, v35;
	v13 =	vmul.f32 v19, v18  }
0x3b3: {  	v22 =	vadd.f32 v15, v22;
	v14 =	vmul.f32 v19, v17;
	v15 =	vmul.f32 v19, v45  }
0x3b4: {  	v0 =	vadd.f32 v2, v0;
	v19 =	vmul.f32 v19, v16;
	v8 =	vcombine.low v61, v3  }
0x3b5: {  	v10 =	vmul.f32 v23, v33;
	v21 =	vadd.f32 v13, v21;
	v59 =	vor.u32 v12, v25  }
0x3b6: {  	v2 =	vadd.f32 v14, v54;
	v0 =	vadd.f32 v19, v0;
	v19 =	vor.u32 v8, v25  }
0x3b7: {  	v58 =	vld.idx.msk [tilespmem:v58+s15+$0x0], $0xffff;
	v12 =	vmul.f32 v23, v38;
	v14 =	vmul.f32 v26, v51;
	v21 =	vadd.f32 v9, v21  }
0x3b8: {  	v23 =	vmul.f32 v23, v52;
	v3 =	vmovc v52;
	v61 =	vmov v4;
	v52 =	vmul.f32 v26, v4;
	v4 =	vld [tilespmem:$0x1FC30]  }
0x3b9: {  	v21 =	vadd.f32 v14, v21;
	v14 =	vld [tilespmem:$0x1FC20]  }
0x3ba: {  	v22 =	vadd.f32 v15, v22;
	v13 =	vld.idx.msk [tilespmem:v59+s15+$0x0], $0xffff  }
0x3bb: {  	v15 =	vmul.f32 v26, v29;
	v19 =	vld.idx.msk [tilespmem:v19+s15+$0x0], $0xffff  }
0x3bc: {  	v22 =	vadd.f32 v12, v22;
	v0 =	vadd.f32 v23, v0;
	v26 =	vmul.f32 v26, v30  }
0x3bd: {  	v2 =	vadd.f32 v10, v2;
	v60 =	vmul.f32 v58, v39  }
0x3be: {  	v22 =	vadd.f32 v52, v22;
	v0 =	vadd.f32 v26, v0;
	v26 =	vmul.f32 v58, v31  }
0x3bf: {  	v50 =	vmovc v49;
	v2 =	vadd.f32 v15, v2;
	v8 =	vmul.f32 v58, v56;
	v15 =	vcombine.low v14, v4;
	v4 =	vld [tilespmem:$0x1F480]  }
0x3c0: {  	v32 =	vmovc v34;
	v22 =	vadd.f32 v26, v22;
	v26 =	vmul.f32 v13, v34;
	v34 =	vmul.f32 v19, v49;
	v49 =	vld [tilespmem:$0x1F490]  }
0x3c1: {  	v24 =	vor.u32 v24, v46  }
0x3c2: {  	v21 =	vadd.f32 v60, v21;
	v2 =	vadd.f32 v8, v2;
	v9 =	vmul.f32 v13, v44  }
0x3c3: {  	v10 =	vmul.f32 v13, v28;
	v12 =	vmul.f32 v13, v63;
	v22 =	vadd.f32 v26, v22  }
0x3c4: {  	v13 =	vor.u32 v57, v46;
	v57 =	vld [tilespmem:$0x1F4A0];
	v21 =	vadd.f32 v9, v21;
	v26 =	vmul.f32 v19, v47  }
0x3c5: {  	v55 =	vmov v47;
	v47 =	vadd.f32 v34, v22;
	v22 =	vcombine.low v49, v4;
	v4 =	vld [tilespmem:$0x1F4B0]  }
0x3c6: {  	v2 =	vadd.f32 v10, v2;
	v21 =	vadd.f32 v26, v21;
	v26 =	vmul.f32 v19, v41  }
0x3c7: {  	v58 =	vmul.f32 v58, v62  }
0x3c8: {  	v2 =	vadd.f32 v26, v2  }
0x3c9: {  	v1 =	vor.u32 v1, v46;
	v0 =	vadd.f32 v58, v0;
	v58 =	vld [tilespmem:$0x1F4D0];
	[tilespmem:v24+s19+$0x0] =	vst.idx.msk $0xffff, v21  }
0x3ca: {  	v20 =	vor.u32 v20, v46;
	[tilespmem:v13+s19+$0x0] =	vst.idx.msk $0xffff, v2;
	v2 =	vcombine.low v4, v57;
	v4 =	vld [tilespmem:$0x1F4C0]  }
0x3cb: {  	v54 =	vand.u32 $0xF, v15;
	v0 =	vadd.f32 v12, v0;
	v19 =	vmul.f32 v19, v43  }
0x3cc: {  	v26 =	vor.u32 v54, v25  }
0x3cd: {  	v0 =	vadd.f32 v19, v0  }
0x3ce: {  	v12 =	vld [tilespmem:$0x1F4F0];
	[tilespmem:v1+s19+$0x0] =	vst.idx.msk $0xffff, v47  }
0x3cf: {  	[tilespmem:v20+s19+$0x0] =	vst.idx.msk $0xffff, v0;
	v20 =	vcombine.low v58, v4;
	v4 =	vld [tilespmem:$0x1F4E0];
	_ =	sdelay $0x1  }
0x3d0: {  	v52 =	vor.u32 v22, v25;
	v0 =	vld.idx.msk [tilespmem:v26+s15+$0x0], $0xffff;
	_ =	sdelay $0x1  }
0x3d1: {  	v15 =	vld [tilespmem:$0x1F510]  }
0x3d2: {  	v26 =	vcombine.low v12, v4;
	v4 =	vld [tilespmem:$0x1F500];
	_ =	sdelay $0x1  }
0x3d3: {  	v1 =	vld.idx.msk [tilespmem:v52+s15+$0x0], $0xffff;
	v59 =	vmul.f32 v0, v6  }
0x3d4: {  	v19 =	vor.u32 v2, v25  }
0x3d5: {  	v21 =	vadd.f32 $0.0e+00, v59;
	v59 =	vld [tilespmem:$0x1F530]  }
0x3d6: {  	v60 =	vmul.f32 v0, v53;
	v24 =	vor.u32 v20, v25;
	v34 =	vcombine.low v4, v15;
	v4 =	vld [tilespmem:$0x1F520]  }
0x3d7: {  	v47 =	vmul.f32 v0, v37;
	v0 =	vmul.f32 v0, v11  }
0x3d8: {  	v23 =	vadd.f32 $0.0e+00, v60;
	v14 =	vmul.f32 v1, v27;
	v26 =	vor.u32 v26, v25  }
0x3d9: {  	v0 =	vadd.f32 $0.0e+00, v0;
	v19 =	vld.idx.msk [tilespmem:v19+s15+$0x0], $0xffff  }
0x3da: {  	v13 =	vmul.f32 v1, v48;
	v49 =	vmul.f32 v1, v42;
	v23 =	vadd.f32 v14, v23;
	v14 =	vld [tilespmem:$0x1F550]  }
0x3db: {  	v1 =	vmul.f32 v1, v40;
	v24 =	vld.idx.msk [tilespmem:v24+s15+$0x0], $0xffff;
	v52 =	vor.u32 v34, v25;
	v60 =	vcombine.low v4, v59  }
0x3dc: {  	v4 =	vld [tilespmem:$0x1F540]  }
0x3dd: {  	v7 =	vmovc v53;
	v53 =	vadd.f32 $0.0e+00, v47;
	v0 =	vadd.f32 v1, v0;
	v1 =	vld.idx.msk [tilespmem:v26+s15+$0x0], $0xffff;
	v26 =	vor.u32 v60, v25  }
0x3de: {  	v21 =	vadd.f32 v13, v21;
	v9 =	vmul.f32 v19, v18;
	v10 =	vmul.f32 v19, v17  }
0x3df: {  	v8 =	vadd.f32 v49, v53;
	v12 =	vmul.f32 v19, v45  }
0x3e0: {  	v19 =	vmul.f32 v19, v16;
	v21 =	vadd.f32 v9, v21;
	v23 =	vadd.f32 v10, v23;
	v52 =	vld.idx.msk [tilespmem:v52+s15+$0x0], $0xffff  }
0x3e1: {  	v47 =	vadd.f32 v12, v8;
	v13 =	vmul.f32 v24, v35;
	v15 =	vcombine.low v14, v4  }
0x3e2: {  	v0 =	vadd.f32 v19, v0;
	v19 =	vmul.f32 v24, v33;
	v34 =	vmul.f32 v24, v38;
	v26 =	vld.idx.msk [tilespmem:v26+s15+$0x0], $0xffff  }
0x3e3: {  	v21 =	vadd.f32 v13, v21;
	v9 =	vmul.f32 v1, v51;
	v60 =	vor.u32 v15, v25  }
0x3e4: {  	v24 =	vmul.f32 v24, v3;
	v19 =	vadd.f32 v19, v23  }
0x3e5: {  	v8 =	vadd.f32 v34, v47;
	v21 =	vadd.f32 v9, v21;
	v12 =	vmul.f32 v52, v39  }
0x3e6: {  	v0 =	vadd.f32 v24, v0;
	v24 =	vmul.f32 v1, v29;
	v10 =	vmul.f32 v1, v61  }
0x3e7: {  	v36 =	vmovc v44;
	v1 =	vmul.f32 v1, v30;
	v4 =	vld [tilespmem:$0x1FC40];
	v13 =	vadd.f32 v12, v21;
	v44 =	vmul.f32 v26, v44  }
0x3e8: {  	v19 =	vadd.f32 v24, v19;
	v23 =	vadd.f32 v10, v8;
	v24 =	vmul.f32 v52, v56;
	v15 =	vld.idx.msk [tilespmem:v60+s15+$0x0], $0xffff  }
0x3e9: {  	v0 =	vadd.f32 v1, v0;
	v1 =	vadd.f32 v44, v13;
	v13 =	vld [tilespmem:$0x1FC50]  }
0x3ea: {  	v14 =	vmul.f32 v52, v31;
	v19 =	vadd.f32 v24, v19;
	v24 =	vmul.f32 v52, v62  }
0x3eb: {  	v22 =	vor.u32 v22, v46;
	v2 =	vor.u32 v2, v46;
	v20 =	vor.u32 v20, v46  }
0x3ec: {  	v21 =	vadd.f32 v14, v23;
	v0 =	vadd.f32 v24, v0;
	v57 =	vmul.f32 v26, v28  }
0x3ed: {  	v58 =	vmul.f32 v26, v32;
	v59 =	vmul.f32 v26, v63;
	v60 =	vor.u32 v54, v46  }
0x3ee: {  	v19 =	vadd.f32 v57, v19;
	v24 =	vmul.f32 v15, v55;
	v14 =	vcombine.low v4, v13  }
0x3ef: {  	v21 =	vadd.f32 v58, v21;
	v0 =	vadd.f32 v59, v0;
	v26 =	vmul.f32 v15, v41  }
0x3f0: {  	v1 =	vadd.f32 v24, v1;
	v24 =	vmul.f32 v15, v50;
	v23 =	vand.u32 $0xF, v14  }
0x3f1: {  	v19 =	vadd.f32 v26, v19;
	v26 =	vmul.f32 v15, v43;
	v4 =	vld [tilespmem:$0x1F560];
	v44 =	vor.u32 v23, v25  }
0x3f2: {  	v15 =	vld [tilespmem:$0x1F570];
	[tilespmem:v60+s19+$0x0] =	vst.idx.msk $0xffff, v1;
	v52 =	vadd.f32 v24, v21  }
0x3f3: {  	v0 =	vadd.f32 v26, v0;
	[tilespmem:v22+s19+$0x0] =	vst.idx.msk $0xffff, v19  }
0x3f4: {  	v53 =	vld [tilespmem:$0x1F580];
	[tilespmem:v2+s19+$0x0] =	vst.idx.msk $0xffff, v52  }
0x3f5: {  	v54 =	vld [tilespmem:$0x1F590];
	[tilespmem:v20+s19+$0x0] =	vst.idx.msk $0xffff, v0  }
0x3f6: {  	v0 =	vld.idx.msk [tilespmem:v44+s15+$0x0], $0xffff  }
0x3f7: {  	v8 =	vcombine.low v4, v15;
	_ =	sdelay $0x1  }
0x3f8: {  	v19 =	vor.u32 v8, v25  }
0x3f9: {  	v59 =	vld [tilespmem:$0x1F5B0];
	v1 =	vcombine.low v54, v53  }
0x3fa: {  	v58 =	vmul.f32 v0, v6;
	v6 =	vld [tilespmem:$0x1F5A0]  }
0x3fb: {  	v4 =	vor.u32 v1, v25;
	_ =	sdelay $0x1  }
0x3fc: {  	v2 =	vld.idx.msk [tilespmem:v19+s15+$0x0], $0xffff  }
0x3fd: {  	v22 =	vld [tilespmem:$0x1F5D0]  }
0x3fe: {  	v9 =	vcombine.low v6, v59;
	v6 =	vld [tilespmem:$0x1F5C0]  }
0x3ff: {  	v4 =	vld.idx.msk [tilespmem:v4+s15+$0x0], $0xffff  }
0x400: {  	v44 =	vmul.f32 v0, v7;
	v7 =	vld [tilespmem:$0x1F5E0]  }
0x401: {  	v20 =	vmul.f32 v0, v37;
	v60 =	vmul.f32 v2, v48;
	v48 =	vld [tilespmem:$0x1F5F0]  }
0x402: {  	v0 =	vmul.f32 v0, v11;
	v12 =	vadd.f32 $0.0e+00, v58;
	v58 =	vld [tilespmem:$0x1F600];
	v19 =	vor.u32 v9, v25  }
0x403: {  	v52 =	vmul.f32 v2, v27;
	v59 =	vld [tilespmem:$0x1F610];
	v6 =	vcombine.low v6, v22  }
0x404: {  	v54 =	vmul.f32 v2, v42;
	v2 =	vmul.f32 v2, v40;
	v40 =	vld [tilespmem:$0x1F620]  }
0x405: {  	v10 =	vadd.f32 $0.0e+00, v44;
	v20 =	vadd.f32 $0.0e+00, v20;
	v42 =	vld [tilespmem:$0x1F630];
	v6 =	vor.u32 v6, v25  }
0x406: {  	v0 =	vadd.f32 $0.0e+00, v0;
	v37 =	vmul.f32 v4, v17;
	v7 =	vcombine.low v7, v48  }
0x407: {  	v12 =	vadd.f32 v60, v12;
	v10 =	vadd.f32 v52, v10;
	v60 =	vmul.f32 v4, v18;
	v19 =	vld.idx.msk [tilespmem:v19+s15+$0x0], $0xffff  }
0x408: {  	v13 =	vadd.f32 v54, v20;
	v11 =	vcombine.low v58, v59;
	v7 =	vor.u32 v7, v25  }
0x409: {  	v0 =	vadd.f32 v2, v0;
	v20 =	vmul.f32 v4, v45;
	v4 =	vmul.f32 v4, v16  }
0x40a: {  	v2 =	vadd.f32 v37, v10;
	v10 =	vcombine.low v42, v40;
	v11 =	vor.u32 v11, v25;
	v6 =	vld.idx.msk [tilespmem:v6+s15+$0x0], $0xffff  }
0x40b: {  	v12 =	vadd.f32 v60, v12;
	v13 =	vadd.f32 v20, v13  }
0x40c: {  	v0 =	vadd.f32 v4, v0;
	v4 =	vor.u32 v10, v25;
	v20 =	vmul.f32 v19, v35  }
0x40d: {  	v1 =	vor.u32 v1, v46;
	v7 =	vld.idx.msk [tilespmem:v7+s15+$0x0], $0xffff;
	v45 =	vmul.f32 v19, v33  }
0x40e: {  	v8 =	vor.u32 v8, v46;
	v52 =	vmul.f32 v19, v3;
	v12 =	vadd.f32 v20, v12  }
0x40f: {  	v11 =	vld.idx.msk [tilespmem:v11+s15+$0x0], $0xffff;
	v2 =	vadd.f32 v45, v2;
	v54 =	vmul.f32 v6, v51;
	v3 =	vmul.f32 v6, v29  }
0x410: {  	v0 =	vadd.f32 v52, v0;
	v58 =	vmul.f32 v6, v61;
	v6 =	vmul.f32 v6, v30  }
0x411: {  	v4 =	vld.idx.msk [tilespmem:v4+s15+$0x0], $0xffff;
	v48 =	vmul.f32 v19, v38;
	v12 =	vadd.f32 v54, v12;
	v2 =	vadd.f32 v3, v2  }
0x412: {  	v3 =	vmul.f32 v7, v39;
	v0 =	vadd.f32 v6, v0;
	v6 =	vmul.f32 v7, v56  }
0x413: {  	v9 =	vor.u32 v9, v46;
	v10 =	vadd.f32 v48, v13;
	v59 =	vmul.f32 v7, v31  }
0x414: {  	v49 =	vld [tilespmem:$0x1FFC0];
	v3 =	vadd.f32 v3, v12;
	v2 =	vadd.f32 v6, v2;
	v6 =	vmul.f32 v11, v36  }
0x415: {  	v34 =	vld [tilespmem:$0x1FF70];
	v60 =	vmul.f32 v11, v28;
	v10 =	vadd.f32 v58, v10;
	v7 =	vmul.f32 v7, v62  }
0x416: {  	v47 =	vld [tilespmem:$0x1FFA0];
	v61 =	vmul.f32 v4, v55;
	v3 =	vadd.f32 v6, v3;
	v6 =	vor.u32 v23, v46  }
0x417: {  	v57 =	vld [tilespmem:$0x1FF60];
	v10 =	vadd.f32 v59, v10;
	v0 =	vadd.f32 v7, v0;
	v7 =	vmul.f32 v11, v32  }
0x418: {  	v53 =	vld [tilespmem:$0x1FFB0];
	v62 =	vmul.f32 v4, v41;
	v11 =	vmul.f32 v11, v63;
	v2 =	vadd.f32 v60, v2  }
0x419: {  	p0 =	sne.s32 s23, $0x2D2;
	v44 =	vld [tilespmem:$0x1FF50];
	v63 =	vmul.f32 v4, v50;
	v7 =	vadd.f32 v7, v10;
	v3 =	vadd.f32 v61, v3  }
.Ltmp1:
0x41a: {  	v25 =	vld [tilespmem:$0x1FFE0];
	v4 =	vmul.f32 v4, v43;
	v0 =	vadd.f32 v11, v0;
	v2 =	vadd.f32 v62, v2;
	(pc) =	sbr.rel @p0 .LBB2_5-.Ltmp1, $4  }
0x41b: {  	v30 =	vld [tilespmem:$0x1FFF0];
	[tilespmem:v6+s19+$0x0] =	vst.idx.msk $0xffff, v3;
	v3 =	vadd.f32 v63, v7  }
0x41c: {  	v51 =	vld [tilespmem:$0x1FF80];
	v0 =	vadd.f32 v4, v0;
	[tilespmem:v8+s19+$0x0] =	vst.idx.msk $0xffff, v2  }
0x41d: {  	v29 =	vld [tilespmem:$0x1FE80];
	[tilespmem:v1+s19+$0x0] =	vst.idx.msk $0xffff, v3  }
0x41e: {  	s23 =	sadd.s32 $0x30, s23;
	s24 =	sadd.s32 $0x10, s24;
	v18 =	vimm.f32 $3.333333250e+00;
	v46 =	vld [tilespmem:$0x1FF90];
	[tilespmem:v9+s19+$0x0] =	vst.idx.msk $0xffff, v0  }
0x41f: {  	s21 =	sadd.s32 $0x1, s21  }
0x420: {  	s22 =	sshll.u32 s22, $0x3;
	p0 =	sne.s32 s21, $0x80  }
.Ltmp2:
0x421: {  	s22 =	sadd.s32 s7, s22;
	(pc) =	sbr.rel @p0 .LBB2_2-.Ltmp2, $4  }
0x422: {  	[hbm4b:s22+s3] =	stream.linear.scatter [tilespmem:s19], [sflag:$0x2], $0x4000, $0x38;
	[tilespmem:$0x16400] =	vst v63  }
0x423: {  	_ =	swait.ge [sflag:s11], $0x4000  }
0x424: {  	[sflag:s11] =	ssyncset.done $0x0  }
0x425: {  	v17 =	vlaneseq.u32;
	[sflag:s11] =	ssyncadd.s32 $0xFFFFC000  }
0x426: {  	s20 =	sadd.s32 $0x1, s20  }
0x427: {  	p0 =	sne.s32 s20, s9  }
.Ltmp3:
0x428: {  	_ = 	snop;
	(pc) =	sbr.rel @p0 .LBB2_1-.Ltmp3, $1  }
0x429: {  	_ =	sdelay $0x3  }
0x42a: {  	_ =	sfence.sel $0x180000  }
0x42b: {  	[bflag:$0x0] =	sbarrier.arrive $0xFFFF  }
0x42c: {  	p0 =	sne.s32 s5, $0x0;
	_ =	strace $0x9000004A  }
0x42d: {  	s0 =	sadd.s32 @!p0 $0x100000, s1;
	[bflag:$0x2] =	sbarrier.arrive $0xFFFF  }
0x42e: {  	[sflag:s0] =	ssyncadd.tile.s32 @!p0 $0x1;
	_ =	shalt  }
.Lfunc_end2:
_tile_overlayer_lowered:
.L_overlay_start_2:
0x42f: {  	(tag) =	ssettag $0x2  }
0x430: {  	s0 =	rddreg [dreg:$0x0];
	s2 =	stileid.u32  }
0x431: {  	s1 =	rddreg [dreg:$0x1];
	p0 =	sne.s32 s2, $0x0  }
0x432: {  	s3 =	rddreg [dreg:$0x2];
	[bflag:$0x3] =	sbarrier.arrive $0xFFFF;
	s2 =	simm.s32 @!p0 $0x1C02  }
0x433: {  	[timem:s3], [sflag:s2] =	dma.local @!p0 [hbm:s0], s1  }
0x434: {  	s0 =	simm.s32 @!p0 $0x2  }
0x435: {  	_ =	swait.ge @!p0 [sflag:s0], s1  }
0x436: {  	s1 =	ssub.s32 @!p0 $0x0, s1;
	[sflag:s0] =	ssyncset.done @!p0 $0x0  }
0x437: {  	[sflag:s0] =	ssyncadd.s32 @!p0 s1  }
0x438: {  	[bflag:$0x3] =	sbarrier.arrive $0xFFFF  }
0x439: {  	_ =	shalt  }

// kernel: sparse-core-data-format-call.cloned.1.call-start
scs
called_computation_lowered:
.L_overlay_start_0:
0x0: {  	s1 =	sld [smem:$0x3FD9]  }
0x1: {  	s2 =	sld [smem:$0x3FFE];
	_ =	sdelay $0x1  }
0x2: {  	s3 =	srdreg.scid  }
0x3: {  	s0 =	sand.u32 $0x1, s3  }
0x4: {  	s17 =	sshll.u32 s0, $0xA;
	s1 =	sadd.s32 s2, s1  }
0x5: {  	s1 =	sadd.s32 s1, s17  }
0x6: {  	[smem:$0x3FBE] =	sst s1  }
0x7: {  	_ = 	snop  }
0x8: {  	(tm) =	ssettm $0x1  }
0x9: {  	s18 =	sld [smem:$0x3FFB];
	_ =	sdelay $0x3  }
0xa: {  	_ =	strace s18  }
0xb: {  	s1 =	sld [smem:$0x3FFC];
	_ =	sdelay $0x3  }
0xc: {  	_ =	strace s1  }
0xd: {  	s1 =	sld [smem:$0x3FFD];
	_ =	sdelay $0x3  }
0xe: {  	_ =	strace s1  }
0xf: {  	_ =	strace $0x8FFFFFFF  }
0x10: {  	s19 =	sld [smem:$0x3FDB];
	_ =	sdelay $0x1  }
0x11: {  	s20 =	simm.s32 $_scs_section_size  }
0x12: {  	s4 =	simm.s32 $_size__tile_overlayer_lowered;
	s5 =	simm.s32 $_tile_overlayer_lowered  }
0x13: {  	s23 =	simm.s32 $0x1BFF;
	s22 =	sshll.u32 s5, $0x1;
	s1 =	sadd.s32 s20, s19  }
0x14: {  	s6 =	simm.s32 $0x0;
	s21 =	sshll.u32 s4, $0x1;
	s4 =	sadd.s32 s22, s1  }
0x15: {  	[timem:s6], [sflag:s23] =	dma.local [hbm:s4], s21  }
0x16: {  	_ =	swait.ge [sflag:s23], s21  }
0x17: {  	s2 =	ssub.s32 $0x0, s21;
	[sflag:s23] =	ssyncset.done $0x0  }
0x18: {  	[sflag:s23] =	ssyncadd.s32 s2;
	_ =	sdelay $0x1  }
0x19: {  	s24 =	simm.s32 $0x1B8B  }
0x1a: {  	_ =	swait.ge [sflag:s24], $0x1  }
0x1b: {  	[sflag:s24] =	ssyncset.done $0x0  }
0x1c: {  	s26 =	simm.s32 $0x1B8E;
	s25 =	sld [smem:$0x3FFE];
	[sflag:s24] =	ssyncadd.s32 $0xFFFFFFFF  }
0x1d: {  	s27 =	simm.s32 $execute0_lowered;
	[smem:$0x3FD2] =	sst s26  }
0x1e: {  	s4 =	sshll.u32 s27, $0x1;
	_ =	strace $0x80000046;
	[dreg:$0x1] =	wrdreg $0xFFFFFFFF  }
0x1f: {  	s28 =	simm.s32 $_size_execute0_lowered;
	s1 =	sadd.s32 s1, s4;
	[dreg:$0x0] =	wrdreg $0x0  }
0x20: {  	s4 =	sshll.u32 s28, $0x1;
	[dreg:$0x2] =	wrdreg s1  }
0x21: {  	[dreg:$0x3] =	wrdreg s4  }
0x22: {  	[dreg:$0x4] =	wrdreg $0xC0  }
0x23: {  	_ =	task [dreg:s6], $0x5FFFF  }
0x24: {  	[dreg:$0x1] =	wrdreg $0xFFFFFFFF  }
0x25: {  	[dreg:$0x0] =	wrdreg $0x60  }
0x26: {  	[dreg:$0x2] =	wrdreg s25  }
0x27: {  	[dreg:$0x3] =	wrdreg $0x9  }
0x28: {  	_ =	task.clear_ibuf [dreg:s6], $0x4FFFF;
	_ =	strace $0x90000046  }
0x29: {  	s29 =	simm.s32 $0x9;
	_ =	strace $0x80000048  }
0x2a: {  	_ =	swait.ge [sflag:s29], $0x1  }
0x2b: {  	[sflag:s29] =	ssyncadd.s32 $0xFFFFFFFF  }
0x2c: {  	_ =	strace $0x90000048  }
0x2d: {  	_ =	sfence  }
0x2e: {  	s30 =	sld [smem:$0x0];
	_ =	sdelay $0x2  }
0x2f: {  	s31 =	sshll.u32 s3, $0xD;
	s3 =	sshrl.u32 s3, $0x2  }
0x30: {  	s2 =	sand.u32 $0x4000, s31;
	s1 =	sadd.s32 s3, s30  }
0x31: {  	s0 =	sor.u32 s2, s0;
	s1 =	sshll.u32 s1, $0x11  }
0x32: {  	s0 =	sor.u32 s1, s0  }
0x33: {  	s0 =	sadd.s32 $0x8F2B, s0  }
0x34: {  	[sflag:s0] =	ssyncadd.remote.s32 $0x1  }
0x35: {  	_ =	sfence.sel $0xFFFF  }
0x36: {  	[dreg:$0x0] =	wrdreg $0xFFFFFFFF;
	(pc) =	sbr.abs _section_cstart, $3  }
0x37: {  	[dreg:$0x1] =	wrdreg $0xFFFFFFFF  }
0x38: {  	_ =	task.clear_ibuf [dreg:s6], $0x2FFFF;
	_ =	strace $0x9FFFFFFF  }
0x39: {  	(tm) =	ssettm $0x7FFFFFFF  }
tec
execute0_lowered:
.L_overlay_start_1:
0x0: {  	(tag) =	ssettag $0x1  }
0x1: {  	s4 =	rddreg [dreg:$0x0]  }
0x2: {  	s0 =	rddreg [dreg:$0x1];
	_ =	strace $0x80000047;
	s3 =	srdreg.scid  }
0x3: {  	s1 =	stileid.u32;
	s6 =	simm.s32 $0x2;
	p0 =	por $0x0, $0x0  }
.Ltmp0:
0x4: {  	s10 =	simm.s32 $0x0;
	s11 =	simm.s32 $0x0;
	(pc) =	sbr.rel .LBB1_1-.Ltmp0, $4  }
0x5: {  	s8 =	simm.s32 $0x0;
	s7 =	simm.s32 $0x0;
	s5 =	sshll.u32 s3, $0x4  }
0x6: {  	s2 =	sadd.s32 $0x3400, s4;
	s3 =	simm.s32 $0x1;
	s5 =	sand.u32 $0x10, s5  }
0x7: {  	s4 =	sadd.s32 $0x2003400, s4;
	[sflag:s3] =	ssyncpa.u1 $0x0;
	s5 =	sor.u32 s1, s5  }
0x8: {  	[sflag:s6] =	ssyncpa.u1 $0x0;
	s6 =	simm.s32 $0x0;
	s9 =	smov.u32 s5  }
.LBB1_5:
0x9: {  	s12 =	sadd.s32 $0x1, s8  }
0xa: {  	s10 =	sadd.s32 $0x20, s9;
	s14 =	smov.u32 s9;
	p2 =	sgt.s32 s12, $0x7F  }
0xb: {  	p1 =	slt.u32 s7, $0x2;
	s14 =	smov.u32 @p2 s10  }
0xc: {  	s7 =	sadd.s32 $0x1, s7;
	s12 =	simm.s32 @p2 $0x0;
	p2 =	sgt.s32 s14, $0x7F  }
0xd: {  	s14 =	smov.u32 @p2 s5;
	p2 =	sne.s32 s7, $0x202  }
.Ltmp1:
0xe: {  	_ = 	snop;
	(pc) =	sbr.rel @!p2 .LBB1_6-.Ltmp1, $4  }
0xf: {  	s13 =	simm.s32 @!p1 $0x2  }
0x10: {  	s11 =	smov.u32 s9;
	_ =	swait.ge @!p1 [sflag:s13], $0x4000  }
0x11: {  	p0 =	por !p0, !p0;
	s10 =	smov.u32 s8;
	[sflag:s13] =	ssyncset.done @!p1 $0x0  }
0x12: {  	s8 =	smov.u32 s12;
	[sflag:s13] =	ssyncadd.s32 @!p1 $0xFFFFC000;
	s9 =	smov.u32 s14  }
.LBB1_1:
0x13: {  	p1 =	sgt.u32 s7, $0x1FF  }
0x14: {  	s12 =	sxor.u32 @!p1 $0xFFFFFFFF, s7;
	s13 =	sshll.u32 @!p1 s9, $0x12  }
0x15: {  	s14 =	sshll.u32 @!p1 s8, $0xB;
	s12 =	sshll.u32 @!p1 s12, $0xE;
	s13 =	sadd.s32 @!p1 s2, s13  }
0x16: {  	s12 =	sand.u32 @!p1 $0x4000, s12;
	s13 =	sadd.s32 @!p1 s14, s13;
	s14 =	simm.s32 @!p1 $0x0  }
0x17: {  	[tilespmem:s12], [sflag:$0x1] =	stream.linear.gather @!p1 [hbm4b:s13+s14], $0x4000, $0x38;
	[tilespmem:$0x10100] =	vst v63  }
0x18: {  	p1 =	seq.s32 s7, $0x0  }
0x19: {  	p2 =	seq.s32 @!p1 s7, $0x201  }
0x1a: {  	p1 =	por p1, p2  }
.Ltmp2:
0x1b: {  	_ = 	snop;
	(pc) =	sbr.rel @p1 .LBB1_5-.Ltmp2, $1  }
0x1c: {  	_ =	sdelay $0x3  }
0x1d: {  	s12 =	simm.s32 $0x1  }
0x1e: {  	_ =	swait.ge [sflag:s3], $0x4000;
	s12 =	simm.s32 @!p0 $0x0  }
0x1f: {  	[sflag:s3] =	ssyncset.done $0x0;
	s13 =	sshll.u32 s12, $0xE  }
0x20: {  	[sflag:s3] =	ssyncadd.s32 $0xFFFFC000;
	s15 =	sor.u32 $0x40, s13  }
0x21: {  	s12 =	smul.u32 $0x10200, s12;
	v0 =	vld [tilespmem:s15+$0x30]  }
0x22: {  	v3 =	vld [tilespmem:s15+$0xFFFFFFD0]  }
0x23: {  	s12 =	sshrl.u32 s12, $0x2;
	v4 =	vld [tilespmem:s15+$0xFFFFFFE0]  }
0x24: {  	v5 =	vld [tilespmem:s15+$0xFFFFFFF0];
	s13 =	sor.u32 $0x8000, s12  }
0x25: {  	s31 =	sand.u32 $0x1, s7;
	v1 =	vld [tilespmem:s15+$0x0];
	s14 =	sadd.s32 $0x0, s13  }
0x26: {  	v2 =	vld [tilespmem:s15+$0x10];
	s12 =	smul.u32 $0x10200, s31;
	[tilespmem:s14+$0x3870 ss:$0x81] =	vst.msk $0xffff, v0  }
0x27: {  	[tilespmem:s14+$0x810 ss:$0x81] =	vst.msk $0xffff, v3;
	v3 =	vld [tilespmem:s15+$0x20]  }
0x28: {  	s12 =	sshrl.u32 s12, $0x2;
	v0 =	vld [tilespmem:s15+$0xFFFFFFC0];
	[tilespmem:s14+$0x1020 ss:$0x81] =	vst.msk $0xffff, v4;
	s15 =	sadd.s32 $0x80, s15  }
0x29: {  	s16 =	simm.s32 $0x4;
	s17 =	simm.s32 $0x8;
	s12 =	sor.u32 $0x8000, s12;
	[tilespmem:s14+$0x1830 ss:$0x81] =	vst.msk $0xffff, v5;
	v4 =	vld [tilespmem:s15+$0x30]  }
.LBB1_3:
0x2a: {  	p1 =	sne.s32 s17, $0x1FC;
	v5 =	vld [tilespmem:s15+$0xFFFFFFD0];
	[tilespmem:s14+$0x2040 ss:$0x81] =	vst.msk $0xffff, v1  }
0x2b: {  	v6 =	vld [tilespmem:s15+$0xFFFFFFE0];
	[tilespmem:s14+$0x2850 ss:$0x81] =	vst.msk $0xffff, v2  }
0x2c: {  	s18 =	sshra.s32 s16, $0x2;
	s16 =	smov.u32 s17;
	v7 =	vld [tilespmem:s15+$0xFFFFFFF0];
	[tilespmem:s14+$0x3060 ss:$0x81] =	vst.msk $0xffff, v3  }
.Ltmp3:
0x2d: {  	v1 =	vld [tilespmem:s15+$0x0];
	[tilespmem:s14+$0x0 ss:$0x81] =	vst.msk $0xffff, v0;
	s14 =	sadd.s32 s18, s13;
	(pc) =	sbr.rel @p1 .LBB1_3-.Ltmp3, $4  }
0x2e: {  	v2 =	vld [tilespmem:s15+$0x10];
	[tilespmem:s14+$0x3870 ss:$0x81] =	vst.msk $0xffff, v4  }
0x2f: {  	[tilespmem:s14+$0x810 ss:$0x81] =	vst.msk $0xffff, v5;
	v3 =	vld [tilespmem:s15+$0x20]  }
0x30: {  	v0 =	vld [tilespmem:s15+$0xFFFFFFC0];
	[tilespmem:s14+$0x1020 ss:$0x81] =	vst.msk $0xffff, v6;
	s15 =	sadd.s32 $0x80, s15  }
0x31: {  	s17 =	sadd.s32 $0x4, s17;
	v4 =	vld [tilespmem:s15+$0x30];
	[tilespmem:s14+$0x1830 ss:$0x81] =	vst.msk $0xffff, v7  }
0x32: {  	v5 =	vld [tilespmem:s15+$0xFFFFFFD0];
	[tilespmem:s14+$0x2040 ss:$0x81] =	vst.msk $0xffff, v1  }
0x33: {  	v58 =	vld [tilespmem:s15+$0xFFFFFFE0];
	[tilespmem:s14+$0x2850 ss:$0x81] =	vst.msk $0xffff, v2  }
0x34: {  	s16 =	sshra.s32 s16, $0x2;
	v59 =	vld [tilespmem:s15+$0xFFFFFFF0];
	[tilespmem:s14+$0x3060 ss:$0x81] =	vst.msk $0xffff, v3  }
0x35: {  	v60 =	vld [tilespmem:s15+$0x0];
	s13 =	sadd.s32 s16, s13;
	[tilespmem:s14+$0x0 ss:$0x81] =	vst.msk $0xffff, v0  }
0x36: {  	v61 =	vld [tilespmem:s15+$0x10];
	[tilespmem:s13+$0x3870 ss:$0x81] =	vst.msk $0xffff, v4  }
0x37: {  	v62 =	vld [tilespmem:s15+$0x20];
	[tilespmem:s13+$0x810 ss:$0x81] =	vst.msk $0xffff, v5  }
0x38: {  	v63 =	vld [tilespmem:s15+$0xFFFFFFC0];
	[tilespmem:s13+$0x1020 ss:$0x81] =	vst.msk $0xffff, v58  }
0x39: {  	[tilespmem:s13+$0x1830 ss:$0x81] =	vst.msk $0xffff, v59  }
.Ltmp4:
0x3a: {  	[tilespmem:s13+$0x2040 ss:$0x81] =	vst.msk $0xffff, v60;
	(pc) =	sbr.rel .LBB1_5-.Ltmp4, $4  }
0x3b: {  	s11 =	sshll.u32 s11, $0x12;
	[tilespmem:s13+$0x2850 ss:$0x81] =	vst.msk $0xffff, v61  }
0x3c: {  	s10 =	sshll.u32 s10, $0xB;
	s11 =	sadd.s32 s4, s11;
	[tilespmem:s13+$0x3060 ss:$0x81] =	vst.msk $0xffff, v62  }
0x3d: {  	s10 =	sadd.s32 s10, s11;
	[tilespmem:s13+$0x0 ss:$0x81] =	vst.msk $0xffff, v63  }
0x3e: {  	[hbm4b:s10+s6] =	stream.linear.scatter [tilespmem:s12], [sflag:$0x2], $0x4000, $0x20;
	[tilespmem:$0x10100] =	vst v63  }
.LBB1_6:
0x3f: {  	_ =	sfence.sel $0x180000  }
0x40: {  	s2 =	simm.s32 $0x1;
	[bflag:$0x0] =	sbarrier.arrive $0xFFFF  }
0x41: {  	s31 =	simm.s32 $0x2;
	[sflag:s2] =	ssyncpa.u1 $0x1  }
0x42: {  	[sflag:s31] =	ssyncpa.u1 $0x1  }
0x43: {  	p0 =	sne.s32 s1, $0x0;
	_ =	strace $0x90000047  }
0x44: {  	s0 =	sadd.s32 @!p0 $0x100000, s0;
	[bflag:$0x2] =	sbarrier.arrive $0xFFFF  }
0x45: {  	[sflag:s0] =	ssyncadd.tile.s32 @!p0 $0x1;
	_ =	shalt  }
.Lfunc_end1:
_tile_overlayer_lowered:
.L_overlay_start_2:
0x46: {  	(tag) =	ssettag $0x2  }
0x47: {  	s0 =	rddreg [dreg:$0x0];
	s2 =	stileid.u32  }
0x48: {  	s1 =	rddreg [dreg:$0x1];
	p0 =	sne.s32 s2, $0x0  }
0x49: {  	s3 =	rddreg [dreg:$0x2];
	[bflag:$0x3] =	sbarrier.arrive $0xFFFF;
	s2 =	simm.s32 @!p0 $0x1C01  }
0x4a: {  	[timem:s3], [sflag:s2] =	dma.local @!p0 [hbm:s0], s1  }
0x4b: {  	s0 =	simm.s32 @!p0 $0x1  }
0x4c: {  	_ =	swait.ge @!p0 [sflag:s0], s1  }
0x4d: {  	s1 =	ssub.s32 @!p0 $0x0, s1;
	[sflag:s0] =	ssyncset.done @!p0 $0x0  }
0x4e: {  	[sflag:s0] =	ssyncadd.s32 @!p0 s1  }
0x4f: {  	[bflag:$0x3] =	sbarrier.arrive $0xFFFF  }
0x50: {  	_ =	shalt  }

</sc_bundles>
